<compile_context>
chip_gen: v7x
topology: tpu7x:2x2x1
jax: 0.10.2.dev20260603
libtpu: 0.0.44.dev20260713+nightly
codegen_flags: <defaults>
</compile_context>

<pallas_src>
import jax
import jax.numpy as jnp
from jax import lax
from jax.experimental import pallas as pl
from jax.experimental.pallas import tpu as pltpu
from jax.experimental.pallas import tpu_sc as plsc

_K = 64
_NUM_SAMPLES = 4
_B = 128
_N = 32768
_ROW_BLOCK = 8

_INT_MIN = -(2 ** 31)
_NW = 32
_NBLK = 32
_NGRP = _NBLK * 16
_POOL = 4096


def _monokey_i(b):
    return b ^ ((b >> 31) & jnp.int32(0x7FFFFFFF))


def _count16(mask):
    return plsc.cumsum(mask.astype(jnp.int32))[15]


def _radix_select(ref, nv, target, start_bit, nbits, init_prefix):

    def bitbody(i, prefix_u):
        b = start_bit - i
        cand_u = prefix_u | lax.shift_left(jnp.int32(1), b)
        cand_s = cand_u ^ _INT_MIN

        def cntbody(v, acc):
            kk = ref[pl.ds(v * 16, 16)]
            return acc + _count16(kk >= cand_s)

        cnt = lax.fori_loop(0, nv, cntbody, jnp.int32(0))
        return jnp.where(cnt >= target, cand_u, prefix_u)

    prefix_u = lax.fori_loop(0, nbits, bitbody, init_prefix)
    return prefix_u ^ _INT_MIN


def _sc_select(x_i32, nrows):
    rpw = nrows // _NW
    nst = rpw // 2
    mesh = plsc.VectorSubcoreMesh(
        core_axis_name="c", subcore_axis_name="s", num_cores=2, num_subcores=16
    )

    def body(x_hbm, tkey_hbm, ithr_hbm, row_v, kmax_v, qids_v, poolk_v,
             pooli_v, keys2_v, stage_v):
        wid = lax.axis_index("c") * 16 + lax.axis_index("s")
        iota16 = lax.iota(jnp.int32, 16)
        iota16x = iota16 * 16

        def do_row(row):
            pltpu.sync_copy(x_hbm.at[row], row_v)

            def blkbody(ob, unused):
                base0 = ob * 1024

                def inner(it, m):
                    base = base0 + it * 128
                    for jj in range(8):
                        m = jnp.maximum(
                            m, _monokey_i(row_v[pl.ds(base + jj * 16, 16)])
                        )
                    return m

                m = lax.fori_loop(
                    0, 8, inner, jnp.full((16,), _INT_MIN, jnp.int32)
                )
                kmax_v[pl.ds(ob * 16, 16)] = m
                return unused

            lax.fori_loop(0, _NBLK, blkbody, jnp.int32(0))

            tau_s = _radix_select(kmax_v, _NGRP // 16, _K, 31, 16, jnp.int32(0))

            def qbody(i, qoff):
                kk = kmax_v[pl.ds(i * 16, 16)]
                m = kk >= tau_s
                ci = plsc.cumsum(m.astype(jnp.int32))
                pos = qoff + ci - 1
                plsc.store_scatter(qids_v, [pos], i * 16 + iota16, mask=m)
                return qoff + ci[15]

            nq = lax.fori_loop(0, _NGRP // 16, qbody, jnp.int32(0))

            def gbody(q, poff):
                gid = qids_v[pl.ds(q, 16)][0]
                base = (gid >> 4) * 1024 + (gid & 15)
                offs = jnp.int32(0)
                for jj in range(4):
                    idx = base + jj * 256 + iota16x
                    kv = _monokey_i(plsc.load_gather(row_v, [idx]))
                    m = kv >= tau_s
                    ci = plsc.cumsum(m.astype(jnp.int32))
                    pos = jnp.minimum(poff + offs + ci - 1,
                                      jnp.int32(_POOL - 1))
                    plsc.store_scatter(poolk_v, [pos], kv, mask=m)
                    plsc.store_scatter(pooli_v, [pos], idx, mask=m)
                    offs = offs + ci[15]
                return jnp.minimum(poff + offs, jnp.int32(_POOL - 16))

            poff = lax.fori_loop(0, nq, gbody, jnp.int32(0))

            plsc.store_scatter(
                poolk_v, [poff + iota16],
                jnp.full((16,), _INT_MIN, jnp.int32),
            )

            nv = (poff + 15) >> 4
            t_s = _radix_select(poolk_v, nv, _K, 31, 32, jnp.int32(0))

            def ebody(v, acc):
                kk = poolk_v[pl.ds(v * 16, 16)]
                acc = acc + _count16(kk > t_s)
                k2 = jnp.where(
                    kk == t_s, jnp.int32(_N - 1) - pooli_v[pl.ds(v * 16, 16)],
                    _INT_MIN,
                )
                keys2_v[pl.ds(v * 16, 16)] = k2
                return acc

            cnt_gt = lax.fori_loop(0, nv, ebody, jnp.int32(0))
            need = _K - cnt_gt
            v2_s = _radix_select(keys2_v, nv, need, 14, 15, jnp.int32(_INT_MIN))
            ithr = jnp.int32(_N - 1) - v2_s
            return t_s, ithr

        res = []
        for j in range(rpw):
            res.append(do_row(wid * rpw + j))

        for p in range(nst):
            stage_v[pl.ds(p * 16, 16)] = jnp.where(
                iota16 < 8, res[2 * p][0], res[2 * p + 1][0]
            )
            stage_v[pl.ds((nst + p) * 16, 16)] = jnp.where(
                iota16 < 8, res[2 * p][1], res[2 * p + 1][1]
            )
        span = nst * 16
        pltpu.sync_copy(stage_v.at[pl.ds(0, span)],
                        tkey_hbm.at[pl.ds(wid * span, span)])
        pltpu.sync_copy(stage_v.at[pl.ds(span, span)],
                        ithr_hbm.at[pl.ds(wid * span, span)])

    run = pl.kernel(
        body,
        out_type=(
            jax.ShapeDtypeStruct((nrows * 8,), jnp.int32),
            jax.ShapeDtypeStruct((nrows * 8,), jnp.int32),
        ),
        mesh=mesh,
        compiler_params=pltpu.CompilerParams(needs_layout_passes=False),
        scratch_types=(
            pltpu.VMEM((_N,), jnp.int32),
            pltpu.VMEM((_NGRP,), jnp.int32),
            pltpu.VMEM((_NGRP + 16,), jnp.int32),
            pltpu.VMEM((_POOL,), jnp.int32),
            pltpu.VMEM((_POOL,), jnp.int32),
            pltpu.VMEM((_POOL,), jnp.int32),
            pltpu.VMEM((64,), jnp.int32),
        ),
    )
    return run(x_i32)


def _mask_kernel(x_ref, t_ref, i_ref, out_ref):
    k = _monokey_i(x_ref[...])
    t = t_ref[:, 0:1]
    it_ = i_ref[:, 0:1]
    col = lax.broadcasted_iota(jnp.int32, k.shape, 1)
    mask = ((k > t) | ((k == t) & (col <= it_))).astype(jnp.float32)
    out_ref[...] = jnp.broadcast_to(mask[None], (_NUM_SAMPLES,) + mask.shape)


def kernel(logits, tau):
    B, N, _ = logits.shape
    x_i32 = jax.lax.bitcast_convert_type(jnp.squeeze(logits, -1), jnp.int32)
    tkey, ithr = _sc_select(x_i32, B)
    tkey2d = tkey.reshape(B, 8)
    ithr2d = ithr.reshape(B, 8)
    grid = (B // _ROW_BLOCK,)
    out = pl.pallas_call(
        _mask_kernel,
        grid=grid,
        in_specs=[
            pl.BlockSpec((_ROW_BLOCK, N), lambda i: (i, 0)),
            pl.BlockSpec((_ROW_BLOCK, 8), lambda i: (i, 0)),
            pl.BlockSpec((_ROW_BLOCK, 8), lambda i: (i, 0)),
        ],
        out_specs=pl.BlockSpec((_NUM_SAMPLES, _ROW_BLOCK, N), lambda i: (0, i, 0)),
        out_shape=jax.ShapeDtypeStruct((_NUM_SAMPLES, B, N), jnp.float32),
    )(x_i32, tkey2d, ithr2d)
    return out[..., None]

# --- scband reference (transcript-rebuilt; emitter-appended) ---
"""Pipeline reference for scband-subset-layer-88596585382766 (READ-ONLY COPY).

The authoritative reference and input builder live on the scoring server;
editing this copy changes nothing except your own understanding.
"""

import jax, jax.numpy as jnp
import numpy as np

K = 64
NUM_SAMPLES = 4


def setup_inputs(seed: int = 0) -> dict:
    key = jax.random.key(seed)
    logits = jax.random.normal(key, (128, 32768, 1), dtype=jnp.float32)
    tau = jnp.float32(1.0)
    return {"logits": logits, "tau": tau}


def reference(logits, tau):
    # Eval-mode path of SubsetLayer.forward:
    #   indices = topk(logits.squeeze(-1), k, dim=1)[1]
    #   khot = one_hot(indices, N).sum(1).float()
    #   khot = khot.unsqueeze(0).unsqueeze(-1).expand(num_samples, -1, -1, -1)
    B, N, _ = logits.shape
    scores = jnp.squeeze(logits, -1)  # [B, N]
    _, indices = jax.lax.top_k(scores, K)  # [B, K]
    # sum of one-hots == scatter-add of 1.0 at the top-k positions (indices are distinct)
    khot = jnp.zeros((B, N), dtype=jnp.float32).at[jnp.arange(B)[:, None], indices].add(1.0)
    out = jnp.broadcast_to(khot[None, :, :, None], (NUM_SAMPLES, B, N, 1))
    return out

if __name__ == "__main__":
    import jax
    _d = setup_inputs()
    print(jax.jit(kernel)(*tuple(_d.values())))

</pallas_src>

<mosaic_0001>
#map = affine_map<(d0, d1) -> (0, 0)>
#map1 = affine_map<(d0, d1) -> (0)>
module attributes {stable_mosaic.version = 14 : i64} {
  func.func @body(%arg0: i32, %arg1: i32, %arg2: memref<128x32768xi32, #tpu.memory_space<hbm>>, %arg3: memref<1024xi32, #tpu.memory_space<hbm>>, %arg4: memref<1024xi32, #tpu.memory_space<hbm>>, %arg5: memref<32768xi32, #tpu.memory_space<vmem>>, %arg6: memref<512xi32, #tpu.memory_space<vmem>>, %arg7: memref<528xi32, #tpu.memory_space<vmem>>, %arg8: memref<4096xi32, #tpu.memory_space<vmem>>, %arg9: memref<4096xi32, #tpu.memory_space<vmem>>, %arg10: memref<4096xi32, #tpu.memory_space<vmem>>, %arg11: memref<64xi32, #tpu.memory_space<vmem>>) attributes {dimension_semantics = [#tpu.dimension_semantics<core_parallel>, #tpu.dimension_semantics<subcore_parallel>], iteration_bounds = array<i64: 2, 16>, scalar_prefetch = 0 : i64, scratch_operands = 7 : i64, tpu.core_type = #tpu.core_type<sc_vector_subcore>, window_params = [{transform_indices = #map}, {transform_indices = #map1}, {transform_indices = #map1}]} {
    %mul3A = arith.constant 16 : i32
    %mul3A_0 = arith.muli %arg0, %mul3A : i32
    %add3A = arith.addi %mul3A_0, %arg1 : i32
    %iota3A = tpu.iota {dimensions = array<i32: 0>} : vector<16xi32>
    %mul3A_1 = arith.constant 16 : i32
    %mul3A_2 = vector.broadcast %mul3A_1 : i32 to vector<16xi32>
    %mul3A_3 = arith.muli %iota3A, %mul3A_2 : vector<16xi32>
    %mul3A_4 = arith.constant 4 : i32
    %mul3A_5 = arith.muli %add3A, %mul3A_4 : i32
    %add3A_6 = arith.constant 0 : i32
    %add3A_7 = arith.addi %mul3A_5, %add3A_6 : i32
    "tpu.region"() ({
      %run_scoped3A = tpu.sem_alloc : memref<!tpu.dma_semaphore, #tpu.memory_space<semaphore_mem>>
      %dma_start3A = arith.constant 0 : i32
      %dma_start3A_351 = tpu.memref_slice %arg2[%add3A_7, %dma_start3A] : memref<128x32768xi32, #tpu.memory_space<hbm>> -> memref<1x32768xi32, #tpu.memory_space<hbm>>
      %dma_start3A_352 = tpu.memref_squeeze %dma_start3A_351 : memref<1x32768xi32, #tpu.memory_space<hbm>> -> memref<32768xi32, #tpu.memory_space<hbm>>
      %dma_start3A_353 = arith.constant 0 : i32
      %dma_start3A_354 = tpu.memref_slice %arg2[%add3A_7, %dma_start3A_353] : memref<128x32768xi32, #tpu.memory_space<hbm>> -> memref<1x32768xi32, #tpu.memory_space<hbm>>
      %dma_start3A_355 = tpu.memref_squeeze %dma_start3A_354 : memref<1x32768xi32, #tpu.memory_space<hbm>> -> memref<32768xi32, #tpu.memory_space<hbm>>
      tpu.enqueue_dma source(%dma_start3A_355 : memref<32768xi32, #tpu.memory_space<hbm>>) target(%arg5 : memref<32768xi32, #tpu.memory_space<vmem>>) target_semaphore(%run_scoped3A : memref<!tpu.dma_semaphore, #tpu.memory_space<semaphore_mem>>)
      %dma_wait3A = arith.constant 0 : i32
      %dma_wait3A_356 = tpu.memref_slice %arg2[%add3A_7, %dma_wait3A] : memref<128x32768xi32, #tpu.memory_space<hbm>> -> memref<1x32768xi32, #tpu.memory_space<hbm>>
      %dma_wait3A_357 = tpu.memref_squeeze %dma_wait3A_356 : memref<1x32768xi32, #tpu.memory_space<hbm>> -> memref<32768xi32, #tpu.memory_space<hbm>>
      %dma_wait3A_358 = arith.constant 0 : i32
      %dma_wait3A_359 = tpu.memref_slice %arg2[%add3A_7, %dma_wait3A_358] : memref<128x32768xi32, #tpu.memory_space<hbm>> -> memref<1x32768xi32, #tpu.memory_space<hbm>>
      %dma_wait3A_360 = tpu.memref_squeeze %dma_wait3A_359 : memref<1x32768xi32, #tpu.memory_space<hbm>> -> memref<32768xi32, #tpu.memory_space<hbm>>
      tpu.wait_dma2 semaphore(%run_scoped3A : memref<!tpu.dma_semaphore, #tpu.memory_space<semaphore_mem>>) src(%dma_wait3A_360 : memref<32768xi32, #tpu.memory_space<hbm>>) dst(%arg5 : memref<32768xi32, #tpu.memory_space<vmem>>)
      tpu.yield
    }) : () -> ()
    %scan3A = arith.constant 0 : i32
    %scan3A_8 = arith.constant 0 : i32
    %scan3A_9 = arith.constant 32 : i32
    %scan3A_10 = arith.addi %scan3A_8, %scan3A_9 : i32
    %scan3A_11 = arith.constant 1 : i32
    scf.for %scan3A_351 = %scan3A_8 to %scan3A_10 step %scan3A_11  : i32 {
      %mul3A_352 = arith.constant 1024 : i32
      %mul3A_353 = arith.muli %scan3A_351, %mul3A_352 : i32
      %broadcast_in_dim3A_354 = arith.constant -2147483648 : i32
      %broadcast_in_dim3A_355 = vector.broadcast %broadcast_in_dim3A_354 : i32 to vector<16xi32>
      %scan3A_356 = arith.constant 0 : i32
      %scan3A_357 = arith.constant 8 : i32
      %scan3A_358 = arith.addi %scan3A_356, %scan3A_357 : i32
      %scan3A_359 = arith.constant 1 : i32
      %scan3A_360 = scf.for %scan3A_366 = %scan3A_356 to %scan3A_358 step %scan3A_359 iter_args(%scan3A_367 = %broadcast_in_dim3A_355) -> (vector<16xi32>)  : i32 {
        %mul3A_368 = arith.constant 128 : i32
        %mul3A_369 = arith.muli %scan3A_366, %mul3A_368 : i32
        %add3A_370 = arith.addi %mul3A_353, %mul3A_369 : i32
        %add3A_371 = arith.constant 0 : i32
        %add3A_372 = arith.addi %add3A_370, %add3A_371 : i32
        %get3A = arith.index_cast %add3A_372 : i32 to index
        %get3A_373 = tpu.vector_load %arg5[%get3A] {strides = array<i32>} : memref<32768xi32, #tpu.memory_space<vmem>>, vector<16xi32>,
        %shift_right_arithmetic3A_374 = arith.constant 31 : i32
        %shift_right_arithmetic3A_375 = vector.broadcast %shift_right_arithmetic3A_374 : i32 to vector<16xi32>
        %shift_right_arithmetic3A_376 = arith.shrsi %get3A_373, %shift_right_arithmetic3A_375 : vector<16xi32>
        %and3A = arith.constant 2147483647 : i32
        %and3A_377 = vector.broadcast %and3A : i32 to vector<16xi32>
        %and3A_378 = arith.andi %shift_right_arithmetic3A_376, %and3A_377 : vector<16xi32>
        %xor3A_379 = arith.xori %get3A_373, %and3A_378 : vector<16xi32>
        %max3A = arith.maxsi %scan3A_367, %xor3A_379 : vector<16xi32>
        %add3A_380 = arith.constant 16 : i32
        %add3A_381 = arith.addi %add3A_370, %add3A_380 : i32
        %get3A_382 = arith.index_cast %add3A_381 : i32 to index
        %get3A_383 = tpu.vector_load %arg5[%get3A_382] {strides = array<i32>} : memref<32768xi32, #tpu.memory_space<vmem>>, vector<16xi32>,
        %shift_right_arithmetic3A_384 = arith.constant 31 : i32
        %shift_right_arithmetic3A_385 = vector.broadcast %shift_right_arithmetic3A_384 : i32 to vector<16xi32>
        %shift_right_arithmetic3A_386 = arith.shrsi %get3A_383, %shift_right_arithmetic3A_385 : vector<16xi32>
        %and3A_387 = arith.constant 2147483647 : i32
        %and3A_388 = vector.broadcast %and3A_387 : i32 to vector<16xi32>
        %and3A_389 = arith.andi %shift_right_arithmetic3A_386, %and3A_388 : vector<16xi32>
        %xor3A_390 = arith.xori %get3A_383, %and3A_389 : vector<16xi32>
        %max3A_391 = arith.maxsi %max3A, %xor3A_390 : vector<16xi32>
        %add3A_392 = arith.constant 32 : i32
        %add3A_393 = arith.addi %add3A_370, %add3A_392 : i32
        %get3A_394 = arith.index_cast %add3A_393 : i32 to index
        %get3A_395 = tpu.vector_load %arg5[%get3A_394] {strides = array<i32>} : memref<32768xi32, #tpu.memory_space<vmem>>, vector<16xi32>,
        %shift_right_arithmetic3A_396 = arith.constant 31 : i32
        %shift_right_arithmetic3A_397 = vector.broadcast %shift_right_arithmetic3A_396 : i32 to vector<16xi32>
        %shift_right_arithmetic3A_398 = arith.shrsi %get3A_395, %shift_right_arithmetic3A_397 : vector<16xi32>
        %and3A_399 = arith.constant 2147483647 : i32
        %and3A_400 = vector.broadcast %and3A_399 : i32 to vector<16xi32>
        %and3A_401 = arith.andi %shift_right_arithmetic3A_398, %and3A_400 : vector<16xi32>
        %xor3A_402 = arith.xori %get3A_395, %and3A_401 : vector<16xi32>
        %max3A_403 = arith.maxsi %max3A_391, %xor3A_402 : vector<16xi32>
        %add3A_404 = arith.constant 48 : i32
        %add3A_405 = arith.addi %add3A_370, %add3A_404 : i32
        %get3A_406 = arith.index_cast %add3A_405 : i32 to index
        %get3A_407 = tpu.vector_load %arg5[%get3A_406] {strides = array<i32>} : memref<32768xi32, #tpu.memory_space<vmem>>, vector<16xi32>,
        %shift_right_arithmetic3A_408 = arith.constant 31 : i32
        %shift_right_arithmetic3A_409 = vector.broadcast %shift_right_arithmetic3A_408 : i32 to vector<16xi32>
        %shift_right_arithmetic3A_410 = arith.shrsi %get3A_407, %shift_right_arithmetic3A_409 : vector<16xi32>
        %and3A_411 = arith.constant 2147483647 : i32
        %and3A_412 = vector.broadcast %and3A_411 : i32 to vector<16xi32>
        %and3A_413 = arith.andi %shift_right_arithmetic3A_410, %and3A_412 : vector<16xi32>
        %xor3A_414 = arith.xori %get3A_407, %and3A_413 : vector<16xi32>
        %max3A_415 = arith.maxsi %max3A_403, %xor3A_414 : vector<16xi32>
        %add3A_416 = arith.constant 64 : i32
        %add3A_417 = arith.addi %add3A_370, %add3A_416 : i32
        %get3A_418 = arith.index_cast %add3A_417 : i32 to index
        %get3A_419 = tpu.vector_load %arg5[%get3A_418] {strides = array<i32>} : memref<32768xi32, #tpu.memory_space<vmem>>, vector<16xi32>,
        %shift_right_arithmetic3A_420 = arith.constant 31 : i32
        %shift_right_arithmetic3A_421 = vector.broadcast %shift_right_arithmetic3A_420 : i32 to vector<16xi32>
        %shift_right_arithmetic3A_422 = arith.shrsi %get3A_419, %shift_right_arithmetic3A_421 : vector<16xi32>
        %and3A_423 = arith.constant 2147483647 : i32
        %and3A_424 = vector.broadcast %and3A_423 : i32 to vector<16xi32>
        %and3A_425 = arith.andi %shift_right_arithmetic3A_422, %and3A_424 : vector<16xi32>
        %xor3A_426 = arith.xori %get3A_419, %and3A_425 : vector<16xi32>
        %max3A_427 = arith.maxsi %max3A_415, %xor3A_426 : vector<16xi32>
        %add3A_428 = arith.constant 80 : i32
        %add3A_429 = arith.addi %add3A_370, %add3A_428 : i32
        %get3A_430 = arith.index_cast %add3A_429 : i32 to index
        %get3A_431 = tpu.vector_load %arg5[%get3A_430] {strides = array<i32>} : memref<32768xi32, #tpu.memory_space<vmem>>, vector<16xi32>,
        %shift_right_arithmetic3A_432 = arith.constant 31 : i32
        %shift_right_arithmetic3A_433 = vector.broadcast %shift_right_arithmetic3A_432 : i32 to vector<16xi32>
        %shift_right_arithmetic3A_434 = arith.shrsi %get3A_431, %shift_right_arithmetic3A_433 : vector<16xi32>
        %and3A_435 = arith.constant 2147483647 : i32
        %and3A_436 = vector.broadcast %and3A_435 : i32 to vector<16xi32>
        %and3A_437 = arith.andi %shift_right_arithmetic3A_434, %and3A_436 : vector<16xi32>
        %xor3A_438 = arith.xori %get3A_431, %and3A_437 : vector<16xi32>
        %max3A_439 = arith.maxsi %max3A_427, %xor3A_438 : vector<16xi32>
        %add3A_440 = arith.constant 96 : i32
        %add3A_441 = arith.addi %add3A_370, %add3A_440 : i32
        %get3A_442 = arith.index_cast %add3A_441 : i32 to index
        %get3A_443 = tpu.vector_load %arg5[%get3A_442] {strides = array<i32>} : memref<32768xi32, #tpu.memory_space<vmem>>, vector<16xi32>,
        %shift_right_arithmetic3A_444 = arith.constant 31 : i32
        %shift_right_arithmetic3A_445 = vector.broadcast %shift_right_arithmetic3A_444 : i32 to vector<16xi32>
        %shift_right_arithmetic3A_446 = arith.shrsi %get3A_443, %shift_right_arithmetic3A_445 : vector<16xi32>
        %and3A_447 = arith.constant 2147483647 : i32
        %and3A_448 = vector.broadcast %and3A_447 : i32 to vector<16xi32>
        %and3A_449 = arith.andi %shift_right_arithmetic3A_446, %and3A_448 : vector<16xi32>
        %xor3A_450 = arith.xori %get3A_443, %and3A_449 : vector<16xi32>
        %max3A_451 = arith.maxsi %max3A_439, %xor3A_450 : vector<16xi32>
        %add3A_452 = arith.constant 112 : i32
        %add3A_453 = arith.addi %add3A_370, %add3A_452 : i32
        %get3A_454 = arith.index_cast %add3A_453 : i32 to index
        %get3A_455 = tpu.vector_load %arg5[%get3A_454] {strides = array<i32>} : memref<32768xi32, #tpu.memory_space<vmem>>, vector<16xi32>,
        %shift_right_arithmetic3A_456 = arith.constant 31 : i32
        %shift_right_arithmetic3A_457 = vector.broadcast %shift_right_arithmetic3A_456 : i32 to vector<16xi32>
        %shift_right_arithmetic3A_458 = arith.shrsi %get3A_455, %shift_right_arithmetic3A_457 : vector<16xi32>
        %and3A_459 = arith.constant 2147483647 : i32
        %and3A_460 = vector.broadcast %and3A_459 : i32 to vector<16xi32>
        %and3A_461 = arith.andi %shift_right_arithmetic3A_458, %and3A_460 : vector<16xi32>
        %xor3A_462 = arith.xori %get3A_455, %and3A_461 : vector<16xi32>
        %max3A_463 = arith.maxsi %max3A_451, %xor3A_462 : vector<16xi32>
        scf.yield %max3A_463 : vector<16xi32>
      }
      %scan3A_361 = arith.constant 8 : i32
      %mul3A_362 = arith.constant 16 : i32
      %mul3A_363 = arith.muli %scan3A_351, %mul3A_362 : i32
      %swap3A_364 = arith.index_cast %mul3A_363 : i32 to index
      %swap3A_365 = tpu.vector_load %arg6[%swap3A_364] {strides = array<i32>} : memref<512xi32, #tpu.memory_space<vmem>>, vector<16xi32>,
      tpu.vector_store %arg6[%swap3A_364], %scan3A_360 {strides = array<i32>} : memref<512xi32, #tpu.memory_space<vmem>>, vector<16xi32>,
    }
    %scan3A_12 = arith.constant 32 : i32
    %scan3A_13 = arith.constant 0 : i32
    %scan3A_14 = arith.constant 0 : i32
    %scan3A_15 = arith.constant 16 : i32
    %scan3A_16 = arith.addi %scan3A_14, %scan3A_15 : i32
    %scan3A_17 = arith.constant 1 : i32
    %scan3A_18 = scf.for %scan3A_351 = %scan3A_14 to %scan3A_16 step %scan3A_17 iter_args(%scan3A_352 = %scan3A_13) -> (i32)  : i32 {
      %sub3A_353 = arith.constant 31 : i32
      %sub3A_354 = arith.subi %sub3A_353, %scan3A_351 : i32
      %shift_left3A = arith.constant 1 : i32
      %shift_left3A_355 = arith.shli %shift_left3A, %sub3A_354 : i32
      %or3A = arith.ori %scan3A_352, %shift_left3A_355 : i32
      %xor3A_356 = arith.constant -2147483648 : i32
      %xor3A_357 = arith.xori %or3A, %xor3A_356 : i32
      %scan3A_358 = arith.constant 0 : i32
      %scan3A_359 = arith.constant 0 : i32
      %scan3A_360 = arith.constant 32 : i32
      %scan3A_361 = arith.addi %scan3A_359, %scan3A_360 : i32
      %scan3A_362 = arith.constant 1 : i32
      %scan3A_363 = scf.for %scan3A_367 = %scan3A_359 to %scan3A_361 step %scan3A_362 iter_args(%scan3A_368 = %scan3A_358) -> (i32)  : i32 {
        %mul3A_369 = arith.constant 16 : i32
        %mul3A_370 = arith.muli %scan3A_367, %mul3A_369 : i32
        %get3A = arith.index_cast %mul3A_370 : i32 to index
        %get3A_371 = tpu.vector_load %arg6[%get3A] {strides = array<i32>} : memref<512xi32, #tpu.memory_space<vmem>>, vector<16xi32>,
        %ge3A_372 = vector.broadcast %xor3A_357 : i32 to vector<16xi32>
        %ge3A_373 = arith.cmpi sge, %get3A_371, %ge3A_372 : vector<16xi32>
        %convert_element_type3A = arith.extui %ge3A_373 : vector<16xi1> to vector<16xi32>
        %broadcast_in_dim3A_374 = arith.constant true
        %broadcast_in_dim3A_375 = vector.broadcast %broadcast_in_dim3A_374 : i1 to vector<16xi1>
        %masked_cumsum3A = tpu.scan <sum>, %convert_element_type3A masked %broadcast_in_dim3A_375 : vector<16xi32>, vector<16xi1> -> vector<16xi32>
        %slice3A = vector.extract_strided_slice %masked_cumsum3A {offsets = [15], sizes = [1], strides = [1]} : vector<16xi32> to vector<1xi32>
        %squeeze3A = vector.extract %slice3A[0] : i32 from vector<1xi32>
        %add3A_376 = arith.addi %scan3A_368, %squeeze3A : i32
        scf.yield %add3A_376 : i32
      }
      %scan3A_364 = arith.constant 32 : i32
      %ge3A = arith.constant 64 : i32
      %ge3A_365 = arith.cmpi sge, %scan3A_363, %ge3A : i32
      %select_n3A_366 = arith.select %ge3A_365, %or3A, %scan3A_352 : i32
      scf.yield %select_n3A_366 : i32
    }
    %scan3A_19 = arith.constant 16 : i32
    %xor3A = arith.constant -2147483648 : i32
    %xor3A_20 = arith.xori %scan3A_18, %xor3A : i32
    %scan3A_21 = arith.constant 0 : i32
    %scan3A_22 = arith.constant 0 : i32
    %scan3A_23 = arith.constant 32 : i32
    %scan3A_24 = arith.addi %scan3A_22, %scan3A_23 : i32
    %scan3A_25 = arith.constant 1 : i32
    %scan3A_26 = scf.for %scan3A_351 = %scan3A_22 to %scan3A_24 step %scan3A_25 iter_args(%scan3A_352 = %scan3A_21) -> (i32)  : i32 {
      %mul3A_353 = arith.constant 16 : i32
      %mul3A_354 = arith.muli %scan3A_351, %mul3A_353 : i32
      %get3A = arith.index_cast %mul3A_354 : i32 to index
      %get3A_355 = tpu.vector_load %arg6[%get3A] {strides = array<i32>} : memref<512xi32, #tpu.memory_space<vmem>>, vector<16xi32>,
      %ge3A = vector.broadcast %xor3A_20 : i32 to vector<16xi32>
      %ge3A_356 = arith.cmpi sge, %get3A_355, %ge3A : vector<16xi32>
      %convert_element_type3A = arith.extui %ge3A_356 : vector<16xi1> to vector<16xi32>
      %broadcast_in_dim3A_357 = arith.constant true
      %broadcast_in_dim3A_358 = vector.broadcast %broadcast_in_dim3A_357 : i1 to vector<16xi1>
      %masked_cumsum3A = tpu.scan <sum>, %convert_element_type3A masked %broadcast_in_dim3A_358 : vector<16xi32>, vector<16xi1> -> vector<16xi32>
      %add3A_359 = vector.broadcast %scan3A_352 : i32 to vector<16xi32>
      %add3A_360 = arith.addi %add3A_359, %masked_cumsum3A : vector<16xi32>
      %sub3A_361 = arith.constant 1 : i32
      %sub3A_362 = vector.broadcast %sub3A_361 : i32 to vector<16xi32>
      %sub3A_363 = arith.subi %add3A_360, %sub3A_362 : vector<16xi32>
      %mul3A_364 = arith.constant 16 : i32
      %mul3A_365 = arith.muli %scan3A_351, %mul3A_364 : i32
      %add3A_366 = vector.broadcast %mul3A_365 : i32 to vector<16xi32>
      %add3A_367 = arith.addi %add3A_366, %iota3A : vector<16xi32>
      tpu.vector_store_idx %arg7[%sub3A_363], %add3A_367 masked %ge3A_356 : memref<528xi32, #tpu.memory_space<vmem>>[vector<16xi32>], vector<16xi32>, vector<16xi1>
      %slice3A = vector.extract_strided_slice %masked_cumsum3A {offsets = [15], sizes = [1], strides = [1]} : vector<16xi32> to vector<1xi32>
      %squeeze3A = vector.extract %slice3A[0] : i32 from vector<1xi32>
      %add3A_368 = arith.addi %scan3A_352, %squeeze3A : i32
      scf.yield %add3A_368 : i32
    }
    %scan3A_27 = arith.constant 32 : i32
    %while3A = arith.constant 0 : i32
    %while3A_28 = arith.constant 0 : i32
    %while3A_29 = arith.subi %scan3A_26, %while3A : i32
    %while3A_30 = arith.addi %while3A, %while3A_29 : i32
    %while3A_31 = arith.constant 1 : i32
    %while3A_32 = arith.divsi %while3A_29, %while3A_31 : i32
    %while3A_33 = arith.muli %while3A_32, %while3A_31 : i32
    %while3A_34 = arith.addi %while3A, %while3A_33 : i32
    %while3A_35 = arith.constant 1 : i32
    %while3A_36 = scf.for %while3A_351 = %while3A to %while3A_34 step %while3A_35 iter_args(%while3A_352 = %while3A_28) -> (i32)  : i32 {
      %get3A = arith.index_cast %while3A_351 : i32 to index
      %get3A_353 = tpu.vector_load %arg7[%get3A] {strides = array<i32>} : memref<528xi32, #tpu.memory_space<vmem>>, vector<16xi32>,
      %slice3A = vector.extract_strided_slice %get3A_353 {offsets = [0], sizes = [1], strides = [1]} : vector<16xi32> to vector<1xi32>
      %squeeze3A = vector.extract %slice3A[0] : i32 from vector<1xi32>
      %shift_right_arithmetic3A_354 = arith.constant 4 : i32
      %shift_right_arithmetic3A_355 = arith.shrsi %squeeze3A, %shift_right_arithmetic3A_354 : i32
      %mul3A_356 = arith.constant 1024 : i32
      %mul3A_357 = arith.muli %shift_right_arithmetic3A_355, %mul3A_356 : i32
      %and3A = arith.constant 15 : i32
      %and3A_358 = arith.andi %squeeze3A, %and3A : i32
      %add3A_359 = arith.addi %mul3A_357, %and3A_358 : i32
      %add3A_360 = arith.constant 0 : i32
      %add3A_361 = arith.addi %add3A_359, %add3A_360 : i32
      %add3A_362 = vector.broadcast %add3A_361 : i32 to vector<16xi32>
      %add3A_363 = arith.addi %add3A_362, %mul3A_3 : vector<16xi32>
      %gather3A = tpu.vector_load_idx %arg5[%add3A_363] : memref<32768xi32, #tpu.memory_space<vmem>>[vector<16xi32>], vector<16xi32>,
      %shift_right_arithmetic3A_364 = arith.constant 31 : i32
      %shift_right_arithmetic3A_365 = vector.broadcast %shift_right_arithmetic3A_364 : i32 to vector<16xi32>
      %shift_right_arithmetic3A_366 = arith.shrsi %gather3A, %shift_right_arithmetic3A_365 : vector<16xi32>
      %and3A_367 = arith.constant 2147483647 : i32
      %and3A_368 = vector.broadcast %and3A_367 : i32 to vector<16xi32>
      %and3A_369 = arith.andi %shift_right_arithmetic3A_366, %and3A_368 : vector<16xi32>
      %xor3A_370 = arith.xori %gather3A, %and3A_369 : vector<16xi32>
      %ge3A = vector.broadcast %xor3A_20 : i32 to vector<16xi32>
      %ge3A_371 = arith.cmpi sge, %xor3A_370, %ge3A : vector<16xi32>
      %convert_element_type3A = arith.extui %ge3A_371 : vector<16xi1> to vector<16xi32>
      %broadcast_in_dim3A_372 = arith.constant true
      %broadcast_in_dim3A_373 = vector.broadcast %broadcast_in_dim3A_372 : i1 to vector<16xi1>
      %masked_cumsum3A = tpu.scan <sum>, %convert_element_type3A masked %broadcast_in_dim3A_373 : vector<16xi32>, vector<16xi1> -> vector<16xi32>
      %add3A_374 = arith.constant 0 : i32
      %add3A_375 = arith.addi %while3A_352, %add3A_374 : i32
      %add3A_376 = vector.broadcast %add3A_375 : i32 to vector<16xi32>
      %add3A_377 = arith.addi %add3A_376, %masked_cumsum3A : vector<16xi32>
      %sub3A_378 = arith.constant 1 : i32
      %sub3A_379 = vector.broadcast %sub3A_378 : i32 to vector<16xi32>
      %sub3A_380 = arith.subi %add3A_377, %sub3A_379 : vector<16xi32>
      %min3A = arith.constant 4095 : i32
      %min3A_381 = vector.broadcast %min3A : i32 to vector<16xi32>
      %min3A_382 = arith.minsi %sub3A_380, %min3A_381 : vector<16xi32>
      tpu.vector_store_idx %arg8[%min3A_382], %xor3A_370 masked %ge3A_371 : memref<4096xi32, #tpu.memory_space<vmem>>[vector<16xi32>], vector<16xi32>, vector<16xi1>
      tpu.vector_store_idx %arg9[%min3A_382], %add3A_363 masked %ge3A_371 : memref<4096xi32, #tpu.memory_space<vmem>>[vector<16xi32>], vector<16xi32>, vector<16xi1>
      %slice3A_383 = vector.extract_strided_slice %masked_cumsum3A {offsets = [15], sizes = [1], strides = [1]} : vector<16xi32> to vector<1xi32>
      %squeeze3A_384 = vector.extract %slice3A_383[0] : i32 from vector<1xi32>
      %add3A_385 = arith.constant 0 : i32
      %add3A_386 = arith.addi %add3A_385, %squeeze3A_384 : i32
      %add3A_387 = arith.constant 256 : i32
      %add3A_388 = arith.addi %add3A_359, %add3A_387 : i32
      %add3A_389 = vector.broadcast %add3A_388 : i32 to vector<16xi32>
      %add3A_390 = arith.addi %add3A_389, %mul3A_3 : vector<16xi32>
      %gather3A_391 = tpu.vector_load_idx %arg5[%add3A_390] : memref<32768xi32, #tpu.memory_space<vmem>>[vector<16xi32>], vector<16xi32>,
      %shift_right_arithmetic3A_392 = arith.constant 31 : i32
      %shift_right_arithmetic3A_393 = vector.broadcast %shift_right_arithmetic3A_392 : i32 to vector<16xi32>
      %shift_right_arithmetic3A_394 = arith.shrsi %gather3A_391, %shift_right_arithmetic3A_393 : vector<16xi32>
      %and3A_395 = arith.constant 2147483647 : i32
      %and3A_396 = vector.broadcast %and3A_395 : i32 to vector<16xi32>
      %and3A_397 = arith.andi %shift_right_arithmetic3A_394, %and3A_396 : vector<16xi32>
      %xor3A_398 = arith.xori %gather3A_391, %and3A_397 : vector<16xi32>
      %ge3A_399 = vector.broadcast %xor3A_20 : i32 to vector<16xi32>
      %ge3A_400 = arith.cmpi sge, %xor3A_398, %ge3A_399 : vector<16xi32>
      %convert_element_type3A_401 = arith.extui %ge3A_400 : vector<16xi1> to vector<16xi32>
      %broadcast_in_dim3A_402 = arith.constant true
      %broadcast_in_dim3A_403 = vector.broadcast %broadcast_in_dim3A_402 : i1 to vector<16xi1>
      %masked_cumsum3A_404 = tpu.scan <sum>, %convert_element_type3A_401 masked %broadcast_in_dim3A_403 : vector<16xi32>, vector<16xi1> -> vector<16xi32>
      %add3A_405 = arith.addi %while3A_352, %add3A_386 : i32
      %add3A_406 = vector.broadcast %add3A_405 : i32 to vector<16xi32>
      %add3A_407 = arith.addi %add3A_406, %masked_cumsum3A_404 : vector<16xi32>
      %sub3A_408 = arith.constant 1 : i32
      %sub3A_409 = vector.broadcast %sub3A_408 : i32 to vector<16xi32>
      %sub3A_410 = arith.subi %add3A_407, %sub3A_409 : vector<16xi32>
      %min3A_411 = arith.constant 4095 : i32
      %min3A_412 = vector.broadcast %min3A_411 : i32 to vector<16xi32>
      %min3A_413 = arith.minsi %sub3A_410, %min3A_412 : vector<16xi32>
      tpu.vector_store_idx %arg8[%min3A_413], %xor3A_398 masked %ge3A_400 : memref<4096xi32, #tpu.memory_space<vmem>>[vector<16xi32>], vector<16xi32>, vector<16xi1>
      tpu.vector_store_idx %arg9[%min3A_413], %add3A_390 masked %ge3A_400 : memref<4096xi32, #tpu.memory_space<vmem>>[vector<16xi32>], vector<16xi32>, vector<16xi1>
      %slice3A_414 = vector.extract_strided_slice %masked_cumsum3A_404 {offsets = [15], sizes = [1], strides = [1]} : vector<16xi32> to vector<1xi32>
      %squeeze3A_415 = vector.extract %slice3A_414[0] : i32 from vector<1xi32>
      %add3A_416 = arith.addi %add3A_386, %squeeze3A_415 : i32
      %add3A_417 = arith.constant 512 : i32
      %add3A_418 = arith.addi %add3A_359, %add3A_417 : i32
      %add3A_419 = vector.broadcast %add3A_418 : i32 to vector<16xi32>
      %add3A_420 = arith.addi %add3A_419, %mul3A_3 : vector<16xi32>
      %gather3A_421 = tpu.vector_load_idx %arg5[%add3A_420] : memref<32768xi32, #tpu.memory_space<vmem>>[vector<16xi32>], vector<16xi32>,
      %shift_right_arithmetic3A_422 = arith.constant 31 : i32
      %shift_right_arithmetic3A_423 = vector.broadcast %shift_right_arithmetic3A_422 : i32 to vector<16xi32>
      %shift_right_arithmetic3A_424 = arith.shrsi %gather3A_421, %shift_right_arithmetic3A_423 : vector<16xi32>
      %and3A_425 = arith.constant 2147483647 : i32
      %and3A_426 = vector.broadcast %and3A_425 : i32 to vector<16xi32>
      %and3A_427 = arith.andi %shift_right_arithmetic3A_424, %and3A_426 : vector<16xi32>
      %xor3A_428 = arith.xori %gather3A_421, %and3A_427 : vector<16xi32>
      %ge3A_429 = vector.broadcast %xor3A_20 : i32 to vector<16xi32>
      %ge3A_430 = arith.cmpi sge, %xor3A_428, %ge3A_429 : vector<16xi32>
      %convert_element_type3A_431 = arith.extui %ge3A_430 : vector<16xi1> to vector<16xi32>
      %broadcast_in_dim3A_432 = arith.constant true
      %broadcast_in_dim3A_433 = vector.broadcast %broadcast_in_dim3A_432 : i1 to vector<16xi1>
      %masked_cumsum3A_434 = tpu.scan <sum>, %convert_element_type3A_431 masked %broadcast_in_dim3A_433 : vector<16xi32>, vector<16xi1> -> vector<16xi32>
      %add3A_435 = arith.addi %while3A_352, %add3A_416 : i32
      %add3A_436 = vector.broadcast %add3A_435 : i32 to vector<16xi32>
      %add3A_437 = arith.addi %add3A_436, %masked_cumsum3A_434 : vector<16xi32>
      %sub3A_438 = arith.constant 1 : i32
      %sub3A_439 = vector.broadcast %sub3A_438 : i32 to vector<16xi32>
      %sub3A_440 = arith.subi %add3A_437, %sub3A_439 : vector<16xi32>
      %min3A_441 = arith.constant 4095 : i32
      %min3A_442 = vector.broadcast %min3A_441 : i32 to vector<16xi32>
      %min3A_443 = arith.minsi %sub3A_440, %min3A_442 : vector<16xi32>
      tpu.vector_store_idx %arg8[%min3A_443], %xor3A_428 masked %ge3A_430 : memref<4096xi32, #tpu.memory_space<vmem>>[vector<16xi32>], vector<16xi32>, vector<16xi1>
      tpu.vector_store_idx %arg9[%min3A_443], %add3A_420 masked %ge3A_430 : memref<4096xi32, #tpu.memory_space<vmem>>[vector<16xi32>], vector<16xi32>, vector<16xi1>
      %slice3A_444 = vector.extract_strided_slice %masked_cumsum3A_434 {offsets = [15], sizes = [1], strides = [1]} : vector<16xi32> to vector<1xi32>
      %squeeze3A_445 = vector.extract %slice3A_444[0] : i32 from vector<1xi32>
      %add3A_446 = arith.addi %add3A_416, %squeeze3A_445 : i32
      %add3A_447 = arith.constant 768 : i32
      %add3A_448 = arith.addi %add3A_359, %add3A_447 : i32
      %add3A_449 = vector.broadcast %add3A_448 : i32 to vector<16xi32>
      %add3A_450 = arith.addi %add3A_449, %mul3A_3 : vector<16xi32>
      %gather3A_451 = tpu.vector_load_idx %arg5[%add3A_450] : memref<32768xi32, #tpu.memory_space<vmem>>[vector<16xi32>], vector<16xi32>,
      %shift_right_arithmetic3A_452 = arith.constant 31 : i32
      %shift_right_arithmetic3A_453 = vector.broadcast %shift_right_arithmetic3A_452 : i32 to vector<16xi32>
      %shift_right_arithmetic3A_454 = arith.shrsi %gather3A_451, %shift_right_arithmetic3A_453 : vector<16xi32>
      %and3A_455 = arith.constant 2147483647 : i32
      %and3A_456 = vector.broadcast %and3A_455 : i32 to vector<16xi32>
      %and3A_457 = arith.andi %shift_right_arithmetic3A_454, %and3A_456 : vector<16xi32>
      %xor3A_458 = arith.xori %gather3A_451, %and3A_457 : vector<16xi32>
      %ge3A_459 = vector.broadcast %xor3A_20 : i32 to vector<16xi32>
      %ge3A_460 = arith.cmpi sge, %xor3A_458, %ge3A_459 : vector<16xi32>
      %convert_element_type3A_461 = arith.extui %ge3A_460 : vector<16xi1> to vector<16xi32>
      %broadcast_in_dim3A_462 = arith.constant true
      %broadcast_in_dim3A_463 = vector.broadcast %broadcast_in_dim3A_462 : i1 to vector<16xi1>
      %masked_cumsum3A_464 = tpu.scan <sum>, %convert_element_type3A_461 masked %broadcast_in_dim3A_463 : vector<16xi32>, vector<16xi1> -> vector<16xi32>
      %add3A_465 = arith.addi %while3A_352, %add3A_446 : i32
      %add3A_466 = vector.broadcast %add3A_465 : i32 to vector<16xi32>
      %add3A_467 = arith.addi %add3A_466, %masked_cumsum3A_464 : vector<16xi32>
      %sub3A_468 = arith.constant 1 : i32
      %sub3A_469 = vector.broadcast %sub3A_468 : i32 to vector<16xi32>
      %sub3A_470 = arith.subi %add3A_467, %sub3A_469 : vector<16xi32>
      %min3A_471 = arith.constant 4095 : i32
      %min3A_472 = vector.broadcast %min3A_471 : i32 to vector<16xi32>
      %min3A_473 = arith.minsi %sub3A_470, %min3A_472 : vector<16xi32>
      tpu.vector_store_idx %arg8[%min3A_473], %xor3A_458 masked %ge3A_460 : memref<4096xi32, #tpu.memory_space<vmem>>[vector<16xi32>], vector<16xi32>, vector<16xi1>
      tpu.vector_store_idx %arg9[%min3A_473], %add3A_450 masked %ge3A_460 : memref<4096xi32, #tpu.memory_space<vmem>>[vector<16xi32>], vector<16xi32>, vector<16xi1>
      %slice3A_474 = vector.extract_strided_slice %masked_cumsum3A_464 {offsets = [15], sizes = [1], strides = [1]} : vector<16xi32> to vector<1xi32>
      %squeeze3A_475 = vector.extract %slice3A_474[0] : i32 from vector<1xi32>
      %add3A_476 = arith.addi %add3A_446, %squeeze3A_475 : i32
      %add3A_477 = arith.addi %while3A_352, %add3A_476 : i32
      %min3A_478 = arith.constant 4080 : i32
      %min3A_479 = arith.minsi %add3A_477, %min3A_478 : i32
      scf.yield %min3A_479 : i32
    }
    %while3A_37 = arith.constant 1 : i32
    %while3A_38 = scf.for %while3A_351 = %while3A_34 to %while3A_30 step %while3A_37 iter_args(%while3A_352 = %while3A_36) -> (i32)  : i32 {
      %get3A = arith.index_cast %while3A_351 : i32 to index
      %get3A_353 = tpu.vector_load %arg7[%get3A] {strides = array<i32>} : memref<528xi32, #tpu.memory_space<vmem>>, vector<16xi32>,
      %slice3A = vector.extract_strided_slice %get3A_353 {offsets = [0], sizes = [1], strides = [1]} : vector<16xi32> to vector<1xi32>
      %squeeze3A = vector.extract %slice3A[0] : i32 from vector<1xi32>
      %shift_right_arithmetic3A_354 = arith.constant 4 : i32
      %shift_right_arithmetic3A_355 = arith.shrsi %squeeze3A, %shift_right_arithmetic3A_354 : i32
      %mul3A_356 = arith.constant 1024 : i32
      %mul3A_357 = arith.muli %shift_right_arithmetic3A_355, %mul3A_356 : i32
      %and3A = arith.constant 15 : i32
      %and3A_358 = arith.andi %squeeze3A, %and3A : i32
      %add3A_359 = arith.addi %mul3A_357, %and3A_358 : i32
      %add3A_360 = arith.constant 0 : i32
      %add3A_361 = arith.addi %add3A_359, %add3A_360 : i32
      %add3A_362 = vector.broadcast %add3A_361 : i32 to vector<16xi32>
      %add3A_363 = arith.addi %add3A_362, %mul3A_3 : vector<16xi32>
      %gather3A = tpu.vector_load_idx %arg5[%add3A_363] : memref<32768xi32, #tpu.memory_space<vmem>>[vector<16xi32>], vector<16xi32>,
      %shift_right_arithmetic3A_364 = arith.constant 31 : i32
      %shift_right_arithmetic3A_365 = vector.broadcast %shift_right_arithmetic3A_364 : i32 to vector<16xi32>
      %shift_right_arithmetic3A_366 = arith.shrsi %gather3A, %shift_right_arithmetic3A_365 : vector<16xi32>
      %and3A_367 = arith.constant 2147483647 : i32
      %and3A_368 = vector.broadcast %and3A_367 : i32 to vector<16xi32>
      %and3A_369 = arith.andi %shift_right_arithmetic3A_366, %and3A_368 : vector<16xi32>
      %xor3A_370 = arith.xori %gather3A, %and3A_369 : vector<16xi32>
      %ge3A = vector.broadcast %xor3A_20 : i32 to vector<16xi32>
      %ge3A_371 = arith.cmpi sge, %xor3A_370, %ge3A : vector<16xi32>
      %convert_element_type3A = arith.extui %ge3A_371 : vector<16xi1> to vector<16xi32>
      %broadcast_in_dim3A_372 = arith.constant true
      %broadcast_in_dim3A_373 = vector.broadcast %broadcast_in_dim3A_372 : i1 to vector<16xi1>
      %masked_cumsum3A = tpu.scan <sum>, %convert_element_type3A masked %broadcast_in_dim3A_373 : vector<16xi32>, vector<16xi1> -> vector<16xi32>
      %add3A_374 = arith.constant 0 : i32
      %add3A_375 = arith.addi %while3A_352, %add3A_374 : i32
      %add3A_376 = vector.broadcast %add3A_375 : i32 to vector<16xi32>
      %add3A_377 = arith.addi %add3A_376, %masked_cumsum3A : vector<16xi32>
      %sub3A_378 = arith.constant 1 : i32
      %sub3A_379 = vector.broadcast %sub3A_378 : i32 to vector<16xi32>
      %sub3A_380 = arith.subi %add3A_377, %sub3A_379 : vector<16xi32>
      %min3A = arith.constant 4095 : i32
      %min3A_381 = vector.broadcast %min3A : i32 to vector<16xi32>
      %min3A_382 = arith.minsi %sub3A_380, %min3A_381 : vector<16xi32>
      tpu.vector_store_idx %arg8[%min3A_382], %xor3A_370 masked %ge3A_371 : memref<4096xi32, #tpu.memory_space<vmem>>[vector<16xi32>], vector<16xi32>, vector<16xi1>
      tpu.vector_store_idx %arg9[%min3A_382], %add3A_363 masked %ge3A_371 : memref<4096xi32, #tpu.memory_space<vmem>>[vector<16xi32>], vector<16xi32>, vector<16xi1>
      %slice3A_383 = vector.extract_strided_slice %masked_cumsum3A {offsets = [15], sizes = [1], strides = [1]} : vector<16xi32> to vector<1xi32>
      %squeeze3A_384 = vector.extract %slice3A_383[0] : i32 from vector<1xi32>
      %add3A_385 = arith.constant 0 : i32
      %add3A_386 = arith.addi %add3A_385, %squeeze3A_384 : i32
      %add3A_387 = arith.constant 256 : i32
      %add3A_388 = arith.addi %add3A_359, %add3A_387 : i32
      %add3A_389 = vector.broadcast %add3A_388 : i32 to vector<16xi32>
      %add3A_390 = arith.addi %add3A_389, %mul3A_3 : vector<16xi32>
      %gather3A_391 = tpu.vector_load_idx %arg5[%add3A_390] : memref<32768xi32, #tpu.memory_space<vmem>>[vector<16xi32>], vector<16xi32>,
      %shift_right_arithmetic3A_392 = arith.constant 31 : i32
      %shift_right_arithmetic3A_393 = vector.broadcast %shift_right_arithmetic3A_392 : i32 to vector<16xi32>
      %shift_right_arithmetic3A_394 = arith.shrsi %gather3A_391, %shift_right_arithmetic3A_393 : vector<16xi32>
      %and3A_395 = arith.constant 2147483647 : i32
      %and3A_396 = vector.broadcast %and3A_395 : i32 to vector<16xi32>
      %and3A_397 = arith.andi %shift_right_arithmetic3A_394, %and3A_396 : vector<16xi32>
      %xor3A_398 = arith.xori %gather3A_391, %and3A_397 : vector<16xi32>
      %ge3A_399 = vector.broadcast %xor3A_20 : i32 to vector<16xi32>
      %ge3A_400 = arith.cmpi sge, %xor3A_398, %ge3A_399 : vector<16xi32>
      %convert_element_type3A_401 = arith.extui %ge3A_400 : vector<16xi1> to vector<16xi32>
      %broadcast_in_dim3A_402 = arith.constant true
      %broadcast_in_dim3A_403 = vector.broadcast %broadcast_in_dim3A_402 : i1 to vector<16xi1>
      %masked_cumsum3A_404 = tpu.scan <sum>, %convert_element_type3A_401 masked %broadcast_in_dim3A_403 : vector<16xi32>, vector<16xi1> -> vector<16xi32>
      %add3A_405 = arith.addi %while3A_352, %add3A_386 : i32
      %add3A_406 = vector.broadcast %add3A_405 : i32 to vector<16xi32>
      %add3A_407 = arith.addi %add3A_406, %masked_cumsum3A_404 : vector<16xi32>
      %sub3A_408 = arith.constant 1 : i32
      %sub3A_409 = vector.broadcast %sub3A_408 : i32 to vector<16xi32>
      %sub3A_410 = arith.subi %add3A_407, %sub3A_409 : vector<16xi32>
      %min3A_411 = arith.constant 4095 : i32
      %min3A_412 = vector.broadcast %min3A_411 : i32 to vector<16xi32>
      %min3A_413 = arith.minsi %sub3A_410, %min3A_412 : vector<16xi32>
      tpu.vector_store_idx %arg8[%min3A_413], %xor3A_398 masked %ge3A_400 : memref<4096xi32, #tpu.memory_space<vmem>>[vector<16xi32>], vector<16xi32>, vector<16xi1>
      tpu.vector_store_idx %arg9[%min3A_413], %add3A_390 masked %ge3A_400 : memref<4096xi32, #tpu.memory_space<vmem>>[vector<16xi32>], vector<16xi32>, vector<16xi1>
      %slice3A_414 = vector.extract_strided_slice %masked_cumsum3A_404 {offsets = [15], sizes = [1], strides = [1]} : vector<16xi32> to vector<1xi32>
      %squeeze3A_415 = vector.extract %slice3A_414[0] : i32 from vector<1xi32>
      %add3A_416 = arith.addi %add3A_386, %squeeze3A_415 : i32
      %add3A_417 = arith.constant 512 : i32
      %add3A_418 = arith.addi %add3A_359, %add3A_417 : i32
      %add3A_419 = vector.broadcast %add3A_418 : i32 to vector<16xi32>
      %add3A_420 = arith.addi %add3A_419, %mul3A_3 : vector<16xi32>
      %gather3A_421 = tpu.vector_load_idx %arg5[%add3A_420] : memref<32768xi32, #tpu.memory_space<vmem>>[vector<16xi32>], vector<16xi32>,
      %shift_right_arithmetic3A_422 = arith.constant 31 : i32
      %shift_right_arithmetic3A_423 = vector.broadcast %shift_right_arithmetic3A_422 : i32 to vector<16xi32>
      %shift_right_arithmetic3A_424 = arith.shrsi %gather3A_421, %shift_right_arithmetic3A_423 : vector<16xi32>
      %and3A_425 = arith.constant 2147483647 : i32
      %and3A_426 = vector.broadcast %and3A_425 : i32 to vector<16xi32>
      %and3A_427 = arith.andi %shift_right_arithmetic3A_424, %and3A_426 : vector<16xi32>
      %xor3A_428 = arith.xori %gather3A_421, %and3A_427 : vector<16xi32>
      %ge3A_429 = vector.broadcast %xor3A_20 : i32 to vector<16xi32>
      %ge3A_430 = arith.cmpi sge, %xor3A_428, %ge3A_429 : vector<16xi32>
      %convert_element_type3A_431 = arith.extui %ge3A_430 : vector<16xi1> to vector<16xi32>
      %broadcast_in_dim3A_432 = arith.constant true
      %broadcast_in_dim3A_433 = vector.broadcast %broadcast_in_dim3A_432 : i1 to vector<16xi1>
      %masked_cumsum3A_434 = tpu.scan <sum>, %convert_element_type3A_431 masked %broadcast_in_dim3A_433 : vector<16xi32>, vector<16xi1> -> vector<16xi32>
      %add3A_435 = arith.addi %while3A_352, %add3A_416 : i32
      %add3A_436 = vector.broadcast %add3A_435 : i32 to vector<16xi32>
      %add3A_437 = arith.addi %add3A_436, %masked_cumsum3A_434 : vector<16xi32>
      %sub3A_438 = arith.constant 1 : i32
      %sub3A_439 = vector.broadcast %sub3A_438 : i32 to vector<16xi32>
      %sub3A_440 = arith.subi %add3A_437, %sub3A_439 : vector<16xi32>
      %min3A_441 = arith.constant 4095 : i32
      %min3A_442 = vector.broadcast %min3A_441 : i32 to vector<16xi32>
      %min3A_443 = arith.minsi %sub3A_440, %min3A_442 : vector<16xi32>
      tpu.vector_store_idx %arg8[%min3A_443], %xor3A_428 masked %ge3A_430 : memref<4096xi32, #tpu.memory_space<vmem>>[vector<16xi32>], vector<16xi32>, vector<16xi1>
      tpu.vector_store_idx %arg9[%min3A_443], %add3A_420 masked %ge3A_430 : memref<4096xi32, #tpu.memory_space<vmem>>[vector<16xi32>], vector<16xi32>, vector<16xi1>
      %slice3A_444 = vector.extract_strided_slice %masked_cumsum3A_434 {offsets = [15], sizes = [1], strides = [1]} : vector<16xi32> to vector<1xi32>
      %squeeze3A_445 = vector.extract %slice3A_444[0] : i32 from vector<1xi32>
      %add3A_446 = arith.addi %add3A_416, %squeeze3A_445 : i32
      %add3A_447 = arith.constant 768 : i32
      %add3A_448 = arith.addi %add3A_359, %add3A_447 : i32
      %add3A_449 = vector.broadcast %add3A_448 : i32 to vector<16xi32>
      %add3A_450 = arith.addi %add3A_449, %mul3A_3 : vector<16xi32>
      %gather3A_451 = tpu.vector_load_idx %arg5[%add3A_450] : memref<32768xi32, #tpu.memory_space<vmem>>[vector<16xi32>], vector<16xi32>,
      %shift_right_arithmetic3A_452 = arith.constant 31 : i32
      %shift_right_arithmetic3A_453 = vector.broadcast %shift_right_arithmetic3A_452 : i32 to vector<16xi32>
      %shift_right_arithmetic3A_454 = arith.shrsi %gather3A_451, %shift_right_arithmetic3A_453 : vector<16xi32>
      %and3A_455 = arith.constant 2147483647 : i32
      %and3A_456 = vector.broadcast %and3A_455 : i32 to vector<16xi32>
      %and3A_457 = arith.andi %shift_right_arithmetic3A_454, %and3A_456 : vector<16xi32>
      %xor3A_458 = arith.xori %gather3A_451, %and3A_457 : vector<16xi32>
      %ge3A_459 = vector.broadcast %xor3A_20 : i32 to vector<16xi32>
      %ge3A_460 = arith.cmpi sge, %xor3A_458, %ge3A_459 : vector<16xi32>
      %convert_element_type3A_461 = arith.extui %ge3A_460 : vector<16xi1> to vector<16xi32>
      %broadcast_in_dim3A_462 = arith.constant true
      %broadcast_in_dim3A_463 = vector.broadcast %broadcast_in_dim3A_462 : i1 to vector<16xi1>
      %masked_cumsum3A_464 = tpu.scan <sum>, %convert_element_type3A_461 masked %broadcast_in_dim3A_463 : vector<16xi32>, vector<16xi1> -> vector<16xi32>
      %add3A_465 = arith.addi %while3A_352, %add3A_446 : i32
      %add3A_466 = vector.broadcast %add3A_465 : i32 to vector<16xi32>
      %add3A_467 = arith.addi %add3A_466, %masked_cumsum3A_464 : vector<16xi32>
      %sub3A_468 = arith.constant 1 : i32
      %sub3A_469 = vector.broadcast %sub3A_468 : i32 to vector<16xi32>
      %sub3A_470 = arith.subi %add3A_467, %sub3A_469 : vector<16xi32>
      %min3A_471 = arith.constant 4095 : i32
      %min3A_472 = vector.broadcast %min3A_471 : i32 to vector<16xi32>
      %min3A_473 = arith.minsi %sub3A_470, %min3A_472 : vector<16xi32>
      tpu.vector_store_idx %arg8[%min3A_473], %xor3A_458 masked %ge3A_460 : memref<4096xi32, #tpu.memory_space<vmem>>[vector<16xi32>], vector<16xi32>, vector<16xi1>
      tpu.vector_store_idx %arg9[%min3A_473], %add3A_450 masked %ge3A_460 : memref<4096xi32, #tpu.memory_space<vmem>>[vector<16xi32>], vector<16xi32>, vector<16xi1>
      %slice3A_474 = vector.extract_strided_slice %masked_cumsum3A_464 {offsets = [15], sizes = [1], strides = [1]} : vector<16xi32> to vector<1xi32>
      %squeeze3A_475 = vector.extract %slice3A_474[0] : i32 from vector<1xi32>
      %add3A_476 = arith.addi %add3A_446, %squeeze3A_475 : i32
      %add3A_477 = arith.addi %while3A_352, %add3A_476 : i32
      %min3A_478 = arith.constant 4080 : i32
      %min3A_479 = arith.minsi %add3A_477, %min3A_478 : i32
      scf.yield %min3A_479 : i32
    }
    %add3A_39 = vector.broadcast %while3A_38 : i32 to vector<16xi32>
    %add3A_40 = arith.addi %add3A_39, %iota3A : vector<16xi32>
    %broadcast_in_dim3A = arith.constant -2147483648 : i32
    %broadcast_in_dim3A_41 = vector.broadcast %broadcast_in_dim3A : i32 to vector<16xi32>
    tpu.vector_store_idx %arg8[%add3A_40], %broadcast_in_dim3A_41 : memref<4096xi32, #tpu.memory_space<vmem>>[vector<16xi32>], vector<16xi32>,
    %add3A_42 = arith.constant 15 : i32
    %add3A_43 = arith.addi %while3A_38, %add3A_42 : i32
    %shift_right_arithmetic3A = arith.constant 4 : i32
    %shift_right_arithmetic3A_44 = arith.shrsi %add3A_43, %shift_right_arithmetic3A : i32
    %scan3A_45 = arith.constant 0 : i32
    %scan3A_46 = arith.constant 0 : i32
    %scan3A_47 = arith.constant 32 : i32
    %scan3A_48 = arith.addi %scan3A_46, %scan3A_47 : i32
    %scan3A_49 = arith.constant 1 : i32
    %scan3A_50 = scf.for %scan3A_351 = %scan3A_46 to %scan3A_48 step %scan3A_49 iter_args(%scan3A_352 = %scan3A_45) -> (i32)  : i32 {
      %sub3A_353 = arith.constant 31 : i32
      %sub3A_354 = arith.subi %sub3A_353, %scan3A_351 : i32
      %shift_left3A = arith.constant 1 : i32
      %shift_left3A_355 = arith.shli %shift_left3A, %sub3A_354 : i32
      %or3A = arith.ori %scan3A_352, %shift_left3A_355 : i32
      %xor3A_356 = arith.constant -2147483648 : i32
      %xor3A_357 = arith.xori %or3A, %xor3A_356 : i32
      %while3A_358 = arith.constant 0 : i32
      %while3A_359 = arith.constant 0 : i32
      %while3A_360 = arith.subi %shift_right_arithmetic3A_44, %while3A_358 : i32
      %while3A_361 = arith.addi %while3A_358, %while3A_360 : i32
      %while3A_362 = arith.constant 1 : i32
      %while3A_363 = arith.divsi %while3A_360, %while3A_362 : i32
      %while3A_364 = arith.muli %while3A_363, %while3A_362 : i32
      %while3A_365 = arith.addi %while3A_358, %while3A_364 : i32
      %while3A_366 = arith.constant 1 : i32
      %while3A_367 = scf.for %while3A_372 = %while3A_358 to %while3A_365 step %while3A_366 iter_args(%while3A_373 = %while3A_359) -> (i32)  : i32 {
        %mul3A_374 = arith.constant 16 : i32
        %mul3A_375 = arith.muli %while3A_372, %mul3A_374 : i32
        %get3A = arith.index_cast %mul3A_375 : i32 to index
        %get3A_376 = tpu.vector_load %arg8[%get3A] {strides = array<i32>} : memref<4096xi32, #tpu.memory_space<vmem>>, vector<16xi32>,
        %ge3A_377 = vector.broadcast %xor3A_357 : i32 to vector<16xi32>
        %ge3A_378 = arith.cmpi sge, %get3A_376, %ge3A_377 : vector<16xi32>
        %convert_element_type3A = arith.extui %ge3A_378 : vector<16xi1> to vector<16xi32>
        %broadcast_in_dim3A_379 = arith.constant true
        %broadcast_in_dim3A_380 = vector.broadcast %broadcast_in_dim3A_379 : i1 to vector<16xi1>
        %masked_cumsum3A = tpu.scan <sum>, %convert_element_type3A masked %broadcast_in_dim3A_380 : vector<16xi32>, vector<16xi1> -> vector<16xi32>
        %slice3A = vector.extract_strided_slice %masked_cumsum3A {offsets = [15], sizes = [1], strides = [1]} : vector<16xi32> to vector<1xi32>
        %squeeze3A = vector.extract %slice3A[0] : i32 from vector<1xi32>
        %add3A_381 = arith.addi %while3A_373, %squeeze3A : i32
        scf.yield %add3A_381 : i32
      }
      %while3A_368 = arith.constant 1 : i32
      %while3A_369 = scf.for %while3A_372 = %while3A_365 to %while3A_361 step %while3A_368 iter_args(%while3A_373 = %while3A_367) -> (i32)  : i32 {
        %mul3A_374 = arith.constant 16 : i32
        %mul3A_375 = arith.muli %while3A_372, %mul3A_374 : i32
        %get3A = arith.index_cast %mul3A_375 : i32 to index
        %get3A_376 = tpu.vector_load %arg8[%get3A] {strides = array<i32>} : memref<4096xi32, #tpu.memory_space<vmem>>, vector<16xi32>,
        %ge3A_377 = vector.broadcast %xor3A_357 : i32 to vector<16xi32>
        %ge3A_378 = arith.cmpi sge, %get3A_376, %ge3A_377 : vector<16xi32>
        %convert_element_type3A = arith.extui %ge3A_378 : vector<16xi1> to vector<16xi32>
        %broadcast_in_dim3A_379 = arith.constant true
        %broadcast_in_dim3A_380 = vector.broadcast %broadcast_in_dim3A_379 : i1 to vector<16xi1>
        %masked_cumsum3A = tpu.scan <sum>, %convert_element_type3A masked %broadcast_in_dim3A_380 : vector<16xi32>, vector<16xi1> -> vector<16xi32>
        %slice3A = vector.extract_strided_slice %masked_cumsum3A {offsets = [15], sizes = [1], strides = [1]} : vector<16xi32> to vector<1xi32>
        %squeeze3A = vector.extract %slice3A[0] : i32 from vector<1xi32>
        %add3A_381 = arith.addi %while3A_373, %squeeze3A : i32
        scf.yield %add3A_381 : i32
      }
      %ge3A = arith.constant 64 : i32
      %ge3A_370 = arith.cmpi sge, %while3A_369, %ge3A : i32
      %select_n3A_371 = arith.select %ge3A_370, %or3A, %scan3A_352 : i32
      scf.yield %select_n3A_371 : i32
    }
    %scan3A_51 = arith.constant 32 : i32
    %xor3A_52 = arith.constant -2147483648 : i32
    %xor3A_53 = arith.xori %scan3A_50, %xor3A_52 : i32
    %while3A_54 = arith.constant 0 : i32
    %while3A_55 = arith.constant 0 : i32
    %while3A_56 = arith.subi %shift_right_arithmetic3A_44, %while3A_54 : i32
    %while3A_57 = arith.addi %while3A_54, %while3A_56 : i32
    %while3A_58 = arith.constant 1 : i32
    %while3A_59 = arith.divsi %while3A_56, %while3A_58 : i32
    %while3A_60 = arith.muli %while3A_59, %while3A_58 : i32
    %while3A_61 = arith.addi %while3A_54, %while3A_60 : i32
    %while3A_62 = arith.constant 1 : i32
    %while3A_63 = scf.for %while3A_351 = %while3A_54 to %while3A_61 step %while3A_62 iter_args(%while3A_352 = %while3A_55) -> (i32)  : i32 {
      %mul3A_353 = arith.constant 16 : i32
      %mul3A_354 = arith.muli %while3A_351, %mul3A_353 : i32
      %get3A = arith.index_cast %mul3A_354 : i32 to index
      %get3A_355 = tpu.vector_load %arg8[%get3A] {strides = array<i32>} : memref<4096xi32, #tpu.memory_space<vmem>>, vector<16xi32>,
      %gt3A = vector.broadcast %xor3A_53 : i32 to vector<16xi32>
      %gt3A_356 = arith.cmpi sgt, %get3A_355, %gt3A : vector<16xi32>
      %convert_element_type3A = arith.extui %gt3A_356 : vector<16xi1> to vector<16xi32>
      %broadcast_in_dim3A_357 = arith.constant true
      %broadcast_in_dim3A_358 = vector.broadcast %broadcast_in_dim3A_357 : i1 to vector<16xi1>
      %masked_cumsum3A = tpu.scan <sum>, %convert_element_type3A masked %broadcast_in_dim3A_358 : vector<16xi32>, vector<16xi1> -> vector<16xi32>
      %slice3A = vector.extract_strided_slice %masked_cumsum3A {offsets = [15], sizes = [1], strides = [1]} : vector<16xi32> to vector<1xi32>
      %squeeze3A = vector.extract %slice3A[0] : i32 from vector<1xi32>
      %add3A_359 = arith.addi %while3A_352, %squeeze3A : i32
      %eq3A = vector.broadcast %xor3A_53 : i32 to vector<16xi32>
      %eq3A_360 = arith.cmpi eq, %get3A_355, %eq3A : vector<16xi32>
      %mul3A_361 = arith.constant 16 : i32
      %mul3A_362 = arith.muli %while3A_351, %mul3A_361 : i32
      %get3A_363 = arith.index_cast %mul3A_362 : i32 to index
      %get3A_364 = tpu.vector_load %arg9[%get3A_363] {strides = array<i32>} : memref<4096xi32, #tpu.memory_space<vmem>>, vector<16xi32>,
      %sub3A_365 = arith.constant 32767 : i32
      %sub3A_366 = vector.broadcast %sub3A_365 : i32 to vector<16xi32>
      %sub3A_367 = arith.subi %sub3A_366, %get3A_364 : vector<16xi32>
      %jit3A = arith.constant -2147483648 : i32
      %broadcast_in_dim3A_368 = vector.broadcast %jit3A : i32 to vector<16xi32>
      %select_n3A_369 = arith.select %eq3A_360, %sub3A_367, %broadcast_in_dim3A_368 : vector<16xi1>, vector<16xi32>
      %mul3A_370 = arith.constant 16 : i32
      %mul3A_371 = arith.muli %while3A_351, %mul3A_370 : i32
      %swap3A_372 = arith.index_cast %mul3A_371 : i32 to index
      %swap3A_373 = tpu.vector_load %arg10[%swap3A_372] {strides = array<i32>} : memref<4096xi32, #tpu.memory_space<vmem>>, vector<16xi32>,
      tpu.vector_store %arg10[%swap3A_372], %select_n3A_369 {strides = array<i32>} : memref<4096xi32, #tpu.memory_space<vmem>>, vector<16xi32>,
      scf.yield %add3A_359 : i32
    }
    %while3A_64 = arith.constant 1 : i32
    %while3A_65 = scf.for %while3A_351 = %while3A_61 to %while3A_57 step %while3A_64 iter_args(%while3A_352 = %while3A_63) -> (i32)  : i32 {
      %mul3A_353 = arith.constant 16 : i32
      %mul3A_354 = arith.muli %while3A_351, %mul3A_353 : i32
      %get3A = arith.index_cast %mul3A_354 : i32 to index
      %get3A_355 = tpu.vector_load %arg8[%get3A] {strides = array<i32>} : memref<4096xi32, #tpu.memory_space<vmem>>, vector<16xi32>,
      %gt3A = vector.broadcast %xor3A_53 : i32 to vector<16xi32>
      %gt3A_356 = arith.cmpi sgt, %get3A_355, %gt3A : vector<16xi32>
      %convert_element_type3A = arith.extui %gt3A_356 : vector<16xi1> to vector<16xi32>
      %broadcast_in_dim3A_357 = arith.constant true
      %broadcast_in_dim3A_358 = vector.broadcast %broadcast_in_dim3A_357 : i1 to vector<16xi1>
      %masked_cumsum3A = tpu.scan <sum>, %convert_element_type3A masked %broadcast_in_dim3A_358 : vector<16xi32>, vector<16xi1> -> vector<16xi32>
      %slice3A = vector.extract_strided_slice %masked_cumsum3A {offsets = [15], sizes = [1], strides = [1]} : vector<16xi32> to vector<1xi32>
      %squeeze3A = vector.extract %slice3A[0] : i32 from vector<1xi32>
      %add3A_359 = arith.addi %while3A_352, %squeeze3A : i32
      %eq3A = vector.broadcast %xor3A_53 : i32 to vector<16xi32>
      %eq3A_360 = arith.cmpi eq, %get3A_355, %eq3A : vector<16xi32>
      %mul3A_361 = arith.constant 16 : i32
      %mul3A_362 = arith.muli %while3A_351, %mul3A_361 : i32
      %get3A_363 = arith.index_cast %mul3A_362 : i32 to index
      %get3A_364 = tpu.vector_load %arg9[%get3A_363] {strides = array<i32>} : memref<4096xi32, #tpu.memory_space<vmem>>, vector<16xi32>,
      %sub3A_365 = arith.constant 32767 : i32
      %sub3A_366 = vector.broadcast %sub3A_365 : i32 to vector<16xi32>
      %sub3A_367 = arith.subi %sub3A_366, %get3A_364 : vector<16xi32>
      %jit3A = arith.constant -2147483648 : i32
      %broadcast_in_dim3A_368 = vector.broadcast %jit3A : i32 to vector<16xi32>
      %select_n3A_369 = arith.select %eq3A_360, %sub3A_367, %broadcast_in_dim3A_368 : vector<16xi1>, vector<16xi32>
      %mul3A_370 = arith.constant 16 : i32
      %mul3A_371 = arith.muli %while3A_351, %mul3A_370 : i32
      %swap3A_372 = arith.index_cast %mul3A_371 : i32 to index
      %swap3A_373 = tpu.vector_load %arg10[%swap3A_372] {strides = array<i32>} : memref<4096xi32, #tpu.memory_space<vmem>>, vector<16xi32>,
      tpu.vector_store %arg10[%swap3A_372], %select_n3A_369 {strides = array<i32>} : memref<4096xi32, #tpu.memory_space<vmem>>, vector<16xi32>,
      scf.yield %add3A_359 : i32
    }
    %sub3A = arith.constant 64 : i32
    %sub3A_66 = arith.subi %sub3A, %while3A_65 : i32
    %scan3A_67 = arith.constant -2147483648 : i32
    %scan3A_68 = arith.constant 0 : i32
    %scan3A_69 = arith.constant 15 : i32
    %scan3A_70 = arith.addi %scan3A_68, %scan3A_69 : i32
    %scan3A_71 = arith.constant 1 : i32
    %scan3A_72 = scf.for %scan3A_351 = %scan3A_68 to %scan3A_70 step %scan3A_71 iter_args(%scan3A_352 = %scan3A_67) -> (i32)  : i32 {
      %sub3A_353 = arith.constant 14 : i32
      %sub3A_354 = arith.subi %sub3A_353, %scan3A_351 : i32
      %shift_left3A = arith.constant 1 : i32
      %shift_left3A_355 = arith.shli %shift_left3A, %sub3A_354 : i32
      %or3A = arith.ori %scan3A_352, %shift_left3A_355 : i32
      %xor3A_356 = arith.constant -2147483648 : i32
      %xor3A_357 = arith.xori %or3A, %xor3A_356 : i32
      %while3A_358 = arith.constant 0 : i32
      %while3A_359 = arith.constant 0 : i32
      %while3A_360 = arith.subi %shift_right_arithmetic3A_44, %while3A_358 : i32
      %while3A_361 = arith.addi %while3A_358, %while3A_360 : i32
      %while3A_362 = arith.constant 1 : i32
      %while3A_363 = arith.divsi %while3A_360, %while3A_362 : i32
      %while3A_364 = arith.muli %while3A_363, %while3A_362 : i32
      %while3A_365 = arith.addi %while3A_358, %while3A_364 : i32
      %while3A_366 = arith.constant 1 : i32
      %while3A_367 = scf.for %while3A_371 = %while3A_358 to %while3A_365 step %while3A_366 iter_args(%while3A_372 = %while3A_359) -> (i32)  : i32 {
        %mul3A_373 = arith.constant 16 : i32
        %mul3A_374 = arith.muli %while3A_371, %mul3A_373 : i32
        %get3A = arith.index_cast %mul3A_374 : i32 to index
        %get3A_375 = tpu.vector_load %arg10[%get3A] {strides = array<i32>} : memref<4096xi32, #tpu.memory_space<vmem>>, vector<16xi32>,
        %ge3A_376 = vector.broadcast %xor3A_357 : i32 to vector<16xi32>
        %ge3A_377 = arith.cmpi sge, %get3A_375, %ge3A_376 : vector<16xi32>
        %convert_element_type3A = arith.extui %ge3A_377 : vector<16xi1> to vector<16xi32>
        %broadcast_in_dim3A_378 = arith.constant true
        %broadcast_in_dim3A_379 = vector.broadcast %broadcast_in_dim3A_378 : i1 to vector<16xi1>
        %masked_cumsum3A = tpu.scan <sum>, %convert_element_type3A masked %broadcast_in_dim3A_379 : vector<16xi32>, vector<16xi1> -> vector<16xi32>
        %slice3A = vector.extract_strided_slice %masked_cumsum3A {offsets = [15], sizes = [1], strides = [1]} : vector<16xi32> to vector<1xi32>
        %squeeze3A = vector.extract %slice3A[0] : i32 from vector<1xi32>
        %add3A_380 = arith.addi %while3A_372, %squeeze3A : i32
        scf.yield %add3A_380 : i32
      }
      %while3A_368 = arith.constant 1 : i32
      %while3A_369 = scf.for %while3A_371 = %while3A_365 to %while3A_361 step %while3A_368 iter_args(%while3A_372 = %while3A_367) -> (i32)  : i32 {
        %mul3A_373 = arith.constant 16 : i32
        %mul3A_374 = arith.muli %while3A_371, %mul3A_373 : i32
        %get3A = arith.index_cast %mul3A_374 : i32 to index
        %get3A_375 = tpu.vector_load %arg10[%get3A] {strides = array<i32>} : memref<4096xi32, #tpu.memory_space<vmem>>, vector<16xi32>,
        %ge3A_376 = vector.broadcast %xor3A_357 : i32 to vector<16xi32>
        %ge3A_377 = arith.cmpi sge, %get3A_375, %ge3A_376 : vector<16xi32>
        %convert_element_type3A = arith.extui %ge3A_377 : vector<16xi1> to vector<16xi32>
        %broadcast_in_dim3A_378 = arith.constant true
        %broadcast_in_dim3A_379 = vector.broadcast %broadcast_in_dim3A_378 : i1 to vector<16xi1>
        %masked_cumsum3A = tpu.scan <sum>, %convert_element_type3A masked %broadcast_in_dim3A_379 : vector<16xi32>, vector<16xi1> -> vector<16xi32>
        %slice3A = vector.extract_strided_slice %masked_cumsum3A {offsets = [15], sizes = [1], strides = [1]} : vector<16xi32> to vector<1xi32>
        %squeeze3A = vector.extract %slice3A[0] : i32 from vector<1xi32>
        %add3A_380 = arith.addi %while3A_372, %squeeze3A : i32
        scf.yield %add3A_380 : i32
      }
      %ge3A = arith.cmpi sge, %while3A_369, %sub3A_66 : i32
      %select_n3A_370 = arith.select %ge3A, %or3A, %scan3A_352 : i32
      scf.yield %select_n3A_370 : i32
    }
    %scan3A_73 = arith.constant 15 : i32
    %xor3A_74 = arith.constant -2147483648 : i32
    %xor3A_75 = arith.xori %scan3A_72, %xor3A_74 : i32
    %sub3A_76 = arith.constant 32767 : i32
    %sub3A_77 = arith.subi %sub3A_76, %xor3A_75 : i32
    %mul3A_78 = arith.constant 4 : i32
    %mul3A_79 = arith.muli %add3A, %mul3A_78 : i32
    %add3A_80 = arith.constant 1 : i32
    %add3A_81 = arith.addi %mul3A_79, %add3A_80 : i32
    "tpu.region"() ({
      %run_scoped3A = tpu.sem_alloc : memref<!tpu.dma_semaphore, #tpu.memory_space<semaphore_mem>>
      %dma_start3A = arith.constant 0 : i32
      %dma_start3A_351 = tpu.memref_slice %arg2[%add3A_81, %dma_start3A] : memref<128x32768xi32, #tpu.memory_space<hbm>> -> memref<1x32768xi32, #tpu.memory_space<hbm>>
      %dma_start3A_352 = tpu.memref_squeeze %dma_start3A_351 : memref<1x32768xi32, #tpu.memory_space<hbm>> -> memref<32768xi32, #tpu.memory_space<hbm>>
      %dma_start3A_353 = arith.constant 0 : i32
      %dma_start3A_354 = tpu.memref_slice %arg2[%add3A_81, %dma_start3A_353] : memref<128x32768xi32, #tpu.memory_space<hbm>> -> memref<1x32768xi32, #tpu.memory_space<hbm>>
      %dma_start3A_355 = tpu.memref_squeeze %dma_start3A_354 : memref<1x32768xi32, #tpu.memory_space<hbm>> -> memref<32768xi32, #tpu.memory_space<hbm>>
      tpu.enqueue_dma source(%dma_start3A_355 : memref<32768xi32, #tpu.memory_space<hbm>>) target(%arg5 : memref<32768xi32, #tpu.memory_space<vmem>>) target_semaphore(%run_scoped3A : memref<!tpu.dma_semaphore, #tpu.memory_space<semaphore_mem>>)
      %dma_wait3A = arith.constant 0 : i32
      %dma_wait3A_356 = tpu.memref_slice %arg2[%add3A_81, %dma_wait3A] : memref<128x32768xi32, #tpu.memory_space<hbm>> -> memref<1x32768xi32, #tpu.memory_space<hbm>>
      %dma_wait3A_357 = tpu.memref_squeeze %dma_wait3A_356 : memref<1x32768xi32, #tpu.memory_space<hbm>> -> memref<32768xi32, #tpu.memory_space<hbm>>
      %dma_wait3A_358 = arith.constant 0 : i32
      %dma_wait3A_359 = tpu.memref_slice %arg2[%add3A_81, %dma_wait3A_358] : memref<128x32768xi32, #tpu.memory_space<hbm>> -> memref<1x32768xi32, #tpu.memory_space<hbm>>
      %dma_wait3A_360 = tpu.memref_squeeze %dma_wait3A_359 : memref<1x32768xi32, #tpu.memory_space<hbm>> -> memref<32768xi32, #tpu.memory_space<hbm>>
      tpu.wait_dma2 semaphore(%run_scoped3A : memref<!tpu.dma_semaphore, #tpu.memory_space<semaphore_mem>>) src(%dma_wait3A_360 : memref<32768xi32, #tpu.memory_space<hbm>>) dst(%arg5 : memref<32768xi32, #tpu.memory_space<vmem>>)
      tpu.yield
    }) : () -> ()
    %scan3A_82 = arith.constant 0 : i32
    %scan3A_83 = arith.constant 0 : i32
    %scan3A_84 = arith.constant 32 : i32
    %scan3A_85 = arith.addi %scan3A_83, %scan3A_84 : i32
    %scan3A_86 = arith.constant 1 : i32
    scf.for %scan3A_351 = %scan3A_83 to %scan3A_85 step %scan3A_86  : i32 {
      %mul3A_352 = arith.constant 1024 : i32
      %mul3A_353 = arith.muli %scan3A_351, %mul3A_352 : i32
      %broadcast_in_dim3A_354 = arith.constant -2147483648 : i32
      %broadcast_in_dim3A_355 = vector.broadcast %broadcast_in_dim3A_354 : i32 to vector<16xi32>
      %scan3A_356 = arith.constant 0 : i32
      %scan3A_357 = arith.constant 8 : i32
      %scan3A_358 = arith.addi %scan3A_356, %scan3A_357 : i32
      %scan3A_359 = arith.constant 1 : i32
      %scan3A_360 = scf.for %scan3A_366 = %scan3A_356 to %scan3A_358 step %scan3A_359 iter_args(%scan3A_367 = %broadcast_in_dim3A_355) -> (vector<16xi32>)  : i32 {
        %mul3A_368 = arith.constant 128 : i32
        %mul3A_369 = arith.muli %scan3A_366, %mul3A_368 : i32
        %add3A_370 = arith.addi %mul3A_353, %mul3A_369 : i32
        %add3A_371 = arith.constant 0 : i32
        %add3A_372 = arith.addi %add3A_370, %add3A_371 : i32
        %get3A = arith.index_cast %add3A_372 : i32 to index
        %get3A_373 = tpu.vector_load %arg5[%get3A] {strides = array<i32>} : memref<32768xi32, #tpu.memory_space<vmem>>, vector<16xi32>,
        %shift_right_arithmetic3A_374 = arith.constant 31 : i32
        %shift_right_arithmetic3A_375 = vector.broadcast %shift_right_arithmetic3A_374 : i32 to vector<16xi32>
        %shift_right_arithmetic3A_376 = arith.shrsi %get3A_373, %shift_right_arithmetic3A_375 : vector<16xi32>
        %and3A = arith.constant 2147483647 : i32
        %and3A_377 = vector.broadcast %and3A : i32 to vector<16xi32>
        %and3A_378 = arith.andi %shift_right_arithmetic3A_376, %and3A_377 : vector<16xi32>
        %xor3A_379 = arith.xori %get3A_373, %and3A_378 : vector<16xi32>
        %max3A = arith.maxsi %scan3A_367, %xor3A_379 : vector<16xi32>
        %add3A_380 = arith.constant 16 : i32
        %add3A_381 = arith.addi %add3A_370, %add3A_380 : i32
        %get3A_382 = arith.index_cast %add3A_381 : i32 to index
        %get3A_383 = tpu.vector_load %arg5[%get3A_382] {strides = array<i32>} : memref<32768xi32, #tpu.memory_space<vmem>>, vector<16xi32>,
        %shift_right_arithmetic3A_384 = arith.constant 31 : i32
        %shift_right_arithmetic3A_385 = vector.broadcast %shift_right_arithmetic3A_384 : i32 to vector<16xi32>
        %shift_right_arithmetic3A_386 = arith.shrsi %get3A_383, %shift_right_arithmetic3A_385 : vector<16xi32>
        %and3A_387 = arith.constant 2147483647 : i32
        %and3A_388 = vector.broadcast %and3A_387 : i32 to vector<16xi32>
        %and3A_389 = arith.andi %shift_right_arithmetic3A_386, %and3A_388 : vector<16xi32>
        %xor3A_390 = arith.xori %get3A_383, %and3A_389 : vector<16xi32>
        %max3A_391 = arith.maxsi %max3A, %xor3A_390 : vector<16xi32>
        %add3A_392 = arith.constant 32 : i32
        %add3A_393 = arith.addi %add3A_370, %add3A_392 : i32
        %get3A_394 = arith.index_cast %add3A_393 : i32 to index
        %get3A_395 = tpu.vector_load %arg5[%get3A_394] {strides = array<i32>} : memref<32768xi32, #tpu.memory_space<vmem>>, vector<16xi32>,
        %shift_right_arithmetic3A_396 = arith.constant 31 : i32
        %shift_right_arithmetic3A_397 = vector.broadcast %shift_right_arithmetic3A_396 : i32 to vector<16xi32>
        %shift_right_arithmetic3A_398 = arith.shrsi %get3A_395, %shift_right_arithmetic3A_397 : vector<16xi32>
        %and3A_399 = arith.constant 2147483647 : i32
        %and3A_400 = vector.broadcast %and3A_399 : i32 to vector<16xi32>
        %and3A_401 = arith.andi %shift_right_arithmetic3A_398, %and3A_400 : vector<16xi32>
        %xor3A_402 = arith.xori %get3A_395, %and3A_401 : vector<16xi32>
        %max3A_403 = arith.maxsi %max3A_391, %xor3A_402 : vector<16xi32>
        %add3A_404 = arith.constant 48 : i32
        %add3A_405 = arith.addi %add3A_370, %add3A_404 : i32
        %get3A_406 = arith.index_cast %add3A_405 : i32 to index
        %get3A_407 = tpu.vector_load %arg5[%get3A_406] {strides = array<i32>} : memref<32768xi32, #tpu.memory_space<vmem>>, vector<16xi32>,
        %shift_right_arithmetic3A_408 = arith.constant 31 : i32
        %shift_right_arithmetic3A_409 = vector.broadcast %shift_right_arithmetic3A_408 : i32 to vector<16xi32>
        %shift_right_arithmetic3A_410 = arith.shrsi %get3A_407, %shift_right_arithmetic3A_409 : vector<16xi32>
        %and3A_411 = arith.constant 2147483647 : i32
        %and3A_412 = vector.broadcast %and3A_411 : i32 to vector<16xi32>
        %and3A_413 = arith.andi %shift_right_arithmetic3A_410, %and3A_412 : vector<16xi32>
        %xor3A_414 = arith.xori %get3A_407, %and3A_413 : vector<16xi32>
        %max3A_415 = arith.maxsi %max3A_403, %xor3A_414 : vector<16xi32>
        %add3A_416 = arith.constant 64 : i32
        %add3A_417 = arith.addi %add3A_370, %add3A_416 : i32
        %get3A_418 = arith.index_cast %add3A_417 : i32 to index
        %get3A_419 = tpu.vector_load %arg5[%get3A_418] {strides = array<i32>} : memref<32768xi32, #tpu.memory_space<vmem>>, vector<16xi32>,
        %shift_right_arithmetic3A_420 = arith.constant 31 : i32
        %shift_right_arithmetic3A_421 = vector.broadcast %shift_right_arithmetic3A_420 : i32 to vector<16xi32>
        %shift_right_arithmetic3A_422 = arith.shrsi %get3A_419, %shift_right_arithmetic3A_421 : vector<16xi32>
        %and3A_423 = arith.constant 2147483647 : i32
        %and3A_424 = vector.broadcast %and3A_423 : i32 to vector<16xi32>
        %and3A_425 = arith.andi %shift_right_arithmetic3A_422, %and3A_424 : vector<16xi32>
        %xor3A_426 = arith.xori %get3A_419, %and3A_425 : vector<16xi32>
        %max3A_427 = arith.maxsi %max3A_415, %xor3A_426 : vector<16xi32>
        %add3A_428 = arith.constant 80 : i32
        %add3A_429 = arith.addi %add3A_370, %add3A_428 : i32
        %get3A_430 = arith.index_cast %add3A_429 : i32 to index
        %get3A_431 = tpu.vector_load %arg5[%get3A_430] {strides = array<i32>} : memref<32768xi32, #tpu.memory_space<vmem>>, vector<16xi32>,
        %shift_right_arithmetic3A_432 = arith.constant 31 : i32
        %shift_right_arithmetic3A_433 = vector.broadcast %shift_right_arithmetic3A_432 : i32 to vector<16xi32>
        %shift_right_arithmetic3A_434 = arith.shrsi %get3A_431, %shift_right_arithmetic3A_433 : vector<16xi32>
        %and3A_435 = arith.constant 2147483647 : i32
        %and3A_436 = vector.broadcast %and3A_435 : i32 to vector<16xi32>
        %and3A_437 = arith.andi %shift_right_arithmetic3A_434, %and3A_436 : vector<16xi32>
        %xor3A_438 = arith.xori %get3A_431, %and3A_437 : vector<16xi32>
        %max3A_439 = arith.maxsi %max3A_427, %xor3A_438 : vector<16xi32>
        %add3A_440 = arith.constant 96 : i32
        %add3A_441 = arith.addi %add3A_370, %add3A_440 : i32
        %get3A_442 = arith.index_cast %add3A_441 : i32 to index
        %get3A_443 = tpu.vector_load %arg5[%get3A_442] {strides = array<i32>} : memref<32768xi32, #tpu.memory_space<vmem>>, vector<16xi32>,
        %shift_right_arithmetic3A_444 = arith.constant 31 : i32
        %shift_right_arithmetic3A_445 = vector.broadcast %shift_right_arithmetic3A_444 : i32 to vector<16xi32>
        %shift_right_arithmetic3A_446 = arith.shrsi %get3A_443, %shift_right_arithmetic3A_445 : vector<16xi32>
        %and3A_447 = arith.constant 2147483647 : i32
        %and3A_448 = vector.broadcast %and3A_447 : i32 to vector<16xi32>
        %and3A_449 = arith.andi %shift_right_arithmetic3A_446, %and3A_448 : vector<16xi32>
        %xor3A_450 = arith.xori %get3A_443, %and3A_449 : vector<16xi32>
        %max3A_451 = arith.maxsi %max3A_439, %xor3A_450 : vector<16xi32>
        %add3A_452 = arith.constant 112 : i32
        %add3A_453 = arith.addi %add3A_370, %add3A_452 : i32
        %get3A_454 = arith.index_cast %add3A_453 : i32 to index
        %get3A_455 = tpu.vector_load %arg5[%get3A_454] {strides = array<i32>} : memref<32768xi32, #tpu.memory_space<vmem>>, vector<16xi32>,
        %shift_right_arithmetic3A_456 = arith.constant 31 : i32
        %shift_right_arithmetic3A_457 = vector.broadcast %shift_right_arithmetic3A_456 : i32 to vector<16xi32>
        %shift_right_arithmetic3A_458 = arith.shrsi %get3A_455, %shift_right_arithmetic3A_457 : vector<16xi32>
        %and3A_459 = arith.constant 2147483647 : i32
        %and3A_460 = vector.broadcast %and3A_459 : i32 to vector<16xi32>
        %and3A_461 = arith.andi %shift_right_arithmetic3A_458, %and3A_460 : vector<16xi32>
        %xor3A_462 = arith.xori %get3A_455, %and3A_461 : vector<16xi32>
        %max3A_463 = arith.maxsi %max3A_451, %xor3A_462 : vector<16xi32>
        scf.yield %max3A_463 : vector<16xi32>
      }
      %scan3A_361 = arith.constant 8 : i32
      %mul3A_362 = arith.constant 16 : i32
      %mul3A_363 = arith.muli %scan3A_351, %mul3A_362 : i32
      %swap3A_364 = arith.index_cast %mul3A_363 : i32 to index
      %swap3A_365 = tpu.vector_load %arg6[%swap3A_364] {strides = array<i32>} : memref<512xi32, #tpu.memory_space<vmem>>, vector<16xi32>,
      tpu.vector_store %arg6[%swap3A_364], %scan3A_360 {strides = array<i32>} : memref<512xi32, #tpu.memory_space<vmem>>, vector<16xi32>,
    }
    %scan3A_87 = arith.constant 32 : i32
    %scan3A_88 = arith.constant 0 : i32
    %scan3A_89 = arith.constant 0 : i32
    %scan3A_90 = arith.constant 16 : i32
    %scan3A_91 = arith.addi %scan3A_89, %scan3A_90 : i32
    %scan3A_92 = arith.constant 1 : i32
    %scan3A_93 = scf.for %scan3A_351 = %scan3A_89 to %scan3A_91 step %scan3A_92 iter_args(%scan3A_352 = %scan3A_88) -> (i32)  : i32 {
      %sub3A_353 = arith.constant 31 : i32
      %sub3A_354 = arith.subi %sub3A_353, %scan3A_351 : i32
      %shift_left3A = arith.constant 1 : i32
      %shift_left3A_355 = arith.shli %shift_left3A, %sub3A_354 : i32
      %or3A = arith.ori %scan3A_352, %shift_left3A_355 : i32
      %xor3A_356 = arith.constant -2147483648 : i32
      %xor3A_357 = arith.xori %or3A, %xor3A_356 : i32
      %scan3A_358 = arith.constant 0 : i32
      %scan3A_359 = arith.constant 0 : i32
      %scan3A_360 = arith.constant 32 : i32
      %scan3A_361 = arith.addi %scan3A_359, %scan3A_360 : i32
      %scan3A_362 = arith.constant 1 : i32
      %scan3A_363 = scf.for %scan3A_367 = %scan3A_359 to %scan3A_361 step %scan3A_362 iter_args(%scan3A_368 = %scan3A_358) -> (i32)  : i32 {
        %mul3A_369 = arith.constant 16 : i32
        %mul3A_370 = arith.muli %scan3A_367, %mul3A_369 : i32
        %get3A = arith.index_cast %mul3A_370 : i32 to index
        %get3A_371 = tpu.vector_load %arg6[%get3A] {strides = array<i32>} : memref<512xi32, #tpu.memory_space<vmem>>, vector<16xi32>,
        %ge3A_372 = vector.broadcast %xor3A_357 : i32 to vector<16xi32>
        %ge3A_373 = arith.cmpi sge, %get3A_371, %ge3A_372 : vector<16xi32>
        %convert_element_type3A = arith.extui %ge3A_373 : vector<16xi1> to vector<16xi32>
        %broadcast_in_dim3A_374 = arith.constant true
        %broadcast_in_dim3A_375 = vector.broadcast %broadcast_in_dim3A_374 : i1 to vector<16xi1>
        %masked_cumsum3A = tpu.scan <sum>, %convert_element_type3A masked %broadcast_in_dim3A_375 : vector<16xi32>, vector<16xi1> -> vector<16xi32>
        %slice3A = vector.extract_strided_slice %masked_cumsum3A {offsets = [15], sizes = [1], strides = [1]} : vector<16xi32> to vector<1xi32>
        %squeeze3A = vector.extract %slice3A[0] : i32 from vector<1xi32>
        %add3A_376 = arith.addi %scan3A_368, %squeeze3A : i32
        scf.yield %add3A_376 : i32
      }
      %scan3A_364 = arith.constant 32 : i32
      %ge3A = arith.constant 64 : i32
      %ge3A_365 = arith.cmpi sge, %scan3A_363, %ge3A : i32
      %select_n3A_366 = arith.select %ge3A_365, %or3A, %scan3A_352 : i32
      scf.yield %select_n3A_366 : i32
    }
    %scan3A_94 = arith.constant 16 : i32
    %xor3A_95 = arith.constant -2147483648 : i32
    %xor3A_96 = arith.xori %scan3A_93, %xor3A_95 : i32
    %scan3A_97 = arith.constant 0 : i32
    %scan3A_98 = arith.constant 0 : i32
    %scan3A_99 = arith.constant 32 : i32
    %scan3A_100 = arith.addi %scan3A_98, %scan3A_99 : i32
    %scan3A_101 = arith.constant 1 : i32
    %scan3A_102 = scf.for %scan3A_351 = %scan3A_98 to %scan3A_100 step %scan3A_101 iter_args(%scan3A_352 = %scan3A_97) -> (i32)  : i32 {
      %mul3A_353 = arith.constant 16 : i32
      %mul3A_354 = arith.muli %scan3A_351, %mul3A_353 : i32
      %get3A = arith.index_cast %mul3A_354 : i32 to index
      %get3A_355 = tpu.vector_load %arg6[%get3A] {strides = array<i32>} : memref<512xi32, #tpu.memory_space<vmem>>, vector<16xi32>,
      %ge3A = vector.broadcast %xor3A_96 : i32 to vector<16xi32>
      %ge3A_356 = arith.cmpi sge, %get3A_355, %ge3A : vector<16xi32>
      %convert_element_type3A = arith.extui %ge3A_356 : vector<16xi1> to vector<16xi32>
      %broadcast_in_dim3A_357 = arith.constant true
      %broadcast_in_dim3A_358 = vector.broadcast %broadcast_in_dim3A_357 : i1 to vector<16xi1>
      %masked_cumsum3A = tpu.scan <sum>, %convert_element_type3A masked %broadcast_in_dim3A_358 : vector<16xi32>, vector<16xi1> -> vector<16xi32>
      %add3A_359 = vector.broadcast %scan3A_352 : i32 to vector<16xi32>
      %add3A_360 = arith.addi %add3A_359, %masked_cumsum3A : vector<16xi32>
      %sub3A_361 = arith.constant 1 : i32
      %sub3A_362 = vector.broadcast %sub3A_361 : i32 to vector<16xi32>
      %sub3A_363 = arith.subi %add3A_360, %sub3A_362 : vector<16xi32>
      %mul3A_364 = arith.constant 16 : i32
      %mul3A_365 = arith.muli %scan3A_351, %mul3A_364 : i32
      %add3A_366 = vector.broadcast %mul3A_365 : i32 to vector<16xi32>
      %add3A_367 = arith.addi %add3A_366, %iota3A : vector<16xi32>
      tpu.vector_store_idx %arg7[%sub3A_363], %add3A_367 masked %ge3A_356 : memref<528xi32, #tpu.memory_space<vmem>>[vector<16xi32>], vector<16xi32>, vector<16xi1>
      %slice3A = vector.extract_strided_slice %masked_cumsum3A {offsets = [15], sizes = [1], strides = [1]} : vector<16xi32> to vector<1xi32>
      %squeeze3A = vector.extract %slice3A[0] : i32 from vector<1xi32>
      %add3A_368 = arith.addi %scan3A_352, %squeeze3A : i32
      scf.yield %add3A_368 : i32
    }
    %scan3A_103 = arith.constant 32 : i32
    %while3A_104 = arith.constant 0 : i32
    %while3A_105 = arith.constant 0 : i32
    %while3A_106 = arith.subi %scan3A_102, %while3A_104 : i32
    %while3A_107 = arith.addi %while3A_104, %while3A_106 : i32
    %while3A_108 = arith.constant 1 : i32
    %while3A_109 = arith.divsi %while3A_106, %while3A_108 : i32
    %while3A_110 = arith.muli %while3A_109, %while3A_108 : i32
    %while3A_111 = arith.addi %while3A_104, %while3A_110 : i32
    %while3A_112 = arith.constant 1 : i32
    %while3A_113 = scf.for %while3A_351 = %while3A_104 to %while3A_111 step %while3A_112 iter_args(%while3A_352 = %while3A_105) -> (i32)  : i32 {
      %get3A = arith.index_cast %while3A_351 : i32 to index
      %get3A_353 = tpu.vector_load %arg7[%get3A] {strides = array<i32>} : memref<528xi32, #tpu.memory_space<vmem>>, vector<16xi32>,
      %slice3A = vector.extract_strided_slice %get3A_353 {offsets = [0], sizes = [1], strides = [1]} : vector<16xi32> to vector<1xi32>
      %squeeze3A = vector.extract %slice3A[0] : i32 from vector<1xi32>
      %shift_right_arithmetic3A_354 = arith.constant 4 : i32
      %shift_right_arithmetic3A_355 = arith.shrsi %squeeze3A, %shift_right_arithmetic3A_354 : i32
      %mul3A_356 = arith.constant 1024 : i32
      %mul3A_357 = arith.muli %shift_right_arithmetic3A_355, %mul3A_356 : i32
      %and3A = arith.constant 15 : i32
      %and3A_358 = arith.andi %squeeze3A, %and3A : i32
      %add3A_359 = arith.addi %mul3A_357, %and3A_358 : i32
      %add3A_360 = arith.constant 0 : i32
      %add3A_361 = arith.addi %add3A_359, %add3A_360 : i32
      %add3A_362 = vector.broadcast %add3A_361 : i32 to vector<16xi32>
      %add3A_363 = arith.addi %add3A_362, %mul3A_3 : vector<16xi32>
      %gather3A = tpu.vector_load_idx %arg5[%add3A_363] : memref<32768xi32, #tpu.memory_space<vmem>>[vector<16xi32>], vector<16xi32>,
      %shift_right_arithmetic3A_364 = arith.constant 31 : i32
      %shift_right_arithmetic3A_365 = vector.broadcast %shift_right_arithmetic3A_364 : i32 to vector<16xi32>
      %shift_right_arithmetic3A_366 = arith.shrsi %gather3A, %shift_right_arithmetic3A_365 : vector<16xi32>
      %and3A_367 = arith.constant 2147483647 : i32
      %and3A_368 = vector.broadcast %and3A_367 : i32 to vector<16xi32>
      %and3A_369 = arith.andi %shift_right_arithmetic3A_366, %and3A_368 : vector<16xi32>
      %xor3A_370 = arith.xori %gather3A, %and3A_369 : vector<16xi32>
      %ge3A = vector.broadcast %xor3A_96 : i32 to vector<16xi32>
      %ge3A_371 = arith.cmpi sge, %xor3A_370, %ge3A : vector<16xi32>
      %convert_element_type3A = arith.extui %ge3A_371 : vector<16xi1> to vector<16xi32>
      %broadcast_in_dim3A_372 = arith.constant true
      %broadcast_in_dim3A_373 = vector.broadcast %broadcast_in_dim3A_372 : i1 to vector<16xi1>
      %masked_cumsum3A = tpu.scan <sum>, %convert_element_type3A masked %broadcast_in_dim3A_373 : vector<16xi32>, vector<16xi1> -> vector<16xi32>
      %add3A_374 = arith.constant 0 : i32
      %add3A_375 = arith.addi %while3A_352, %add3A_374 : i32
      %add3A_376 = vector.broadcast %add3A_375 : i32 to vector<16xi32>
      %add3A_377 = arith.addi %add3A_376, %masked_cumsum3A : vector<16xi32>
      %sub3A_378 = arith.constant 1 : i32
      %sub3A_379 = vector.broadcast %sub3A_378 : i32 to vector<16xi32>
      %sub3A_380 = arith.subi %add3A_377, %sub3A_379 : vector<16xi32>
      %min3A = arith.constant 4095 : i32
      %min3A_381 = vector.broadcast %min3A : i32 to vector<16xi32>
      %min3A_382 = arith.minsi %sub3A_380, %min3A_381 : vector<16xi32>
      tpu.vector_store_idx %arg8[%min3A_382], %xor3A_370 masked %ge3A_371 : memref<4096xi32, #tpu.memory_space<vmem>>[vector<16xi32>], vector<16xi32>, vector<16xi1>
      tpu.vector_store_idx %arg9[%min3A_382], %add3A_363 masked %ge3A_371 : memref<4096xi32, #tpu.memory_space<vmem>>[vector<16xi32>], vector<16xi32>, vector<16xi1>
      %slice3A_383 = vector.extract_strided_slice %masked_cumsum3A {offsets = [15], sizes = [1], strides = [1]} : vector<16xi32> to vector<1xi32>
      %squeeze3A_384 = vector.extract %slice3A_383[0] : i32 from vector<1xi32>
      %add3A_385 = arith.constant 0 : i32
      %add3A_386 = arith.addi %add3A_385, %squeeze3A_384 : i32
      %add3A_387 = arith.constant 256 : i32
      %add3A_388 = arith.addi %add3A_359, %add3A_387 : i32
      %add3A_389 = vector.broadcast %add3A_388 : i32 to vector<16xi32>
      %add3A_390 = arith.addi %add3A_389, %mul3A_3 : vector<16xi32>
      %gather3A_391 = tpu.vector_load_idx %arg5[%add3A_390] : memref<32768xi32, #tpu.memory_space<vmem>>[vector<16xi32>], vector<16xi32>,
      %shift_right_arithmetic3A_392 = arith.constant 31 : i32
      %shift_right_arithmetic3A_393 = vector.broadcast %shift_right_arithmetic3A_392 : i32 to vector<16xi32>
      %shift_right_arithmetic3A_394 = arith.shrsi %gather3A_391, %shift_right_arithmetic3A_393 : vector<16xi32>
      %and3A_395 = arith.constant 2147483647 : i32
      %and3A_396 = vector.broadcast %and3A_395 : i32 to vector<16xi32>
      %and3A_397 = arith.andi %shift_right_arithmetic3A_394, %and3A_396 : vector<16xi32>
      %xor3A_398 = arith.xori %gather3A_391, %and3A_397 : vector<16xi32>
      %ge3A_399 = vector.broadcast %xor3A_96 : i32 to vector<16xi32>
      %ge3A_400 = arith.cmpi sge, %xor3A_398, %ge3A_399 : vector<16xi32>
      %convert_element_type3A_401 = arith.extui %ge3A_400 : vector<16xi1> to vector<16xi32>
      %broadcast_in_dim3A_402 = arith.constant true
      %broadcast_in_dim3A_403 = vector.broadcast %broadcast_in_dim3A_402 : i1 to vector<16xi1>
      %masked_cumsum3A_404 = tpu.scan <sum>, %convert_element_type3A_401 masked %broadcast_in_dim3A_403 : vector<16xi32>, vector<16xi1> -> vector<16xi32>
      %add3A_405 = arith.addi %while3A_352, %add3A_386 : i32
      %add3A_406 = vector.broadcast %add3A_405 : i32 to vector<16xi32>
      %add3A_407 = arith.addi %add3A_406, %masked_cumsum3A_404 : vector<16xi32>
      %sub3A_408 = arith.constant 1 : i32
      %sub3A_409 = vector.broadcast %sub3A_408 : i32 to vector<16xi32>
      %sub3A_410 = arith.subi %add3A_407, %sub3A_409 : vector<16xi32>
      %min3A_411 = arith.constant 4095 : i32
      %min3A_412 = vector.broadcast %min3A_411 : i32 to vector<16xi32>
      %min3A_413 = arith.minsi %sub3A_410, %min3A_412 : vector<16xi32>
      tpu.vector_store_idx %arg8[%min3A_413], %xor3A_398 masked %ge3A_400 : memref<4096xi32, #tpu.memory_space<vmem>>[vector<16xi32>], vector<16xi32>, vector<16xi1>
      tpu.vector_store_idx %arg9[%min3A_413], %add3A_390 masked %ge3A_400 : memref<4096xi32, #tpu.memory_space<vmem>>[vector<16xi32>], vector<16xi32>, vector<16xi1>
      %slice3A_414 = vector.extract_strided_slice %masked_cumsum3A_404 {offsets = [15], sizes = [1], strides = [1]} : vector<16xi32> to vector<1xi32>
      %squeeze3A_415 = vector.extract %slice3A_414[0] : i32 from vector<1xi32>
      %add3A_416 = arith.addi %add3A_386, %squeeze3A_415 : i32
      %add3A_417 = arith.constant 512 : i32
      %add3A_418 = arith.addi %add3A_359, %add3A_417 : i32
      %add3A_419 = vector.broadcast %add3A_418 : i32 to vector<16xi32>
      %add3A_420 = arith.addi %add3A_419, %mul3A_3 : vector<16xi32>
      %gather3A_421 = tpu.vector_load_idx %arg5[%add3A_420] : memref<32768xi32, #tpu.memory_space<vmem>>[vector<16xi32>], vector<16xi32>,
      %shift_right_arithmetic3A_422 = arith.constant 31 : i32
      %shift_right_arithmetic3A_423 = vector.broadcast %shift_right_arithmetic3A_422 : i32 to vector<16xi32>
      %shift_right_arithmetic3A_424 = arith.shrsi %gather3A_421, %shift_right_arithmetic3A_423 : vector<16xi32>
      %and3A_425 = arith.constant 2147483647 : i32
      %and3A_426 = vector.broadcast %and3A_425 : i32 to vector<16xi32>
      %and3A_427 = arith.andi %shift_right_arithmetic3A_424, %and3A_426 : vector<16xi32>
      %xor3A_428 = arith.xori %gather3A_421, %and3A_427 : vector<16xi32>
      %ge3A_429 = vector.broadcast %xor3A_96 : i32 to vector<16xi32>
      %ge3A_430 = arith.cmpi sge, %xor3A_428, %ge3A_429 : vector<16xi32>
      %convert_element_type3A_431 = arith.extui %ge3A_430 : vector<16xi1> to vector<16xi32>
      %broadcast_in_dim3A_432 = arith.constant true
      %broadcast_in_dim3A_433 = vector.broadcast %broadcast_in_dim3A_432 : i1 to vector<16xi1>
      %masked_cumsum3A_434 = tpu.scan <sum>, %convert_element_type3A_431 masked %broadcast_in_dim3A_433 : vector<16xi32>, vector<16xi1> -> vector<16xi32>
      %add3A_435 = arith.addi %while3A_352, %add3A_416 : i32
      %add3A_436 = vector.broadcast %add3A_435 : i32 to vector<16xi32>
      %add3A_437 = arith.addi %add3A_436, %masked_cumsum3A_434 : vector<16xi32>
      %sub3A_438 = arith.constant 1 : i32
      %sub3A_439 = vector.broadcast %sub3A_438 : i32 to vector<16xi32>
      %sub3A_440 = arith.subi %add3A_437, %sub3A_439 : vector<16xi32>
      %min3A_441 = arith.constant 4095 : i32
      %min3A_442 = vector.broadcast %min3A_441 : i32 to vector<16xi32>
      %min3A_443 = arith.minsi %sub3A_440, %min3A_442 : vector<16xi32>
      tpu.vector_store_idx %arg8[%min3A_443], %xor3A_428 masked %ge3A_430 : memref<4096xi32, #tpu.memory_space<vmem>>[vector<16xi32>], vector<16xi32>, vector<16xi1>
      tpu.vector_store_idx %arg9[%min3A_443], %add3A_420 masked %ge3A_430 : memref<4096xi32, #tpu.memory_space<vmem>>[vector<16xi32>], vector<16xi32>, vector<16xi1>
      %slice3A_444 = vector.extract_strided_slice %masked_cumsum3A_434 {offsets = [15], sizes = [1], strides = [1]} : vector<16xi32> to vector<1xi32>
      %squeeze3A_445 = vector.extract %slice3A_444[0] : i32 from vector<1xi32>
      %add3A_446 = arith.addi %add3A_416, %squeeze3A_445 : i32
      %add3A_447 = arith.constant 768 : i32
      %add3A_448 = arith.addi %add3A_359, %add3A_447 : i32
      %add3A_449 = vector.broadcast %add3A_448 : i32 to vector<16xi32>
      %add3A_450 = arith.addi %add3A_449, %mul3A_3 : vector<16xi32>
      %gather3A_451 = tpu.vector_load_idx %arg5[%add3A_450] : memref<32768xi32, #tpu.memory_space<vmem>>[vector<16xi32>], vector<16xi32>,
      %shift_right_arithmetic3A_452 = arith.constant 31 : i32
      %shift_right_arithmetic3A_453 = vector.broadcast %shift_right_arithmetic3A_452 : i32 to vector<16xi32>
      %shift_right_arithmetic3A_454 = arith.shrsi %gather3A_451, %shift_right_arithmetic3A_453 : vector<16xi32>
      %and3A_455 = arith.constant 2147483647 : i32
      %and3A_456 = vector.broadcast %and3A_455 : i32 to vector<16xi32>
      %and3A_457 = arith.andi %shift_right_arithmetic3A_454, %and3A_456 : vector<16xi32>
      %xor3A_458 = arith.xori %gather3A_451, %and3A_457 : vector<16xi32>
      %ge3A_459 = vector.broadcast %xor3A_96 : i32 to vector<16xi32>
      %ge3A_460 = arith.cmpi sge, %xor3A_458, %ge3A_459 : vector<16xi32>
      %convert_element_type3A_461 = arith.extui %ge3A_460 : vector<16xi1> to vector<16xi32>
      %broadcast_in_dim3A_462 = arith.constant true
      %broadcast_in_dim3A_463 = vector.broadcast %broadcast_in_dim3A_462 : i1 to vector<16xi1>
      %masked_cumsum3A_464 = tpu.scan <sum>, %convert_element_type3A_461 masked %broadcast_in_dim3A_463 : vector<16xi32>, vector<16xi1> -> vector<16xi32>
      %add3A_465 = arith.addi %while3A_352, %add3A_446 : i32
      %add3A_466 = vector.broadcast %add3A_465 : i32 to vector<16xi32>
      %add3A_467 = arith.addi %add3A_466, %masked_cumsum3A_464 : vector<16xi32>
      %sub3A_468 = arith.constant 1 : i32
      %sub3A_469 = vector.broadcast %sub3A_468 : i32 to vector<16xi32>
      %sub3A_470 = arith.subi %add3A_467, %sub3A_469 : vector<16xi32>
      %min3A_471 = arith.constant 4095 : i32
      %min3A_472 = vector.broadcast %min3A_471 : i32 to vector<16xi32>
      %min3A_473 = arith.minsi %sub3A_470, %min3A_472 : vector<16xi32>
      tpu.vector_store_idx %arg8[%min3A_473], %xor3A_458 masked %ge3A_460 : memref<4096xi32, #tpu.memory_space<vmem>>[vector<16xi32>], vector<16xi32>, vector<16xi1>
      tpu.vector_store_idx %arg9[%min3A_473], %add3A_450 masked %ge3A_460 : memref<4096xi32, #tpu.memory_space<vmem>>[vector<16xi32>], vector<16xi32>, vector<16xi1>
      %slice3A_474 = vector.extract_strided_slice %masked_cumsum3A_464 {offsets = [15], sizes = [1], strides = [1]} : vector<16xi32> to vector<1xi32>
      %squeeze3A_475 = vector.extract %slice3A_474[0] : i32 from vector<1xi32>
      %add3A_476 = arith.addi %add3A_446, %squeeze3A_475 : i32
      %add3A_477 = arith.addi %while3A_352, %add3A_476 : i32
      %min3A_478 = arith.constant 4080 : i32
      %min3A_479 = arith.minsi %add3A_477, %min3A_478 : i32
      scf.yield %min3A_479 : i32
    }
    %while3A_114 = arith.constant 1 : i32
    %while3A_115 = scf.for %while3A_351 = %while3A_111 to %while3A_107 step %while3A_114 iter_args(%while3A_352 = %while3A_113) -> (i32)  : i32 {
      %get3A = arith.index_cast %while3A_351 : i32 to index
      %get3A_353 = tpu.vector_load %arg7[%get3A] {strides = array<i32>} : memref<528xi32, #tpu.memory_space<vmem>>, vector<16xi32>,
      %slice3A = vector.extract_strided_slice %get3A_353 {offsets = [0], sizes = [1], strides = [1]} : vector<16xi32> to vector<1xi32>
      %squeeze3A = vector.extract %slice3A[0] : i32 from vector<1xi32>
      %shift_right_arithmetic3A_354 = arith.constant 4 : i32
      %shift_right_arithmetic3A_355 = arith.shrsi %squeeze3A, %shift_right_arithmetic3A_354 : i32
      %mul3A_356 = arith.constant 1024 : i32
      %mul3A_357 = arith.muli %shift_right_arithmetic3A_355, %mul3A_356 : i32
      %and3A = arith.constant 15 : i32
      %and3A_358 = arith.andi %squeeze3A, %and3A : i32
      %add3A_359 = arith.addi %mul3A_357, %and3A_358 : i32
      %add3A_360 = arith.constant 0 : i32
      %add3A_361 = arith.addi %add3A_359, %add3A_360 : i32
      %add3A_362 = vector.broadcast %add3A_361 : i32 to vector<16xi32>
      %add3A_363 = arith.addi %add3A_362, %mul3A_3 : vector<16xi32>
      %gather3A = tpu.vector_load_idx %arg5[%add3A_363] : memref<32768xi32, #tpu.memory_space<vmem>>[vector<16xi32>], vector<16xi32>,
      %shift_right_arithmetic3A_364 = arith.constant 31 : i32
      %shift_right_arithmetic3A_365 = vector.broadcast %shift_right_arithmetic3A_364 : i32 to vector<16xi32>
      %shift_right_arithmetic3A_366 = arith.shrsi %gather3A, %shift_right_arithmetic3A_365 : vector<16xi32>
      %and3A_367 = arith.constant 2147483647 : i32
      %and3A_368 = vector.broadcast %and3A_367 : i32 to vector<16xi32>
      %and3A_369 = arith.andi %shift_right_arithmetic3A_366, %and3A_368 : vector<16xi32>
      %xor3A_370 = arith.xori %gather3A, %and3A_369 : vector<16xi32>
      %ge3A = vector.broadcast %xor3A_96 : i32 to vector<16xi32>
      %ge3A_371 = arith.cmpi sge, %xor3A_370, %ge3A : vector<16xi32>
      %convert_element_type3A = arith.extui %ge3A_371 : vector<16xi1> to vector<16xi32>
      %broadcast_in_dim3A_372 = arith.constant true
      %broadcast_in_dim3A_373 = vector.broadcast %broadcast_in_dim3A_372 : i1 to vector<16xi1>
      %masked_cumsum3A = tpu.scan <sum>, %convert_element_type3A masked %broadcast_in_dim3A_373 : vector<16xi32>, vector<16xi1> -> vector<16xi32>
      %add3A_374 = arith.constant 0 : i32
      %add3A_375 = arith.addi %while3A_352, %add3A_374 : i32
      %add3A_376 = vector.broadcast %add3A_375 : i32 to vector<16xi32>
      %add3A_377 = arith.addi %add3A_376, %masked_cumsum3A : vector<16xi32>
      %sub3A_378 = arith.constant 1 : i32
      %sub3A_379 = vector.broadcast %sub3A_378 : i32 to vector<16xi32>
      %sub3A_380 = arith.subi %add3A_377, %sub3A_379 : vector<16xi32>
      %min3A = arith.constant 4095 : i32
      %min3A_381 = vector.broadcast %min3A : i32 to vector<16xi32>
      %min3A_382 = arith.minsi %sub3A_380, %min3A_381 : vector<16xi32>
      tpu.vector_store_idx %arg8[%min3A_382], %xor3A_370 masked %ge3A_371 : memref<4096xi32, #tpu.memory_space<vmem>>[vector<16xi32>], vector<16xi32>, vector<16xi1>
      tpu.vector_store_idx %arg9[%min3A_382], %add3A_363 masked %ge3A_371 : memref<4096xi32, #tpu.memory_space<vmem>>[vector<16xi32>], vector<16xi32>, vector<16xi1>
      %slice3A_383 = vector.extract_strided_slice %masked_cumsum3A {offsets = [15], sizes = [1], strides = [1]} : vector<16xi32> to vector<1xi32>
      %squeeze3A_384 = vector.extract %slice3A_383[0] : i32 from vector<1xi32>
      %add3A_385 = arith.constant 0 : i32
      %add3A_386 = arith.addi %add3A_385, %squeeze3A_384 : i32
      %add3A_387 = arith.constant 256 : i32
      %add3A_388 = arith.addi %add3A_359, %add3A_387 : i32
      %add3A_389 = vector.broadcast %add3A_388 : i32 to vector<16xi32>
      %add3A_390 = arith.addi %add3A_389, %mul3A_3 : vector<16xi32>
      %gather3A_391 = tpu.vector_load_idx %arg5[%add3A_390] : memref<32768xi32, #tpu.memory_space<vmem>>[vector<16xi32>], vector<16xi32>,
      %shift_right_arithmetic3A_392 = arith.constant 31 : i32
      %shift_right_arithmetic3A_393 = vector.broadcast %shift_right_arithmetic3A_392 : i32 to vector<16xi32>
      %shift_right_arithmetic3A_394 = arith.shrsi %gather3A_391, %shift_right_arithmetic3A_393 : vector<16xi32>
      %and3A_395 = arith.constant 2147483647 : i32
      %and3A_396 = vector.broadcast %and3A_395 : i32 to vector<16xi32>
      %and3A_397 = arith.andi %shift_right_arithmetic3A_394, %and3A_396 : vector<16xi32>
      %xor3A_398 = arith.xori %gather3A_391, %and3A_397 : vector<16xi32>
      %ge3A_399 = vector.broadcast %xor3A_96 : i32 to vector<16xi32>
      %ge3A_400 = arith.cmpi sge, %xor3A_398, %ge3A_399 : vector<16xi32>
      %convert_element_type3A_401 = arith.extui %ge3A_400 : vector<16xi1> to vector<16xi32>
      %broadcast_in_dim3A_402 = arith.constant true
      %broadcast_in_dim3A_403 = vector.broadcast %broadcast_in_dim3A_402 : i1 to vector<16xi1>
      %masked_cumsum3A_404 = tpu.scan <sum>, %convert_element_type3A_401 masked %broadcast_in_dim3A_403 : vector<16xi32>, vector<16xi1> -> vector<16xi32>
      %add3A_405 = arith.addi %while3A_352, %add3A_386 : i32
      %add3A_406 = vector.broadcast %add3A_405 : i32 to vector<16xi32>
      %add3A_407 = arith.addi %add3A_406, %masked_cumsum3A_404 : vector<16xi32>
      %sub3A_408 = arith.constant 1 : i32
      %sub3A_409 = vector.broadcast %sub3A_408 : i32 to vector<16xi32>
      %sub3A_410 = arith.subi %add3A_407, %sub3A_409 : vector<16xi32>
      %min3A_411 = arith.constant 4095 : i32
      %min3A_412 = vector.broadcast %min3A_411 : i32 to vector<16xi32>
      %min3A_413 = arith.minsi %sub3A_410, %min3A_412 : vector<16xi32>
      tpu.vector_store_idx %arg8[%min3A_413], %xor3A_398 masked %ge3A_400 : memref<4096xi32, #tpu.memory_space<vmem>>[vector<16xi32>], vector<16xi32>, vector<16xi1>
      tpu.vector_store_idx %arg9[%min3A_413], %add3A_390 masked %ge3A_400 : memref<4096xi32, #tpu.memory_space<vmem>>[vector<16xi32>], vector<16xi32>, vector<16xi1>
      %slice3A_414 = vector.extract_strided_slice %masked_cumsum3A_404 {offsets = [15], sizes = [1], strides = [1]} : vector<16xi32> to vector<1xi32>
      %squeeze3A_415 = vector.extract %slice3A_414[0] : i32 from vector<1xi32>
      %add3A_416 = arith.addi %add3A_386, %squeeze3A_415 : i32
      %add3A_417 = arith.constant 512 : i32
      %add3A_418 = arith.addi %add3A_359, %add3A_417 : i32
      %add3A_419 = vector.broadcast %add3A_418 : i32 to vector<16xi32>
      %add3A_420 = arith.addi %add3A_419, %mul3A_3 : vector<16xi32>
      %gather3A_421 = tpu.vector_load_idx %arg5[%add3A_420] : memref<32768xi32, #tpu.memory_space<vmem>>[vector<16xi32>], vector<16xi32>,
      %shift_right_arithmetic3A_422 = arith.constant 31 : i32
      %shift_right_arithmetic3A_423 = vector.broadcast %shift_right_arithmetic3A_422 : i32 to vector<16xi32>
      %shift_right_arithmetic3A_424 = arith.shrsi %gather3A_421, %shift_right_arithmetic3A_423 : vector<16xi32>
      %and3A_425 = arith.constant 2147483647 : i32
      %and3A_426 = vector.broadcast %and3A_425 : i32 to vector<16xi32>
      %and3A_427 = arith.andi %shift_right_arithmetic3A_424, %and3A_426 : vector<16xi32>
      %xor3A_428 = arith.xori %gather3A_421, %and3A_427 : vector<16xi32>
      %ge3A_429 = vector.broadcast %xor3A_96 : i32 to vector<16xi32>
      %ge3A_430 = arith.cmpi sge, %xor3A_428, %ge3A_429 : vector<16xi32>
      %convert_element_type3A_431 = arith.extui %ge3A_430 : vector<16xi1> to vector<16xi32>
      %broadcast_in_dim3A_432 = arith.constant true
      %broadcast_in_dim3A_433 = vector.broadcast %broadcast_in_dim3A_432 : i1 to vector<16xi1>
      %masked_cumsum3A_434 = tpu.scan <sum>, %convert_element_type3A_431 masked %broadcast_in_dim3A_433 : vector<16xi32>, vector<16xi1> -> vector<16xi32>
      %add3A_435 = arith.addi %while3A_352, %add3A_416 : i32
      %add3A_436 = vector.broadcast %add3A_435 : i32 to vector<16xi32>
      %add3A_437 = arith.addi %add3A_436, %masked_cumsum3A_434 : vector<16xi32>
      %sub3A_438 = arith.constant 1 : i32
      %sub3A_439 = vector.broadcast %sub3A_438 : i32 to vector<16xi32>
      %sub3A_440 = arith.subi %add3A_437, %sub3A_439 : vector<16xi32>
      %min3A_441 = arith.constant 4095 : i32
      %min3A_442 = vector.broadcast %min3A_441 : i32 to vector<16xi32>
      %min3A_443 = arith.minsi %sub3A_440, %min3A_442 : vector<16xi32>
      tpu.vector_store_idx %arg8[%min3A_443], %xor3A_428 masked %ge3A_430 : memref<4096xi32, #tpu.memory_space<vmem>>[vector<16xi32>], vector<16xi32>, vector<16xi1>
      tpu.vector_store_idx %arg9[%min3A_443], %add3A_420 masked %ge3A_430 : memref<4096xi32, #tpu.memory_space<vmem>>[vector<16xi32>], vector<16xi32>, vector<16xi1>
      %slice3A_444 = vector.extract_strided_slice %masked_cumsum3A_434 {offsets = [15], sizes = [1], strides = [1]} : vector<16xi32> to vector<1xi32>
      %squeeze3A_445 = vector.extract %slice3A_444[0] : i32 from vector<1xi32>
      %add3A_446 = arith.addi %add3A_416, %squeeze3A_445 : i32
      %add3A_447 = arith.constant 768 : i32
      %add3A_448 = arith.addi %add3A_359, %add3A_447 : i32
      %add3A_449 = vector.broadcast %add3A_448 : i32 to vector<16xi32>
      %add3A_450 = arith.addi %add3A_449, %mul3A_3 : vector<16xi32>
      %gather3A_451 = tpu.vector_load_idx %arg5[%add3A_450] : memref<32768xi32, #tpu.memory_space<vmem>>[vector<16xi32>], vector<16xi32>,
      %shift_right_arithmetic3A_452 = arith.constant 31 : i32
      %shift_right_arithmetic3A_453 = vector.broadcast %shift_right_arithmetic3A_452 : i32 to vector<16xi32>
      %shift_right_arithmetic3A_454 = arith.shrsi %gather3A_451, %shift_right_arithmetic3A_453 : vector<16xi32>
      %and3A_455 = arith.constant 2147483647 : i32
      %and3A_456 = vector.broadcast %and3A_455 : i32 to vector<16xi32>
      %and3A_457 = arith.andi %shift_right_arithmetic3A_454, %and3A_456 : vector<16xi32>
      %xor3A_458 = arith.xori %gather3A_451, %and3A_457 : vector<16xi32>
      %ge3A_459 = vector.broadcast %xor3A_96 : i32 to vector<16xi32>
      %ge3A_460 = arith.cmpi sge, %xor3A_458, %ge3A_459 : vector<16xi32>
      %convert_element_type3A_461 = arith.extui %ge3A_460 : vector<16xi1> to vector<16xi32>
      %broadcast_in_dim3A_462 = arith.constant true
      %broadcast_in_dim3A_463 = vector.broadcast %broadcast_in_dim3A_462 : i1 to vector<16xi1>
      %masked_cumsum3A_464 = tpu.scan <sum>, %convert_element_type3A_461 masked %broadcast_in_dim3A_463 : vector<16xi32>, vector<16xi1> -> vector<16xi32>
      %add3A_465 = arith.addi %while3A_352, %add3A_446 : i32
      %add3A_466 = vector.broadcast %add3A_465 : i32 to vector<16xi32>
      %add3A_467 = arith.addi %add3A_466, %masked_cumsum3A_464 : vector<16xi32>
      %sub3A_468 = arith.constant 1 : i32
      %sub3A_469 = vector.broadcast %sub3A_468 : i32 to vector<16xi32>
      %sub3A_470 = arith.subi %add3A_467, %sub3A_469 : vector<16xi32>
      %min3A_471 = arith.constant 4095 : i32
      %min3A_472 = vector.broadcast %min3A_471 : i32 to vector<16xi32>
      %min3A_473 = arith.minsi %sub3A_470, %min3A_472 : vector<16xi32>
      tpu.vector_store_idx %arg8[%min3A_473], %xor3A_458 masked %ge3A_460 : memref<4096xi32, #tpu.memory_space<vmem>>[vector<16xi32>], vector<16xi32>, vector<16xi1>
      tpu.vector_store_idx %arg9[%min3A_473], %add3A_450 masked %ge3A_460 : memref<4096xi32, #tpu.memory_space<vmem>>[vector<16xi32>], vector<16xi32>, vector<16xi1>
      %slice3A_474 = vector.extract_strided_slice %masked_cumsum3A_464 {offsets = [15], sizes = [1], strides = [1]} : vector<16xi32> to vector<1xi32>
      %squeeze3A_475 = vector.extract %slice3A_474[0] : i32 from vector<1xi32>
      %add3A_476 = arith.addi %add3A_446, %squeeze3A_475 : i32
      %add3A_477 = arith.addi %while3A_352, %add3A_476 : i32
      %min3A_478 = arith.constant 4080 : i32
      %min3A_479 = arith.minsi %add3A_477, %min3A_478 : i32
      scf.yield %min3A_479 : i32
    }
    %add3A_116 = vector.broadcast %while3A_115 : i32 to vector<16xi32>
    %add3A_117 = arith.addi %add3A_116, %iota3A : vector<16xi32>
    %broadcast_in_dim3A_118 = arith.constant -2147483648 : i32
    %broadcast_in_dim3A_119 = vector.broadcast %broadcast_in_dim3A_118 : i32 to vector<16xi32>
    tpu.vector_store_idx %arg8[%add3A_117], %broadcast_in_dim3A_119 : memref<4096xi32, #tpu.memory_space<vmem>>[vector<16xi32>], vector<16xi32>,
    %add3A_120 = arith.constant 15 : i32
    %add3A_121 = arith.addi %while3A_115, %add3A_120 : i32
    %shift_right_arithmetic3A_122 = arith.constant 4 : i32
    %shift_right_arithmetic3A_123 = arith.shrsi %add3A_121, %shift_right_arithmetic3A_122 : i32
    %scan3A_124 = arith.constant 0 : i32
    %scan3A_125 = arith.constant 0 : i32
    %scan3A_126 = arith.constant 32 : i32
    %scan3A_127 = arith.addi %scan3A_125, %scan3A_126 : i32
    %scan3A_128 = arith.constant 1 : i32
    %scan3A_129 = scf.for %scan3A_351 = %scan3A_125 to %scan3A_127 step %scan3A_128 iter_args(%scan3A_352 = %scan3A_124) -> (i32)  : i32 {
      %sub3A_353 = arith.constant 31 : i32
      %sub3A_354 = arith.subi %sub3A_353, %scan3A_351 : i32
      %shift_left3A = arith.constant 1 : i32
      %shift_left3A_355 = arith.shli %shift_left3A, %sub3A_354 : i32
      %or3A = arith.ori %scan3A_352, %shift_left3A_355 : i32
      %xor3A_356 = arith.constant -2147483648 : i32
      %xor3A_357 = arith.xori %or3A, %xor3A_356 : i32
      %while3A_358 = arith.constant 0 : i32
      %while3A_359 = arith.constant 0 : i32
      %while3A_360 = arith.subi %shift_right_arithmetic3A_123, %while3A_358 : i32
      %while3A_361 = arith.addi %while3A_358, %while3A_360 : i32
      %while3A_362 = arith.constant 1 : i32
      %while3A_363 = arith.divsi %while3A_360, %while3A_362 : i32
      %while3A_364 = arith.muli %while3A_363, %while3A_362 : i32
      %while3A_365 = arith.addi %while3A_358, %while3A_364 : i32
      %while3A_366 = arith.constant 1 : i32
      %while3A_367 = scf.for %while3A_372 = %while3A_358 to %while3A_365 step %while3A_366 iter_args(%while3A_373 = %while3A_359) -> (i32)  : i32 {
        %mul3A_374 = arith.constant 16 : i32
        %mul3A_375 = arith.muli %while3A_372, %mul3A_374 : i32
        %get3A = arith.index_cast %mul3A_375 : i32 to index
        %get3A_376 = tpu.vector_load %arg8[%get3A] {strides = array<i32>} : memref<4096xi32, #tpu.memory_space<vmem>>, vector<16xi32>,
        %ge3A_377 = vector.broadcast %xor3A_357 : i32 to vector<16xi32>
        %ge3A_378 = arith.cmpi sge, %get3A_376, %ge3A_377 : vector<16xi32>
        %convert_element_type3A = arith.extui %ge3A_378 : vector<16xi1> to vector<16xi32>
        %broadcast_in_dim3A_379 = arith.constant true
        %broadcast_in_dim3A_380 = vector.broadcast %broadcast_in_dim3A_379 : i1 to vector<16xi1>
        %masked_cumsum3A = tpu.scan <sum>, %convert_element_type3A masked %broadcast_in_dim3A_380 : vector<16xi32>, vector<16xi1> -> vector<16xi32>
        %slice3A = vector.extract_strided_slice %masked_cumsum3A {offsets = [15], sizes = [1], strides = [1]} : vector<16xi32> to vector<1xi32>
        %squeeze3A = vector.extract %slice3A[0] : i32 from vector<1xi32>
        %add3A_381 = arith.addi %while3A_373, %squeeze3A : i32
        scf.yield %add3A_381 : i32
      }
      %while3A_368 = arith.constant 1 : i32
      %while3A_369 = scf.for %while3A_372 = %while3A_365 to %while3A_361 step %while3A_368 iter_args(%while3A_373 = %while3A_367) -> (i32)  : i32 {
        %mul3A_374 = arith.constant 16 : i32
        %mul3A_375 = arith.muli %while3A_372, %mul3A_374 : i32
        %get3A = arith.index_cast %mul3A_375 : i32 to index
        %get3A_376 = tpu.vector_load %arg8[%get3A] {strides = array<i32>} : memref<4096xi32, #tpu.memory_space<vmem>>, vector<16xi32>,
        %ge3A_377 = vector.broadcast %xor3A_357 : i32 to vector<16xi32>
        %ge3A_378 = arith.cmpi sge, %get3A_376, %ge3A_377 : vector<16xi32>
        %convert_element_type3A = arith.extui %ge3A_378 : vector<16xi1> to vector<16xi32>
        %broadcast_in_dim3A_379 = arith.constant true
        %broadcast_in_dim3A_380 = vector.broadcast %broadcast_in_dim3A_379 : i1 to vector<16xi1>
        %masked_cumsum3A = tpu.scan <sum>, %convert_element_type3A masked %broadcast_in_dim3A_380 : vector<16xi32>, vector<16xi1> -> vector<16xi32>
        %slice3A = vector.extract_strided_slice %masked_cumsum3A {offsets = [15], sizes = [1], strides = [1]} : vector<16xi32> to vector<1xi32>
        %squeeze3A = vector.extract %slice3A[0] : i32 from vector<1xi32>
        %add3A_381 = arith.addi %while3A_373, %squeeze3A : i32
        scf.yield %add3A_381 : i32
      }
      %ge3A = arith.constant 64 : i32
      %ge3A_370 = arith.cmpi sge, %while3A_369, %ge3A : i32
      %select_n3A_371 = arith.select %ge3A_370, %or3A, %scan3A_352 : i32
      scf.yield %select_n3A_371 : i32
    }
    %scan3A_130 = arith.constant 32 : i32
    %xor3A_131 = arith.constant -2147483648 : i32
    %xor3A_132 = arith.xori %scan3A_129, %xor3A_131 : i32
    %while3A_133 = arith.constant 0 : i32
    %while3A_134 = arith.constant 0 : i32
    %while3A_135 = arith.subi %shift_right_arithmetic3A_123, %while3A_133 : i32
    %while3A_136 = arith.addi %while3A_133, %while3A_135 : i32
    %while3A_137 = arith.constant 1 : i32
    %while3A_138 = arith.divsi %while3A_135, %while3A_137 : i32
    %while3A_139 = arith.muli %while3A_138, %while3A_137 : i32
    %while3A_140 = arith.addi %while3A_133, %while3A_139 : i32
    %while3A_141 = arith.constant 1 : i32
    %while3A_142 = scf.for %while3A_351 = %while3A_133 to %while3A_140 step %while3A_141 iter_args(%while3A_352 = %while3A_134) -> (i32)  : i32 {
      %mul3A_353 = arith.constant 16 : i32
      %mul3A_354 = arith.muli %while3A_351, %mul3A_353 : i32
      %get3A = arith.index_cast %mul3A_354 : i32 to index
      %get3A_355 = tpu.vector_load %arg8[%get3A] {strides = array<i32>} : memref<4096xi32, #tpu.memory_space<vmem>>, vector<16xi32>,
      %gt3A = vector.broadcast %xor3A_132 : i32 to vector<16xi32>
      %gt3A_356 = arith.cmpi sgt, %get3A_355, %gt3A : vector<16xi32>
      %convert_element_type3A = arith.extui %gt3A_356 : vector<16xi1> to vector<16xi32>
      %broadcast_in_dim3A_357 = arith.constant true
      %broadcast_in_dim3A_358 = vector.broadcast %broadcast_in_dim3A_357 : i1 to vector<16xi1>
      %masked_cumsum3A = tpu.scan <sum>, %convert_element_type3A masked %broadcast_in_dim3A_358 : vector<16xi32>, vector<16xi1> -> vector<16xi32>
      %slice3A = vector.extract_strided_slice %masked_cumsum3A {offsets = [15], sizes = [1], strides = [1]} : vector<16xi32> to vector<1xi32>
      %squeeze3A = vector.extract %slice3A[0] : i32 from vector<1xi32>
      %add3A_359 = arith.addi %while3A_352, %squeeze3A : i32
      %eq3A = vector.broadcast %xor3A_132 : i32 to vector<16xi32>
      %eq3A_360 = arith.cmpi eq, %get3A_355, %eq3A : vector<16xi32>
      %mul3A_361 = arith.constant 16 : i32
      %mul3A_362 = arith.muli %while3A_351, %mul3A_361 : i32
      %get3A_363 = arith.index_cast %mul3A_362 : i32 to index
      %get3A_364 = tpu.vector_load %arg9[%get3A_363] {strides = array<i32>} : memref<4096xi32, #tpu.memory_space<vmem>>, vector<16xi32>,
      %sub3A_365 = arith.constant 32767 : i32
      %sub3A_366 = vector.broadcast %sub3A_365 : i32 to vector<16xi32>
      %sub3A_367 = arith.subi %sub3A_366, %get3A_364 : vector<16xi32>
      %jit3A = arith.constant -2147483648 : i32
      %broadcast_in_dim3A_368 = vector.broadcast %jit3A : i32 to vector<16xi32>
      %select_n3A_369 = arith.select %eq3A_360, %sub3A_367, %broadcast_in_dim3A_368 : vector<16xi1>, vector<16xi32>
      %mul3A_370 = arith.constant 16 : i32
      %mul3A_371 = arith.muli %while3A_351, %mul3A_370 : i32
      %swap3A_372 = arith.index_cast %mul3A_371 : i32 to index
      %swap3A_373 = tpu.vector_load %arg10[%swap3A_372] {strides = array<i32>} : memref<4096xi32, #tpu.memory_space<vmem>>, vector<16xi32>,
      tpu.vector_store %arg10[%swap3A_372], %select_n3A_369 {strides = array<i32>} : memref<4096xi32, #tpu.memory_space<vmem>>, vector<16xi32>,
      scf.yield %add3A_359 : i32
    }
    %while3A_143 = arith.constant 1 : i32
    %while3A_144 = scf.for %while3A_351 = %while3A_140 to %while3A_136 step %while3A_143 iter_args(%while3A_352 = %while3A_142) -> (i32)  : i32 {
      %mul3A_353 = arith.constant 16 : i32
      %mul3A_354 = arith.muli %while3A_351, %mul3A_353 : i32
      %get3A = arith.index_cast %mul3A_354 : i32 to index
      %get3A_355 = tpu.vector_load %arg8[%get3A] {strides = array<i32>} : memref<4096xi32, #tpu.memory_space<vmem>>, vector<16xi32>,
      %gt3A = vector.broadcast %xor3A_132 : i32 to vector<16xi32>
      %gt3A_356 = arith.cmpi sgt, %get3A_355, %gt3A : vector<16xi32>
      %convert_element_type3A = arith.extui %gt3A_356 : vector<16xi1> to vector<16xi32>
      %broadcast_in_dim3A_357 = arith.constant true
      %broadcast_in_dim3A_358 = vector.broadcast %broadcast_in_dim3A_357 : i1 to vector<16xi1>
      %masked_cumsum3A = tpu.scan <sum>, %convert_element_type3A masked %broadcast_in_dim3A_358 : vector<16xi32>, vector<16xi1> -> vector<16xi32>
      %slice3A = vector.extract_strided_slice %masked_cumsum3A {offsets = [15], sizes = [1], strides = [1]} : vector<16xi32> to vector<1xi32>
      %squeeze3A = vector.extract %slice3A[0] : i32 from vector<1xi32>
      %add3A_359 = arith.addi %while3A_352, %squeeze3A : i32
      %eq3A = vector.broadcast %xor3A_132 : i32 to vector<16xi32>
      %eq3A_360 = arith.cmpi eq, %get3A_355, %eq3A : vector<16xi32>
      %mul3A_361 = arith.constant 16 : i32
      %mul3A_362 = arith.muli %while3A_351, %mul3A_361 : i32
      %get3A_363 = arith.index_cast %mul3A_362 : i32 to index
      %get3A_364 = tpu.vector_load %arg9[%get3A_363] {strides = array<i32>} : memref<4096xi32, #tpu.memory_space<vmem>>, vector<16xi32>,
      %sub3A_365 = arith.constant 32767 : i32
      %sub3A_366 = vector.broadcast %sub3A_365 : i32 to vector<16xi32>
      %sub3A_367 = arith.subi %sub3A_366, %get3A_364 : vector<16xi32>
      %jit3A = arith.constant -2147483648 : i32
      %broadcast_in_dim3A_368 = vector.broadcast %jit3A : i32 to vector<16xi32>
      %select_n3A_369 = arith.select %eq3A_360, %sub3A_367, %broadcast_in_dim3A_368 : vector<16xi1>, vector<16xi32>
      %mul3A_370 = arith.constant 16 : i32
      %mul3A_371 = arith.muli %while3A_351, %mul3A_370 : i32
      %swap3A_372 = arith.index_cast %mul3A_371 : i32 to index
      %swap3A_373 = tpu.vector_load %arg10[%swap3A_372] {strides = array<i32>} : memref<4096xi32, #tpu.memory_space<vmem>>, vector<16xi32>,
      tpu.vector_store %arg10[%swap3A_372], %select_n3A_369 {strides = array<i32>} : memref<4096xi32, #tpu.memory_space<vmem>>, vector<16xi32>,
      scf.yield %add3A_359 : i32
    }
    %sub3A_145 = arith.constant 64 : i32
    %sub3A_146 = arith.subi %sub3A_145, %while3A_144 : i32
    %scan3A_147 = arith.constant -2147483648 : i32
    %scan3A_148 = arith.constant 0 : i32
    %scan3A_149 = arith.constant 15 : i32
    %scan3A_150 = arith.addi %scan3A_148, %scan3A_149 : i32
    %scan3A_151 = arith.constant 1 : i32
    %scan3A_152 = scf.for %scan3A_351 = %scan3A_148 to %scan3A_150 step %scan3A_151 iter_args(%scan3A_352 = %scan3A_147) -> (i32)  : i32 {
      %sub3A_353 = arith.constant 14 : i32
      %sub3A_354 = arith.subi %sub3A_353, %scan3A_351 : i32
      %shift_left3A = arith.constant 1 : i32
      %shift_left3A_355 = arith.shli %shift_left3A, %sub3A_354 : i32
      %or3A = arith.ori %scan3A_352, %shift_left3A_355 : i32
      %xor3A_356 = arith.constant -2147483648 : i32
      %xor3A_357 = arith.xori %or3A, %xor3A_356 : i32
      %while3A_358 = arith.constant 0 : i32
      %while3A_359 = arith.constant 0 : i32
      %while3A_360 = arith.subi %shift_right_arithmetic3A_123, %while3A_358 : i32
      %while3A_361 = arith.addi %while3A_358, %while3A_360 : i32
      %while3A_362 = arith.constant 1 : i32
      %while3A_363 = arith.divsi %while3A_360, %while3A_362 : i32
      %while3A_364 = arith.muli %while3A_363, %while3A_362 : i32
      %while3A_365 = arith.addi %while3A_358, %while3A_364 : i32
      %while3A_366 = arith.constant 1 : i32
      %while3A_367 = scf.for %while3A_371 = %while3A_358 to %while3A_365 step %while3A_366 iter_args(%while3A_372 = %while3A_359) -> (i32)  : i32 {
        %mul3A_373 = arith.constant 16 : i32
        %mul3A_374 = arith.muli %while3A_371, %mul3A_373 : i32
        %get3A = arith.index_cast %mul3A_374 : i32 to index
        %get3A_375 = tpu.vector_load %arg10[%get3A] {strides = array<i32>} : memref<4096xi32, #tpu.memory_space<vmem>>, vector<16xi32>,
        %ge3A_376 = vector.broadcast %xor3A_357 : i32 to vector<16xi32>
        %ge3A_377 = arith.cmpi sge, %get3A_375, %ge3A_376 : vector<16xi32>
        %convert_element_type3A = arith.extui %ge3A_377 : vector<16xi1> to vector<16xi32>
        %broadcast_in_dim3A_378 = arith.constant true
        %broadcast_in_dim3A_379 = vector.broadcast %broadcast_in_dim3A_378 : i1 to vector<16xi1>
        %masked_cumsum3A = tpu.scan <sum>, %convert_element_type3A masked %broadcast_in_dim3A_379 : vector<16xi32>, vector<16xi1> -> vector<16xi32>
        %slice3A = vector.extract_strided_slice %masked_cumsum3A {offsets = [15], sizes = [1], strides = [1]} : vector<16xi32> to vector<1xi32>
        %squeeze3A = vector.extract %slice3A[0] : i32 from vector<1xi32>
        %add3A_380 = arith.addi %while3A_372, %squeeze3A : i32
        scf.yield %add3A_380 : i32
      }
      %while3A_368 = arith.constant 1 : i32
      %while3A_369 = scf.for %while3A_371 = %while3A_365 to %while3A_361 step %while3A_368 iter_args(%while3A_372 = %while3A_367) -> (i32)  : i32 {
        %mul3A_373 = arith.constant 16 : i32
        %mul3A_374 = arith.muli %while3A_371, %mul3A_373 : i32
        %get3A = arith.index_cast %mul3A_374 : i32 to index
        %get3A_375 = tpu.vector_load %arg10[%get3A] {strides = array<i32>} : memref<4096xi32, #tpu.memory_space<vmem>>, vector<16xi32>,
        %ge3A_376 = vector.broadcast %xor3A_357 : i32 to vector<16xi32>
        %ge3A_377 = arith.cmpi sge, %get3A_375, %ge3A_376 : vector<16xi32>
        %convert_element_type3A = arith.extui %ge3A_377 : vector<16xi1> to vector<16xi32>
        %broadcast_in_dim3A_378 = arith.constant true
        %broadcast_in_dim3A_379 = vector.broadcast %broadcast_in_dim3A_378 : i1 to vector<16xi1>
        %masked_cumsum3A = tpu.scan <sum>, %convert_element_type3A masked %broadcast_in_dim3A_379 : vector<16xi32>, vector<16xi1> -> vector<16xi32>
        %slice3A = vector.extract_strided_slice %masked_cumsum3A {offsets = [15], sizes = [1], strides = [1]} : vector<16xi32> to vector<1xi32>
        %squeeze3A = vector.extract %slice3A[0] : i32 from vector<1xi32>
        %add3A_380 = arith.addi %while3A_372, %squeeze3A : i32
        scf.yield %add3A_380 : i32
      }
      %ge3A = arith.cmpi sge, %while3A_369, %sub3A_146 : i32
      %select_n3A_370 = arith.select %ge3A, %or3A, %scan3A_352 : i32
      scf.yield %select_n3A_370 : i32
    }
    %scan3A_153 = arith.constant 15 : i32
    %xor3A_154 = arith.constant -2147483648 : i32
    %xor3A_155 = arith.xori %scan3A_152, %xor3A_154 : i32
    %sub3A_156 = arith.constant 32767 : i32
    %sub3A_157 = arith.subi %sub3A_156, %xor3A_155 : i32
    %mul3A_158 = arith.constant 4 : i32
    %mul3A_159 = arith.muli %add3A, %mul3A_158 : i32
    %add3A_160 = arith.constant 2 : i32
    %add3A_161 = arith.addi %mul3A_159, %add3A_160 : i32
    "tpu.region"() ({
      %run_scoped3A = tpu.sem_alloc : memref<!tpu.dma_semaphore, #tpu.memory_space<semaphore_mem>>
      %dma_start3A = arith.constant 0 : i32
      %dma_start3A_351 = tpu.memref_slice %arg2[%add3A_161, %dma_start3A] : memref<128x32768xi32, #tpu.memory_space<hbm>> -> memref<1x32768xi32, #tpu.memory_space<hbm>>
      %dma_start3A_352 = tpu.memref_squeeze %dma_start3A_351 : memref<1x32768xi32, #tpu.memory_space<hbm>> -> memref<32768xi32, #tpu.memory_space<hbm>>
      %dma_start3A_353 = arith.constant 0 : i32
      %dma_start3A_354 = tpu.memref_slice %arg2[%add3A_161, %dma_start3A_353] : memref<128x32768xi32, #tpu.memory_space<hbm>> -> memref<1x32768xi32, #tpu.memory_space<hbm>>
      %dma_start3A_355 = tpu.memref_squeeze %dma_start3A_354 : memref<1x32768xi32, #tpu.memory_space<hbm>> -> memref<32768xi32, #tpu.memory_space<hbm>>
      tpu.enqueue_dma source(%dma_start3A_355 : memref<32768xi32, #tpu.memory_space<hbm>>) target(%arg5 : memref<32768xi32, #tpu.memory_space<vmem>>) target_semaphore(%run_scoped3A : memref<!tpu.dma_semaphore, #tpu.memory_space<semaphore_mem>>)
      %dma_wait3A = arith.constant 0 : i32
      %dma_wait3A_356 = tpu.memref_slice %arg2[%add3A_161, %dma_wait3A] : memref<128x32768xi32, #tpu.memory_space<hbm>> -> memref<1x32768xi32, #tpu.memory_space<hbm>>
      %dma_wait3A_357 = tpu.memref_squeeze %dma_wait3A_356 : memref<1x32768xi32, #tpu.memory_space<hbm>> -> memref<32768xi32, #tpu.memory_space<hbm>>
      %dma_wait3A_358 = arith.constant 0 : i32
      %dma_wait3A_359 = tpu.memref_slice %arg2[%add3A_161, %dma_wait3A_358] : memref<128x32768xi32, #tpu.memory_space<hbm>> -> memref<1x32768xi32, #tpu.memory_space<hbm>>
      %dma_wait3A_360 = tpu.memref_squeeze %dma_wait3A_359 : memref<1x32768xi32, #tpu.memory_space<hbm>> -> memref<32768xi32, #tpu.memory_space<hbm>>
      tpu.wait_dma2 semaphore(%run_scoped3A : memref<!tpu.dma_semaphore, #tpu.memory_space<semaphore_mem>>) src(%dma_wait3A_360 : memref<32768xi32, #tpu.memory_space<hbm>>) dst(%arg5 : memref<32768xi32, #tpu.memory_space<vmem>>)
      tpu.yield
    }) : () -> ()
    %scan3A_162 = arith.constant 0 : i32
    %scan3A_163 = arith.constant 0 : i32
    %scan3A_164 = arith.constant 32 : i32
    %scan3A_165 = arith.addi %scan3A_163, %scan3A_164 : i32
    %scan3A_166 = arith.constant 1 : i32
    scf.for %scan3A_351 = %scan3A_163 to %scan3A_165 step %scan3A_166  : i32 {
      %mul3A_352 = arith.constant 1024 : i32
      %mul3A_353 = arith.muli %scan3A_351, %mul3A_352 : i32
      %broadcast_in_dim3A_354 = arith.constant -2147483648 : i32
      %broadcast_in_dim3A_355 = vector.broadcast %broadcast_in_dim3A_354 : i32 to vector<16xi32>
      %scan3A_356 = arith.constant 0 : i32
      %scan3A_357 = arith.constant 8 : i32
      %scan3A_358 = arith.addi %scan3A_356, %scan3A_357 : i32
      %scan3A_359 = arith.constant 1 : i32
      %scan3A_360 = scf.for %scan3A_366 = %scan3A_356 to %scan3A_358 step %scan3A_359 iter_args(%scan3A_367 = %broadcast_in_dim3A_355) -> (vector<16xi32>)  : i32 {
        %mul3A_368 = arith.constant 128 : i32
        %mul3A_369 = arith.muli %scan3A_366, %mul3A_368 : i32
        %add3A_370 = arith.addi %mul3A_353, %mul3A_369 : i32
        %add3A_371 = arith.constant 0 : i32
        %add3A_372 = arith.addi %add3A_370, %add3A_371 : i32
        %get3A = arith.index_cast %add3A_372 : i32 to index
        %get3A_373 = tpu.vector_load %arg5[%get3A] {strides = array<i32>} : memref<32768xi32, #tpu.memory_space<vmem>>, vector<16xi32>,
        %shift_right_arithmetic3A_374 = arith.constant 31 : i32
        %shift_right_arithmetic3A_375 = vector.broadcast %shift_right_arithmetic3A_374 : i32 to vector<16xi32>
        %shift_right_arithmetic3A_376 = arith.shrsi %get3A_373, %shift_right_arithmetic3A_375 : vector<16xi32>
        %and3A = arith.constant 2147483647 : i32
        %and3A_377 = vector.broadcast %and3A : i32 to vector<16xi32>
        %and3A_378 = arith.andi %shift_right_arithmetic3A_376, %and3A_377 : vector<16xi32>
        %xor3A_379 = arith.xori %get3A_373, %and3A_378 : vector<16xi32>
        %max3A = arith.maxsi %scan3A_367, %xor3A_379 : vector<16xi32>
        %add3A_380 = arith.constant 16 : i32
        %add3A_381 = arith.addi %add3A_370, %add3A_380 : i32
        %get3A_382 = arith.index_cast %add3A_381 : i32 to index
        %get3A_383 = tpu.vector_load %arg5[%get3A_382] {strides = array<i32>} : memref<32768xi32, #tpu.memory_space<vmem>>, vector<16xi32>,
        %shift_right_arithmetic3A_384 = arith.constant 31 : i32
        %shift_right_arithmetic3A_385 = vector.broadcast %shift_right_arithmetic3A_384 : i32 to vector<16xi32>
        %shift_right_arithmetic3A_386 = arith.shrsi %get3A_383, %shift_right_arithmetic3A_385 : vector<16xi32>
        %and3A_387 = arith.constant 2147483647 : i32
        %and3A_388 = vector.broadcast %and3A_387 : i32 to vector<16xi32>
        %and3A_389 = arith.andi %shift_right_arithmetic3A_386, %and3A_388 : vector<16xi32>
        %xor3A_390 = arith.xori %get3A_383, %and3A_389 : vector<16xi32>
        %max3A_391 = arith.maxsi %max3A, %xor3A_390 : vector<16xi32>
        %add3A_392 = arith.constant 32 : i32
        %add3A_393 = arith.addi %add3A_370, %add3A_392 : i32
        %get3A_394 = arith.index_cast %add3A_393 : i32 to index
        %get3A_395 = tpu.vector_load %arg5[%get3A_394] {strides = array<i32>} : memref<32768xi32, #tpu.memory_space<vmem>>, vector<16xi32>,
        %shift_right_arithmetic3A_396 = arith.constant 31 : i32
        %shift_right_arithmetic3A_397 = vector.broadcast %shift_right_arithmetic3A_396 : i32 to vector<16xi32>
        %shift_right_arithmetic3A_398 = arith.shrsi %get3A_395, %shift_right_arithmetic3A_397 : vector<16xi32>
        %and3A_399 = arith.constant 2147483647 : i32
        %and3A_400 = vector.broadcast %and3A_399 : i32 to vector<16xi32>
        %and3A_401 = arith.andi %shift_right_arithmetic3A_398, %and3A_400 : vector<16xi32>
        %xor3A_402 = arith.xori %get3A_395, %and3A_401 : vector<16xi32>
        %max3A_403 = arith.maxsi %max3A_391, %xor3A_402 : vector<16xi32>
        %add3A_404 = arith.constant 48 : i32
        %add3A_405 = arith.addi %add3A_370, %add3A_404 : i32
        %get3A_406 = arith.index_cast %add3A_405 : i32 to index
        %get3A_407 = tpu.vector_load %arg5[%get3A_406] {strides = array<i32>} : memref<32768xi32, #tpu.memory_space<vmem>>, vector<16xi32>,
        %shift_right_arithmetic3A_408 = arith.constant 31 : i32
        %shift_right_arithmetic3A_409 = vector.broadcast %shift_right_arithmetic3A_408 : i32 to vector<16xi32>
        %shift_right_arithmetic3A_410 = arith.shrsi %get3A_407, %shift_right_arithmetic3A_409 : vector<16xi32>
        %and3A_411 = arith.constant 2147483647 : i32
        %and3A_412 = vector.broadcast %and3A_411 : i32 to vector<16xi32>
        %and3A_413 = arith.andi %shift_right_arithmetic3A_410, %and3A_412 : vector<16xi32>
        %xor3A_414 = arith.xori %get3A_407, %and3A_413 : vector<16xi32>
        %max3A_415 = arith.maxsi %max3A_403, %xor3A_414 : vector<16xi32>
        %add3A_416 = arith.constant 64 : i32
        %add3A_417 = arith.addi %add3A_370, %add3A_416 : i32
        %get3A_418 = arith.index_cast %add3A_417 : i32 to index
        %get3A_419 = tpu.vector_load %arg5[%get3A_418] {strides = array<i32>} : memref<32768xi32, #tpu.memory_space<vmem>>, vector<16xi32>,
        %shift_right_arithmetic3A_420 = arith.constant 31 : i32
        %shift_right_arithmetic3A_421 = vector.broadcast %shift_right_arithmetic3A_420 : i32 to vector<16xi32>
        %shift_right_arithmetic3A_422 = arith.shrsi %get3A_419, %shift_right_arithmetic3A_421 : vector<16xi32>
        %and3A_423 = arith.constant 2147483647 : i32
        %and3A_424 = vector.broadcast %and3A_423 : i32 to vector<16xi32>
        %and3A_425 = arith.andi %shift_right_arithmetic3A_422, %and3A_424 : vector<16xi32>
        %xor3A_426 = arith.xori %get3A_419, %and3A_425 : vector<16xi32>
        %max3A_427 = arith.maxsi %max3A_415, %xor3A_426 : vector<16xi32>
        %add3A_428 = arith.constant 80 : i32
        %add3A_429 = arith.addi %add3A_370, %add3A_428 : i32
        %get3A_430 = arith.index_cast %add3A_429 : i32 to index
        %get3A_431 = tpu.vector_load %arg5[%get3A_430] {strides = array<i32>} : memref<32768xi32, #tpu.memory_space<vmem>>, vector<16xi32>,
        %shift_right_arithmetic3A_432 = arith.constant 31 : i32
        %shift_right_arithmetic3A_433 = vector.broadcast %shift_right_arithmetic3A_432 : i32 to vector<16xi32>
        %shift_right_arithmetic3A_434 = arith.shrsi %get3A_431, %shift_right_arithmetic3A_433 : vector<16xi32>
        %and3A_435 = arith.constant 2147483647 : i32
        %and3A_436 = vector.broadcast %and3A_435 : i32 to vector<16xi32>
        %and3A_437 = arith.andi %shift_right_arithmetic3A_434, %and3A_436 : vector<16xi32>
        %xor3A_438 = arith.xori %get3A_431, %and3A_437 : vector<16xi32>
        %max3A_439 = arith.maxsi %max3A_427, %xor3A_438 : vector<16xi32>
        %add3A_440 = arith.constant 96 : i32
        %add3A_441 = arith.addi %add3A_370, %add3A_440 : i32
        %get3A_442 = arith.index_cast %add3A_441 : i32 to index
        %get3A_443 = tpu.vector_load %arg5[%get3A_442] {strides = array<i32>} : memref<32768xi32, #tpu.memory_space<vmem>>, vector<16xi32>,
        %shift_right_arithmetic3A_444 = arith.constant 31 : i32
        %shift_right_arithmetic3A_445 = vector.broadcast %shift_right_arithmetic3A_444 : i32 to vector<16xi32>
        %shift_right_arithmetic3A_446 = arith.shrsi %get3A_443, %shift_right_arithmetic3A_445 : vector<16xi32>
        %and3A_447 = arith.constant 2147483647 : i32
        %and3A_448 = vector.broadcast %and3A_447 : i32 to vector<16xi32>
        %and3A_449 = arith.andi %shift_right_arithmetic3A_446, %and3A_448 : vector<16xi32>
        %xor3A_450 = arith.xori %get3A_443, %and3A_449 : vector<16xi32>
        %max3A_451 = arith.maxsi %max3A_439, %xor3A_450 : vector<16xi32>
        %add3A_452 = arith.constant 112 : i32
        %add3A_453 = arith.addi %add3A_370, %add3A_452 : i32
        %get3A_454 = arith.index_cast %add3A_453 : i32 to index
        %get3A_455 = tpu.vector_load %arg5[%get3A_454] {strides = array<i32>} : memref<32768xi32, #tpu.memory_space<vmem>>, vector<16xi32>,
        %shift_right_arithmetic3A_456 = arith.constant 31 : i32
        %shift_right_arithmetic3A_457 = vector.broadcast %shift_right_arithmetic3A_456 : i32 to vector<16xi32>
        %shift_right_arithmetic3A_458 = arith.shrsi %get3A_455, %shift_right_arithmetic3A_457 : vector<16xi32>
        %and3A_459 = arith.constant 2147483647 : i32
        %and3A_460 = vector.broadcast %and3A_459 : i32 to vector<16xi32>
        %and3A_461 = arith.andi %shift_right_arithmetic3A_458, %and3A_460 : vector<16xi32>
        %xor3A_462 = arith.xori %get3A_455, %and3A_461 : vector<16xi32>
        %max3A_463 = arith.maxsi %max3A_451, %xor3A_462 : vector<16xi32>
        scf.yield %max3A_463 : vector<16xi32>
      }
      %scan3A_361 = arith.constant 8 : i32
      %mul3A_362 = arith.constant 16 : i32
      %mul3A_363 = arith.muli %scan3A_351, %mul3A_362 : i32
      %swap3A_364 = arith.index_cast %mul3A_363 : i32 to index
      %swap3A_365 = tpu.vector_load %arg6[%swap3A_364] {strides = array<i32>} : memref<512xi32, #tpu.memory_space<vmem>>, vector<16xi32>,
      tpu.vector_store %arg6[%swap3A_364], %scan3A_360 {strides = array<i32>} : memref<512xi32, #tpu.memory_space<vmem>>, vector<16xi32>,
    }
    %scan3A_167 = arith.constant 32 : i32
    %scan3A_168 = arith.constant 0 : i32
    %scan3A_169 = arith.constant 0 : i32
    %scan3A_170 = arith.constant 16 : i32
    %scan3A_171 = arith.addi %scan3A_169, %scan3A_170 : i32
    %scan3A_172 = arith.constant 1 : i32
    %scan3A_173 = scf.for %scan3A_351 = %scan3A_169 to %scan3A_171 step %scan3A_172 iter_args(%scan3A_352 = %scan3A_168) -> (i32)  : i32 {
      %sub3A_353 = arith.constant 31 : i32
      %sub3A_354 = arith.subi %sub3A_353, %scan3A_351 : i32
      %shift_left3A = arith.constant 1 : i32
      %shift_left3A_355 = arith.shli %shift_left3A, %sub3A_354 : i32
      %or3A = arith.ori %scan3A_352, %shift_left3A_355 : i32
      %xor3A_356 = arith.constant -2147483648 : i32
      %xor3A_357 = arith.xori %or3A, %xor3A_356 : i32
      %scan3A_358 = arith.constant 0 : i32
      %scan3A_359 = arith.constant 0 : i32
      %scan3A_360 = arith.constant 32 : i32
      %scan3A_361 = arith.addi %scan3A_359, %scan3A_360 : i32
      %scan3A_362 = arith.constant 1 : i32
      %scan3A_363 = scf.for %scan3A_367 = %scan3A_359 to %scan3A_361 step %scan3A_362 iter_args(%scan3A_368 = %scan3A_358) -> (i32)  : i32 {
        %mul3A_369 = arith.constant 16 : i32
        %mul3A_370 = arith.muli %scan3A_367, %mul3A_369 : i32
        %get3A = arith.index_cast %mul3A_370 : i32 to index
        %get3A_371 = tpu.vector_load %arg6[%get3A] {strides = array<i32>} : memref<512xi32, #tpu.memory_space<vmem>>, vector<16xi32>,
        %ge3A_372 = vector.broadcast %xor3A_357 : i32 to vector<16xi32>
        %ge3A_373 = arith.cmpi sge, %get3A_371, %ge3A_372 : vector<16xi32>
        %convert_element_type3A = arith.extui %ge3A_373 : vector<16xi1> to vector<16xi32>
        %broadcast_in_dim3A_374 = arith.constant true
        %broadcast_in_dim3A_375 = vector.broadcast %broadcast_in_dim3A_374 : i1 to vector<16xi1>
        %masked_cumsum3A = tpu.scan <sum>, %convert_element_type3A masked %broadcast_in_dim3A_375 : vector<16xi32>, vector<16xi1> -> vector<16xi32>
        %slice3A = vector.extract_strided_slice %masked_cumsum3A {offsets = [15], sizes = [1], strides = [1]} : vector<16xi32> to vector<1xi32>
        %squeeze3A = vector.extract %slice3A[0] : i32 from vector<1xi32>
        %add3A_376 = arith.addi %scan3A_368, %squeeze3A : i32
        scf.yield %add3A_376 : i32
      }
      %scan3A_364 = arith.constant 32 : i32
      %ge3A = arith.constant 64 : i32
      %ge3A_365 = arith.cmpi sge, %scan3A_363, %ge3A : i32
      %select_n3A_366 = arith.select %ge3A_365, %or3A, %scan3A_352 : i32
      scf.yield %select_n3A_366 : i32
    }
    %scan3A_174 = arith.constant 16 : i32
    %xor3A_175 = arith.constant -2147483648 : i32
    %xor3A_176 = arith.xori %scan3A_173, %xor3A_175 : i32
    %scan3A_177 = arith.constant 0 : i32
    %scan3A_178 = arith.constant 0 : i32
    %scan3A_179 = arith.constant 32 : i32
    %scan3A_180 = arith.addi %scan3A_178, %scan3A_179 : i32
    %scan3A_181 = arith.constant 1 : i32
    %scan3A_182 = scf.for %scan3A_351 = %scan3A_178 to %scan3A_180 step %scan3A_181 iter_args(%scan3A_352 = %scan3A_177) -> (i32)  : i32 {
      %mul3A_353 = arith.constant 16 : i32
      %mul3A_354 = arith.muli %scan3A_351, %mul3A_353 : i32
      %get3A = arith.index_cast %mul3A_354 : i32 to index
      %get3A_355 = tpu.vector_load %arg6[%get3A] {strides = array<i32>} : memref<512xi32, #tpu.memory_space<vmem>>, vector<16xi32>,
      %ge3A = vector.broadcast %xor3A_176 : i32 to vector<16xi32>
      %ge3A_356 = arith.cmpi sge, %get3A_355, %ge3A : vector<16xi32>
      %convert_element_type3A = arith.extui %ge3A_356 : vector<16xi1> to vector<16xi32>
      %broadcast_in_dim3A_357 = arith.constant true
      %broadcast_in_dim3A_358 = vector.broadcast %broadcast_in_dim3A_357 : i1 to vector<16xi1>
      %masked_cumsum3A = tpu.scan <sum>, %convert_element_type3A masked %broadcast_in_dim3A_358 : vector<16xi32>, vector<16xi1> -> vector<16xi32>
      %add3A_359 = vector.broadcast %scan3A_352 : i32 to vector<16xi32>
      %add3A_360 = arith.addi %add3A_359, %masked_cumsum3A : vector<16xi32>
      %sub3A_361 = arith.constant 1 : i32
      %sub3A_362 = vector.broadcast %sub3A_361 : i32 to vector<16xi32>
      %sub3A_363 = arith.subi %add3A_360, %sub3A_362 : vector<16xi32>
      %mul3A_364 = arith.constant 16 : i32
      %mul3A_365 = arith.muli %scan3A_351, %mul3A_364 : i32
      %add3A_366 = vector.broadcast %mul3A_365 : i32 to vector<16xi32>
      %add3A_367 = arith.addi %add3A_366, %iota3A : vector<16xi32>
      tpu.vector_store_idx %arg7[%sub3A_363], %add3A_367 masked %ge3A_356 : memref<528xi32, #tpu.memory_space<vmem>>[vector<16xi32>], vector<16xi32>, vector<16xi1>
      %slice3A = vector.extract_strided_slice %masked_cumsum3A {offsets = [15], sizes = [1], strides = [1]} : vector<16xi32> to vector<1xi32>
      %squeeze3A = vector.extract %slice3A[0] : i32 from vector<1xi32>
      %add3A_368 = arith.addi %scan3A_352, %squeeze3A : i32
      scf.yield %add3A_368 : i32
    }
    %scan3A_183 = arith.constant 32 : i32
    %while3A_184 = arith.constant 0 : i32
    %while3A_185 = arith.constant 0 : i32
    %while3A_186 = arith.subi %scan3A_182, %while3A_184 : i32
    %while3A_187 = arith.addi %while3A_184, %while3A_186 : i32
    %while3A_188 = arith.constant 1 : i32
    %while3A_189 = arith.divsi %while3A_186, %while3A_188 : i32
    %while3A_190 = arith.muli %while3A_189, %while3A_188 : i32
    %while3A_191 = arith.addi %while3A_184, %while3A_190 : i32
    %while3A_192 = arith.constant 1 : i32
    %while3A_193 = scf.for %while3A_351 = %while3A_184 to %while3A_191 step %while3A_192 iter_args(%while3A_352 = %while3A_185) -> (i32)  : i32 {
      %get3A = arith.index_cast %while3A_351 : i32 to index
      %get3A_353 = tpu.vector_load %arg7[%get3A] {strides = array<i32>} : memref<528xi32, #tpu.memory_space<vmem>>, vector<16xi32>,
      %slice3A = vector.extract_strided_slice %get3A_353 {offsets = [0], sizes = [1], strides = [1]} : vector<16xi32> to vector<1xi32>
      %squeeze3A = vector.extract %slice3A[0] : i32 from vector<1xi32>
      %shift_right_arithmetic3A_354 = arith.constant 4 : i32
      %shift_right_arithmetic3A_355 = arith.shrsi %squeeze3A, %shift_right_arithmetic3A_354 : i32
      %mul3A_356 = arith.constant 1024 : i32
      %mul3A_357 = arith.muli %shift_right_arithmetic3A_355, %mul3A_356 : i32
      %and3A = arith.constant 15 : i32
      %and3A_358 = arith.andi %squeeze3A, %and3A : i32
      %add3A_359 = arith.addi %mul3A_357, %and3A_358 : i32
      %add3A_360 = arith.constant 0 : i32
      %add3A_361 = arith.addi %add3A_359, %add3A_360 : i32
      %add3A_362 = vector.broadcast %add3A_361 : i32 to vector<16xi32>
      %add3A_363 = arith.addi %add3A_362, %mul3A_3 : vector<16xi32>
      %gather3A = tpu.vector_load_idx %arg5[%add3A_363] : memref<32768xi32, #tpu.memory_space<vmem>>[vector<16xi32>], vector<16xi32>,
      %shift_right_arithmetic3A_364 = arith.constant 31 : i32
      %shift_right_arithmetic3A_365 = vector.broadcast %shift_right_arithmetic3A_364 : i32 to vector<16xi32>
      %shift_right_arithmetic3A_366 = arith.shrsi %gather3A, %shift_right_arithmetic3A_365 : vector<16xi32>
      %and3A_367 = arith.constant 2147483647 : i32
      %and3A_368 = vector.broadcast %and3A_367 : i32 to vector<16xi32>
      %and3A_369 = arith.andi %shift_right_arithmetic3A_366, %and3A_368 : vector<16xi32>
      %xor3A_370 = arith.xori %gather3A, %and3A_369 : vector<16xi32>
      %ge3A = vector.broadcast %xor3A_176 : i32 to vector<16xi32>
      %ge3A_371 = arith.cmpi sge, %xor3A_370, %ge3A : vector<16xi32>
      %convert_element_type3A = arith.extui %ge3A_371 : vector<16xi1> to vector<16xi32>
      %broadcast_in_dim3A_372 = arith.constant true
      %broadcast_in_dim3A_373 = vector.broadcast %broadcast_in_dim3A_372 : i1 to vector<16xi1>
      %masked_cumsum3A = tpu.scan <sum>, %convert_element_type3A masked %broadcast_in_dim3A_373 : vector<16xi32>, vector<16xi1> -> vector<16xi32>
      %add3A_374 = arith.constant 0 : i32
      %add3A_375 = arith.addi %while3A_352, %add3A_374 : i32
      %add3A_376 = vector.broadcast %add3A_375 : i32 to vector<16xi32>
      %add3A_377 = arith.addi %add3A_376, %masked_cumsum3A : vector<16xi32>
      %sub3A_378 = arith.constant 1 : i32
      %sub3A_379 = vector.broadcast %sub3A_378 : i32 to vector<16xi32>
      %sub3A_380 = arith.subi %add3A_377, %sub3A_379 : vector<16xi32>
      %min3A = arith.constant 4095 : i32
      %min3A_381 = vector.broadcast %min3A : i32 to vector<16xi32>
      %min3A_382 = arith.minsi %sub3A_380, %min3A_381 : vector<16xi32>
      tpu.vector_store_idx %arg8[%min3A_382], %xor3A_370 masked %ge3A_371 : memref<4096xi32, #tpu.memory_space<vmem>>[vector<16xi32>], vector<16xi32>, vector<16xi1>
      tpu.vector_store_idx %arg9[%min3A_382], %add3A_363 masked %ge3A_371 : memref<4096xi32, #tpu.memory_space<vmem>>[vector<16xi32>], vector<16xi32>, vector<16xi1>
      %slice3A_383 = vector.extract_strided_slice %masked_cumsum3A {offsets = [15], sizes = [1], strides = [1]} : vector<16xi32> to vector<1xi32>
      %squeeze3A_384 = vector.extract %slice3A_383[0] : i32 from vector<1xi32>
      %add3A_385 = arith.constant 0 : i32
      %add3A_386 = arith.addi %add3A_385, %squeeze3A_384 : i32
      %add3A_387 = arith.constant 256 : i32
      %add3A_388 = arith.addi %add3A_359, %add3A_387 : i32
      %add3A_389 = vector.broadcast %add3A_388 : i32 to vector<16xi32>
      %add3A_390 = arith.addi %add3A_389, %mul3A_3 : vector<16xi32>
      %gather3A_391 = tpu.vector_load_idx %arg5[%add3A_390] : memref<32768xi32, #tpu.memory_space<vmem>>[vector<16xi32>], vector<16xi32>,
      %shift_right_arithmetic3A_392 = arith.constant 31 : i32
      %shift_right_arithmetic3A_393 = vector.broadcast %shift_right_arithmetic3A_392 : i32 to vector<16xi32>
      %shift_right_arithmetic3A_394 = arith.shrsi %gather3A_391, %shift_right_arithmetic3A_393 : vector<16xi32>
      %and3A_395 = arith.constant 2147483647 : i32
      %and3A_396 = vector.broadcast %and3A_395 : i32 to vector<16xi32>
      %and3A_397 = arith.andi %shift_right_arithmetic3A_394, %and3A_396 : vector<16xi32>
      %xor3A_398 = arith.xori %gather3A_391, %and3A_397 : vector<16xi32>
      %ge3A_399 = vector.broadcast %xor3A_176 : i32 to vector<16xi32>
      %ge3A_400 = arith.cmpi sge, %xor3A_398, %ge3A_399 : vector<16xi32>
      %convert_element_type3A_401 = arith.extui %ge3A_400 : vector<16xi1> to vector<16xi32>
      %broadcast_in_dim3A_402 = arith.constant true
      %broadcast_in_dim3A_403 = vector.broadcast %broadcast_in_dim3A_402 : i1 to vector<16xi1>
      %masked_cumsum3A_404 = tpu.scan <sum>, %convert_element_type3A_401 masked %broadcast_in_dim3A_403 : vector<16xi32>, vector<16xi1> -> vector<16xi32>
      %add3A_405 = arith.addi %while3A_352, %add3A_386 : i32
      %add3A_406 = vector.broadcast %add3A_405 : i32 to vector<16xi32>
      %add3A_407 = arith.addi %add3A_406, %masked_cumsum3A_404 : vector<16xi32>
      %sub3A_408 = arith.constant 1 : i32
      %sub3A_409 = vector.broadcast %sub3A_408 : i32 to vector<16xi32>
      %sub3A_410 = arith.subi %add3A_407, %sub3A_409 : vector<16xi32>
      %min3A_411 = arith.constant 4095 : i32
      %min3A_412 = vector.broadcast %min3A_411 : i32 to vector<16xi32>
      %min3A_413 = arith.minsi %sub3A_410, %min3A_412 : vector<16xi32>
      tpu.vector_store_idx %arg8[%min3A_413], %xor3A_398 masked %ge3A_400 : memref<4096xi32, #tpu.memory_space<vmem>>[vector<16xi32>], vector<16xi32>, vector<16xi1>
      tpu.vector_store_idx %arg9[%min3A_413], %add3A_390 masked %ge3A_400 : memref<4096xi32, #tpu.memory_space<vmem>>[vector<16xi32>], vector<16xi32>, vector<16xi1>
      %slice3A_414 = vector.extract_strided_slice %masked_cumsum3A_404 {offsets = [15], sizes = [1], strides = [1]} : vector<16xi32> to vector<1xi32>
      %squeeze3A_415 = vector.extract %slice3A_414[0] : i32 from vector<1xi32>
      %add3A_416 = arith.addi %add3A_386, %squeeze3A_415 : i32
      %add3A_417 = arith.constant 512 : i32
      %add3A_418 = arith.addi %add3A_359, %add3A_417 : i32
      %add3A_419 = vector.broadcast %add3A_418 : i32 to vector<16xi32>
      %add3A_420 = arith.addi %add3A_419, %mul3A_3 : vector<16xi32>
      %gather3A_421 = tpu.vector_load_idx %arg5[%add3A_420] : memref<32768xi32, #tpu.memory_space<vmem>>[vector<16xi32>], vector<16xi32>,
      %shift_right_arithmetic3A_422 = arith.constant 31 : i32
      %shift_right_arithmetic3A_423 = vector.broadcast %shift_right_arithmetic3A_422 : i32 to vector<16xi32>
      %shift_right_arithmetic3A_424 = arith.shrsi %gather3A_421, %shift_right_arithmetic3A_423 : vector<16xi32>
      %and3A_425 = arith.constant 2147483647 : i32
      %and3A_426 = vector.broadcast %and3A_425 : i32 to vector<16xi32>
      %and3A_427 = arith.andi %shift_right_arithmetic3A_424, %and3A_426 : vector<16xi32>
      %xor3A_428 = arith.xori %gather3A_421, %and3A_427 : vector<16xi32>
      %ge3A_429 = vector.broadcast %xor3A_176 : i32 to vector<16xi32>
      %ge3A_430 = arith.cmpi sge, %xor3A_428, %ge3A_429 : vector<16xi32>
      %convert_element_type3A_431 = arith.extui %ge3A_430 : vector<16xi1> to vector<16xi32>
      %broadcast_in_dim3A_432 = arith.constant true
      %broadcast_in_dim3A_433 = vector.broadcast %broadcast_in_dim3A_432 : i1 to vector<16xi1>
      %masked_cumsum3A_434 = tpu.scan <sum>, %convert_element_type3A_431 masked %broadcast_in_dim3A_433 : vector<16xi32>, vector<16xi1> -> vector<16xi32>
      %add3A_435 = arith.addi %while3A_352, %add3A_416 : i32
      %add3A_436 = vector.broadcast %add3A_435 : i32 to vector<16xi32>
      %add3A_437 = arith.addi %add3A_436, %masked_cumsum3A_434 : vector<16xi32>
      %sub3A_438 = arith.constant 1 : i32
      %sub3A_439 = vector.broadcast %sub3A_438 : i32 to vector<16xi32>
      %sub3A_440 = arith.subi %add3A_437, %sub3A_439 : vector<16xi32>
      %min3A_441 = arith.constant 4095 : i32
      %min3A_442 = vector.broadcast %min3A_441 : i32 to vector<16xi32>
      %min3A_443 = arith.minsi %sub3A_440, %min3A_442 : vector<16xi32>
      tpu.vector_store_idx %arg8[%min3A_443], %xor3A_428 masked %ge3A_430 : memref<4096xi32, #tpu.memory_space<vmem>>[vector<16xi32>], vector<16xi32>, vector<16xi1>
      tpu.vector_store_idx %arg9[%min3A_443], %add3A_420 masked %ge3A_430 : memref<4096xi32, #tpu.memory_space<vmem>>[vector<16xi32>], vector<16xi32>, vector<16xi1>
      %slice3A_444 = vector.extract_strided_slice %masked_cumsum3A_434 {offsets = [15], sizes = [1], strides = [1]} : vector<16xi32> to vector<1xi32>
      %squeeze3A_445 = vector.extract %slice3A_444[0] : i32 from vector<1xi32>
      %add3A_446 = arith.addi %add3A_416, %squeeze3A_445 : i32
      %add3A_447 = arith.constant 768 : i32
      %add3A_448 = arith.addi %add3A_359, %add3A_447 : i32
      %add3A_449 = vector.broadcast %add3A_448 : i32 to vector<16xi32>
      %add3A_450 = arith.addi %add3A_449, %mul3A_3 : vector<16xi32>
      %gather3A_451 = tpu.vector_load_idx %arg5[%add3A_450] : memref<32768xi32, #tpu.memory_space<vmem>>[vector<16xi32>], vector<16xi32>,
      %shift_right_arithmetic3A_452 = arith.constant 31 : i32
      %shift_right_arithmetic3A_453 = vector.broadcast %shift_right_arithmetic3A_452 : i32 to vector<16xi32>
      %shift_right_arithmetic3A_454 = arith.shrsi %gather3A_451, %shift_right_arithmetic3A_453 : vector<16xi32>
      %and3A_455 = arith.constant 2147483647 : i32
      %and3A_456 = vector.broadcast %and3A_455 : i32 to vector<16xi32>
      %and3A_457 = arith.andi %shift_right_arithmetic3A_454, %and3A_456 : vector<16xi32>
      %xor3A_458 = arith.xori %gather3A_451, %and3A_457 : vector<16xi32>
      %ge3A_459 = vector.broadcast %xor3A_176 : i32 to vector<16xi32>
      %ge3A_460 = arith.cmpi sge, %xor3A_458, %ge3A_459 : vector<16xi32>
      %convert_element_type3A_461 = arith.extui %ge3A_460 : vector<16xi1> to vector<16xi32>
      %broadcast_in_dim3A_462 = arith.constant true
      %broadcast_in_dim3A_463 = vector.broadcast %broadcast_in_dim3A_462 : i1 to vector<16xi1>
      %masked_cumsum3A_464 = tpu.scan <sum>, %convert_element_type3A_461 masked %broadcast_in_dim3A_463 : vector<16xi32>, vector<16xi1> -> vector<16xi32>
      %add3A_465 = arith.addi %while3A_352, %add3A_446 : i32
      %add3A_466 = vector.broadcast %add3A_465 : i32 to vector<16xi32>
      %add3A_467 = arith.addi %add3A_466, %masked_cumsum3A_464 : vector<16xi32>
      %sub3A_468 = arith.constant 1 : i32
      %sub3A_469 = vector.broadcast %sub3A_468 : i32 to vector<16xi32>
      %sub3A_470 = arith.subi %add3A_467, %sub3A_469 : vector<16xi32>
      %min3A_471 = arith.constant 4095 : i32
      %min3A_472 = vector.broadcast %min3A_471 : i32 to vector<16xi32>
      %min3A_473 = arith.minsi %sub3A_470, %min3A_472 : vector<16xi32>
      tpu.vector_store_idx %arg8[%min3A_473], %xor3A_458 masked %ge3A_460 : memref<4096xi32, #tpu.memory_space<vmem>>[vector<16xi32>], vector<16xi32>, vector<16xi1>
      tpu.vector_store_idx %arg9[%min3A_473], %add3A_450 masked %ge3A_460 : memref<4096xi32, #tpu.memory_space<vmem>>[vector<16xi32>], vector<16xi32>, vector<16xi1>
      %slice3A_474 = vector.extract_strided_slice %masked_cumsum3A_464 {offsets = [15], sizes = [1], strides = [1]} : vector<16xi32> to vector<1xi32>
      %squeeze3A_475 = vector.extract %slice3A_474[0] : i32 from vector<1xi32>
      %add3A_476 = arith.addi %add3A_446, %squeeze3A_475 : i32
      %add3A_477 = arith.addi %while3A_352, %add3A_476 : i32
      %min3A_478 = arith.constant 4080 : i32
      %min3A_479 = arith.minsi %add3A_477, %min3A_478 : i32
      scf.yield %min3A_479 : i32
    }
    %while3A_194 = arith.constant 1 : i32
    %while3A_195 = scf.for %while3A_351 = %while3A_191 to %while3A_187 step %while3A_194 iter_args(%while3A_352 = %while3A_193) -> (i32)  : i32 {
      %get3A = arith.index_cast %while3A_351 : i32 to index
      %get3A_353 = tpu.vector_load %arg7[%get3A] {strides = array<i32>} : memref<528xi32, #tpu.memory_space<vmem>>, vector<16xi32>,
      %slice3A = vector.extract_strided_slice %get3A_353 {offsets = [0], sizes = [1], strides = [1]} : vector<16xi32> to vector<1xi32>
      %squeeze3A = vector.extract %slice3A[0] : i32 from vector<1xi32>
      %shift_right_arithmetic3A_354 = arith.constant 4 : i32
      %shift_right_arithmetic3A_355 = arith.shrsi %squeeze3A, %shift_right_arithmetic3A_354 : i32
      %mul3A_356 = arith.constant 1024 : i32
      %mul3A_357 = arith.muli %shift_right_arithmetic3A_355, %mul3A_356 : i32
      %and3A = arith.constant 15 : i32
      %and3A_358 = arith.andi %squeeze3A, %and3A : i32
      %add3A_359 = arith.addi %mul3A_357, %and3A_358 : i32
      %add3A_360 = arith.constant 0 : i32
      %add3A_361 = arith.addi %add3A_359, %add3A_360 : i32
      %add3A_362 = vector.broadcast %add3A_361 : i32 to vector<16xi32>
      %add3A_363 = arith.addi %add3A_362, %mul3A_3 : vector<16xi32>
      %gather3A = tpu.vector_load_idx %arg5[%add3A_363] : memref<32768xi32, #tpu.memory_space<vmem>>[vector<16xi32>], vector<16xi32>,
      %shift_right_arithmetic3A_364 = arith.constant 31 : i32
      %shift_right_arithmetic3A_365 = vector.broadcast %shift_right_arithmetic3A_364 : i32 to vector<16xi32>
      %shift_right_arithmetic3A_366 = arith.shrsi %gather3A, %shift_right_arithmetic3A_365 : vector<16xi32>
      %and3A_367 = arith.constant 2147483647 : i32
      %and3A_368 = vector.broadcast %and3A_367 : i32 to vector<16xi32>
      %and3A_369 = arith.andi %shift_right_arithmetic3A_366, %and3A_368 : vector<16xi32>
      %xor3A_370 = arith.xori %gather3A, %and3A_369 : vector<16xi32>
      %ge3A = vector.broadcast %xor3A_176 : i32 to vector<16xi32>
      %ge3A_371 = arith.cmpi sge, %xor3A_370, %ge3A : vector<16xi32>
      %convert_element_type3A = arith.extui %ge3A_371 : vector<16xi1> to vector<16xi32>
      %broadcast_in_dim3A_372 = arith.constant true
      %broadcast_in_dim3A_373 = vector.broadcast %broadcast_in_dim3A_372 : i1 to vector<16xi1>
      %masked_cumsum3A = tpu.scan <sum>, %convert_element_type3A masked %broadcast_in_dim3A_373 : vector<16xi32>, vector<16xi1> -> vector<16xi32>
      %add3A_374 = arith.constant 0 : i32
      %add3A_375 = arith.addi %while3A_352, %add3A_374 : i32
      %add3A_376 = vector.broadcast %add3A_375 : i32 to vector<16xi32>
      %add3A_377 = arith.addi %add3A_376, %masked_cumsum3A : vector<16xi32>
      %sub3A_378 = arith.constant 1 : i32
      %sub3A_379 = vector.broadcast %sub3A_378 : i32 to vector<16xi32>
      %sub3A_380 = arith.subi %add3A_377, %sub3A_379 : vector<16xi32>
      %min3A = arith.constant 4095 : i32
      %min3A_381 = vector.broadcast %min3A : i32 to vector<16xi32>
      %min3A_382 = arith.minsi %sub3A_380, %min3A_381 : vector<16xi32>
      tpu.vector_store_idx %arg8[%min3A_382], %xor3A_370 masked %ge3A_371 : memref<4096xi32, #tpu.memory_space<vmem>>[vector<16xi32>], vector<16xi32>, vector<16xi1>
      tpu.vector_store_idx %arg9[%min3A_382], %add3A_363 masked %ge3A_371 : memref<4096xi32, #tpu.memory_space<vmem>>[vector<16xi32>], vector<16xi32>, vector<16xi1>
      %slice3A_383 = vector.extract_strided_slice %masked_cumsum3A {offsets = [15], sizes = [1], strides = [1]} : vector<16xi32> to vector<1xi32>
      %squeeze3A_384 = vector.extract %slice3A_383[0] : i32 from vector<1xi32>
      %add3A_385 = arith.constant 0 : i32
      %add3A_386 = arith.addi %add3A_385, %squeeze3A_384 : i32
      %add3A_387 = arith.constant 256 : i32
      %add3A_388 = arith.addi %add3A_359, %add3A_387 : i32
      %add3A_389 = vector.broadcast %add3A_388 : i32 to vector<16xi32>
      %add3A_390 = arith.addi %add3A_389, %mul3A_3 : vector<16xi32>
      %gather3A_391 = tpu.vector_load_idx %arg5[%add3A_390] : memref<32768xi32, #tpu.memory_space<vmem>>[vector<16xi32>], vector<16xi32>,
      %shift_right_arithmetic3A_392 = arith.constant 31 : i32
      %shift_right_arithmetic3A_393 = vector.broadcast %shift_right_arithmetic3A_392 : i32 to vector<16xi32>
      %shift_right_arithmetic3A_394 = arith.shrsi %gather3A_391, %shift_right_arithmetic3A_393 : vector<16xi32>
      %and3A_395 = arith.constant 2147483647 : i32
      %and3A_396 = vector.broadcast %and3A_395 : i32 to vector<16xi32>
      %and3A_397 = arith.andi %shift_right_arithmetic3A_394, %and3A_396 : vector<16xi32>
      %xor3A_398 = arith.xori %gather3A_391, %and3A_397 : vector<16xi32>
      %ge3A_399 = vector.broadcast %xor3A_176 : i32 to vector<16xi32>
      %ge3A_400 = arith.cmpi sge, %xor3A_398, %ge3A_399 : vector<16xi32>
      %convert_element_type3A_401 = arith.extui %ge3A_400 : vector<16xi1> to vector<16xi32>
      %broadcast_in_dim3A_402 = arith.constant true
      %broadcast_in_dim3A_403 = vector.broadcast %broadcast_in_dim3A_402 : i1 to vector<16xi1>
      %masked_cumsum3A_404 = tpu.scan <sum>, %convert_element_type3A_401 masked %broadcast_in_dim3A_403 : vector<16xi32>, vector<16xi1> -> vector<16xi32>
      %add3A_405 = arith.addi %while3A_352, %add3A_386 : i32
      %add3A_406 = vector.broadcast %add3A_405 : i32 to vector<16xi32>
      %add3A_407 = arith.addi %add3A_406, %masked_cumsum3A_404 : vector<16xi32>
      %sub3A_408 = arith.constant 1 : i32
      %sub3A_409 = vector.broadcast %sub3A_408 : i32 to vector<16xi32>
      %sub3A_410 = arith.subi %add3A_407, %sub3A_409 : vector<16xi32>
      %min3A_411 = arith.constant 4095 : i32
      %min3A_412 = vector.broadcast %min3A_411 : i32 to vector<16xi32>
      %min3A_413 = arith.minsi %sub3A_410, %min3A_412 : vector<16xi32>
      tpu.vector_store_idx %arg8[%min3A_413], %xor3A_398 masked %ge3A_400 : memref<4096xi32, #tpu.memory_space<vmem>>[vector<16xi32>], vector<16xi32>, vector<16xi1>
      tpu.vector_store_idx %arg9[%min3A_413], %add3A_390 masked %ge3A_400 : memref<4096xi32, #tpu.memory_space<vmem>>[vector<16xi32>], vector<16xi32>, vector<16xi1>
      %slice3A_414 = vector.extract_strided_slice %masked_cumsum3A_404 {offsets = [15], sizes = [1], strides = [1]} : vector<16xi32> to vector<1xi32>
      %squeeze3A_415 = vector.extract %slice3A_414[0] : i32 from vector<1xi32>
      %add3A_416 = arith.addi %add3A_386, %squeeze3A_415 : i32
      %add3A_417 = arith.constant 512 : i32
      %add3A_418 = arith.addi %add3A_359, %add3A_417 : i32
      %add3A_419 = vector.broadcast %add3A_418 : i32 to vector<16xi32>
      %add3A_420 = arith.addi %add3A_419, %mul3A_3 : vector<16xi32>
      %gather3A_421 = tpu.vector_load_idx %arg5[%add3A_420] : memref<32768xi32, #tpu.memory_space<vmem>>[vector<16xi32>], vector<16xi32>,
      %shift_right_arithmetic3A_422 = arith.constant 31 : i32
      %shift_right_arithmetic3A_423 = vector.broadcast %shift_right_arithmetic3A_422 : i32 to vector<16xi32>
      %shift_right_arithmetic3A_424 = arith.shrsi %gather3A_421, %shift_right_arithmetic3A_423 : vector<16xi32>
      %and3A_425 = arith.constant 2147483647 : i32
      %and3A_426 = vector.broadcast %and3A_425 : i32 to vector<16xi32>
      %and3A_427 = arith.andi %shift_right_arithmetic3A_424, %and3A_426 : vector<16xi32>
      %xor3A_428 = arith.xori %gather3A_421, %and3A_427 : vector<16xi32>
      %ge3A_429 = vector.broadcast %xor3A_176 : i32 to vector<16xi32>
      %ge3A_430 = arith.cmpi sge, %xor3A_428, %ge3A_429 : vector<16xi32>
      %convert_element_type3A_431 = arith.extui %ge3A_430 : vector<16xi1> to vector<16xi32>
      %broadcast_in_dim3A_432 = arith.constant true
      %broadcast_in_dim3A_433 = vector.broadcast %broadcast_in_dim3A_432 : i1 to vector<16xi1>
      %masked_cumsum3A_434 = tpu.scan <sum>, %convert_element_type3A_431 masked %broadcast_in_dim3A_433 : vector<16xi32>, vector<16xi1> -> vector<16xi32>
      %add3A_435 = arith.addi %while3A_352, %add3A_416 : i32
      %add3A_436 = vector.broadcast %add3A_435 : i32 to vector<16xi32>
      %add3A_437 = arith.addi %add3A_436, %masked_cumsum3A_434 : vector<16xi32>
      %sub3A_438 = arith.constant 1 : i32
      %sub3A_439 = vector.broadcast %sub3A_438 : i32 to vector<16xi32>
      %sub3A_440 = arith.subi %add3A_437, %sub3A_439 : vector<16xi32>
      %min3A_441 = arith.constant 4095 : i32
      %min3A_442 = vector.broadcast %min3A_441 : i32 to vector<16xi32>
      %min3A_443 = arith.minsi %sub3A_440, %min3A_442 : vector<16xi32>
      tpu.vector_store_idx %arg8[%min3A_443], %xor3A_428 masked %ge3A_430 : memref<4096xi32, #tpu.memory_space<vmem>>[vector<16xi32>], vector<16xi32>, vector<16xi1>
      tpu.vector_store_idx %arg9[%min3A_443], %add3A_420 masked %ge3A_430 : memref<4096xi32, #tpu.memory_space<vmem>>[vector<16xi32>], vector<16xi32>, vector<16xi1>
      %slice3A_444 = vector.extract_strided_slice %masked_cumsum3A_434 {offsets = [15], sizes = [1], strides = [1]} : vector<16xi32> to vector<1xi32>
      %squeeze3A_445 = vector.extract %slice3A_444[0] : i32 from vector<1xi32>
      %add3A_446 = arith.addi %add3A_416, %squeeze3A_445 : i32
      %add3A_447 = arith.constant 768 : i32
      %add3A_448 = arith.addi %add3A_359, %add3A_447 : i32
      %add3A_449 = vector.broadcast %add3A_448 : i32 to vector<16xi32>
      %add3A_450 = arith.addi %add3A_449, %mul3A_3 : vector<16xi32>
      %gather3A_451 = tpu.vector_load_idx %arg5[%add3A_450] : memref<32768xi32, #tpu.memory_space<vmem>>[vector<16xi32>], vector<16xi32>,
      %shift_right_arithmetic3A_452 = arith.constant 31 : i32
      %shift_right_arithmetic3A_453 = vector.broadcast %shift_right_arithmetic3A_452 : i32 to vector<16xi32>
      %shift_right_arithmetic3A_454 = arith.shrsi %gather3A_451, %shift_right_arithmetic3A_453 : vector<16xi32>
      %and3A_455 = arith.constant 2147483647 : i32
      %and3A_456 = vector.broadcast %and3A_455 : i32 to vector<16xi32>
      %and3A_457 = arith.andi %shift_right_arithmetic3A_454, %and3A_456 : vector<16xi32>
      %xor3A_458 = arith.xori %gather3A_451, %and3A_457 : vector<16xi32>
      %ge3A_459 = vector.broadcast %xor3A_176 : i32 to vector<16xi32>
      %ge3A_460 = arith.cmpi sge, %xor3A_458, %ge3A_459 : vector<16xi32>
      %convert_element_type3A_461 = arith.extui %ge3A_460 : vector<16xi1> to vector<16xi32>
      %broadcast_in_dim3A_462 = arith.constant true
      %broadcast_in_dim3A_463 = vector.broadcast %broadcast_in_dim3A_462 : i1 to vector<16xi1>
      %masked_cumsum3A_464 = tpu.scan <sum>, %convert_element_type3A_461 masked %broadcast_in_dim3A_463 : vector<16xi32>, vector<16xi1> -> vector<16xi32>
      %add3A_465 = arith.addi %while3A_352, %add3A_446 : i32
      %add3A_466 = vector.broadcast %add3A_465 : i32 to vector<16xi32>
      %add3A_467 = arith.addi %add3A_466, %masked_cumsum3A_464 : vector<16xi32>
      %sub3A_468 = arith.constant 1 : i32
      %sub3A_469 = vector.broadcast %sub3A_468 : i32 to vector<16xi32>
      %sub3A_470 = arith.subi %add3A_467, %sub3A_469 : vector<16xi32>
      %min3A_471 = arith.constant 4095 : i32
      %min3A_472 = vector.broadcast %min3A_471 : i32 to vector<16xi32>
      %min3A_473 = arith.minsi %sub3A_470, %min3A_472 : vector<16xi32>
      tpu.vector_store_idx %arg8[%min3A_473], %xor3A_458 masked %ge3A_460 : memref<4096xi32, #tpu.memory_space<vmem>>[vector<16xi32>], vector<16xi32>, vector<16xi1>
      tpu.vector_store_idx %arg9[%min3A_473], %add3A_450 masked %ge3A_460 : memref<4096xi32, #tpu.memory_space<vmem>>[vector<16xi32>], vector<16xi32>, vector<16xi1>
      %slice3A_474 = vector.extract_strided_slice %masked_cumsum3A_464 {offsets = [15], sizes = [1], strides = [1]} : vector<16xi32> to vector<1xi32>
      %squeeze3A_475 = vector.extract %slice3A_474[0] : i32 from vector<1xi32>
      %add3A_476 = arith.addi %add3A_446, %squeeze3A_475 : i32
      %add3A_477 = arith.addi %while3A_352, %add3A_476 : i32
      %min3A_478 = arith.constant 4080 : i32
      %min3A_479 = arith.minsi %add3A_477, %min3A_478 : i32
      scf.yield %min3A_479 : i32
    }
    %add3A_196 = vector.broadcast %while3A_195 : i32 to vector<16xi32>
    %add3A_197 = arith.addi %add3A_196, %iota3A : vector<16xi32>
    %broadcast_in_dim3A_198 = arith.constant -2147483648 : i32
    %broadcast_in_dim3A_199 = vector.broadcast %broadcast_in_dim3A_198 : i32 to vector<16xi32>
    tpu.vector_store_idx %arg8[%add3A_197], %broadcast_in_dim3A_199 : memref<4096xi32, #tpu.memory_space<vmem>>[vector<16xi32>], vector<16xi32>,
    %add3A_200 = arith.constant 15 : i32
    %add3A_201 = arith.addi %while3A_195, %add3A_200 : i32
    %shift_right_arithmetic3A_202 = arith.constant 4 : i32
    %shift_right_arithmetic3A_203 = arith.shrsi %add3A_201, %shift_right_arithmetic3A_202 : i32
    %scan3A_204 = arith.constant 0 : i32
    %scan3A_205 = arith.constant 0 : i32
    %scan3A_206 = arith.constant 32 : i32
    %scan3A_207 = arith.addi %scan3A_205, %scan3A_206 : i32
    %scan3A_208 = arith.constant 1 : i32
    %scan3A_209 = scf.for %scan3A_351 = %scan3A_205 to %scan3A_207 step %scan3A_208 iter_args(%scan3A_352 = %scan3A_204) -> (i32)  : i32 {
      %sub3A_353 = arith.constant 31 : i32
      %sub3A_354 = arith.subi %sub3A_353, %scan3A_351 : i32
      %shift_left3A = arith.constant 1 : i32
      %shift_left3A_355 = arith.shli %shift_left3A, %sub3A_354 : i32
      %or3A = arith.ori %scan3A_352, %shift_left3A_355 : i32
      %xor3A_356 = arith.constant -2147483648 : i32
      %xor3A_357 = arith.xori %or3A, %xor3A_356 : i32
      %while3A_358 = arith.constant 0 : i32
      %while3A_359 = arith.constant 0 : i32
      %while3A_360 = arith.subi %shift_right_arithmetic3A_203, %while3A_358 : i32
      %while3A_361 = arith.addi %while3A_358, %while3A_360 : i32
      %while3A_362 = arith.constant 1 : i32
      %while3A_363 = arith.divsi %while3A_360, %while3A_362 : i32
      %while3A_364 = arith.muli %while3A_363, %while3A_362 : i32
      %while3A_365 = arith.addi %while3A_358, %while3A_364 : i32
      %while3A_366 = arith.constant 1 : i32
      %while3A_367 = scf.for %while3A_372 = %while3A_358 to %while3A_365 step %while3A_366 iter_args(%while3A_373 = %while3A_359) -> (i32)  : i32 {
        %mul3A_374 = arith.constant 16 : i32
        %mul3A_375 = arith.muli %while3A_372, %mul3A_374 : i32
        %get3A = arith.index_cast %mul3A_375 : i32 to index
        %get3A_376 = tpu.vector_load %arg8[%get3A] {strides = array<i32>} : memref<4096xi32, #tpu.memory_space<vmem>>, vector<16xi32>,
        %ge3A_377 = vector.broadcast %xor3A_357 : i32 to vector<16xi32>
        %ge3A_378 = arith.cmpi sge, %get3A_376, %ge3A_377 : vector<16xi32>
        %convert_element_type3A = arith.extui %ge3A_378 : vector<16xi1> to vector<16xi32>
        %broadcast_in_dim3A_379 = arith.constant true
        %broadcast_in_dim3A_380 = vector.broadcast %broadcast_in_dim3A_379 : i1 to vector<16xi1>
        %masked_cumsum3A = tpu.scan <sum>, %convert_element_type3A masked %broadcast_in_dim3A_380 : vector<16xi32>, vector<16xi1> -> vector<16xi32>
        %slice3A = vector.extract_strided_slice %masked_cumsum3A {offsets = [15], sizes = [1], strides = [1]} : vector<16xi32> to vector<1xi32>
        %squeeze3A = vector.extract %slice3A[0] : i32 from vector<1xi32>
        %add3A_381 = arith.addi %while3A_373, %squeeze3A : i32
        scf.yield %add3A_381 : i32
      }
      %while3A_368 = arith.constant 1 : i32
      %while3A_369 = scf.for %while3A_372 = %while3A_365 to %while3A_361 step %while3A_368 iter_args(%while3A_373 = %while3A_367) -> (i32)  : i32 {
        %mul3A_374 = arith.constant 16 : i32
        %mul3A_375 = arith.muli %while3A_372, %mul3A_374 : i32
        %get3A = arith.index_cast %mul3A_375 : i32 to index
        %get3A_376 = tpu.vector_load %arg8[%get3A] {strides = array<i32>} : memref<4096xi32, #tpu.memory_space<vmem>>, vector<16xi32>,
        %ge3A_377 = vector.broadcast %xor3A_357 : i32 to vector<16xi32>
        %ge3A_378 = arith.cmpi sge, %get3A_376, %ge3A_377 : vector<16xi32>
        %convert_element_type3A = arith.extui %ge3A_378 : vector<16xi1> to vector<16xi32>
        %broadcast_in_dim3A_379 = arith.constant true
        %broadcast_in_dim3A_380 = vector.broadcast %broadcast_in_dim3A_379 : i1 to vector<16xi1>
        %masked_cumsum3A = tpu.scan <sum>, %convert_element_type3A masked %broadcast_in_dim3A_380 : vector<16xi32>, vector<16xi1> -> vector<16xi32>
        %slice3A = vector.extract_strided_slice %masked_cumsum3A {offsets = [15], sizes = [1], strides = [1]} : vector<16xi32> to vector<1xi32>
        %squeeze3A = vector.extract %slice3A[0] : i32 from vector<1xi32>
        %add3A_381 = arith.addi %while3A_373, %squeeze3A : i32
        scf.yield %add3A_381 : i32
      }
      %ge3A = arith.constant 64 : i32
      %ge3A_370 = arith.cmpi sge, %while3A_369, %ge3A : i32
      %select_n3A_371 = arith.select %ge3A_370, %or3A, %scan3A_352 : i32
      scf.yield %select_n3A_371 : i32
    }
    %scan3A_210 = arith.constant 32 : i32
    %xor3A_211 = arith.constant -2147483648 : i32
    %xor3A_212 = arith.xori %scan3A_209, %xor3A_211 : i32
    %while3A_213 = arith.constant 0 : i32
    %while3A_214 = arith.constant 0 : i32
    %while3A_215 = arith.subi %shift_right_arithmetic3A_203, %while3A_213 : i32
    %while3A_216 = arith.addi %while3A_213, %while3A_215 : i32
    %while3A_217 = arith.constant 1 : i32
    %while3A_218 = arith.divsi %while3A_215, %while3A_217 : i32
    %while3A_219 = arith.muli %while3A_218, %while3A_217 : i32
    %while3A_220 = arith.addi %while3A_213, %while3A_219 : i32
    %while3A_221 = arith.constant 1 : i32
    %while3A_222 = scf.for %while3A_351 = %while3A_213 to %while3A_220 step %while3A_221 iter_args(%while3A_352 = %while3A_214) -> (i32)  : i32 {
      %mul3A_353 = arith.constant 16 : i32
      %mul3A_354 = arith.muli %while3A_351, %mul3A_353 : i32
      %get3A = arith.index_cast %mul3A_354 : i32 to index
      %get3A_355 = tpu.vector_load %arg8[%get3A] {strides = array<i32>} : memref<4096xi32, #tpu.memory_space<vmem>>, vector<16xi32>,
      %gt3A = vector.broadcast %xor3A_212 : i32 to vector<16xi32>
      %gt3A_356 = arith.cmpi sgt, %get3A_355, %gt3A : vector<16xi32>
      %convert_element_type3A = arith.extui %gt3A_356 : vector<16xi1> to vector<16xi32>
      %broadcast_in_dim3A_357 = arith.constant true
      %broadcast_in_dim3A_358 = vector.broadcast %broadcast_in_dim3A_357 : i1 to vector<16xi1>
      %masked_cumsum3A = tpu.scan <sum>, %convert_element_type3A masked %broadcast_in_dim3A_358 : vector<16xi32>, vector<16xi1> -> vector<16xi32>
      %slice3A = vector.extract_strided_slice %masked_cumsum3A {offsets = [15], sizes = [1], strides = [1]} : vector<16xi32> to vector<1xi32>
      %squeeze3A = vector.extract %slice3A[0] : i32 from vector<1xi32>
      %add3A_359 = arith.addi %while3A_352, %squeeze3A : i32
      %eq3A = vector.broadcast %xor3A_212 : i32 to vector<16xi32>
      %eq3A_360 = arith.cmpi eq, %get3A_355, %eq3A : vector<16xi32>
      %mul3A_361 = arith.constant 16 : i32
      %mul3A_362 = arith.muli %while3A_351, %mul3A_361 : i32
      %get3A_363 = arith.index_cast %mul3A_362 : i32 to index
      %get3A_364 = tpu.vector_load %arg9[%get3A_363] {strides = array<i32>} : memref<4096xi32, #tpu.memory_space<vmem>>, vector<16xi32>,
      %sub3A_365 = arith.constant 32767 : i32
      %sub3A_366 = vector.broadcast %sub3A_365 : i32 to vector<16xi32>
      %sub3A_367 = arith.subi %sub3A_366, %get3A_364 : vector<16xi32>
      %jit3A = arith.constant -2147483648 : i32
      %broadcast_in_dim3A_368 = vector.broadcast %jit3A : i32 to vector<16xi32>
      %select_n3A_369 = arith.select %eq3A_360, %sub3A_367, %broadcast_in_dim3A_368 : vector<16xi1>, vector<16xi32>
      %mul3A_370 = arith.constant 16 : i32
      %mul3A_371 = arith.muli %while3A_351, %mul3A_370 : i32
      %swap3A_372 = arith.index_cast %mul3A_371 : i32 to index
      %swap3A_373 = tpu.vector_load %arg10[%swap3A_372] {strides = array<i32>} : memref<4096xi32, #tpu.memory_space<vmem>>, vector<16xi32>,
      tpu.vector_store %arg10[%swap3A_372], %select_n3A_369 {strides = array<i32>} : memref<4096xi32, #tpu.memory_space<vmem>>, vector<16xi32>,
      scf.yield %add3A_359 : i32
    }
    %while3A_223 = arith.constant 1 : i32
    %while3A_224 = scf.for %while3A_351 = %while3A_220 to %while3A_216 step %while3A_223 iter_args(%while3A_352 = %while3A_222) -> (i32)  : i32 {
      %mul3A_353 = arith.constant 16 : i32
      %mul3A_354 = arith.muli %while3A_351, %mul3A_353 : i32
      %get3A = arith.index_cast %mul3A_354 : i32 to index
      %get3A_355 = tpu.vector_load %arg8[%get3A] {strides = array<i32>} : memref<4096xi32, #tpu.memory_space<vmem>>, vector<16xi32>,
      %gt3A = vector.broadcast %xor3A_212 : i32 to vector<16xi32>
      %gt3A_356 = arith.cmpi sgt, %get3A_355, %gt3A : vector<16xi32>
      %convert_element_type3A = arith.extui %gt3A_356 : vector<16xi1> to vector<16xi32>
      %broadcast_in_dim3A_357 = arith.constant true
      %broadcast_in_dim3A_358 = vector.broadcast %broadcast_in_dim3A_357 : i1 to vector<16xi1>
      %masked_cumsum3A = tpu.scan <sum>, %convert_element_type3A masked %broadcast_in_dim3A_358 : vector<16xi32>, vector<16xi1> -> vector<16xi32>
      %slice3A = vector.extract_strided_slice %masked_cumsum3A {offsets = [15], sizes = [1], strides = [1]} : vector<16xi32> to vector<1xi32>
      %squeeze3A = vector.extract %slice3A[0] : i32 from vector<1xi32>
      %add3A_359 = arith.addi %while3A_352, %squeeze3A : i32
      %eq3A = vector.broadcast %xor3A_212 : i32 to vector<16xi32>
      %eq3A_360 = arith.cmpi eq, %get3A_355, %eq3A : vector<16xi32>
      %mul3A_361 = arith.constant 16 : i32
      %mul3A_362 = arith.muli %while3A_351, %mul3A_361 : i32
      %get3A_363 = arith.index_cast %mul3A_362 : i32 to index
      %get3A_364 = tpu.vector_load %arg9[%get3A_363] {strides = array<i32>} : memref<4096xi32, #tpu.memory_space<vmem>>, vector<16xi32>,
      %sub3A_365 = arith.constant 32767 : i32
      %sub3A_366 = vector.broadcast %sub3A_365 : i32 to vector<16xi32>
      %sub3A_367 = arith.subi %sub3A_366, %get3A_364 : vector<16xi32>
      %jit3A = arith.constant -2147483648 : i32
      %broadcast_in_dim3A_368 = vector.broadcast %jit3A : i32 to vector<16xi32>
      %select_n3A_369 = arith.select %eq3A_360, %sub3A_367, %broadcast_in_dim3A_368 : vector<16xi1>, vector<16xi32>
      %mul3A_370 = arith.constant 16 : i32
      %mul3A_371 = arith.muli %while3A_351, %mul3A_370 : i32
      %swap3A_372 = arith.index_cast %mul3A_371 : i32 to index
      %swap3A_373 = tpu.vector_load %arg10[%swap3A_372] {strides = array<i32>} : memref<4096xi32, #tpu.memory_space<vmem>>, vector<16xi32>,
      tpu.vector_store %arg10[%swap3A_372], %select_n3A_369 {strides = array<i32>} : memref<4096xi32, #tpu.memory_space<vmem>>, vector<16xi32>,
      scf.yield %add3A_359 : i32
    }
    %sub3A_225 = arith.constant 64 : i32
    %sub3A_226 = arith.subi %sub3A_225, %while3A_224 : i32
    %scan3A_227 = arith.constant -2147483648 : i32
    %scan3A_228 = arith.constant 0 : i32
    %scan3A_229 = arith.constant 15 : i32
    %scan3A_230 = arith.addi %scan3A_228, %scan3A_229 : i32
    %scan3A_231 = arith.constant 1 : i32
    %scan3A_232 = scf.for %scan3A_351 = %scan3A_228 to %scan3A_230 step %scan3A_231 iter_args(%scan3A_352 = %scan3A_227) -> (i32)  : i32 {
      %sub3A_353 = arith.constant 14 : i32
      %sub3A_354 = arith.subi %sub3A_353, %scan3A_351 : i32
      %shift_left3A = arith.constant 1 : i32
      %shift_left3A_355 = arith.shli %shift_left3A, %sub3A_354 : i32
      %or3A = arith.ori %scan3A_352, %shift_left3A_355 : i32
      %xor3A_356 = arith.constant -2147483648 : i32
      %xor3A_357 = arith.xori %or3A, %xor3A_356 : i32
      %while3A_358 = arith.constant 0 : i32
      %while3A_359 = arith.constant 0 : i32
      %while3A_360 = arith.subi %shift_right_arithmetic3A_203, %while3A_358 : i32
      %while3A_361 = arith.addi %while3A_358, %while3A_360 : i32
      %while3A_362 = arith.constant 1 : i32
      %while3A_363 = arith.divsi %while3A_360, %while3A_362 : i32
      %while3A_364 = arith.muli %while3A_363, %while3A_362 : i32
      %while3A_365 = arith.addi %while3A_358, %while3A_364 : i32
      %while3A_366 = arith.constant 1 : i32
      %while3A_367 = scf.for %while3A_371 = %while3A_358 to %while3A_365 step %while3A_366 iter_args(%while3A_372 = %while3A_359) -> (i32)  : i32 {
        %mul3A_373 = arith.constant 16 : i32
        %mul3A_374 = arith.muli %while3A_371, %mul3A_373 : i32
        %get3A = arith.index_cast %mul3A_374 : i32 to index
        %get3A_375 = tpu.vector_load %arg10[%get3A] {strides = array<i32>} : memref<4096xi32, #tpu.memory_space<vmem>>, vector<16xi32>,
        %ge3A_376 = vector.broadcast %xor3A_357 : i32 to vector<16xi32>
        %ge3A_377 = arith.cmpi sge, %get3A_375, %ge3A_376 : vector<16xi32>
        %convert_element_type3A = arith.extui %ge3A_377 : vector<16xi1> to vector<16xi32>
        %broadcast_in_dim3A_378 = arith.constant true
        %broadcast_in_dim3A_379 = vector.broadcast %broadcast_in_dim3A_378 : i1 to vector<16xi1>
        %masked_cumsum3A = tpu.scan <sum>, %convert_element_type3A masked %broadcast_in_dim3A_379 : vector<16xi32>, vector<16xi1> -> vector<16xi32>
        %slice3A = vector.extract_strided_slice %masked_cumsum3A {offsets = [15], sizes = [1], strides = [1]} : vector<16xi32> to vector<1xi32>
        %squeeze3A = vector.extract %slice3A[0] : i32 from vector<1xi32>
        %add3A_380 = arith.addi %while3A_372, %squeeze3A : i32
        scf.yield %add3A_380 : i32
      }
      %while3A_368 = arith.constant 1 : i32
      %while3A_369 = scf.for %while3A_371 = %while3A_365 to %while3A_361 step %while3A_368 iter_args(%while3A_372 = %while3A_367) -> (i32)  : i32 {
        %mul3A_373 = arith.constant 16 : i32
        %mul3A_374 = arith.muli %while3A_371, %mul3A_373 : i32
        %get3A = arith.index_cast %mul3A_374 : i32 to index
        %get3A_375 = tpu.vector_load %arg10[%get3A] {strides = array<i32>} : memref<4096xi32, #tpu.memory_space<vmem>>, vector<16xi32>,
        %ge3A_376 = vector.broadcast %xor3A_357 : i32 to vector<16xi32>
        %ge3A_377 = arith.cmpi sge, %get3A_375, %ge3A_376 : vector<16xi32>
        %convert_element_type3A = arith.extui %ge3A_377 : vector<16xi1> to vector<16xi32>
        %broadcast_in_dim3A_378 = arith.constant true
        %broadcast_in_dim3A_379 = vector.broadcast %broadcast_in_dim3A_378 : i1 to vector<16xi1>
        %masked_cumsum3A = tpu.scan <sum>, %convert_element_type3A masked %broadcast_in_dim3A_379 : vector<16xi32>, vector<16xi1> -> vector<16xi32>
        %slice3A = vector.extract_strided_slice %masked_cumsum3A {offsets = [15], sizes = [1], strides = [1]} : vector<16xi32> to vector<1xi32>
        %squeeze3A = vector.extract %slice3A[0] : i32 from vector<1xi32>
        %add3A_380 = arith.addi %while3A_372, %squeeze3A : i32
        scf.yield %add3A_380 : i32
      }
      %ge3A = arith.cmpi sge, %while3A_369, %sub3A_226 : i32
      %select_n3A_370 = arith.select %ge3A, %or3A, %scan3A_352 : i32
      scf.yield %select_n3A_370 : i32
    }
    %scan3A_233 = arith.constant 15 : i32
    %xor3A_234 = arith.constant -2147483648 : i32
    %xor3A_235 = arith.xori %scan3A_232, %xor3A_234 : i32
    %sub3A_236 = arith.constant 32767 : i32
    %sub3A_237 = arith.subi %sub3A_236, %xor3A_235 : i32
    %mul3A_238 = arith.constant 4 : i32
    %mul3A_239 = arith.muli %add3A, %mul3A_238 : i32
    %add3A_240 = arith.constant 3 : i32
    %add3A_241 = arith.addi %mul3A_239, %add3A_240 : i32
    "tpu.region"() ({
      %run_scoped3A = tpu.sem_alloc : memref<!tpu.dma_semaphore, #tpu.memory_space<semaphore_mem>>
      %dma_start3A = arith.constant 0 : i32
      %dma_start3A_351 = tpu.memref_slice %arg2[%add3A_241, %dma_start3A] : memref<128x32768xi32, #tpu.memory_space<hbm>> -> memref<1x32768xi32, #tpu.memory_space<hbm>>
      %dma_start3A_352 = tpu.memref_squeeze %dma_start3A_351 : memref<1x32768xi32, #tpu.memory_space<hbm>> -> memref<32768xi32, #tpu.memory_space<hbm>>
      %dma_start3A_353 = arith.constant 0 : i32
      %dma_start3A_354 = tpu.memref_slice %arg2[%add3A_241, %dma_start3A_353] : memref<128x32768xi32, #tpu.memory_space<hbm>> -> memref<1x32768xi32, #tpu.memory_space<hbm>>
      %dma_start3A_355 = tpu.memref_squeeze %dma_start3A_354 : memref<1x32768xi32, #tpu.memory_space<hbm>> -> memref<32768xi32, #tpu.memory_space<hbm>>
      tpu.enqueue_dma source(%dma_start3A_355 : memref<32768xi32, #tpu.memory_space<hbm>>) target(%arg5 : memref<32768xi32, #tpu.memory_space<vmem>>) target_semaphore(%run_scoped3A : memref<!tpu.dma_semaphore, #tpu.memory_space<semaphore_mem>>)
      %dma_wait3A = arith.constant 0 : i32
      %dma_wait3A_356 = tpu.memref_slice %arg2[%add3A_241, %dma_wait3A] : memref<128x32768xi32, #tpu.memory_space<hbm>> -> memref<1x32768xi32, #tpu.memory_space<hbm>>
      %dma_wait3A_357 = tpu.memref_squeeze %dma_wait3A_356 : memref<1x32768xi32, #tpu.memory_space<hbm>> -> memref<32768xi32, #tpu.memory_space<hbm>>
      %dma_wait3A_358 = arith.constant 0 : i32
      %dma_wait3A_359 = tpu.memref_slice %arg2[%add3A_241, %dma_wait3A_358] : memref<128x32768xi32, #tpu.memory_space<hbm>> -> memref<1x32768xi32, #tpu.memory_space<hbm>>
      %dma_wait3A_360 = tpu.memref_squeeze %dma_wait3A_359 : memref<1x32768xi32, #tpu.memory_space<hbm>> -> memref<32768xi32, #tpu.memory_space<hbm>>
      tpu.wait_dma2 semaphore(%run_scoped3A : memref<!tpu.dma_semaphore, #tpu.memory_space<semaphore_mem>>) src(%dma_wait3A_360 : memref<32768xi32, #tpu.memory_space<hbm>>) dst(%arg5 : memref<32768xi32, #tpu.memory_space<vmem>>)
      tpu.yield
    }) : () -> ()
    %scan3A_242 = arith.constant 0 : i32
    %scan3A_243 = arith.constant 0 : i32
    %scan3A_244 = arith.constant 32 : i32
    %scan3A_245 = arith.addi %scan3A_243, %scan3A_244 : i32
    %scan3A_246 = arith.constant 1 : i32
    scf.for %scan3A_351 = %scan3A_243 to %scan3A_245 step %scan3A_246  : i32 {
      %mul3A_352 = arith.constant 1024 : i32
      %mul3A_353 = arith.muli %scan3A_351, %mul3A_352 : i32
      %broadcast_in_dim3A_354 = arith.constant -2147483648 : i32
      %broadcast_in_dim3A_355 = vector.broadcast %broadcast_in_dim3A_354 : i32 to vector<16xi32>
      %scan3A_356 = arith.constant 0 : i32
      %scan3A_357 = arith.constant 8 : i32
      %scan3A_358 = arith.addi %scan3A_356, %scan3A_357 : i32
      %scan3A_359 = arith.constant 1 : i32
      %scan3A_360 = scf.for %scan3A_366 = %scan3A_356 to %scan3A_358 step %scan3A_359 iter_args(%scan3A_367 = %broadcast_in_dim3A_355) -> (vector<16xi32>)  : i32 {
        %mul3A_368 = arith.constant 128 : i32
        %mul3A_369 = arith.muli %scan3A_366, %mul3A_368 : i32
        %add3A_370 = arith.addi %mul3A_353, %mul3A_369 : i32
        %add3A_371 = arith.constant 0 : i32
        %add3A_372 = arith.addi %add3A_370, %add3A_371 : i32
        %get3A = arith.index_cast %add3A_372 : i32 to index
        %get3A_373 = tpu.vector_load %arg5[%get3A] {strides = array<i32>} : memref<32768xi32, #tpu.memory_space<vmem>>, vector<16xi32>,
        %shift_right_arithmetic3A_374 = arith.constant 31 : i32
        %shift_right_arithmetic3A_375 = vector.broadcast %shift_right_arithmetic3A_374 : i32 to vector<16xi32>
        %shift_right_arithmetic3A_376 = arith.shrsi %get3A_373, %shift_right_arithmetic3A_375 : vector<16xi32>
        %and3A = arith.constant 2147483647 : i32
        %and3A_377 = vector.broadcast %and3A : i32 to vector<16xi32>
        %and3A_378 = arith.andi %shift_right_arithmetic3A_376, %and3A_377 : vector<16xi32>
        %xor3A_379 = arith.xori %get3A_373, %and3A_378 : vector<16xi32>
        %max3A = arith.maxsi %scan3A_367, %xor3A_379 : vector<16xi32>
        %add3A_380 = arith.constant 16 : i32
        %add3A_381 = arith.addi %add3A_370, %add3A_380 : i32
        %get3A_382 = arith.index_cast %add3A_381 : i32 to index
        %get3A_383 = tpu.vector_load %arg5[%get3A_382] {strides = array<i32>} : memref<32768xi32, #tpu.memory_space<vmem>>, vector<16xi32>,
        %shift_right_arithmetic3A_384 = arith.constant 31 : i32
        %shift_right_arithmetic3A_385 = vector.broadcast %shift_right_arithmetic3A_384 : i32 to vector<16xi32>
        %shift_right_arithmetic3A_386 = arith.shrsi %get3A_383, %shift_right_arithmetic3A_385 : vector<16xi32>
        %and3A_387 = arith.constant 2147483647 : i32
        %and3A_388 = vector.broadcast %and3A_387 : i32 to vector<16xi32>
        %and3A_389 = arith.andi %shift_right_arithmetic3A_386, %and3A_388 : vector<16xi32>
        %xor3A_390 = arith.xori %get3A_383, %and3A_389 : vector<16xi32>
        %max3A_391 = arith.maxsi %max3A, %xor3A_390 : vector<16xi32>
        %add3A_392 = arith.constant 32 : i32
        %add3A_393 = arith.addi %add3A_370, %add3A_392 : i32
        %get3A_394 = arith.index_cast %add3A_393 : i32 to index
        %get3A_395 = tpu.vector_load %arg5[%get3A_394] {strides = array<i32>} : memref<32768xi32, #tpu.memory_space<vmem>>, vector<16xi32>,
        %shift_right_arithmetic3A_396 = arith.constant 31 : i32
        %shift_right_arithmetic3A_397 = vector.broadcast %shift_right_arithmetic3A_396 : i32 to vector<16xi32>
        %shift_right_arithmetic3A_398 = arith.shrsi %get3A_395, %shift_right_arithmetic3A_397 : vector<16xi32>
        %and3A_399 = arith.constant 2147483647 : i32
        %and3A_400 = vector.broadcast %and3A_399 : i32 to vector<16xi32>
        %and3A_401 = arith.andi %shift_right_arithmetic3A_398, %and3A_400 : vector<16xi32>
        %xor3A_402 = arith.xori %get3A_395, %and3A_401 : vector<16xi32>
        %max3A_403 = arith.maxsi %max3A_391, %xor3A_402 : vector<16xi32>
        %add3A_404 = arith.constant 48 : i32
        %add3A_405 = arith.addi %add3A_370, %add3A_404 : i32
        %get3A_406 = arith.index_cast %add3A_405 : i32 to index
        %get3A_407 = tpu.vector_load %arg5[%get3A_406] {strides = array<i32>} : memref<32768xi32, #tpu.memory_space<vmem>>, vector<16xi32>,
        %shift_right_arithmetic3A_408 = arith.constant 31 : i32
        %shift_right_arithmetic3A_409 = vector.broadcast %shift_right_arithmetic3A_408 : i32 to vector<16xi32>
        %shift_right_arithmetic3A_410 = arith.shrsi %get3A_407, %shift_right_arithmetic3A_409 : vector<16xi32>
        %and3A_411 = arith.constant 2147483647 : i32
        %and3A_412 = vector.broadcast %and3A_411 : i32 to vector<16xi32>
        %and3A_413 = arith.andi %shift_right_arithmetic3A_410, %and3A_412 : vector<16xi32>
        %xor3A_414 = arith.xori %get3A_407, %and3A_413 : vector<16xi32>
        %max3A_415 = arith.maxsi %max3A_403, %xor3A_414 : vector<16xi32>
        %add3A_416 = arith.constant 64 : i32
        %add3A_417 = arith.addi %add3A_370, %add3A_416 : i32
        %get3A_418 = arith.index_cast %add3A_417 : i32 to index
        %get3A_419 = tpu.vector_load %arg5[%get3A_418] {strides = array<i32>} : memref<32768xi32, #tpu.memory_space<vmem>>, vector<16xi32>,
        %shift_right_arithmetic3A_420 = arith.constant 31 : i32
        %shift_right_arithmetic3A_421 = vector.broadcast %shift_right_arithmetic3A_420 : i32 to vector<16xi32>
        %shift_right_arithmetic3A_422 = arith.shrsi %get3A_419, %shift_right_arithmetic3A_421 : vector<16xi32>
        %and3A_423 = arith.constant 2147483647 : i32
        %and3A_424 = vector.broadcast %and3A_423 : i32 to vector<16xi32>
        %and3A_425 = arith.andi %shift_right_arithmetic3A_422, %and3A_424 : vector<16xi32>
        %xor3A_426 = arith.xori %get3A_419, %and3A_425 : vector<16xi32>
        %max3A_427 = arith.maxsi %max3A_415, %xor3A_426 : vector<16xi32>
        %add3A_428 = arith.constant 80 : i32
        %add3A_429 = arith.addi %add3A_370, %add3A_428 : i32
        %get3A_430 = arith.index_cast %add3A_429 : i32 to index
        %get3A_431 = tpu.vector_load %arg5[%get3A_430] {strides = array<i32>} : memref<32768xi32, #tpu.memory_space<vmem>>, vector<16xi32>,
        %shift_right_arithmetic3A_432 = arith.constant 31 : i32
        %shift_right_arithmetic3A_433 = vector.broadcast %shift_right_arithmetic3A_432 : i32 to vector<16xi32>
        %shift_right_arithmetic3A_434 = arith.shrsi %get3A_431, %shift_right_arithmetic3A_433 : vector<16xi32>
        %and3A_435 = arith.constant 2147483647 : i32
        %and3A_436 = vector.broadcast %and3A_435 : i32 to vector<16xi32>
        %and3A_437 = arith.andi %shift_right_arithmetic3A_434, %and3A_436 : vector<16xi32>
        %xor3A_438 = arith.xori %get3A_431, %and3A_437 : vector<16xi32>
        %max3A_439 = arith.maxsi %max3A_427, %xor3A_438 : vector<16xi32>
        %add3A_440 = arith.constant 96 : i32
        %add3A_441 = arith.addi %add3A_370, %add3A_440 : i32
        %get3A_442 = arith.index_cast %add3A_441 : i32 to index
        %get3A_443 = tpu.vector_load %arg5[%get3A_442] {strides = array<i32>} : memref<32768xi32, #tpu.memory_space<vmem>>, vector<16xi32>,
        %shift_right_arithmetic3A_444 = arith.constant 31 : i32
        %shift_right_arithmetic3A_445 = vector.broadcast %shift_right_arithmetic3A_444 : i32 to vector<16xi32>
        %shift_right_arithmetic3A_446 = arith.shrsi %get3A_443, %shift_right_arithmetic3A_445 : vector<16xi32>
        %and3A_447 = arith.constant 2147483647 : i32
        %and3A_448 = vector.broadcast %and3A_447 : i32 to vector<16xi32>
        %and3A_449 = arith.andi %shift_right_arithmetic3A_446, %and3A_448 : vector<16xi32>
        %xor3A_450 = arith.xori %get3A_443, %and3A_449 : vector<16xi32>
        %max3A_451 = arith.maxsi %max3A_439, %xor3A_450 : vector<16xi32>
        %add3A_452 = arith.constant 112 : i32
        %add3A_453 = arith.addi %add3A_370, %add3A_452 : i32
        %get3A_454 = arith.index_cast %add3A_453 : i32 to index
        %get3A_455 = tpu.vector_load %arg5[%get3A_454] {strides = array<i32>} : memref<32768xi32, #tpu.memory_space<vmem>>, vector<16xi32>,
        %shift_right_arithmetic3A_456 = arith.constant 31 : i32
        %shift_right_arithmetic3A_457 = vector.broadcast %shift_right_arithmetic3A_456 : i32 to vector<16xi32>
        %shift_right_arithmetic3A_458 = arith.shrsi %get3A_455, %shift_right_arithmetic3A_457 : vector<16xi32>
        %and3A_459 = arith.constant 2147483647 : i32
        %and3A_460 = vector.broadcast %and3A_459 : i32 to vector<16xi32>
        %and3A_461 = arith.andi %shift_right_arithmetic3A_458, %and3A_460 : vector<16xi32>
        %xor3A_462 = arith.xori %get3A_455, %and3A_461 : vector<16xi32>
        %max3A_463 = arith.maxsi %max3A_451, %xor3A_462 : vector<16xi32>
        scf.yield %max3A_463 : vector<16xi32>
      }
      %scan3A_361 = arith.constant 8 : i32
      %mul3A_362 = arith.constant 16 : i32
      %mul3A_363 = arith.muli %scan3A_351, %mul3A_362 : i32
      %swap3A_364 = arith.index_cast %mul3A_363 : i32 to index
      %swap3A_365 = tpu.vector_load %arg6[%swap3A_364] {strides = array<i32>} : memref<512xi32, #tpu.memory_space<vmem>>, vector<16xi32>,
      tpu.vector_store %arg6[%swap3A_364], %scan3A_360 {strides = array<i32>} : memref<512xi32, #tpu.memory_space<vmem>>, vector<16xi32>,
    }
    %scan3A_247 = arith.constant 32 : i32
    %scan3A_248 = arith.constant 0 : i32
    %scan3A_249 = arith.constant 0 : i32
    %scan3A_250 = arith.constant 16 : i32
    %scan3A_251 = arith.addi %scan3A_249, %scan3A_250 : i32
    %scan3A_252 = arith.constant 1 : i32
    %scan3A_253 = scf.for %scan3A_351 = %scan3A_249 to %scan3A_251 step %scan3A_252 iter_args(%scan3A_352 = %scan3A_248) -> (i32)  : i32 {
      %sub3A_353 = arith.constant 31 : i32
      %sub3A_354 = arith.subi %sub3A_353, %scan3A_351 : i32
      %shift_left3A = arith.constant 1 : i32
      %shift_left3A_355 = arith.shli %shift_left3A, %sub3A_354 : i32
      %or3A = arith.ori %scan3A_352, %shift_left3A_355 : i32
      %xor3A_356 = arith.constant -2147483648 : i32
      %xor3A_357 = arith.xori %or3A, %xor3A_356 : i32
      %scan3A_358 = arith.constant 0 : i32
      %scan3A_359 = arith.constant 0 : i32
      %scan3A_360 = arith.constant 32 : i32
      %scan3A_361 = arith.addi %scan3A_359, %scan3A_360 : i32
      %scan3A_362 = arith.constant 1 : i32
      %scan3A_363 = scf.for %scan3A_367 = %scan3A_359 to %scan3A_361 step %scan3A_362 iter_args(%scan3A_368 = %scan3A_358) -> (i32)  : i32 {
        %mul3A_369 = arith.constant 16 : i32
        %mul3A_370 = arith.muli %scan3A_367, %mul3A_369 : i32
        %get3A = arith.index_cast %mul3A_370 : i32 to index
        %get3A_371 = tpu.vector_load %arg6[%get3A] {strides = array<i32>} : memref<512xi32, #tpu.memory_space<vmem>>, vector<16xi32>,
        %ge3A_372 = vector.broadcast %xor3A_357 : i32 to vector<16xi32>
        %ge3A_373 = arith.cmpi sge, %get3A_371, %ge3A_372 : vector<16xi32>
        %convert_element_type3A = arith.extui %ge3A_373 : vector<16xi1> to vector<16xi32>
        %broadcast_in_dim3A_374 = arith.constant true
        %broadcast_in_dim3A_375 = vector.broadcast %broadcast_in_dim3A_374 : i1 to vector<16xi1>
        %masked_cumsum3A = tpu.scan <sum>, %convert_element_type3A masked %broadcast_in_dim3A_375 : vector<16xi32>, vector<16xi1> -> vector<16xi32>
        %slice3A = vector.extract_strided_slice %masked_cumsum3A {offsets = [15], sizes = [1], strides = [1]} : vector<16xi32> to vector<1xi32>
        %squeeze3A = vector.extract %slice3A[0] : i32 from vector<1xi32>
        %add3A_376 = arith.addi %scan3A_368, %squeeze3A : i32
        scf.yield %add3A_376 : i32
      }
      %scan3A_364 = arith.constant 32 : i32
      %ge3A = arith.constant 64 : i32
      %ge3A_365 = arith.cmpi sge, %scan3A_363, %ge3A : i32
      %select_n3A_366 = arith.select %ge3A_365, %or3A, %scan3A_352 : i32
      scf.yield %select_n3A_366 : i32
    }
    %scan3A_254 = arith.constant 16 : i32
    %xor3A_255 = arith.constant -2147483648 : i32
    %xor3A_256 = arith.xori %scan3A_253, %xor3A_255 : i32
    %scan3A_257 = arith.constant 0 : i32
    %scan3A_258 = arith.constant 0 : i32
    %scan3A_259 = arith.constant 32 : i32
    %scan3A_260 = arith.addi %scan3A_258, %scan3A_259 : i32
    %scan3A_261 = arith.constant 1 : i32
    %scan3A_262 = scf.for %scan3A_351 = %scan3A_258 to %scan3A_260 step %scan3A_261 iter_args(%scan3A_352 = %scan3A_257) -> (i32)  : i32 {
      %mul3A_353 = arith.constant 16 : i32
      %mul3A_354 = arith.muli %scan3A_351, %mul3A_353 : i32
      %get3A = arith.index_cast %mul3A_354 : i32 to index
      %get3A_355 = tpu.vector_load %arg6[%get3A] {strides = array<i32>} : memref<512xi32, #tpu.memory_space<vmem>>, vector<16xi32>,
      %ge3A = vector.broadcast %xor3A_256 : i32 to vector<16xi32>
      %ge3A_356 = arith.cmpi sge, %get3A_355, %ge3A : vector<16xi32>
      %convert_element_type3A = arith.extui %ge3A_356 : vector<16xi1> to vector<16xi32>
      %broadcast_in_dim3A_357 = arith.constant true
      %broadcast_in_dim3A_358 = vector.broadcast %broadcast_in_dim3A_357 : i1 to vector<16xi1>
      %masked_cumsum3A = tpu.scan <sum>, %convert_element_type3A masked %broadcast_in_dim3A_358 : vector<16xi32>, vector<16xi1> -> vector<16xi32>
      %add3A_359 = vector.broadcast %scan3A_352 : i32 to vector<16xi32>
      %add3A_360 = arith.addi %add3A_359, %masked_cumsum3A : vector<16xi32>
      %sub3A_361 = arith.constant 1 : i32
      %sub3A_362 = vector.broadcast %sub3A_361 : i32 to vector<16xi32>
      %sub3A_363 = arith.subi %add3A_360, %sub3A_362 : vector<16xi32>
      %mul3A_364 = arith.constant 16 : i32
      %mul3A_365 = arith.muli %scan3A_351, %mul3A_364 : i32
      %add3A_366 = vector.broadcast %mul3A_365 : i32 to vector<16xi32>
      %add3A_367 = arith.addi %add3A_366, %iota3A : vector<16xi32>
      tpu.vector_store_idx %arg7[%sub3A_363], %add3A_367 masked %ge3A_356 : memref<528xi32, #tpu.memory_space<vmem>>[vector<16xi32>], vector<16xi32>, vector<16xi1>
      %slice3A = vector.extract_strided_slice %masked_cumsum3A {offsets = [15], sizes = [1], strides = [1]} : vector<16xi32> to vector<1xi32>
      %squeeze3A = vector.extract %slice3A[0] : i32 from vector<1xi32>
      %add3A_368 = arith.addi %scan3A_352, %squeeze3A : i32
      scf.yield %add3A_368 : i32
    }
    %scan3A_263 = arith.constant 32 : i32
    %while3A_264 = arith.constant 0 : i32
    %while3A_265 = arith.constant 0 : i32
    %while3A_266 = arith.subi %scan3A_262, %while3A_264 : i32
    %while3A_267 = arith.addi %while3A_264, %while3A_266 : i32
    %while3A_268 = arith.constant 1 : i32
    %while3A_269 = arith.divsi %while3A_266, %while3A_268 : i32
    %while3A_270 = arith.muli %while3A_269, %while3A_268 : i32
    %while3A_271 = arith.addi %while3A_264, %while3A_270 : i32
    %while3A_272 = arith.constant 1 : i32
    %while3A_273 = scf.for %while3A_351 = %while3A_264 to %while3A_271 step %while3A_272 iter_args(%while3A_352 = %while3A_265) -> (i32)  : i32 {
      %get3A = arith.index_cast %while3A_351 : i32 to index
      %get3A_353 = tpu.vector_load %arg7[%get3A] {strides = array<i32>} : memref<528xi32, #tpu.memory_space<vmem>>, vector<16xi32>,
      %slice3A = vector.extract_strided_slice %get3A_353 {offsets = [0], sizes = [1], strides = [1]} : vector<16xi32> to vector<1xi32>
      %squeeze3A = vector.extract %slice3A[0] : i32 from vector<1xi32>
      %shift_right_arithmetic3A_354 = arith.constant 4 : i32
      %shift_right_arithmetic3A_355 = arith.shrsi %squeeze3A, %shift_right_arithmetic3A_354 : i32
      %mul3A_356 = arith.constant 1024 : i32
      %mul3A_357 = arith.muli %shift_right_arithmetic3A_355, %mul3A_356 : i32
      %and3A = arith.constant 15 : i32
      %and3A_358 = arith.andi %squeeze3A, %and3A : i32
      %add3A_359 = arith.addi %mul3A_357, %and3A_358 : i32
      %add3A_360 = arith.constant 0 : i32
      %add3A_361 = arith.addi %add3A_359, %add3A_360 : i32
      %add3A_362 = vector.broadcast %add3A_361 : i32 to vector<16xi32>
      %add3A_363 = arith.addi %add3A_362, %mul3A_3 : vector<16xi32>
      %gather3A = tpu.vector_load_idx %arg5[%add3A_363] : memref<32768xi32, #tpu.memory_space<vmem>>[vector<16xi32>], vector<16xi32>,
      %shift_right_arithmetic3A_364 = arith.constant 31 : i32
      %shift_right_arithmetic3A_365 = vector.broadcast %shift_right_arithmetic3A_364 : i32 to vector<16xi32>
      %shift_right_arithmetic3A_366 = arith.shrsi %gather3A, %shift_right_arithmetic3A_365 : vector<16xi32>
      %and3A_367 = arith.constant 2147483647 : i32
      %and3A_368 = vector.broadcast %and3A_367 : i32 to vector<16xi32>
      %and3A_369 = arith.andi %shift_right_arithmetic3A_366, %and3A_368 : vector<16xi32>
      %xor3A_370 = arith.xori %gather3A, %and3A_369 : vector<16xi32>
      %ge3A = vector.broadcast %xor3A_256 : i32 to vector<16xi32>
      %ge3A_371 = arith.cmpi sge, %xor3A_370, %ge3A : vector<16xi32>
      %convert_element_type3A = arith.extui %ge3A_371 : vector<16xi1> to vector<16xi32>
      %broadcast_in_dim3A_372 = arith.constant true
      %broadcast_in_dim3A_373 = vector.broadcast %broadcast_in_dim3A_372 : i1 to vector<16xi1>
      %masked_cumsum3A = tpu.scan <sum>, %convert_element_type3A masked %broadcast_in_dim3A_373 : vector<16xi32>, vector<16xi1> -> vector<16xi32>
      %add3A_374 = arith.constant 0 : i32
      %add3A_375 = arith.addi %while3A_352, %add3A_374 : i32
      %add3A_376 = vector.broadcast %add3A_375 : i32 to vector<16xi32>
      %add3A_377 = arith.addi %add3A_376, %masked_cumsum3A : vector<16xi32>
      %sub3A_378 = arith.constant 1 : i32
      %sub3A_379 = vector.broadcast %sub3A_378 : i32 to vector<16xi32>
      %sub3A_380 = arith.subi %add3A_377, %sub3A_379 : vector<16xi32>
      %min3A = arith.constant 4095 : i32
      %min3A_381 = vector.broadcast %min3A : i32 to vector<16xi32>
      %min3A_382 = arith.minsi %sub3A_380, %min3A_381 : vector<16xi32>
      tpu.vector_store_idx %arg8[%min3A_382], %xor3A_370 masked %ge3A_371 : memref<4096xi32, #tpu.memory_space<vmem>>[vector<16xi32>], vector<16xi32>, vector<16xi1>
      tpu.vector_store_idx %arg9[%min3A_382], %add3A_363 masked %ge3A_371 : memref<4096xi32, #tpu.memory_space<vmem>>[vector<16xi32>], vector<16xi32>, vector<16xi1>
      %slice3A_383 = vector.extract_strided_slice %masked_cumsum3A {offsets = [15], sizes = [1], strides = [1]} : vector<16xi32> to vector<1xi32>
      %squeeze3A_384 = vector.extract %slice3A_383[0] : i32 from vector<1xi32>
      %add3A_385 = arith.constant 0 : i32
      %add3A_386 = arith.addi %add3A_385, %squeeze3A_384 : i32
      %add3A_387 = arith.constant 256 : i32
      %add3A_388 = arith.addi %add3A_359, %add3A_387 : i32
      %add3A_389 = vector.broadcast %add3A_388 : i32 to vector<16xi32>
      %add3A_390 = arith.addi %add3A_389, %mul3A_3 : vector<16xi32>
      %gather3A_391 = tpu.vector_load_idx %arg5[%add3A_390] : memref<32768xi32, #tpu.memory_space<vmem>>[vector<16xi32>], vector<16xi32>,
      %shift_right_arithmetic3A_392 = arith.constant 31 : i32
      %shift_right_arithmetic3A_393 = vector.broadcast %shift_right_arithmetic3A_392 : i32 to vector<16xi32>
      %shift_right_arithmetic3A_394 = arith.shrsi %gather3A_391, %shift_right_arithmetic3A_393 : vector<16xi32>
      %and3A_395 = arith.constant 2147483647 : i32
      %and3A_396 = vector.broadcast %and3A_395 : i32 to vector<16xi32>
      %and3A_397 = arith.andi %shift_right_arithmetic3A_394, %and3A_396 : vector<16xi32>
      %xor3A_398 = arith.xori %gather3A_391, %and3A_397 : vector<16xi32>
      %ge3A_399 = vector.broadcast %xor3A_256 : i32 to vector<16xi32>
      %ge3A_400 = arith.cmpi sge, %xor3A_398, %ge3A_399 : vector<16xi32>
      %convert_element_type3A_401 = arith.extui %ge3A_400 : vector<16xi1> to vector<16xi32>
      %broadcast_in_dim3A_402 = arith.constant true
      %broadcast_in_dim3A_403 = vector.broadcast %broadcast_in_dim3A_402 : i1 to vector<16xi1>
      %masked_cumsum3A_404 = tpu.scan <sum>, %convert_element_type3A_401 masked %broadcast_in_dim3A_403 : vector<16xi32>, vector<16xi1> -> vector<16xi32>
      %add3A_405 = arith.addi %while3A_352, %add3A_386 : i32
      %add3A_406 = vector.broadcast %add3A_405 : i32 to vector<16xi32>
      %add3A_407 = arith.addi %add3A_406, %masked_cumsum3A_404 : vector<16xi32>
      %sub3A_408 = arith.constant 1 : i32
      %sub3A_409 = vector.broadcast %sub3A_408 : i32 to vector<16xi32>
      %sub3A_410 = arith.subi %add3A_407, %sub3A_409 : vector<16xi32>
      %min3A_411 = arith.constant 4095 : i32
      %min3A_412 = vector.broadcast %min3A_411 : i32 to vector<16xi32>
      %min3A_413 = arith.minsi %sub3A_410, %min3A_412 : vector<16xi32>
      tpu.vector_store_idx %arg8[%min3A_413], %xor3A_398 masked %ge3A_400 : memref<4096xi32, #tpu.memory_space<vmem>>[vector<16xi32>], vector<16xi32>, vector<16xi1>
      tpu.vector_store_idx %arg9[%min3A_413], %add3A_390 masked %ge3A_400 : memref<4096xi32, #tpu.memory_space<vmem>>[vector<16xi32>], vector<16xi32>, vector<16xi1>
      %slice3A_414 = vector.extract_strided_slice %masked_cumsum3A_404 {offsets = [15], sizes = [1], strides = [1]} : vector<16xi32> to vector<1xi32>
      %squeeze3A_415 = vector.extract %slice3A_414[0] : i32 from vector<1xi32>
      %add3A_416 = arith.addi %add3A_386, %squeeze3A_415 : i32
      %add3A_417 = arith.constant 512 : i32
      %add3A_418 = arith.addi %add3A_359, %add3A_417 : i32
      %add3A_419 = vector.broadcast %add3A_418 : i32 to vector<16xi32>
      %add3A_420 = arith.addi %add3A_419, %mul3A_3 : vector<16xi32>
      %gather3A_421 = tpu.vector_load_idx %arg5[%add3A_420] : memref<32768xi32, #tpu.memory_space<vmem>>[vector<16xi32>], vector<16xi32>,
      %shift_right_arithmetic3A_422 = arith.constant 31 : i32
      %shift_right_arithmetic3A_423 = vector.broadcast %shift_right_arithmetic3A_422 : i32 to vector<16xi32>
      %shift_right_arithmetic3A_424 = arith.shrsi %gather3A_421, %shift_right_arithmetic3A_423 : vector<16xi32>
      %and3A_425 = arith.constant 2147483647 : i32
      %and3A_426 = vector.broadcast %and3A_425 : i32 to vector<16xi32>
      %and3A_427 = arith.andi %shift_right_arithmetic3A_424, %and3A_426 : vector<16xi32>
      %xor3A_428 = arith.xori %gather3A_421, %and3A_427 : vector<16xi32>
      %ge3A_429 = vector.broadcast %xor3A_256 : i32 to vector<16xi32>
      %ge3A_430 = arith.cmpi sge, %xor3A_428, %ge3A_429 : vector<16xi32>
      %convert_element_type3A_431 = arith.extui %ge3A_430 : vector<16xi1> to vector<16xi32>
      %broadcast_in_dim3A_432 = arith.constant true
      %broadcast_in_dim3A_433 = vector.broadcast %broadcast_in_dim3A_432 : i1 to vector<16xi1>
      %masked_cumsum3A_434 = tpu.scan <sum>, %convert_element_type3A_431 masked %broadcast_in_dim3A_433 : vector<16xi32>, vector<16xi1> -> vector<16xi32>
      %add3A_435 = arith.addi %while3A_352, %add3A_416 : i32
      %add3A_436 = vector.broadcast %add3A_435 : i32 to vector<16xi32>
      %add3A_437 = arith.addi %add3A_436, %masked_cumsum3A_434 : vector<16xi32>
      %sub3A_438 = arith.constant 1 : i32
      %sub3A_439 = vector.broadcast %sub3A_438 : i32 to vector<16xi32>
      %sub3A_440 = arith.subi %add3A_437, %sub3A_439 : vector<16xi32>
      %min3A_441 = arith.constant 4095 : i32
      %min3A_442 = vector.broadcast %min3A_441 : i32 to vector<16xi32>
      %min3A_443 = arith.minsi %sub3A_440, %min3A_442 : vector<16xi32>
      tpu.vector_store_idx %arg8[%min3A_443], %xor3A_428 masked %ge3A_430 : memref<4096xi32, #tpu.memory_space<vmem>>[vector<16xi32>], vector<16xi32>, vector<16xi1>
      tpu.vector_store_idx %arg9[%min3A_443], %add3A_420 masked %ge3A_430 : memref<4096xi32, #tpu.memory_space<vmem>>[vector<16xi32>], vector<16xi32>, vector<16xi1>
      %slice3A_444 = vector.extract_strided_slice %masked_cumsum3A_434 {offsets = [15], sizes = [1], strides = [1]} : vector<16xi32> to vector<1xi32>
      %squeeze3A_445 = vector.extract %slice3A_444[0] : i32 from vector<1xi32>
      %add3A_446 = arith.addi %add3A_416, %squeeze3A_445 : i32
      %add3A_447 = arith.constant 768 : i32
      %add3A_448 = arith.addi %add3A_359, %add3A_447 : i32
      %add3A_449 = vector.broadcast %add3A_448 : i32 to vector<16xi32>
      %add3A_450 = arith.addi %add3A_449, %mul3A_3 : vector<16xi32>
      %gather3A_451 = tpu.vector_load_idx %arg5[%add3A_450] : memref<32768xi32, #tpu.memory_space<vmem>>[vector<16xi32>], vector<16xi32>,
      %shift_right_arithmetic3A_452 = arith.constant 31 : i32
      %shift_right_arithmetic3A_453 = vector.broadcast %shift_right_arithmetic3A_452 : i32 to vector<16xi32>
      %shift_right_arithmetic3A_454 = arith.shrsi %gather3A_451, %shift_right_arithmetic3A_453 : vector<16xi32>
      %and3A_455 = arith.constant 2147483647 : i32
      %and3A_456 = vector.broadcast %and3A_455 : i32 to vector<16xi32>
      %and3A_457 = arith.andi %shift_right_arithmetic3A_454, %and3A_456 : vector<16xi32>
      %xor3A_458 = arith.xori %gather3A_451, %and3A_457 : vector<16xi32>
      %ge3A_459 = vector.broadcast %xor3A_256 : i32 to vector<16xi32>
      %ge3A_460 = arith.cmpi sge, %xor3A_458, %ge3A_459 : vector<16xi32>
      %convert_element_type3A_461 = arith.extui %ge3A_460 : vector<16xi1> to vector<16xi32>
      %broadcast_in_dim3A_462 = arith.constant true
      %broadcast_in_dim3A_463 = vector.broadcast %broadcast_in_dim3A_462 : i1 to vector<16xi1>
      %masked_cumsum3A_464 = tpu.scan <sum>, %convert_element_type3A_461 masked %broadcast_in_dim3A_463 : vector<16xi32>, vector<16xi1> -> vector<16xi32>
      %add3A_465 = arith.addi %while3A_352, %add3A_446 : i32
      %add3A_466 = vector.broadcast %add3A_465 : i32 to vector<16xi32>
      %add3A_467 = arith.addi %add3A_466, %masked_cumsum3A_464 : vector<16xi32>
      %sub3A_468 = arith.constant 1 : i32
      %sub3A_469 = vector.broadcast %sub3A_468 : i32 to vector<16xi32>
      %sub3A_470 = arith.subi %add3A_467, %sub3A_469 : vector<16xi32>
      %min3A_471 = arith.constant 4095 : i32
      %min3A_472 = vector.broadcast %min3A_471 : i32 to vector<16xi32>
      %min3A_473 = arith.minsi %sub3A_470, %min3A_472 : vector<16xi32>
      tpu.vector_store_idx %arg8[%min3A_473], %xor3A_458 masked %ge3A_460 : memref<4096xi32, #tpu.memory_space<vmem>>[vector<16xi32>], vector<16xi32>, vector<16xi1>
      tpu.vector_store_idx %arg9[%min3A_473], %add3A_450 masked %ge3A_460 : memref<4096xi32, #tpu.memory_space<vmem>>[vector<16xi32>], vector<16xi32>, vector<16xi1>
      %slice3A_474 = vector.extract_strided_slice %masked_cumsum3A_464 {offsets = [15], sizes = [1], strides = [1]} : vector<16xi32> to vector<1xi32>
      %squeeze3A_475 = vector.extract %slice3A_474[0] : i32 from vector<1xi32>
      %add3A_476 = arith.addi %add3A_446, %squeeze3A_475 : i32
      %add3A_477 = arith.addi %while3A_352, %add3A_476 : i32
      %min3A_478 = arith.constant 4080 : i32
      %min3A_479 = arith.minsi %add3A_477, %min3A_478 : i32
      scf.yield %min3A_479 : i32
    }
    %while3A_274 = arith.constant 1 : i32
    %while3A_275 = scf.for %while3A_351 = %while3A_271 to %while3A_267 step %while3A_274 iter_args(%while3A_352 = %while3A_273) -> (i32)  : i32 {
      %get3A = arith.index_cast %while3A_351 : i32 to index
      %get3A_353 = tpu.vector_load %arg7[%get3A] {strides = array<i32>} : memref<528xi32, #tpu.memory_space<vmem>>, vector<16xi32>,
      %slice3A = vector.extract_strided_slice %get3A_353 {offsets = [0], sizes = [1], strides = [1]} : vector<16xi32> to vector<1xi32>
      %squeeze3A = vector.extract %slice3A[0] : i32 from vector<1xi32>
      %shift_right_arithmetic3A_354 = arith.constant 4 : i32
      %shift_right_arithmetic3A_355 = arith.shrsi %squeeze3A, %shift_right_arithmetic3A_354 : i32
      %mul3A_356 = arith.constant 1024 : i32
      %mul3A_357 = arith.muli %shift_right_arithmetic3A_355, %mul3A_356 : i32
      %and3A = arith.constant 15 : i32
      %and3A_358 = arith.andi %squeeze3A, %and3A : i32
      %add3A_359 = arith.addi %mul3A_357, %and3A_358 : i32
      %add3A_360 = arith.constant 0 : i32
      %add3A_361 = arith.addi %add3A_359, %add3A_360 : i32
      %add3A_362 = vector.broadcast %add3A_361 : i32 to vector<16xi32>
      %add3A_363 = arith.addi %add3A_362, %mul3A_3 : vector<16xi32>
      %gather3A = tpu.vector_load_idx %arg5[%add3A_363] : memref<32768xi32, #tpu.memory_space<vmem>>[vector<16xi32>], vector<16xi32>,
      %shift_right_arithmetic3A_364 = arith.constant 31 : i32
      %shift_right_arithmetic3A_365 = vector.broadcast %shift_right_arithmetic3A_364 : i32 to vector<16xi32>
      %shift_right_arithmetic3A_366 = arith.shrsi %gather3A, %shift_right_arithmetic3A_365 : vector<16xi32>
      %and3A_367 = arith.constant 2147483647 : i32
      %and3A_368 = vector.broadcast %and3A_367 : i32 to vector<16xi32>
      %and3A_369 = arith.andi %shift_right_arithmetic3A_366, %and3A_368 : vector<16xi32>
      %xor3A_370 = arith.xori %gather3A, %and3A_369 : vector<16xi32>
      %ge3A = vector.broadcast %xor3A_256 : i32 to vector<16xi32>
      %ge3A_371 = arith.cmpi sge, %xor3A_370, %ge3A : vector<16xi32>
      %convert_element_type3A = arith.extui %ge3A_371 : vector<16xi1> to vector<16xi32>
      %broadcast_in_dim3A_372 = arith.constant true
      %broadcast_in_dim3A_373 = vector.broadcast %broadcast_in_dim3A_372 : i1 to vector<16xi1>
      %masked_cumsum3A = tpu.scan <sum>, %convert_element_type3A masked %broadcast_in_dim3A_373 : vector<16xi32>, vector<16xi1> -> vector<16xi32>
      %add3A_374 = arith.constant 0 : i32
      %add3A_375 = arith.addi %while3A_352, %add3A_374 : i32
      %add3A_376 = vector.broadcast %add3A_375 : i32 to vector<16xi32>
      %add3A_377 = arith.addi %add3A_376, %masked_cumsum3A : vector<16xi32>
      %sub3A_378 = arith.constant 1 : i32
      %sub3A_379 = vector.broadcast %sub3A_378 : i32 to vector<16xi32>
      %sub3A_380 = arith.subi %add3A_377, %sub3A_379 : vector<16xi32>
      %min3A = arith.constant 4095 : i32
      %min3A_381 = vector.broadcast %min3A : i32 to vector<16xi32>
      %min3A_382 = arith.minsi %sub3A_380, %min3A_381 : vector<16xi32>
      tpu.vector_store_idx %arg8[%min3A_382], %xor3A_370 masked %ge3A_371 : memref<4096xi32, #tpu.memory_space<vmem>>[vector<16xi32>], vector<16xi32>, vector<16xi1>
      tpu.vector_store_idx %arg9[%min3A_382], %add3A_363 masked %ge3A_371 : memref<4096xi32, #tpu.memory_space<vmem>>[vector<16xi32>], vector<16xi32>, vector<16xi1>
      %slice3A_383 = vector.extract_strided_slice %masked_cumsum3A {offsets = [15], sizes = [1], strides = [1]} : vector<16xi32> to vector<1xi32>
      %squeeze3A_384 = vector.extract %slice3A_383[0] : i32 from vector<1xi32>
      %add3A_385 = arith.constant 0 : i32
      %add3A_386 = arith.addi %add3A_385, %squeeze3A_384 : i32
      %add3A_387 = arith.constant 256 : i32
      %add3A_388 = arith.addi %add3A_359, %add3A_387 : i32
      %add3A_389 = vector.broadcast %add3A_388 : i32 to vector<16xi32>
      %add3A_390 = arith.addi %add3A_389, %mul3A_3 : vector<16xi32>
      %gather3A_391 = tpu.vector_load_idx %arg5[%add3A_390] : memref<32768xi32, #tpu.memory_space<vmem>>[vector<16xi32>], vector<16xi32>,
      %shift_right_arithmetic3A_392 = arith.constant 31 : i32
      %shift_right_arithmetic3A_393 = vector.broadcast %shift_right_arithmetic3A_392 : i32 to vector<16xi32>
      %shift_right_arithmetic3A_394 = arith.shrsi %gather3A_391, %shift_right_arithmetic3A_393 : vector<16xi32>
      %and3A_395 = arith.constant 2147483647 : i32
      %and3A_396 = vector.broadcast %and3A_395 : i32 to vector<16xi32>
      %and3A_397 = arith.andi %shift_right_arithmetic3A_394, %and3A_396 : vector<16xi32>
      %xor3A_398 = arith.xori %gather3A_391, %and3A_397 : vector<16xi32>
      %ge3A_399 = vector.broadcast %xor3A_256 : i32 to vector<16xi32>
      %ge3A_400 = arith.cmpi sge, %xor3A_398, %ge3A_399 : vector<16xi32>
      %convert_element_type3A_401 = arith.extui %ge3A_400 : vector<16xi1> to vector<16xi32>
      %broadcast_in_dim3A_402 = arith.constant true
      %broadcast_in_dim3A_403 = vector.broadcast %broadcast_in_dim3A_402 : i1 to vector<16xi1>
      %masked_cumsum3A_404 = tpu.scan <sum>, %convert_element_type3A_401 masked %broadcast_in_dim3A_403 : vector<16xi32>, vector<16xi1> -> vector<16xi32>
      %add3A_405 = arith.addi %while3A_352, %add3A_386 : i32
      %add3A_406 = vector.broadcast %add3A_405 : i32 to vector<16xi32>
      %add3A_407 = arith.addi %add3A_406, %masked_cumsum3A_404 : vector<16xi32>
      %sub3A_408 = arith.constant 1 : i32
      %sub3A_409 = vector.broadcast %sub3A_408 : i32 to vector<16xi32>
      %sub3A_410 = arith.subi %add3A_407, %sub3A_409 : vector<16xi32>
      %min3A_411 = arith.constant 4095 : i32
      %min3A_412 = vector.broadcast %min3A_411 : i32 to vector<16xi32>
      %min3A_413 = arith.minsi %sub3A_410, %min3A_412 : vector<16xi32>
      tpu.vector_store_idx %arg8[%min3A_413], %xor3A_398 masked %ge3A_400 : memref<4096xi32, #tpu.memory_space<vmem>>[vector<16xi32>], vector<16xi32>, vector<16xi1>
      tpu.vector_store_idx %arg9[%min3A_413], %add3A_390 masked %ge3A_400 : memref<4096xi32, #tpu.memory_space<vmem>>[vector<16xi32>], vector<16xi32>, vector<16xi1>
      %slice3A_414 = vector.extract_strided_slice %masked_cumsum3A_404 {offsets = [15], sizes = [1], strides = [1]} : vector<16xi32> to vector<1xi32>
      %squeeze3A_415 = vector.extract %slice3A_414[0] : i32 from vector<1xi32>
      %add3A_416 = arith.addi %add3A_386, %squeeze3A_415 : i32
      %add3A_417 = arith.constant 512 : i32
      %add3A_418 = arith.addi %add3A_359, %add3A_417 : i32
      %add3A_419 = vector.broadcast %add3A_418 : i32 to vector<16xi32>
      %add3A_420 = arith.addi %add3A_419, %mul3A_3 : vector<16xi32>
      %gather3A_421 = tpu.vector_load_idx %arg5[%add3A_420] : memref<32768xi32, #tpu.memory_space<vmem>>[vector<16xi32>], vector<16xi32>,
      %shift_right_arithmetic3A_422 = arith.constant 31 : i32
      %shift_right_arithmetic3A_423 = vector.broadcast %shift_right_arithmetic3A_422 : i32 to vector<16xi32>
      %shift_right_arithmetic3A_424 = arith.shrsi %gather3A_421, %shift_right_arithmetic3A_423 : vector<16xi32>
      %and3A_425 = arith.constant 2147483647 : i32
      %and3A_426 = vector.broadcast %and3A_425 : i32 to vector<16xi32>
      %and3A_427 = arith.andi %shift_right_arithmetic3A_424, %and3A_426 : vector<16xi32>
      %xor3A_428 = arith.xori %gather3A_421, %and3A_427 : vector<16xi32>
      %ge3A_429 = vector.broadcast %xor3A_256 : i32 to vector<16xi32>
      %ge3A_430 = arith.cmpi sge, %xor3A_428, %ge3A_429 : vector<16xi32>
      %convert_element_type3A_431 = arith.extui %ge3A_430 : vector<16xi1> to vector<16xi32>
      %broadcast_in_dim3A_432 = arith.constant true
      %broadcast_in_dim3A_433 = vector.broadcast %broadcast_in_dim3A_432 : i1 to vector<16xi1>
      %masked_cumsum3A_434 = tpu.scan <sum>, %convert_element_type3A_431 masked %broadcast_in_dim3A_433 : vector<16xi32>, vector<16xi1> -> vector<16xi32>
      %add3A_435 = arith.addi %while3A_352, %add3A_416 : i32
      %add3A_436 = vector.broadcast %add3A_435 : i32 to vector<16xi32>
      %add3A_437 = arith.addi %add3A_436, %masked_cumsum3A_434 : vector<16xi32>
      %sub3A_438 = arith.constant 1 : i32
      %sub3A_439 = vector.broadcast %sub3A_438 : i32 to vector<16xi32>
      %sub3A_440 = arith.subi %add3A_437, %sub3A_439 : vector<16xi32>
      %min3A_441 = arith.constant 4095 : i32
      %min3A_442 = vector.broadcast %min3A_441 : i32 to vector<16xi32>
      %min3A_443 = arith.minsi %sub3A_440, %min3A_442 : vector<16xi32>
      tpu.vector_store_idx %arg8[%min3A_443], %xor3A_428 masked %ge3A_430 : memref<4096xi32, #tpu.memory_space<vmem>>[vector<16xi32>], vector<16xi32>, vector<16xi1>
      tpu.vector_store_idx %arg9[%min3A_443], %add3A_420 masked %ge3A_430 : memref<4096xi32, #tpu.memory_space<vmem>>[vector<16xi32>], vector<16xi32>, vector<16xi1>
      %slice3A_444 = vector.extract_strided_slice %masked_cumsum3A_434 {offsets = [15], sizes = [1], strides = [1]} : vector<16xi32> to vector<1xi32>
      %squeeze3A_445 = vector.extract %slice3A_444[0] : i32 from vector<1xi32>
      %add3A_446 = arith.addi %add3A_416, %squeeze3A_445 : i32
      %add3A_447 = arith.constant 768 : i32
      %add3A_448 = arith.addi %add3A_359, %add3A_447 : i32
      %add3A_449 = vector.broadcast %add3A_448 : i32 to vector<16xi32>
      %add3A_450 = arith.addi %add3A_449, %mul3A_3 : vector<16xi32>
      %gather3A_451 = tpu.vector_load_idx %arg5[%add3A_450] : memref<32768xi32, #tpu.memory_space<vmem>>[vector<16xi32>], vector<16xi32>,
      %shift_right_arithmetic3A_452 = arith.constant 31 : i32
      %shift_right_arithmetic3A_453 = vector.broadcast %shift_right_arithmetic3A_452 : i32 to vector<16xi32>
      %shift_right_arithmetic3A_454 = arith.shrsi %gather3A_451, %shift_right_arithmetic3A_453 : vector<16xi32>
      %and3A_455 = arith.constant 2147483647 : i32
      %and3A_456 = vector.broadcast %and3A_455 : i32 to vector<16xi32>
      %and3A_457 = arith.andi %shift_right_arithmetic3A_454, %and3A_456 : vector<16xi32>
      %xor3A_458 = arith.xori %gather3A_451, %and3A_457 : vector<16xi32>
      %ge3A_459 = vector.broadcast %xor3A_256 : i32 to vector<16xi32>
      %ge3A_460 = arith.cmpi sge, %xor3A_458, %ge3A_459 : vector<16xi32>
      %convert_element_type3A_461 = arith.extui %ge3A_460 : vector<16xi1> to vector<16xi32>
      %broadcast_in_dim3A_462 = arith.constant true
      %broadcast_in_dim3A_463 = vector.broadcast %broadcast_in_dim3A_462 : i1 to vector<16xi1>
      %masked_cumsum3A_464 = tpu.scan <sum>, %convert_element_type3A_461 masked %broadcast_in_dim3A_463 : vector<16xi32>, vector<16xi1> -> vector<16xi32>
      %add3A_465 = arith.addi %while3A_352, %add3A_446 : i32
      %add3A_466 = vector.broadcast %add3A_465 : i32 to vector<16xi32>
      %add3A_467 = arith.addi %add3A_466, %masked_cumsum3A_464 : vector<16xi32>
      %sub3A_468 = arith.constant 1 : i32
      %sub3A_469 = vector.broadcast %sub3A_468 : i32 to vector<16xi32>
      %sub3A_470 = arith.subi %add3A_467, %sub3A_469 : vector<16xi32>
      %min3A_471 = arith.constant 4095 : i32
      %min3A_472 = vector.broadcast %min3A_471 : i32 to vector<16xi32>
      %min3A_473 = arith.minsi %sub3A_470, %min3A_472 : vector<16xi32>
      tpu.vector_store_idx %arg8[%min3A_473], %xor3A_458 masked %ge3A_460 : memref<4096xi32, #tpu.memory_space<vmem>>[vector<16xi32>], vector<16xi32>, vector<16xi1>
      tpu.vector_store_idx %arg9[%min3A_473], %add3A_450 masked %ge3A_460 : memref<4096xi32, #tpu.memory_space<vmem>>[vector<16xi32>], vector<16xi32>, vector<16xi1>
      %slice3A_474 = vector.extract_strided_slice %masked_cumsum3A_464 {offsets = [15], sizes = [1], strides = [1]} : vector<16xi32> to vector<1xi32>
      %squeeze3A_475 = vector.extract %slice3A_474[0] : i32 from vector<1xi32>
      %add3A_476 = arith.addi %add3A_446, %squeeze3A_475 : i32
      %add3A_477 = arith.addi %while3A_352, %add3A_476 : i32
      %min3A_478 = arith.constant 4080 : i32
      %min3A_479 = arith.minsi %add3A_477, %min3A_478 : i32
      scf.yield %min3A_479 : i32
    }
    %add3A_276 = vector.broadcast %while3A_275 : i32 to vector<16xi32>
    %add3A_277 = arith.addi %add3A_276, %iota3A : vector<16xi32>
    %broadcast_in_dim3A_278 = arith.constant -2147483648 : i32
    %broadcast_in_dim3A_279 = vector.broadcast %broadcast_in_dim3A_278 : i32 to vector<16xi32>
    tpu.vector_store_idx %arg8[%add3A_277], %broadcast_in_dim3A_279 : memref<4096xi32, #tpu.memory_space<vmem>>[vector<16xi32>], vector<16xi32>,
    %add3A_280 = arith.constant 15 : i32
    %add3A_281 = arith.addi %while3A_275, %add3A_280 : i32
    %shift_right_arithmetic3A_282 = arith.constant 4 : i32
    %shift_right_arithmetic3A_283 = arith.shrsi %add3A_281, %shift_right_arithmetic3A_282 : i32
    %scan3A_284 = arith.constant 0 : i32
    %scan3A_285 = arith.constant 0 : i32
    %scan3A_286 = arith.constant 32 : i32
    %scan3A_287 = arith.addi %scan3A_285, %scan3A_286 : i32
    %scan3A_288 = arith.constant 1 : i32
    %scan3A_289 = scf.for %scan3A_351 = %scan3A_285 to %scan3A_287 step %scan3A_288 iter_args(%scan3A_352 = %scan3A_284) -> (i32)  : i32 {
      %sub3A_353 = arith.constant 31 : i32
      %sub3A_354 = arith.subi %sub3A_353, %scan3A_351 : i32
      %shift_left3A = arith.constant 1 : i32
      %shift_left3A_355 = arith.shli %shift_left3A, %sub3A_354 : i32
      %or3A = arith.ori %scan3A_352, %shift_left3A_355 : i32
      %xor3A_356 = arith.constant -2147483648 : i32
      %xor3A_357 = arith.xori %or3A, %xor3A_356 : i32
      %while3A_358 = arith.constant 0 : i32
      %while3A_359 = arith.constant 0 : i32
      %while3A_360 = arith.subi %shift_right_arithmetic3A_283, %while3A_358 : i32
      %while3A_361 = arith.addi %while3A_358, %while3A_360 : i32
      %while3A_362 = arith.constant 1 : i32
      %while3A_363 = arith.divsi %while3A_360, %while3A_362 : i32
      %while3A_364 = arith.muli %while3A_363, %while3A_362 : i32
      %while3A_365 = arith.addi %while3A_358, %while3A_364 : i32
      %while3A_366 = arith.constant 1 : i32
      %while3A_367 = scf.for %while3A_372 = %while3A_358 to %while3A_365 step %while3A_366 iter_args(%while3A_373 = %while3A_359) -> (i32)  : i32 {
        %mul3A_374 = arith.constant 16 : i32
        %mul3A_375 = arith.muli %while3A_372, %mul3A_374 : i32
        %get3A = arith.index_cast %mul3A_375 : i32 to index
        %get3A_376 = tpu.vector_load %arg8[%get3A] {strides = array<i32>} : memref<4096xi32, #tpu.memory_space<vmem>>, vector<16xi32>,
        %ge3A_377 = vector.broadcast %xor3A_357 : i32 to vector<16xi32>
        %ge3A_378 = arith.cmpi sge, %get3A_376, %ge3A_377 : vector<16xi32>
        %convert_element_type3A = arith.extui %ge3A_378 : vector<16xi1> to vector<16xi32>
        %broadcast_in_dim3A_379 = arith.constant true
        %broadcast_in_dim3A_380 = vector.broadcast %broadcast_in_dim3A_379 : i1 to vector<16xi1>
        %masked_cumsum3A = tpu.scan <sum>, %convert_element_type3A masked %broadcast_in_dim3A_380 : vector<16xi32>, vector<16xi1> -> vector<16xi32>
        %slice3A = vector.extract_strided_slice %masked_cumsum3A {offsets = [15], sizes = [1], strides = [1]} : vector<16xi32> to vector<1xi32>
        %squeeze3A = vector.extract %slice3A[0] : i32 from vector<1xi32>
        %add3A_381 = arith.addi %while3A_373, %squeeze3A : i32
        scf.yield %add3A_381 : i32
      }
      %while3A_368 = arith.constant 1 : i32
      %while3A_369 = scf.for %while3A_372 = %while3A_365 to %while3A_361 step %while3A_368 iter_args(%while3A_373 = %while3A_367) -> (i32)  : i32 {
        %mul3A_374 = arith.constant 16 : i32
        %mul3A_375 = arith.muli %while3A_372, %mul3A_374 : i32
        %get3A = arith.index_cast %mul3A_375 : i32 to index
        %get3A_376 = tpu.vector_load %arg8[%get3A] {strides = array<i32>} : memref<4096xi32, #tpu.memory_space<vmem>>, vector<16xi32>,
        %ge3A_377 = vector.broadcast %xor3A_357 : i32 to vector<16xi32>
        %ge3A_378 = arith.cmpi sge, %get3A_376, %ge3A_377 : vector<16xi32>
        %convert_element_type3A = arith.extui %ge3A_378 : vector<16xi1> to vector<16xi32>
        %broadcast_in_dim3A_379 = arith.constant true
        %broadcast_in_dim3A_380 = vector.broadcast %broadcast_in_dim3A_379 : i1 to vector<16xi1>
        %masked_cumsum3A = tpu.scan <sum>, %convert_element_type3A masked %broadcast_in_dim3A_380 : vector<16xi32>, vector<16xi1> -> vector<16xi32>
        %slice3A = vector.extract_strided_slice %masked_cumsum3A {offsets = [15], sizes = [1], strides = [1]} : vector<16xi32> to vector<1xi32>
        %squeeze3A = vector.extract %slice3A[0] : i32 from vector<1xi32>
        %add3A_381 = arith.addi %while3A_373, %squeeze3A : i32
        scf.yield %add3A_381 : i32
      }
      %ge3A = arith.constant 64 : i32
      %ge3A_370 = arith.cmpi sge, %while3A_369, %ge3A : i32
      %select_n3A_371 = arith.select %ge3A_370, %or3A, %scan3A_352 : i32
      scf.yield %select_n3A_371 : i32
    }
    %scan3A_290 = arith.constant 32 : i32
    %xor3A_291 = arith.constant -2147483648 : i32
    %xor3A_292 = arith.xori %scan3A_289, %xor3A_291 : i32
    %while3A_293 = arith.constant 0 : i32
    %while3A_294 = arith.constant 0 : i32
    %while3A_295 = arith.subi %shift_right_arithmetic3A_283, %while3A_293 : i32
    %while3A_296 = arith.addi %while3A_293, %while3A_295 : i32
    %while3A_297 = arith.constant 1 : i32
    %while3A_298 = arith.divsi %while3A_295, %while3A_297 : i32
    %while3A_299 = arith.muli %while3A_298, %while3A_297 : i32
    %while3A_300 = arith.addi %while3A_293, %while3A_299 : i32
    %while3A_301 = arith.constant 1 : i32
    %while3A_302 = scf.for %while3A_351 = %while3A_293 to %while3A_300 step %while3A_301 iter_args(%while3A_352 = %while3A_294) -> (i32)  : i32 {
      %mul3A_353 = arith.constant 16 : i32
      %mul3A_354 = arith.muli %while3A_351, %mul3A_353 : i32
      %get3A = arith.index_cast %mul3A_354 : i32 to index
      %get3A_355 = tpu.vector_load %arg8[%get3A] {strides = array<i32>} : memref<4096xi32, #tpu.memory_space<vmem>>, vector<16xi32>,
      %gt3A = vector.broadcast %xor3A_292 : i32 to vector<16xi32>
      %gt3A_356 = arith.cmpi sgt, %get3A_355, %gt3A : vector<16xi32>
      %convert_element_type3A = arith.extui %gt3A_356 : vector<16xi1> to vector<16xi32>
      %broadcast_in_dim3A_357 = arith.constant true
      %broadcast_in_dim3A_358 = vector.broadcast %broadcast_in_dim3A_357 : i1 to vector<16xi1>
      %masked_cumsum3A = tpu.scan <sum>, %convert_element_type3A masked %broadcast_in_dim3A_358 : vector<16xi32>, vector<16xi1> -> vector<16xi32>
      %slice3A = vector.extract_strided_slice %masked_cumsum3A {offsets = [15], sizes = [1], strides = [1]} : vector<16xi32> to vector<1xi32>
      %squeeze3A = vector.extract %slice3A[0] : i32 from vector<1xi32>
      %add3A_359 = arith.addi %while3A_352, %squeeze3A : i32
      %eq3A = vector.broadcast %xor3A_292 : i32 to vector<16xi32>
      %eq3A_360 = arith.cmpi eq, %get3A_355, %eq3A : vector<16xi32>
      %mul3A_361 = arith.constant 16 : i32
      %mul3A_362 = arith.muli %while3A_351, %mul3A_361 : i32
      %get3A_363 = arith.index_cast %mul3A_362 : i32 to index
      %get3A_364 = tpu.vector_load %arg9[%get3A_363] {strides = array<i32>} : memref<4096xi32, #tpu.memory_space<vmem>>, vector<16xi32>,
      %sub3A_365 = arith.constant 32767 : i32
      %sub3A_366 = vector.broadcast %sub3A_365 : i32 to vector<16xi32>
      %sub3A_367 = arith.subi %sub3A_366, %get3A_364 : vector<16xi32>
      %jit3A = arith.constant -2147483648 : i32
      %broadcast_in_dim3A_368 = vector.broadcast %jit3A : i32 to vector<16xi32>
      %select_n3A_369 = arith.select %eq3A_360, %sub3A_367, %broadcast_in_dim3A_368 : vector<16xi1>, vector<16xi32>
      %mul3A_370 = arith.constant 16 : i32
      %mul3A_371 = arith.muli %while3A_351, %mul3A_370 : i32
      %swap3A_372 = arith.index_cast %mul3A_371 : i32 to index
      %swap3A_373 = tpu.vector_load %arg10[%swap3A_372] {strides = array<i32>} : memref<4096xi32, #tpu.memory_space<vmem>>, vector<16xi32>,
      tpu.vector_store %arg10[%swap3A_372], %select_n3A_369 {strides = array<i32>} : memref<4096xi32, #tpu.memory_space<vmem>>, vector<16xi32>,
      scf.yield %add3A_359 : i32
    }
    %while3A_303 = arith.constant 1 : i32
    %while3A_304 = scf.for %while3A_351 = %while3A_300 to %while3A_296 step %while3A_303 iter_args(%while3A_352 = %while3A_302) -> (i32)  : i32 {
      %mul3A_353 = arith.constant 16 : i32
      %mul3A_354 = arith.muli %while3A_351, %mul3A_353 : i32
      %get3A = arith.index_cast %mul3A_354 : i32 to index
      %get3A_355 = tpu.vector_load %arg8[%get3A] {strides = array<i32>} : memref<4096xi32, #tpu.memory_space<vmem>>, vector<16xi32>,
      %gt3A = vector.broadcast %xor3A_292 : i32 to vector<16xi32>
      %gt3A_356 = arith.cmpi sgt, %get3A_355, %gt3A : vector<16xi32>
      %convert_element_type3A = arith.extui %gt3A_356 : vector<16xi1> to vector<16xi32>
      %broadcast_in_dim3A_357 = arith.constant true
      %broadcast_in_dim3A_358 = vector.broadcast %broadcast_in_dim3A_357 : i1 to vector<16xi1>
      %masked_cumsum3A = tpu.scan <sum>, %convert_element_type3A masked %broadcast_in_dim3A_358 : vector<16xi32>, vector<16xi1> -> vector<16xi32>
      %slice3A = vector.extract_strided_slice %masked_cumsum3A {offsets = [15], sizes = [1], strides = [1]} : vector<16xi32> to vector<1xi32>
      %squeeze3A = vector.extract %slice3A[0] : i32 from vector<1xi32>
      %add3A_359 = arith.addi %while3A_352, %squeeze3A : i32
      %eq3A = vector.broadcast %xor3A_292 : i32 to vector<16xi32>
      %eq3A_360 = arith.cmpi eq, %get3A_355, %eq3A : vector<16xi32>
      %mul3A_361 = arith.constant 16 : i32
      %mul3A_362 = arith.muli %while3A_351, %mul3A_361 : i32
      %get3A_363 = arith.index_cast %mul3A_362 : i32 to index
      %get3A_364 = tpu.vector_load %arg9[%get3A_363] {strides = array<i32>} : memref<4096xi32, #tpu.memory_space<vmem>>, vector<16xi32>,
      %sub3A_365 = arith.constant 32767 : i32
      %sub3A_366 = vector.broadcast %sub3A_365 : i32 to vector<16xi32>
      %sub3A_367 = arith.subi %sub3A_366, %get3A_364 : vector<16xi32>
      %jit3A = arith.constant -2147483648 : i32
      %broadcast_in_dim3A_368 = vector.broadcast %jit3A : i32 to vector<16xi32>
      %select_n3A_369 = arith.select %eq3A_360, %sub3A_367, %broadcast_in_dim3A_368 : vector<16xi1>, vector<16xi32>
      %mul3A_370 = arith.constant 16 : i32
      %mul3A_371 = arith.muli %while3A_351, %mul3A_370 : i32
      %swap3A_372 = arith.index_cast %mul3A_371 : i32 to index
      %swap3A_373 = tpu.vector_load %arg10[%swap3A_372] {strides = array<i32>} : memref<4096xi32, #tpu.memory_space<vmem>>, vector<16xi32>,
      tpu.vector_store %arg10[%swap3A_372], %select_n3A_369 {strides = array<i32>} : memref<4096xi32, #tpu.memory_space<vmem>>, vector<16xi32>,
      scf.yield %add3A_359 : i32
    }
    %sub3A_305 = arith.constant 64 : i32
    %sub3A_306 = arith.subi %sub3A_305, %while3A_304 : i32
    %scan3A_307 = arith.constant -2147483648 : i32
    %scan3A_308 = arith.constant 0 : i32
    %scan3A_309 = arith.constant 15 : i32
    %scan3A_310 = arith.addi %scan3A_308, %scan3A_309 : i32
    %scan3A_311 = arith.constant 1 : i32
    %scan3A_312 = scf.for %scan3A_351 = %scan3A_308 to %scan3A_310 step %scan3A_311 iter_args(%scan3A_352 = %scan3A_307) -> (i32)  : i32 {
      %sub3A_353 = arith.constant 14 : i32
      %sub3A_354 = arith.subi %sub3A_353, %scan3A_351 : i32
      %shift_left3A = arith.constant 1 : i32
      %shift_left3A_355 = arith.shli %shift_left3A, %sub3A_354 : i32
      %or3A = arith.ori %scan3A_352, %shift_left3A_355 : i32
      %xor3A_356 = arith.constant -2147483648 : i32
      %xor3A_357 = arith.xori %or3A, %xor3A_356 : i32
      %while3A_358 = arith.constant 0 : i32
      %while3A_359 = arith.constant 0 : i32
      %while3A_360 = arith.subi %shift_right_arithmetic3A_283, %while3A_358 : i32
      %while3A_361 = arith.addi %while3A_358, %while3A_360 : i32
      %while3A_362 = arith.constant 1 : i32
      %while3A_363 = arith.divsi %while3A_360, %while3A_362 : i32
      %while3A_364 = arith.muli %while3A_363, %while3A_362 : i32
      %while3A_365 = arith.addi %while3A_358, %while3A_364 : i32
      %while3A_366 = arith.constant 1 : i32
      %while3A_367 = scf.for %while3A_371 = %while3A_358 to %while3A_365 step %while3A_366 iter_args(%while3A_372 = %while3A_359) -> (i32)  : i32 {
        %mul3A_373 = arith.constant 16 : i32
        %mul3A_374 = arith.muli %while3A_371, %mul3A_373 : i32
        %get3A = arith.index_cast %mul3A_374 : i32 to index
        %get3A_375 = tpu.vector_load %arg10[%get3A] {strides = array<i32>} : memref<4096xi32, #tpu.memory_space<vmem>>, vector<16xi32>,
        %ge3A_376 = vector.broadcast %xor3A_357 : i32 to vector<16xi32>
        %ge3A_377 = arith.cmpi sge, %get3A_375, %ge3A_376 : vector<16xi32>
        %convert_element_type3A = arith.extui %ge3A_377 : vector<16xi1> to vector<16xi32>
        %broadcast_in_dim3A_378 = arith.constant true
        %broadcast_in_dim3A_379 = vector.broadcast %broadcast_in_dim3A_378 : i1 to vector<16xi1>
        %masked_cumsum3A = tpu.scan <sum>, %convert_element_type3A masked %broadcast_in_dim3A_379 : vector<16xi32>, vector<16xi1> -> vector<16xi32>
        %slice3A = vector.extract_strided_slice %masked_cumsum3A {offsets = [15], sizes = [1], strides = [1]} : vector<16xi32> to vector<1xi32>
        %squeeze3A = vector.extract %slice3A[0] : i32 from vector<1xi32>
        %add3A_380 = arith.addi %while3A_372, %squeeze3A : i32
        scf.yield %add3A_380 : i32
      }
      %while3A_368 = arith.constant 1 : i32
      %while3A_369 = scf.for %while3A_371 = %while3A_365 to %while3A_361 step %while3A_368 iter_args(%while3A_372 = %while3A_367) -> (i32)  : i32 {
        %mul3A_373 = arith.constant 16 : i32
        %mul3A_374 = arith.muli %while3A_371, %mul3A_373 : i32
        %get3A = arith.index_cast %mul3A_374 : i32 to index
        %get3A_375 = tpu.vector_load %arg10[%get3A] {strides = array<i32>} : memref<4096xi32, #tpu.memory_space<vmem>>, vector<16xi32>,
        %ge3A_376 = vector.broadcast %xor3A_357 : i32 to vector<16xi32>
        %ge3A_377 = arith.cmpi sge, %get3A_375, %ge3A_376 : vector<16xi32>
        %convert_element_type3A = arith.extui %ge3A_377 : vector<16xi1> to vector<16xi32>
        %broadcast_in_dim3A_378 = arith.constant true
        %broadcast_in_dim3A_379 = vector.broadcast %broadcast_in_dim3A_378 : i1 to vector<16xi1>
        %masked_cumsum3A = tpu.scan <sum>, %convert_element_type3A masked %broadcast_in_dim3A_379 : vector<16xi32>, vector<16xi1> -> vector<16xi32>
        %slice3A = vector.extract_strided_slice %masked_cumsum3A {offsets = [15], sizes = [1], strides = [1]} : vector<16xi32> to vector<1xi32>
        %squeeze3A = vector.extract %slice3A[0] : i32 from vector<1xi32>
        %add3A_380 = arith.addi %while3A_372, %squeeze3A : i32
        scf.yield %add3A_380 : i32
      }
      %ge3A = arith.cmpi sge, %while3A_369, %sub3A_306 : i32
      %select_n3A_370 = arith.select %ge3A, %or3A, %scan3A_352 : i32
      scf.yield %select_n3A_370 : i32
    }
    %scan3A_313 = arith.constant 15 : i32
    %xor3A_314 = arith.constant -2147483648 : i32
    %xor3A_315 = arith.xori %scan3A_312, %xor3A_314 : i32
    %sub3A_316 = arith.constant 32767 : i32
    %sub3A_317 = arith.subi %sub3A_316, %xor3A_315 : i32
    %lt3A = arith.constant 8 : i32
    %lt3A_318 = vector.broadcast %lt3A : i32 to vector<16xi32>
    %lt3A_319 = arith.cmpi slt, %iota3A, %lt3A_318 : vector<16xi32>
    %broadcast_in_dim3A_320 = vector.broadcast %xor3A_53 : i32 to vector<16xi32>
    %broadcast_in_dim3A_321 = vector.broadcast %xor3A_132 : i32 to vector<16xi32>
    %select_n3A = arith.select %lt3A_319, %broadcast_in_dim3A_320, %broadcast_in_dim3A_321 : vector<16xi1>, vector<16xi32>
    %swap3A = arith.constant 0 : index
    %swap3A_322 = tpu.vector_load %arg11[%swap3A] {strides = array<i32>} : memref<64xi32, #tpu.memory_space<vmem>>, vector<16xi32>,
    tpu.vector_store %arg11[%swap3A], %select_n3A {strides = array<i32>} : memref<64xi32, #tpu.memory_space<vmem>>, vector<16xi32>,
    %lt3A_323 = arith.constant 8 : i32
    %lt3A_324 = vector.broadcast %lt3A_323 : i32 to vector<16xi32>
    %lt3A_325 = arith.cmpi slt, %iota3A, %lt3A_324 : vector<16xi32>
    %broadcast_in_dim3A_326 = vector.broadcast %sub3A_77 : i32 to vector<16xi32>
    %broadcast_in_dim3A_327 = vector.broadcast %sub3A_157 : i32 to vector<16xi32>
    %select_n3A_328 = arith.select %lt3A_325, %broadcast_in_dim3A_326, %broadcast_in_dim3A_327 : vector<16xi1>, vector<16xi32>
    %swap3A_329 = arith.constant 32 : index
    %swap3A_330 = tpu.vector_load %arg11[%swap3A_329] {strides = array<i32>} : memref<64xi32, #tpu.memory_space<vmem>>, vector<16xi32>,
    tpu.vector_store %arg11[%swap3A_329], %select_n3A_328 {strides = array<i32>} : memref<64xi32, #tpu.memory_space<vmem>>, vector<16xi32>,
    %lt3A_331 = arith.constant 8 : i32
    %lt3A_332 = vector.broadcast %lt3A_331 : i32 to vector<16xi32>
    %lt3A_333 = arith.cmpi slt, %iota3A, %lt3A_332 : vector<16xi32>
    %broadcast_in_dim3A_334 = vector.broadcast %xor3A_212 : i32 to vector<16xi32>
    %broadcast_in_dim3A_335 = vector.broadcast %xor3A_292 : i32 to vector<16xi32>
    %select_n3A_336 = arith.select %lt3A_333, %broadcast_in_dim3A_334, %broadcast_in_dim3A_335 : vector<16xi1>, vector<16xi32>
    %swap3A_337 = arith.constant 16 : index
    %swap3A_338 = tpu.vector_load %arg11[%swap3A_337] {strides = array<i32>} : memref<64xi32, #tpu.memory_space<vmem>>, vector<16xi32>,
    tpu.vector_store %arg11[%swap3A_337], %select_n3A_336 {strides = array<i32>} : memref<64xi32, #tpu.memory_space<vmem>>, vector<16xi32>,
    %lt3A_339 = arith.constant 8 : i32
    %lt3A_340 = vector.broadcast %lt3A_339 : i32 to vector<16xi32>
    %lt3A_341 = arith.cmpi slt, %iota3A, %lt3A_340 : vector<16xi32>
    %broadcast_in_dim3A_342 = vector.broadcast %sub3A_237 : i32 to vector<16xi32>
    %broadcast_in_dim3A_343 = vector.broadcast %sub3A_317 : i32 to vector<16xi32>
    %select_n3A_344 = arith.select %lt3A_341, %broadcast_in_dim3A_342, %broadcast_in_dim3A_343 : vector<16xi1>, vector<16xi32>
    %swap3A_345 = arith.constant 48 : index
    %swap3A_346 = tpu.vector_load %arg11[%swap3A_345] {strides = array<i32>} : memref<64xi32, #tpu.memory_space<vmem>>, vector<16xi32>,
    tpu.vector_store %arg11[%swap3A_345], %select_n3A_344 {strides = array<i32>} : memref<64xi32, #tpu.memory_space<vmem>>, vector<16xi32>,
    %mul3A_347 = arith.constant 32 : i32
    %mul3A_348 = arith.muli %add3A, %mul3A_347 : i32
    "tpu.region"() ({
      %run_scoped3A = tpu.sem_alloc : memref<!tpu.dma_semaphore, #tpu.memory_space<semaphore_mem>>
      %dma_start3A = arith.constant 0 : i32
      %dma_start3A_351 = tpu.memref_slice %arg11[%dma_start3A] : memref<64xi32, #tpu.memory_space<vmem>> -> memref<32xi32, #tpu.memory_space<vmem>>
      %dma_start3A_352 = tpu.memref_slice %arg3[%mul3A_348] : memref<1024xi32, #tpu.memory_space<hbm>> -> memref<32xi32, #tpu.memory_space<hbm>>
      %dma_start3A_353 = tpu.memref_slice %arg3[%mul3A_348] : memref<1024xi32, #tpu.memory_space<hbm>> -> memref<32xi32, #tpu.memory_space<hbm>>
      %dma_start3A_354 = arith.constant 0 : i32
      %dma_start3A_355 = tpu.memref_slice %arg11[%dma_start3A_354] : memref<64xi32, #tpu.memory_space<vmem>> -> memref<32xi32, #tpu.memory_space<vmem>>
      tpu.enqueue_dma source(%dma_start3A_355 : memref<32xi32, #tpu.memory_space<vmem>>) target(%dma_start3A_353 : memref<32xi32, #tpu.memory_space<hbm>>) target_semaphore(%run_scoped3A : memref<!tpu.dma_semaphore, #tpu.memory_space<semaphore_mem>>)
      %dma_wait3A = arith.constant 0 : i32
      %dma_wait3A_356 = tpu.memref_slice %arg11[%dma_wait3A] : memref<64xi32, #tpu.memory_space<vmem>> -> memref<32xi32, #tpu.memory_space<vmem>>
      %dma_wait3A_357 = tpu.memref_slice %arg3[%mul3A_348] : memref<1024xi32, #tpu.memory_space<hbm>> -> memref<32xi32, #tpu.memory_space<hbm>>
      %dma_wait3A_358 = tpu.memref_slice %arg3[%mul3A_348] : memref<1024xi32, #tpu.memory_space<hbm>> -> memref<32xi32, #tpu.memory_space<hbm>>
      %dma_wait3A_359 = arith.constant 0 : i32
      %dma_wait3A_360 = tpu.memref_slice %arg11[%dma_wait3A_359] : memref<64xi32, #tpu.memory_space<vmem>> -> memref<32xi32, #tpu.memory_space<vmem>>
      tpu.wait_dma2 semaphore(%run_scoped3A : memref<!tpu.dma_semaphore, #tpu.memory_space<semaphore_mem>>) src(%dma_wait3A_360 : memref<32xi32, #tpu.memory_space<vmem>>) dst(%dma_wait3A_358 : memref<32xi32, #tpu.memory_space<hbm>>)
      tpu.yield
    }) : () -> ()
    %mul3A_349 = arith.constant 32 : i32
    %mul3A_350 = arith.muli %add3A, %mul3A_349 : i32
    "tpu.region"() ({
      %run_scoped3A = tpu.sem_alloc : memref<!tpu.dma_semaphore, #tpu.memory_space<semaphore_mem>>
      %dma_start3A = arith.constant 32 : i32
      %dma_start3A_351 = tpu.memref_slice %arg11[%dma_start3A] : memref<64xi32, #tpu.memory_space<vmem>> -> memref<32xi32, #tpu.memory_space<vmem>>
      %dma_start3A_352 = tpu.memref_slice %arg4[%mul3A_350] : memref<1024xi32, #tpu.memory_space<hbm>> -> memref<32xi32, #tpu.memory_space<hbm>>
      %dma_start3A_353 = tpu.memref_slice %arg4[%mul3A_350] : memref<1024xi32, #tpu.memory_space<hbm>> -> memref<32xi32, #tpu.memory_space<hbm>>
      %dma_start3A_354 = arith.constant 32 : i32
      %dma_start3A_355 = tpu.memref_slice %arg11[%dma_start3A_354] : memref<64xi32, #tpu.memory_space<vmem>> -> memref<32xi32, #tpu.memory_space<vmem>>
      tpu.enqueue_dma source(%dma_start3A_355 : memref<32xi32, #tpu.memory_space<vmem>>) target(%dma_start3A_353 : memref<32xi32, #tpu.memory_space<hbm>>) target_semaphore(%run_scoped3A : memref<!tpu.dma_semaphore, #tpu.memory_space<semaphore_mem>>)
      %dma_wait3A = arith.constant 32 : i32
      %dma_wait3A_356 = tpu.memref_slice %arg11[%dma_wait3A] : memref<64xi32, #tpu.memory_space<vmem>> -> memref<32xi32, #tpu.memory_space<vmem>>
      %dma_wait3A_357 = tpu.memref_slice %arg4[%mul3A_350] : memref<1024xi32, #tpu.memory_space<hbm>> -> memref<32xi32, #tpu.memory_space<hbm>>
      %dma_wait3A_358 = tpu.memref_slice %arg4[%mul3A_350] : memref<1024xi32, #tpu.memory_space<hbm>> -> memref<32xi32, #tpu.memory_space<hbm>>
      %dma_wait3A_359 = arith.constant 32 : i32
      %dma_wait3A_360 = tpu.memref_slice %arg11[%dma_wait3A_359] : memref<64xi32, #tpu.memory_space<vmem>> -> memref<32xi32, #tpu.memory_space<vmem>>
      tpu.wait_dma2 semaphore(%run_scoped3A : memref<!tpu.dma_semaphore, #tpu.memory_space<semaphore_mem>>) src(%dma_wait3A_360 : memref<32xi32, #tpu.memory_space<vmem>>) dst(%dma_wait3A_358 : memref<32xi32, #tpu.memory_space<hbm>>)
      tpu.yield
    }) : () -> ()
    return
  }
}

module attributes {stable_mosaic.version = 14 : i64} {
  func.func @_mask_kernel(%arg0: i32, %arg1: memref<8x32768xi32, #tpu.memory_space<vmem>>, %arg2: memref<8x8xi32, #tpu.memory_space<vmem>>, %arg3: memref<8x8xi32, #tpu.memory_space<vmem>>, %arg4: memref<4x8x32768xf32, #tpu.memory_space<vmem>>) attributes {dimension_semantics = [#tpu.dimension_semantics<arbitrary>], iteration_bounds = array<i64: 16>, scalar_prefetch = 0 : i64, scratch_operands = 0 : i64, tpu.core_type = #tpu.core_type<tc>, window_params = [{transform_indices = @transform_0, window_bounds = array<i64: 8, 32768>}, {transform_indices = @transform_1, window_bounds = array<i64: 8, 8>}, {transform_indices = @transform_2, window_bounds = array<i64: 8, 8>}, {transform_indices = @transform_3, window_bounds = array<i64: 4, 8, 32768>}]} {
    %get3A = arith.constant 0 : index
    %get3A_0 = arith.constant 0 : index
    %get3A_1 = vector.load %arg1[%get3A, %get3A_0] : memref<8x32768xi32, #tpu.memory_space<vmem>>, vector<8x32768xi32>
    %shift_right_arithmetic3A = arith.constant 31 : i32
    %shift_right_arithmetic3A_2 = vector.broadcast %shift_right_arithmetic3A : i32 to vector<8x32768xi32>
    %shift_right_arithmetic3A_3 = arith.shrsi %get3A_1, %shift_right_arithmetic3A_2 : vector<8x32768xi32>
    %and3A = arith.constant 2147483647 : i32
    %and3A_4 = vector.broadcast %and3A : i32 to vector<8x32768xi32>
    %and3A_5 = arith.andi %shift_right_arithmetic3A_3, %and3A_4 : vector<8x32768xi32>
    %xor3A = arith.xori %get3A_1, %and3A_5 : vector<8x32768xi32>
    %get3A_6 = arith.constant 0 : index
    %get3A_7 = arith.constant 0 : index
    %get3A_8 = vector.load %arg2[%get3A_6, %get3A_7] : memref<8x8xi32, #tpu.memory_space<vmem>>, vector<8x1xi32>
    %get3A_9 = arith.constant 0 : index
    %get3A_10 = arith.constant 0 : index
    %get3A_11 = vector.load %arg3[%get3A_9, %get3A_10] : memref<8x8xi32, #tpu.memory_space<vmem>>, vector<8x1xi32>
    %iota3A = tpu.iota {dimensions = array<i32: 1>} : vector<8x32768xi32>
    %gt3A = vector.broadcast %get3A_8 : vector<8x1xi32> to vector<8x32768xi32>
    %gt3A_12 = arith.cmpi sgt, %xor3A, %gt3A : vector<8x32768xi32>
    %eq3A = vector.broadcast %get3A_8 : vector<8x1xi32> to vector<8x32768xi32>
    %eq3A_13 = arith.cmpi eq, %xor3A, %eq3A : vector<8x32768xi32>
    %le3A = vector.broadcast %get3A_11 : vector<8x1xi32> to vector<8x32768xi32>
    %le3A_14 = arith.cmpi sle, %iota3A, %le3A : vector<8x32768xi32>
    %and3A_15 = arith.andi %eq3A_13, %le3A_14 : vector<8x32768xi1>
    %or3A = arith.ori %gt3A_12, %and3A_15 : vector<8x32768xi1>
    %convert_element_type3A = arith.extui %or3A : vector<8x32768xi1> to vector<8x32768xi32>
    %convert_element_type3A_16 = arith.sitofp %convert_element_type3A : vector<8x32768xi32> to vector<8x32768xf32>
    %broadcast_in_dim3A = vector.shape_cast %convert_element_type3A_16 : vector<8x32768xf32> to vector<1x8x32768xf32>
    %broadcast_in_dim3A_17 = vector.shape_cast %broadcast_in_dim3A : vector<1x8x32768xf32> to vector<1x8x32768xf32>
    %broadcast_in_dim3A_18 = vector.broadcast %broadcast_in_dim3A_17 : vector<1x8x32768xf32> to vector<4x8x32768xf32>
    %swap3A = arith.constant 0 : index
    %swap3A_19 = arith.constant 0 : index
    %swap3A_20 = arith.constant 0 : index
    %swap3A_21 = vector.load %arg4[%swap3A, %swap3A_19, %swap3A_20] : memref<4x8x32768xf32, #tpu.memory_space<vmem>>, vector<4x8x32768xf32>
    tpu.vector_store %arg4[%swap3A, %swap3A_19, %swap3A_20], %broadcast_in_dim3A_18 {strides = array<i32>} : memref<4x8x32768xf32, #tpu.memory_space<vmem>>, vector<4x8x32768xf32>,
    return
  }
  func.func @transform_0(%arg0: i32) -> (i32, i32) {
    %c0_i32 = arith.constant 0 : i32
    %c0_i32_0 = arith.constant 0 : i32
    return %arg0, %c0_i32 : i32, i32
  }
  func.func @transform_1(%arg0: i32) -> (i32, i32) {
    %c0_i32 = arith.constant 0 : i32
    %c0_i32_0 = arith.constant 0 : i32
    return %arg0, %c0_i32 : i32, i32
  }
  func.func @transform_2(%arg0: i32) -> (i32, i32) {
    %c0_i32 = arith.constant 0 : i32
    %c0_i32_0 = arith.constant 0 : i32
    return %arg0, %c0_i32 : i32, i32
  }
  func.func @transform_3(%arg0: i32) -> (i32, i32, i32) {
    %c0_i32 = arith.constant 0 : i32
    %c0_i32_0 = arith.constant 0 : i32
    %c0_i32_1 = arith.constant 0 : i32
    return %c0_i32, %arg0, %c0_i32_0 : i32, i32, i32
  }
}

</mosaic_0001>

<sc_bundles>
// kernel: kernel.4.cloned.1.call-start
scs
__scs_entry_jumppad:
0x0: {  	(pc) =	sbr.rel $0x88, $3  }
0x1: {  	(tag) =	ssettag $0x0;
	lr =	simm.s32 $0x1  }
0x2: {  	[smem:$0x3FA0] =	sst lr;
	_ =	strace $0xD0000000  }
0x3: {  	_ = 	snop  }
0x4: {  	_ = 	snop  }
0x5: {  	_ = 	snop  }
0x6: {  	_ = 	snop  }
0x7: {  	_ = 	snop  }
__scs_overlays_trampoline_lowered:
0x8: {  	[smem:$0x3FAF] =	sst s0  }
0x9: {  	[smem:$0x3FB0] =	sst s1  }
0xa: {  	[smem:$0x3FB1] =	sst s2  }
0xb: {  	[smem:$0x3FB2] =	sst s3  }
0xc: {  	[smem:$0x3FB3] =	sst s4  }
0xd: {  	[smem:$0x3FB4] =	sst s5  }
0xe: {  	[smem:$0x3FB5] =	sst s6  }
0xf: {  	[smem:$0x3FB6] =	sst s7  }
0x10: {  	[smem:$0x3FB7] =	sst s8  }
0x11: {  	[smem:$0x3FB8] =	sst s9;
	s0 =	simm.s32 @!p0 $0x0  }
0x12: {  	s1 =	sld [smem:$0x3F9E];
	s0 =	simm.s32 @p0 $0x1  }
0x13: {  	[smem:$0x3FB9] =	sst s0;
	s0 =	simm.s32 @!p1 $0x0  }
0x14: {  	s2 =	sld [smem:$0x3F9D];
	s0 =	simm.s32 @p1 $0x1  }
0x15: {  	[smem:$0x3FBA] =	sst s0;
	s0 =	simm.s32 @!p2 $0x0  }
0x16: {  	s3 =	sld [smem:$0x3FDB];
	s0 =	simm.s32 @p2 $0x1  }
0x17: {  	s4 =	simm.s32 $0x1BF5;
	[smem:$0x3FBC] =	sst s0  }
0x18: {  	s0 =	sld [smem:$0x3F9F];
	_ =	swait.ge [sflag:s4], $0x0  }
0x19: {  	s7 =	sld [smem:$0x3FA0]  }
0x1a: {  	s8 =	sadd.s32 $0xFFFFE003, lr  }
0x1b: {  	s9 =	sadd.s32 $0xFFFFFEF7, lr;
	s5 =	simm.s32 $0xFFFFFFFF;
	p2 =	slt.u32 s8, $0xFFFFF086  }
0x1c: {  	p1 =	slt.u32 s9, $0xF7A;
	s5 =	simm.s32 @!p2 $0x0  }
0x1d: {  	s5 =	simm.s32 @p1 $0x1;
	p0 =	seq.s32 s7, s2  }
0x1e: {  	s7 =	smul.u32 @!p0 $0xF7A, s2;
	p2 =	seq.s32 @!p0 s5, $0x0  }
0x1f: {  	s9 =	smul.u32 $0xF7A, s1;
	s8 =	simm.s32 @!p0 $0x1BF5;
	p2 =	por !p2, p0  }
0x20: {  	[sflag:s8] =	ssyncset.s32 @!p0 $0xFFFFF086;
	s6 =	sadd.s32 @!p0 s3, s7;
	s7 =	simm.s32 @!p0 $0x108  }
0x21: {  	s3 =	sadd.s32 s3, s9;
	s6 =	sadd.s32 @!p0 $0x88, s6;
	s7 =	simm.s32 @p2 $0x1082  }
0x22: {  	[simem:s7], [sflag:s8] =	dma.local @!p0 [hbm:s6], $0xF7A  }
0x23: {  	s9 =	sor.u32 $0xD0000000, s2;
	s6 =	simm.s32 $0x108;
	_ =	swait.ge @!p0 [sflag:s8], $0x0  }
0x24: {  	s3 =	sadd.s32 $0x88, s3;
	s6 =	simm.s32 @!p1 $0x1082;
	[sflag:s4] =	ssyncset.s32 $0xFFFFF086  }
0x25: {  	[simem:s6], [sflag:s4] =	dma.local [hbm:s3], $0xF7A  }
0x26: {  	[smem:$0x3FA0] =	sst s1;
	(tag) =	ssettag s2;
	_ =	strace s9  }
0x27: {  	s1 =	sld [smem:$0x3FB0]  }
0x28: {  	s2 =	sld [smem:$0x3FB1]  }
0x29: {  	s4 =	sld [smem:$0x3FB3]  }
0x2a: {  	p0 =	seq.s32 s5, $0x0;
	s5 =	sld [smem:$0x3FB4]  }
0x2b: {  	s6 =	sld [smem:$0x3FB5]  }
0x2c: {  	s7 =	sld [smem:$0x3FB6]  }
0x2d: {  	s3 =	simm.s32 $0x108;
	s8 =	sld [smem:$0x3FB7]  }
0x2e: {  	s3 =	simm.s32 @!p0 $0x1082;
	s9 =	sld [smem:$0x3FB8]  }
0x2f: {  	lr =	sadd.s32 s0, s3;
	s0 =	sld [smem:$0x3FAF]  }
0x30: {  	s3 =	sld [smem:$0x3FB2]  }
0x31: {  	[smem:$0x3FBB] =	sst s10  }
0x32: {  	s10 =	sld [smem:$0x3FB9];
	_ =	sdelay $0x3  }
0x33: {  	p0 =	seq.s32 s10, $0x1;
	s10 =	sld [smem:$0x3FBB];
	_ =	sdelay $0x3  }
0x34: {  	[smem:$0x3FBB] =	sst s10  }
0x35: {  	s10 =	sld [smem:$0x3FBA];
	_ =	sdelay $0x3  }
0x36: {  	p1 =	seq.s32 s10, $0x1;
	s10 =	sld [smem:$0x3FBB];
	_ =	sdelay $0x3  }
0x37: {  	[smem:$0x3FBB] =	sst s10  }
0x38: {  	s10 =	sld [smem:$0x3FBC]  }
0x39: {  	_ = 	snop;
	(pc) =	sbr.ind lr, $3  }
0x3a: {  	_ = 	snop  }
0x3b: {  	_ = 	snop  }
0x3c: {  	p2 =	seq.s32 s10, $0x1;
	s10 =	sld [smem:$0x3FBB]  }
0x3d: {  	_ =	shalt  }
0x3e: {  	_ =	shalt  }
0x3f: {  	_ =	shalt  }
0x40: {  	_ =	shalt  }
0x41: {  	_ =	shalt  }
0x42: {  	_ =	shalt  }
0x43: {  	_ =	shalt  }
0x44: {  	_ =	shalt  }
0x45: {  	_ =	shalt  }
0x46: {  	_ =	shalt  }
0x47: {  	_ =	shalt  }
0x48: {  	_ =	shalt  }
0x49: {  	_ =	shalt  }
0x4a: {  	_ =	shalt  }
0x4b: {  	_ =	shalt  }
0x4c: {  	_ =	shalt  }
0x4d: {  	_ =	shalt  }
0x4e: {  	_ =	shalt  }
0x4f: {  	_ =	shalt  }
0x50: {  	_ =	shalt  }
0x51: {  	_ =	shalt  }
0x52: {  	_ =	shalt  }
0x53: {  	_ =	shalt  }
0x54: {  	_ =	shalt  }
0x55: {  	_ =	shalt  }
0x56: {  	_ =	shalt  }
0x57: {  	_ =	shalt  }
0x58: {  	_ =	shalt  }
0x59: {  	_ =	shalt  }
0x5a: {  	_ =	shalt  }
0x5b: {  	_ =	shalt  }
0x5c: {  	_ =	shalt  }
0x5d: {  	_ =	shalt  }
0x5e: {  	_ =	shalt  }
0x5f: {  	_ =	shalt  }
0x60: {  	_ =	shalt  }
0x61: {  	_ =	shalt  }
0x62: {  	_ =	shalt  }
0x63: {  	_ =	shalt  }
0x64: {  	_ =	shalt  }
0x65: {  	_ =	shalt  }
0x66: {  	_ =	shalt  }
0x67: {  	_ =	shalt  }
0x68: {  	_ =	shalt  }
0x69: {  	_ =	shalt  }
0x6a: {  	_ =	shalt  }
0x6b: {  	_ =	shalt  }
0x6c: {  	_ =	shalt  }
0x6d: {  	_ =	shalt  }
0x6e: {  	_ =	shalt  }
0x6f: {  	_ =	shalt  }
0x70: {  	_ =	shalt  }
0x71: {  	_ =	shalt  }
0x72: {  	_ =	shalt  }
0x73: {  	_ =	shalt  }
0x74: {  	_ =	shalt  }
0x75: {  	_ =	shalt  }
0x76: {  	_ =	shalt  }
0x77: {  	_ =	shalt  }
0x78: {  	_ =	shalt  }
0x79: {  	_ =	shalt  }
0x7a: {  	_ =	shalt  }
0x7b: {  	_ =	shalt  }
0x7c: {  	_ =	shalt  }
0x7d: {  	_ =	shalt  }
0x7e: {  	_ =	shalt  }
0x7f: {  	_ =	shalt  }
0x80: {  	_ =	shalt  }
0x81: {  	_ =	shalt  }
0x82: {  	_ =	shalt  }
0x83: {  	_ =	shalt  }
0x84: {  	_ =	shalt  }
0x85: {  	_ =	shalt  }
0x86: {  	_ =	shalt  }
0x87: {  	_ =	shalt  }
.Lfunc_end0:
.L_simem_size_0:
called_computation.1_lowered:
.L_overlay_start_0:
0x88: {  	s2 =	sld [smem:$0x3FD9]  }
0x89: {  	s3 =	sld [smem:$0x3FFE];
	_ =	sdelay $0x1  }
0x8a: {  	s1 =	srdreg.scid  }
0x8b: {  	s0 =	sand.u32 $0x1, s1  }
0x8c: {  	s17 =	sshll.u32 s0, $0xA;
	s2 =	sadd.s32 s3, s2  }
0x8d: {  	s2 =	sadd.s32 s2, s17  }
0x8e: {  	[smem:$0x3FC7] =	sst s2  }
0x8f: {  	_ = 	snop  }
0x90: {  	s2 =	sld [smem:$0x3FD0];
	(tm) =	ssettm $0x1  }
0x91: {  	s18 =	sld [smem:$0x3FFB];
	_ =	sdelay $0x3  }
0x92: {  	_ =	strace s18  }
0x93: {  	s3 =	sld [smem:$0x3FFC];
	_ =	sdelay $0x3  }
0x94: {  	_ =	strace s3  }
0x95: {  	s3 =	sld [smem:$0x3FFD];
	_ =	sdelay $0x3  }
0x96: {  	_ =	strace s3  }
0x97: {  	_ =	strace $0x8FFFFFFF  }
0x98: {  	s19 =	sld [smem:$0x3FDB];
	_ =	sdelay $0x1  }
0x99: {  	s4 =	simm.s32 $_scs_section_size  }
0x9a: {  	s5 =	simm.s32 $_size__tile_overlayer_lowered;
	s6 =	simm.s32 $_tile_overlayer_lowered  }
0x9b: {  	s22 =	simm.s32 $0x1BFF;
	s21 =	sshll.u32 s6, $0x1;
	s3 =	sadd.s32 s4, s19  }
0x9c: {  	s7 =	simm.s32 $0x0;
	s20 =	sshll.u32 s5, $0x1;
	s5 =	sadd.s32 s21, s3  }
0x9d: {  	[timem:s7], [sflag:s22] =	dma.local [hbm:s5], s20  }
0x9e: {  	_ =	swait.ge [sflag:s22], s20  }
0x9f: {  	s4 =	ssub.s32 $0x0, s20;
	[sflag:s22] =	ssyncset.done $0x0  }
0xa0: {  	[sflag:s22] =	ssyncadd.s32 s4;
	_ =	sdelay $0x1  }
0xa1: {  	s23 =	simm.s32 $0x1B8B  }
0xa2: {  	_ =	swait.ge [sflag:s23], $0x1  }
0xa3: {  	[sflag:s23] =	ssyncset.done $0x0  }
0xa4: {  	s25 =	simm.s32 $0x1B8E;
	s24 =	sld [smem:$0x3FFE];
	[sflag:s23] =	ssyncadd.s32 $0xFFFFFFFF  }
0xa5: {  	s26 =	simm.s32 $execute0_lowered;
	[smem:$0x3FD2] =	sst s25  }
0xa6: {  	s5 =	sshll.u32 s26, $0x1;
	_ =	strace $0x80000046;
	[dreg:$0x1] =	wrdreg $0xFFFFFFFF  }
0xa7: {  	s28 =	simm.s32 $_size_execute0_lowered;
	s3 =	sadd.s32 s3, s5;
	[dreg:$0x0] =	wrdreg $0x0  }
0xa8: {  	s5 =	sshll.u32 s28, $0x1;
	[dreg:$0x2] =	wrdreg s3  }
0xa9: {  	[dreg:$0x3] =	wrdreg s5  }
0xaa: {  	[dreg:$0x4] =	wrdreg $0xC0  }
0xab: {  	_ =	task [dreg:s7], $0x5FFFF  }
0xac: {  	[dreg:$0x1] =	wrdreg $0xFFFFFFFF  }
0xad: {  	[dreg:$0x0] =	wrdreg $0x60  }
0xae: {  	[dreg:$0x2] =	wrdreg s2  }
0xaf: {  	[dreg:$0x3] =	wrdreg s24  }
0xb0: {  	[dreg:$0x4] =	wrdreg $0x9  }
0xb1: {  	_ =	task.clear_ibuf [dreg:s7], $0x5FFFF;
	_ =	strace $0x90000046  }
0xb2: {  	s29 =	simm.s32 $0x9;
	_ =	strace $0x80000048  }
0xb3: {  	_ =	swait.ge [sflag:s29], $0x1  }
0xb4: {  	[sflag:s29] =	ssyncadd.s32 $0xFFFFFFFF  }
0xb5: {  	_ =	strace $0x90000048  }
0xb6: {  	_ =	sfence  }
0xb7: {  	s30 =	sld [smem:$0x0];
	_ =	sdelay $0x2  }
0xb8: {  	s31 =	sshll.u32 s1, $0xD;
	s1 =	sshrl.u32 s1, $0x2  }
0xb9: {  	s3 =	sand.u32 $0x4000, s31;
	s1 =	sadd.s32 s1, s30  }
0xba: {  	s0 =	sor.u32 s3, s0;
	s1 =	sshll.u32 s1, $0x11  }
0xbb: {  	s0 =	sor.u32 s1, s0  }
0xbc: {  	s0 =	sadd.s32 $0x8F2B, s0  }
0xbd: {  	[sflag:s0] =	ssyncadd.remote.s32 $0x1  }
0xbe: {  	_ =	sfence.sel $0xFFFF  }
0xbf: {  	[dreg:$0x0] =	wrdreg $0xFFFFFFFF;
	(pc) =	sbr.abs _section_cstart, $3  }
0xc0: {  	[dreg:$0x1] =	wrdreg $0xFFFFFFFF  }
0xc1: {  	_ =	task.clear_ibuf [dreg:s7], $0x2FFFF;
	_ =	strace $0x9FFFFFFF  }
0xc2: {  	(tm) =	ssettm $0x7FFFFFFF  }
0xc3: {  	_ =	shalt  }
tec
execute0_lowered:
.L_overlay_start_1:
0x0: {  	(tag) =	ssettag $0x1  }
0x1: {  	s1 =	rddreg [dreg:$0x0]  }
0x2: {  	s0 =	srdreg.scid;
	s3 =	rddreg [dreg:$0x1]  }
0x3: {  	s8 =	stileid.u32;
	s7 =	rddreg [dreg:$0x2];
	s2 =	simm.s32 $0x0  }
0x4: {  	s10 =	simm.s32 $0x80;
	s11 =	simm.s32 $0x400;
	s12 =	simm.s32 $0x1  }
0x5: {  	s13 =	simm.s32 $0x80000000;
	s14 =	simm.s32 $0x8200;
	s0 =	sand.u32 $0x1, s0  }
0x6: {  	s15 =	simm.s32 $0x8480;
	s16 =	simm.s32 $0x9480;
	s4 =	sshll.u32 s0, $0x4  }
0x7: {  	s17 =	simm.s32 $0x4000;
	[smem:$0x7FF] =	sst s2;
	s4 =	sor.u32 s8, s4  }
0x8: {  	s5 =	sshll.u32 s8, $0x6;
	s6 =	sshll.u32 s4, $0xE;
	s4 =	sshll.u32 s4, $0x2  }
0x9: {  	_ =	strace $0x80000047;
	s5 =	sor.u32 s5, s6;
	s4 =	sadd.s32 s4, s3  }
0xa: {  	s5 =	sand.u32 $0x78040, s5;
	s30 =	sadd.s32 $0xE00, s4;
	s31 =	sadd.s32 $0x1000, s4  }
.Ltmp0:
0xb: {  	s3 =	sadd.s32 s1, s5;
	[dreg:$0x6] =	wrdreg s30;
	(pc) =	sbr.rel .LBB2_1-.Ltmp0, $4  }
0xc: {  	s0 =	ssub.s32 $0x2, s0;
	[dreg:$0x7] =	wrdreg s31;
	s1 =	sadd.s32 $0x10, s3  }
0xd: {  	s26 =	sshrl.u32 s0, $0x1;
	s28 =	sadd.s32 $0x20, s3;
	[dreg:$0x3] =	wrdreg s1  }
0xe: {  	v0 =	vlaneseq.u32;
	s0 =	ssub.s32 s0, s26;
	s29 =	sadd.s32 $0x30, s3;
	[dreg:$0x4] =	wrdreg s28  }
0xf: {  	v1 =	vimm.s32 $0x0;
	v3 =	vimm.s32 $0x80000000;
	s20 =	simm.s32 $0x0;
	v2 =	vmul.u32 $0x10, v0;
	s9 =	smax.u32 s0, $0x1;
	[dreg:$0x5] =	wrdreg s29  }
.LBB2_241:
0x10: {  	v4 =	vmov s23;
	vm0 =	vmmov $0xff  }
0x11: {  	v5 =	vmov s24;
	v4 =	vsel vm0, s21, v4  }
0x12: {  	s0 =	sxor.u32 $0x80007FFF, s1;
	[tilespmem:$0xB480] =	vst v4;
	v4 =	vsel vm0, s22, v5;
	v5 =	vmov s29  }
0x13: {  	[tilespmem:$0xB4A0] =	vst v4;
	v4 =	vsel vm0, s25, v5;
	v5 =	vmov s0  }
0x14: {  	[tilespmem:$0xB490] =	vst v4;
	v4 =	vsel vm0, s26, v5  }
0x15: {  	s28 =	rddreg [dreg:$0x6];
	s29 =	simm.s32 $0xB480;
	[tilespmem:$0xB4B0] =	vst v4  }
0x16: {  	[hbm4b:s28+s2] =	stream.linear.scatter [tilespmem:s29], [sflag:$0x1], $0x20, $0x38;
	[tilespmem:$0xB500] =	vst v63  }
0x17: {  	s20 =	sadd.s32 $0x1, s20;
	_ =	swait.ge [sflag:s12], $0x20  }
0x18: {  	s31 =	simm.s32 $0xB4A0;
	p0 =	sne.s32 s20, s9;
	[sflag:s12] =	ssyncset.done $0x0  }
.Ltmp1:
0x19: {  	s30 =	rddreg [dreg:$0x7];
	[sflag:s12] =	ssyncadd.s32 $0xFFFFFFE0;
	(pc) =	sbr.rel @!p0 .LBB2_242-.Ltmp1, $4  }
0x1a: {  	[hbm4b:s30+s2] =	stream.linear.scatter [tilespmem:s31], [sflag:$0x1], $0x20, $0x38;
	[tilespmem:$0xB500] =	vst v63  }
0x1b: {  	_ =	swait.ge [sflag:s12], $0x20  }
0x1c: {  	[sflag:s12] =	ssyncset.done $0x0  }
0x1d: {  	[sflag:s12] =	ssyncadd.s32 $0xFFFFFFE0  }
.LBB2_1:
0x1e: {  	[tilespmem:s2], [sflag:$0x1] =	stream.strided.gather [hbm4b:s3+s10], $0x8000, s11, s10, $0x38;
	[tilespmem:$0xB500] =	vst v63  }
0x1f: {  	_ =	swait.ge [sflag:s12], $0x8000  }
0x20: {  	[sflag:s12] =	ssyncset.done $0x0  }
0x21: {  	s0 =	simm.s32 $0x40;
	s1 =	simm.s32 $0x0;
	[sflag:s12] =	ssyncadd.s32 $0xFFFF8000  }
.LBB2_2:
0x22: {  	v4 =	vmov s0;
	_ =	sdelay $0x3  }
0x23: {  	s4 =	simm.s32 $0x0  }
0x24: {  	v5 =	vld.idx.msk [tilespmem:v4+s4+$0xFFFFFFC0 ss:$0x1], $0xffff;
	_ =	sdelay $0x2  }
0x25: {  	v7 =	vld.idx.msk [tilespmem:v4+s4+$0xFFFFFFD0 ss:$0x1], $0xffff  }
0x26: {  	v8 =	vld.idx.msk [tilespmem:v4+s4+$0xFFFFFFE0 ss:$0x1], $0xffff  }
0x27: {  	v6 =	vshra.s32 v5, $0x1F  }
0x28: {  	v6 =	vand.u32 $0x7FFFFFFF, v6  }
0x29: {  	v9 =	vimm.s32 $0x80000000;
	v10 =	vld.idx.msk [tilespmem:v4+s4+$0xFFFFFFF0 ss:$0x1], $0xffff;
	v5 =	vxor.u32 v5, v6  }
0x2a: {  	v11 =	vshra.s32 v7, $0x1F;
	vm0 =	vgt.s32 v9, v5  }
0x2b: {  	v11 =	vand.u32 $0x7FFFFFFF, v11;
	v6 =	vld.idx.msk [tilespmem:v4+s4+$0x0 ss:$0x1], $0xffff;
	v5 =	vsel vm0, v9, v5;
	v9 =	vshra.s32 v8, $0x1F  }
0x2c: {  	v7 =	vxor.u32 v7, v11;
	v9 =	vand.u32 $0x7FFFFFFF, v9  }
0x2d: {  	vm0 =	vgt.s32 v5, v7;
	v9 =	vxor.u32 v8, v9;
	v8 =	vld.idx.msk [tilespmem:v4+s4+$0x10 ss:$0x1], $0xffff  }
0x2e: {  	v5 =	vsel vm0, v5, v7;
	v7 =	vshra.s32 v10, $0x1F  }
0x2f: {  	vm0 =	vgt.s32 v5, v9;
	v11 =	vand.u32 $0x7FFFFFFF, v7;
	v7 =	vld.idx.msk [tilespmem:v4+s4+$0x20 ss:$0x1], $0xffff  }
0x30: {  	v9 =	vsel vm0, v5, v9;
	v10 =	vxor.u32 v10, v11;
	v11 =	vshra.s32 v6, $0x1F  }
0x31: {  	s18 =	simm.s32 $0x80;
	v5 =	vld.idx.msk [tilespmem:v4+s4+$0x30 ss:$0x1], $0xffff;
	s4 =	simm.s32 $0x400;
	vm0 =	vgt.s32 v9, v10;
	v11 =	vand.u32 $0x7FFFFFFF, v11  }
.LBB2_3:
0x32: {  	p0 =	sne.s32 s4, $0xE00;
	v12 =	vld.idx.msk [tilespmem:v4+s18+$0xFFFFFFC0 ss:$0x1], $0xffff;
	v9 =	vsel vm0, v9, v10;
	v6 =	vxor.u32 v6, v11;
	v10 =	vshra.s32 v8, $0x1F  }
0x33: {  	vm0 =	vgt.s32 v9, v6;
	v10 =	vand.u32 $0x7FFFFFFF, v10  }
0x34: {  	v11 =	vld.idx.msk [tilespmem:v4+s18+$0xFFFFFFD0 ss:$0x1], $0xffff;
	v6 =	vsel vm0, v9, v6;
	v8 =	vxor.u32 v8, v10;
	v9 =	vshra.s32 v7, $0x1F  }
0x35: {  	vm0 =	vgt.s32 v6, v8;
	v9 =	vand.u32 $0x7FFFFFFF, v9  }
0x36: {  	v10 =	vld.idx.msk [tilespmem:v4+s18+$0xFFFFFFE0 ss:$0x1], $0xffff;
	v6 =	vsel vm0, v6, v8;
	v7 =	vxor.u32 v7, v9;
	v8 =	vshra.s32 v5, $0x1F  }
0x37: {  	vm0 =	vgt.s32 v6, v7;
	v8 =	vand.u32 $0x7FFFFFFF, v8  }
0x38: {  	v9 =	vshra.s32 v12, $0x1F;
	v13 =	vld.idx.msk [tilespmem:v4+s18+$0xFFFFFFF0 ss:$0x1], $0xffff;
	v7 =	vsel vm0, v6, v7;
	v5 =	vxor.u32 v5, v8  }
0x39: {  	v6 =	vand.u32 $0x7FFFFFFF, v9;
	vm0 =	vgt.s32 v7, v5  }
0x3a: {  	v8 =	vxor.u32 v12, v6;
	v9 =	vshra.s32 v11, $0x1F;
	v6 =	vld.idx.msk [tilespmem:v4+s18+$0x0 ss:$0x1], $0xffff;
	v5 =	vsel vm0, v7, v5  }
0x3b: {  	v7 =	vand.u32 $0x7FFFFFFF, v9;
	vm0 =	vgt.s32 v5, v8  }
0x3c: {  	v7 =	vxor.u32 v11, v7;
	v9 =	vshra.s32 v10, $0x1F;
	v5 =	vsel vm0, v5, v8;
	v8 =	vld.idx.msk [tilespmem:v4+s18+$0x10 ss:$0x1], $0xffff  }
.Ltmp2:
0x3d: {  	v9 =	vand.u32 $0x7FFFFFFF, v9;
	vm0 =	vgt.s32 v5, v7;
	(pc) =	sbr.rel @p0 .LBB2_3-.Ltmp2, $4  }
0x3e: {  	v9 =	vxor.u32 v10, v9;
	v10 =	vshra.s32 v13, $0x1F;
	v5 =	vsel vm0, v5, v7;
	v7 =	vld.idx.msk [tilespmem:v4+s18+$0x20 ss:$0x1], $0xffff  }
0x3f: {  	v10 =	vand.u32 $0x7FFFFFFF, v10;
	vm0 =	vgt.s32 v5, v9  }
0x40: {  	v10 =	vxor.u32 v13, v10;
	v11 =	vshra.s32 v6, $0x1F;
	v9 =	vsel vm0, v5, v9;
	v5 =	vld.idx.msk [tilespmem:v4+s18+$0x30 ss:$0x1], $0xffff  }
0x41: {  	s18 =	sshra.s32 s4, $0x2;
	s4 =	sadd.s32 $0x200, s4;
	v11 =	vand.u32 $0x7FFFFFFF, v11;
	vm0 =	vgt.s32 v9, v10  }
0x42: {  	_ =	sdelay $0x2  }
0x43: {  	v9 =	vsel vm0, v9, v10;
	v6 =	vxor.u32 v6, v11;
	v40 =	vshra.s32 v8, $0x1F  }
0x44: {  	v41 =	vld.idx.msk [tilespmem:v4+s18+$0xFFFFFFC0 ss:$0x1], $0xffff;
	vm0 =	vgt.s32 v9, v6;
	v10 =	vand.u32 $0x7FFFFFFF, v40  }
0x45: {  	v43 =	vshra.s32 v7, $0x1F;
	v6 =	vsel vm0, v9, v6;
	v42 =	vxor.u32 v8, v10  }
0x46: {  	v44 =	vld.idx.msk [tilespmem:v4+s18+$0xFFFFFFD0 ss:$0x1], $0xffff;
	v9 =	vand.u32 $0x7FFFFFFF, v43;
	vm0 =	vgt.s32 v6, v42  }
0x47: {  	v45 =	vxor.u32 v7, v9;
	v46 =	vshra.s32 v5, $0x1F;
	v6 =	vsel vm0, v6, v42  }
0x48: {  	v47 =	vld.idx.msk [tilespmem:v4+s18+$0xFFFFFFE0 ss:$0x1], $0xffff;
	v8 =	vand.u32 $0x7FFFFFFF, v46;
	vm0 =	vgt.s32 v6, v45  }
0x49: {  	v12 =	vshra.s32 v41, $0x1F;
	v5 =	vxor.u32 v5, v8;
	v6 =	vsel vm0, v6, v45  }
0x4a: {  	v48 =	vld.idx.msk [tilespmem:v4+s18+$0xFFFFFFF0 ss:$0x1], $0xffff;
	v49 =	vand.u32 $0x7FFFFFFF, v12;
	vm0 =	vgt.s32 v6, v5  }
0x4b: {  	v50 =	vshra.s32 v44, $0x1F;
	v8 =	vxor.u32 v41, v49;
	v5 =	vsel vm0, v6, v5  }
0x4c: {  	v51 =	vld.idx.msk [tilespmem:v4+s18+$0x0 ss:$0x1], $0xffff;
	v11 =	vand.u32 $0x7FFFFFFF, v50;
	vm0 =	vgt.s32 v5, v8  }
0x4d: {  	v53 =	vshra.s32 v47, $0x1F;
	v52 =	vxor.u32 v44, v11;
	v5 =	vsel vm0, v5, v8  }
0x4e: {  	v54 =	vld.idx.msk [tilespmem:v4+s18+$0x10 ss:$0x1], $0xffff;
	v10 =	vand.u32 $0x7FFFFFFF, v53;
	vm0 =	vgt.s32 v5, v52  }
0x4f: {  	v56 =	vshra.s32 v48, $0x1F;
	v55 =	vxor.u32 v47, v10;
	v5 =	vsel vm0, v5, v52  }
0x50: {  	v57 =	vld.idx.msk [tilespmem:v4+s18+$0x20 ss:$0x1], $0xffff;
	v9 =	vand.u32 $0x7FFFFFFF, v56;
	vm0 =	vgt.s32 v5, v55  }
0x51: {  	v58 =	vshra.s32 v51, $0x1F;
	v7 =	vxor.u32 v48, v9;
	v5 =	vsel vm0, v5, v55  }
0x52: {  	v4 =	vld.idx.msk [tilespmem:v4+s18+$0x30 ss:$0x1], $0xffff;
	v8 =	vand.u32 $0x7FFFFFFF, v58;
	vm0 =	vgt.s32 v5, v7  }
0x53: {  	v59 =	vshra.s32 v54, $0x1F;
	v6 =	vxor.u32 v51, v8;
	v5 =	vsel vm0, v5, v7  }
0x54: {  	v7 =	vand.u32 $0x7FFFFFFF, v59;
	vm0 =	vgt.s32 v5, v6  }
0x55: {  	v61 =	vshra.s32 v57, $0x1F;
	v60 =	vxor.u32 v54, v7;
	v5 =	vsel vm0, v5, v6  }
0x56: {  	s4 =	sshll.u32 s1, $0x4;
	s1 =	sadd.s32 $0x1, s1;
	v7 =	vand.u32 $0x7FFFFFFF, v61;
	vm0 =	vgt.s32 v5, v60  }
0x57: {  	p0 =	sne.s32 s1, $0x20;
	v63 =	vshra.s32 v4, $0x1F;
	v62 =	vxor.u32 v57, v7;
	v5 =	vsel vm0, v5, v60  }
.Ltmp3:
0x58: {  	v7 =	vand.u32 $0x7FFFFFFF, v63;
	vm0 =	vgt.s32 v5, v62;
	(pc) =	sbr.rel @p0 .LBB2_2-.Ltmp3, $4  }
0x59: {  	v4 =	vxor.u32 v4, v7;
	v5 =	vsel vm0, v5, v62  }
0x5a: {  	vm0 =	vgt.s32 v5, v4  }
0x5b: {  	s4 =	sand.u32 $0x3FFFFFF0, s4;
	v4 =	vsel vm0, v5, v4  }
0x5c: {  	s0 =	sadd.s32 $0x400, s0;
	[tilespmem:s4+$0x8000] =	vst v4;
	s4 =	simm.s32 $0x0  }
0x5d: {  	s0 =	simm.s32 $0x0  }
.LBB2_6:
0x5e: {  	s1 =	simm.s32 $0x0  }
0x5f: {  	v5 =	vld [tilespmem:s1+$0x8000]  }
0x60: {  	s29 =	simm.s32 $0x10;
	s5 =	sshrl.u32 s13, s0  }
0x61: {  	s6 =	simm.s32 $0x20;
	v6 =	vld [tilespmem:s29+$0x8000];
	s1 =	sor.u32 s5, s4  }
0x62: {  	v7 =	vld [tilespmem:s6+$0x8000];
	s5 =	sxor.u32 $0x80000000, s1  }
0x63: {  	v4 =	vmov s5  }
0x64: {  	vm0 =	vge.s32 v5, v4  }
0x65: {  	v5 =	vsel vm0, $0x1, v1  }
0x66: {  	vm13 =	vge.s32 v6, v4;
	(xrf0) =	vadd.scan.msk.s32 $0xffff, v5  }
0x67: {  	vm14 =	vge.s32 v7, v4;
	v5 =	vsel vm13, $0x1, v1  }
0x68: {  	(xrf0) =	vadd.scan.msk.s32 $0xffff, v5;
	v5 =	vsel vm14, $0x1, v1  }
0x69: {  	s30 =	simm.s32 $0x30;
	(xrf0) =	vadd.scan.msk.s32 $0xffff, v5  }
0x6a: {  	v6 =	vld [tilespmem:s30+$0x8000];
	_ =	sdelay $0x1  }
0x6b: {  	v5, _, _ =	vpop (xrf0)  }
0x6c: {  	(v2sf) =	vpush v5, $0xF  }
0x6d: {  	v5, _, _ =	vpop (xrf0)  }
0x6e: {  	vm15 =	vge.s32 v6, v4;
	(v2sf) =	vpush v5, $0xF;
	v6, _, _ =	vpop (xrf0)  }
0x6f: {  	(v2sf) =	vpush v6, $0xF;
	_ =	sdelay $0x5  }
0x70: {  	s31 =	simm.s32 $0x40;
	v5 =	vsel vm15, $0x1, v1  }
0x71: {  	(xrf0) =	vadd.scan.msk.s32 $0xffff, v5;
	v5 =	vld [tilespmem:s31+$0x8000];
	_ =	sdelay $0x1  }
0x72: {  	s6 =	simm.s32 $0x140;
	s5 =	simm.s32 $0x0  }
.LBB2_7:
0x73: {  	p0 =	sne.s32 s6, $0x7C0  }
.Ltmp4:
0x74: {  	s18 =	sshra.s32 s6, $0x2;
	(pc) =	sbr.rel @p0 .LBB2_7-.Ltmp4, $4  }
0x75: {  	s6 =	sadd.s32 $0x40, s6;
	s19 =	spop (v2sf);
	vm0 =	vge.s32 v5, v4  }
0x76: {  	s5 =	sadd.s32 s5, s19;
	v5 =	vld [tilespmem:s18+$0x8000];
	v7 =	vsel vm0, $0x1, v1  }
0x77: {  	(xrf0) =	vadd.scan.msk.s32 $0xffff, v7;
	v6, _, _ =	vpop (xrf0)  }
0x78: {  	(v2sf) =	vpush v6, $0xF  }
0x79: {  	_ =	sdelay $0x1  }
0x7a: {  	vm0 =	vge.s32 v5, v4  }
0x7b: {  	v4 =	vsel vm0, $0x1, v1  }
0x7c: {  	(xrf0) =	vadd.scan.msk.s32 $0xffff, v4;
	_ =	sdelay $0x4  }
0x7d: {  	v4, _, _ =	vpop (xrf0)  }
0x7e: {  	(v2sf) =	vpush v4, $0xF;
	v4, _, _ =	vpop (xrf0)  }
0x7f: {  	(v2sf) =	vpush v4, $0xF;
	_ =	sdelay $0xa  }
0x80: {  	s6 =	spop (v2sf)  }
0x81: {  	s0 =	sadd.s32 $0x1, s0;
	s5 =	sadd.s32 s5, s6;
	s28 =	spop (v2sf)  }
0x82: {  	p1 =	sne.s32 s0, $0x10;
	s5 =	sadd.s32 s5, s28;
	s29 =	spop (v2sf)  }
.Ltmp5:
0x83: {  	s5 =	sadd.s32 s5, s29;
	s30 =	spop (v2sf);
	(pc) =	sbr.rel @p1 .LBB2_6-.Ltmp5, $4  }
0x84: {  	s5 =	sadd.s32 s5, s30;
	s31 =	spop (v2sf)  }
0x85: {  	s5 =	sadd.s32 s5, s31  }
0x86: {  	p0 =	sgt.s32 s5, $0x3F  }
0x87: {  	s4 =	smov.u32 @p0 s1  }
0x88: {  	s1 =	simm.s32 $0x8000  }
0x89: {  	v5 =	vld [tilespmem:s1+$0x0];
	_ =	sdelay $0x2  }
0x8a: {  	s0 =	sxor.u32 $0x80000000, s4  }
0x8b: {  	v4 =	vmov s0  }
0x8c: {  	vm0 =	vge.s32 v5, v4  }
0x8d: {  	v5 =	vsel vm0, $0x1, v1  }
0x8e: {  	(xrf0) =	vadd.scan.msk.s32 $0xffff, v5;
	_ =	sdelay $0x2  }
0x8f: {  	s0 =	simm.s32 $0x0  }
0x90: {  	v5 =	vmov s0  }
0x91: {  	v5 =	vadd.s32 $0xFFFFFFFF, v5  }
0x92: {  	v5 =	vbroadcast v5, $0x0;
	v6, _, _ =	vpop (xrf0)  }
0x93: {  	(v2sf) =	vpush v6, $0xF  }
0x94: {  	v5 =	vadd.s32 v6, v5;
	_ =	sdelay $0x3  }
0x95: {  	v7 =	vor.u32 s0, v0  }
0x96: {  	s4 =	simm.s32 $0x8010;
	[tilespmem:v5+s14+$0x0] =	vst.idx.msk vm0, v7  }
0x97: {  	s5 =	simm.s32 $0x20;
	s1 =	simm.s32 $0x10;
	v5 =	vld [tilespmem:s4+$0x0]  }
.LBB2_10:
0x98: {  	p0 =	seq.s32 s5, $0x1F0;
	_ =	sdelay $0x3  }
0x99: {  	vm0 =	vge.s32 v5, v4  }
0x9a: {  	v5 =	vsel vm0, $0x1, v1  }
0x9b: {  	(xrf0) =	vadd.scan.msk.s32 $0xffff, v5  }
0x9c: {  	s6 =	spop (v2sf)  }
0x9d: {  	s0 =	sadd.s32 s0, s6  }
0x9e: {  	v5 =	vmov s0  }
0x9f: {  	v5 =	vadd.s32 $0xFFFFFFFF, v5  }
0xa0: {  	v5 =	vbroadcast v5, $0x0  }
0xa1: {  	v6, _, _ =	vpop (xrf0)  }
0xa2: {  	v5 =	vadd.s32 v6, v5;
	(v2sf) =	vpush v6, $0xF;
	_ =	sdelay $0x2  }
.Ltmp6:
0xa3: {  	(pc) =	sbr.rel @!p0 .LBB2_10-.Ltmp6, $4  }
0xa4: {  	v6 =	vor.u32 s1, v0;
	s1 =	smov.u32 s5  }
0xa5: {  	[tilespmem:v5+s14+$0x0] =	vst.idx.msk vm0, v6  }
0xa6: {  	s4 =	sadd.s32 $0x10, s4  }
0xa7: {  	s5 =	sadd.s32 $0x10, s5;
	v5 =	vld [tilespmem:s4+$0x0]  }
0xa8: {  	_ =	sdelay $0x3  }
0xa9: {  	vm0 =	vge.s32 v5, v4  }
0xaa: {  	v5 =	vsel vm0, $0x1, v1  }
0xab: {  	(xrf0) =	vadd.scan.msk.s32 $0xffff, v5;
	_ =	sdelay $0x5  }
0xac: {  	v5, _, _ =	vpop (xrf0)  }
0xad: {  	(v2sf) =	vpush v5, $0xF;
	_ =	sdelay $0x8  }
0xae: {  	s4 =	spop (v2sf)  }
0xaf: {  	s0 =	sadd.s32 s0, s4  }
0xb0: {  	v6 =	vmov s0  }
0xb1: {  	v6 =	vadd.s32 $0xFFFFFFFF, v6  }
0xb2: {  	v6 =	vbroadcast v6, $0x0;
	_ =	sdelay $0x1  }
0xb3: {  	v5 =	vadd.s32 v5, v6;
	v6 =	vor.u32 s1, v0;
	s1 =	spop (v2sf)  }
0xb4: {  	s4 =	sadd.s32 s0, s1  }
0xb5: {  	p0 =	slt.s32 s4, $0x1  }
.Ltmp7:
0xb6: {  	_ = 	snop;
	(pc) =	sbr.rel @p0 .LBB2_14-.Ltmp7, $2  }
0xb7: {  	_ =	sdelay $0x2  }
0xb8: {  	s18 =	simm.s32 $0x0;
	[tilespmem:v5+s14+$0x0] =	vst.idx.msk vm0, v6;
	s4 =	simm.s32 $0x0  }
0xb9: {  	s0 =	sadd.s32 s0, s1;
	s4 =	simm.s32 $0x0;
	s1 =	simm.s32 $0x8200  }
.LBB2_13:
0xba: {  	v5 =	vld [tilespmem:s1+$0x0];
	_ =	sdelay $0x4  }
0xbb: {  	(v2sf) =	vpush v5, $0x0;
	_ =	sdelay $0xe  }
0xbc: {  	s5 =	spop (v2sf)  }
0xbd: {  	s6 =	sshll.u32 s5, $0x6  }
0xbe: {  	s5 =	sand.u32 $0xF, s5;
	s6 =	sand.u32 $0xFFFFFC00, s6  }
0xbf: {  	s5 =	sor.u32 s5, s6  }
0xc0: {  	v5 =	vor.u32 s5, v2;
	_ =	sdelay $0x4  }
0xc1: {  	v6 =	vld.idx.msk [tilespmem:v5+s2+$0x0], $0xffff;
	_ =	sdelay $0x4  }
0xc2: {  	v7 =	vshra.s32 v6, $0x1F  }
0xc3: {  	v7 =	vand.u32 $0x7FFFFFFF, v7  }
0xc4: {  	v6 =	vxor.u32 v6, v7  }
0xc5: {  	vm0 =	vge.s32 v6, v4  }
0xc6: {  	v7 =	vsel vm0, $0x1, v1  }
0xc7: {  	(xrf0) =	vadd.scan.msk.s32 $0xffff, v7;
	_ =	sdelay $0x2  }
0xc8: {  	v7 =	vmov s4  }
0xc9: {  	v7 =	vadd.s32 $0xFFFFFFFF, v7  }
0xca: {  	v7 =	vbroadcast v7, $0x0  }
0xcb: {  	v8, _, _ =	vpop (xrf0)  }
0xcc: {  	v7 =	vadd.s32 v8, v7  }
0xcd: {  	vm1 =	vlt.s32 v7, $0xFFF  }
0xce: {  	v7 =	vnsel vm1, $0xFFF, v7  }
0xcf: {  	s6 =	sor.u32 $0x100, s5  }
0xd0: {  	v9 =	vor.u32 s6, v2  }
0xd1: {  	(v2sf) =	vpush v8, $0xF;
	_ =	sdelay $0x1  }
0xd2: {  	[tilespmem:v7+s15+$0x0] =	vst.idx.msk vm0, v6  }
0xd3: {  	[tilespmem:v7+s16+$0x0] =	vst.idx.msk vm0, v5  }
0xd4: {  	v5 =	vld.idx.msk [tilespmem:v9+s2+$0x0], $0xffff;
	_ =	sdelay $0x4  }
0xd5: {  	v6 =	vshra.s32 v5, $0x1F  }
0xd6: {  	v6 =	vand.u32 $0x7FFFFFFF, v6  }
0xd7: {  	v5 =	vxor.u32 v5, v6  }
0xd8: {  	vm10 =	vge.s32 v5, v4  }
0xd9: {  	v6 =	vsel vm10, $0x1, v1  }
0xda: {  	(xrf0) =	vadd.scan.msk.s32 $0xffff, v6  }
0xdb: {  	s25 =	spop (v2sf)  }
0xdc: {  	s26 =	sadd.s32 s4, s25  }
0xdd: {  	v6 =	vmov s26  }
0xde: {  	v6 =	vadd.s32 $0xFFFFFFFF, v6  }
0xdf: {  	v6 =	vbroadcast v6, $0x0  }
0xe0: {  	v7, _, _ =	vpop (xrf0)  }
0xe1: {  	v6 =	vadd.s32 v7, v6  }
0xe2: {  	vm11 =	vlt.s32 v6, $0xFFF  }
0xe3: {  	v6 =	vnsel vm11, $0xFFF, v6  }
0xe4: {  	s28 =	sor.u32 $0x200, s5  }
0xe5: {  	v62 =	vor.u32 s28, v2  }
0xe6: {  	(v2sf) =	vpush v7, $0xF;
	_ =	sdelay $0x1  }
0xe7: {  	[tilespmem:v6+s15+$0x0] =	vst.idx.msk vm10, v5  }
0xe8: {  	[tilespmem:v6+s16+$0x0] =	vst.idx.msk vm10, v9  }
0xe9: {  	v5 =	vld.idx.msk [tilespmem:v62+s2+$0x0], $0xffff;
	_ =	sdelay $0x4  }
0xea: {  	v6 =	vshra.s32 v5, $0x1F  }
0xeb: {  	v6 =	vand.u32 $0x7FFFFFFF, v6  }
0xec: {  	v5 =	vxor.u32 v5, v6  }
0xed: {  	vm12 =	vge.s32 v5, v4  }
0xee: {  	v6 =	vsel vm12, $0x1, v1  }
0xef: {  	(xrf0) =	vadd.scan.msk.s32 $0xffff, v6  }
0xf0: {  	s29 =	spop (v2sf)  }
0xf1: {  	s4 =	sadd.s32 s29, s26  }
0xf2: {  	v6 =	vmov s4  }
0xf3: {  	v6 =	vadd.s32 $0xFFFFFFFF, v6  }
0xf4: {  	v6 =	vbroadcast v6, $0x0  }
0xf5: {  	v7, _, _ =	vpop (xrf0)  }
0xf6: {  	v6 =	vadd.s32 v7, v6  }
0xf7: {  	vm13 =	vlt.s32 v6, $0xFFF  }
0xf8: {  	v6 =	vnsel vm13, $0xFFF, v6  }
0xf9: {  	s5 =	sor.u32 $0x300, s5  }
0xfa: {  	v63 =	vor.u32 s5, v2;
	_ =	sdelay $0x2  }
0xfb: {  	[tilespmem:v6+s15+$0x0] =	vst.idx.msk vm12, v5  }
0xfc: {  	[tilespmem:v6+s16+$0x0] =	vst.idx.msk vm12, v62  }
0xfd: {  	v5 =	vld.idx.msk [tilespmem:v63+s2+$0x0], $0xffff;
	_ =	sdelay $0x4  }
0xfe: {  	v6 =	vshra.s32 v5, $0x1F  }
0xff: {  	(v2sf) =	vpush v7, $0xF;
	v6 =	vand.u32 $0x7FFFFFFF, v6  }
0x100: {  	v5 =	vxor.u32 v5, v6  }
0x101: {  	vm14 =	vge.s32 v5, v4  }
0x102: {  	v6 =	vsel vm14, $0x1, v1  }
0x103: {  	(xrf0) =	vadd.scan.msk.s32 $0xffff, v6;
	_ =	sdelay $0x5  }
0x104: {  	v6, _, _ =	vpop (xrf0)  }
0x105: {  	(v2sf) =	vpush v6, $0xF;
	_ =	sdelay $0x3  }
0x106: {  	s30 =	spop (v2sf)  }
0x107: {  	s4 =	sadd.s32 s30, s4  }
0x108: {  	v7 =	vmov s4  }
0x109: {  	v7 =	vadd.s32 $0xFFFFFFFF, v7  }
0x10a: {  	v7 =	vbroadcast v7, $0x0;
	_ =	sdelay $0x1  }
0x10b: {  	v6 =	vadd.s32 v6, v7  }
0x10c: {  	vm15 =	vlt.s32 v6, $0xFFF  }
0x10d: {  	v6 =	vnsel vm15, $0xFFF, v6  }
0x10e: {  	p1 =	sne.s32 s0, $0x1  }
.Ltmp8:
0x10f: {  	_ = 	snop;
	(pc) =	sbr.rel @p1 .LBB2_13-.Ltmp8, $4  }
0x110: {  	s31 =	spop (v2sf)  }
0x111: {  	s4 =	sadd.s32 s31, s4  }
0x112: {  	[tilespmem:v6+s15+$0x0] =	vst.idx.msk vm14, v5;
	p0 =	slt.s32 s4, $0xFF0  }
0x113: {  	s1 =	sadd.s32 $0x1, s1;
	s0 =	sadd.s32 $0xFFFFFFFF, s0;
	[tilespmem:v6+s16+$0x0] =	vst.idx.msk vm14, v63;
	s4 =	simm.s32 @!p0 $0xFF0  }
.LBB2_14:
0x114: {  	v4 =	vadd.s32 s4, v0;
	_ =	sdelay $0x2  }
0x115: {  	s0 =	sadd.s32 $0xF, s4  }
0x116: {  	s23 =	sshra.s32 s0, $0x4  }
0x117: {  	s0 =	simm.s32 $0x0;
	p0 =	slt.s32 s23, $0x1;
	[tilespmem:v4+s15+$0x0] =	vst.idx.msk $0xffff, v3  }
.LBB2_15:
.Ltmp9:
0x118: {  	(pc) =	sbr.rel @!p0 .LBB2_16-.Ltmp9, $1  }
0x119: {  	_ =	sdelay $0x3  }
0x11a: {  	s18 =	sadd.s32 $0x1, s18  }
0x11b: {  	p1 =	sne.s32 s18, $0x20  }
.Ltmp10:
0x11c: {  	_ = 	snop;
	(pc) =	sbr.rel @p1 .LBB2_15-.Ltmp10, $4  }
.Ltmp11:
0x11d: {  	_ = 	snop;
	(pc) =	sbr.rel @!p1 .LBB2_32-.Ltmp11, $4  }
0x11e: {  	_ = 	snop  }
0x11f: {  	_ = 	snop  }
0x120: {  	_ = 	snop  }
0x121: {  	_ = 	snop  }
.LBB2_16:
0x122: {  	s1 =	simm.s32 $0x8480  }
0x123: {  	p6 =	sne.s32 s23, $0x1;
	v5 =	vld [tilespmem:s1+$0x0]  }
.Ltmp12:
0x124: {  	s31 =	sshrl.u32 s13, s18;
	(pc) =	sbr.rel @!p6 .LBB2_17-.Ltmp12, $4  }
0x125: {  	s21 =	sor.u32 s31, s0  }
0x126: {  	s22 =	simm.s32 $0x0;
	s1 =	sxor.u32 $0x80000000, s21  }
0x127: {  	s4 =	simm.s32 $0x8490;
	p1 =	por $0x0, $0x0;
	p2 =	por $0x0, $0x0;
	v4 =	vmov s1  }
0x128: {  	p3 =	por $0x0, $0x0;
	p4 =	por $0x0, $0x0;
	s1 =	sadd.s32 $0xFFFFFFFF, s23;
	vm0 =	vge.s32 v5, v4  }
0x129: {  	v5 =	vld [tilespmem:s4+$0x0];
	p5 =	sne.s32 s1, $0x1  }
.Ltmp13:
0x12a: {  	_ = 	snop;
	(pc) =	sbr.rel @!p5 .LBB2_19-.Ltmp13, $3  }
0x12b: {  	_ =	sdelay $0x1  }
0x12c: {  	v6 =	vsel vm0, $0x1, v1  }
0x12d: {  	s4 =	sadd.s32 $0xFFFFFFFF, s1;
	s5 =	simm.s32 $0x84A0;
	p1 =	por $0x1, $0x1;
	(xrf0) =	vadd.scan.msk.s32 $0xffff, v6;
	vm0 =	vge.s32 v5, v4  }
0x12e: {  	_ = 	snop  }
0x12f: {  	v5 =	vld [tilespmem:s5+$0x0];
	p5 =	sne.s32 s4, $0x1  }
.Ltmp14:
0x130: {  	_ = 	snop;
	(pc) =	sbr.rel @!p5 .LBB2_21-.Ltmp14, $3  }
0x131: {  	_ =	sdelay $0x1  }
0x132: {  	v6 =	vsel vm0, $0x1, v1;
	v7, _, _ =	vpop (xrf0)  }
0x133: {  	s4 =	sadd.s32 $0xFFFFFFFF, s4;
	s5 =	simm.s32 $0x84B0;
	p2 =	por $0x1, $0x1;
	(xrf0) =	vadd.scan.msk.s32 $0xffff, v6;
	vm0 =	vge.s32 v5, v4;
	(v2sf) =	vpush v7, $0xF  }
0x134: {  	_ =	sdelay $0x4  }
0x135: {  	v7, _, _ =	vpop (xrf0)  }
0x136: {  	(v2sf) =	vpush v7, $0xF;
	_ =	sdelay $0x3  }
0x137: {  	v5 =	vld [tilespmem:s5+$0x0];
	p5 =	sne.s32 s4, $0x1  }
.Ltmp15:
0x138: {  	_ = 	snop;
	(pc) =	sbr.rel @!p5 .LBB2_23-.Ltmp15, $3  }
0x139: {  	_ =	sdelay $0x1  }
0x13a: {  	v6 =	vsel vm0, $0x1, v1  }
0x13b: {  	s4 =	sadd.s32 $0xFFFFFFFF, s4;
	s5 =	simm.s32 $0x84C0;
	p3 =	por $0x1, $0x1;
	(xrf0) =	vadd.scan.msk.s32 $0xffff, v6;
	vm0 =	vge.s32 v5, v4  }
0x13c: {  	_ =	sdelay $0x4  }
0x13d: {  	v7, _, _ =	vpop (xrf0)  }
0x13e: {  	(v2sf) =	vpush v7, $0xF;
	_ =	sdelay $0x2  }
0x13f: {  	v5 =	vld [tilespmem:s5+$0x0];
	p5 =	sne.s32 s4, $0x1;
	v6 =	vsel vm0, $0x1, v1  }
.Ltmp16:
0x140: {  	(xrf0) =	vadd.scan.msk.s32 $0xffff, v6;
	(pc) =	sbr.rel @!p5 .LBB2_25-.Ltmp16, $3  }
0x141: {  	_ =	sdelay $0x1  }
0x142: {  	s6 =	sadd.s32 $0xFFFFFFFF, s4;
	s19 =	simm.s32 $0x84D0  }
0x143: {  	s5 =	spop (v2sf);
	p4 =	por $0x1, $0x1;
	s4 =	simm.s32 $0x0;
	vm0 =	vge.s32 v5, v4  }
.LBB2_26:
0x144: {  	v5 =	vld [tilespmem:s19+$0x0];
	p5 =	sne.s32 s6, $0x1;
	s6 =	sadd.s32 $0xFFFFFFFF, s6;
	v7 =	vsel vm0, $0x1, v1;
	s4 =	sadd.s32 s4, s5  }
.Ltmp17:
0x145: {  	(xrf0) =	vadd.scan.msk.s32 $0xffff, v7;
	v6, _, _ =	vpop (xrf0);
	(pc) =	sbr.rel @p5 .LBB2_26-.Ltmp17, $2  }
0x146: {  	(v2sf) =	vpush v6, $0xF;
	_ =	sdelay $0x3  }
0x147: {  	s19 =	sadd.s32 $0x10, s19;
	vm0 =	vge.s32 v5, v4;
	s5 =	spop (v2sf)  }
0x148: {  	_ = 	snop  }
.LBB2_28:
0x149: {  	v4 =	vsel vm0, $0x1, v1  }
0x14a: {  	(xrf0) =	vadd.scan.msk.s32 $0xffff, v4;
	_ =	sdelay $0x2  }
0x14b: {  	v4, _, _ =	vpop @p1 (xrf0)  }
0x14c: {  	(v2sf) =	vpush @p1 v4, $0xF;
	_ =	sdelay $0x1  }
0x14d: {  	v4, _, _ =	vpop (xrf0)  }
0x14e: {  	(v2sf) =	vpush v4, $0xF;
	_ =	sdelay $0x7  }
0x14f: {  	s6 =	spop @p3 (v2sf);
	s4 =	sadd.s32 @p4 s4, s5;
	s5 =	simm.s32 $0x0  }
0x150: {  	s6 =	smov.u32 @p3 s6;
	s5 =	smov.u32 @p4 s4  }
0x151: {  	s4 =	sadd.s32 @p3 s5, s6;
	s6 =	simm.s32 $0x0;
	s5 =	spop @p2 (v2sf)  }
0x152: {  	s6 =	smov.u32 @p3 s4;
	s5 =	smov.u32 @p2 s5  }
0x153: {  	s4 =	sadd.s32 @p2 s6, s5;
	s6 =	simm.s32 $0x0;
	s5 =	spop @p1 (v2sf)  }
0x154: {  	s6 =	smov.u32 @p2 s4;
	p2 =	seq.s32 s18, $0x1F;
	s5 =	smov.u32 @p1 s5  }
.Ltmp18:
0x155: {  	s4 =	sadd.s32 @p1 s6, s5;
	(pc) =	sbr.rel @!p2 .LBB2_15-.Ltmp18, $4  }
.Ltmp19:
0x156: {  	s22 =	smov.u32 @p1 s4;
	s31 =	spop (v2sf);
	(pc) =	sbr.rel @p2 .LBB2_29-.Ltmp19, $4  }
0x157: {  	s4 =	sadd.s32 s22, s31  }
0x158: {  	p1 =	sgt.s32 s4, $0x3F  }
0x159: {  	s18 =	sadd.s32 $0x1, s18;
	s0 =	smov.u32 @p1 s21  }
0x15a: {  	_ = 	snop  }
.LBB2_17:
.Ltmp20:
0x15b: {  	(pc) =	sbr.rel .LBB2_28-.Ltmp20, $2  }
0x15c: {  	_ =	sdelay $0x2  }
0x15d: {  	s4 =	simm.s32 $0x0  }
.LBB2_19:
.Ltmp21:
0x15e: {  	(pc) =	sbr.rel .LBB2_28-.Ltmp21, $2  }
0x15f: {  	_ =	sdelay $0x2  }
0x160: {  	s4 =	simm.s32 $0x0  }
.LBB2_21:
.Ltmp22:
0x161: {  	(pc) =	sbr.rel .LBB2_28-.Ltmp22, $2  }
0x162: {  	_ =	sdelay $0x2  }
0x163: {  	s4 =	simm.s32 $0x0  }
.LBB2_23:
.Ltmp23:
0x164: {  	(pc) =	sbr.rel .LBB2_28-.Ltmp23, $2  }
0x165: {  	_ =	sdelay $0x2  }
0x166: {  	s4 =	simm.s32 $0x0  }
.LBB2_25:
.Ltmp24:
0x167: {  	(pc) =	sbr.rel .LBB2_28-.Ltmp24, $2  }
0x168: {  	_ =	sdelay $0x2  }
0x169: {  	s4 =	simm.s32 $0x0  }
.LBB2_32:
0x16a: {  	s21 =	sxor.u32 $0x80000000, s0;
	s0 =	simm.s32 $0x40  }
.LBB2_45:
.Ltmp25:
0x16b: {  	(pc) =	sbr.rel .LBB2_46-.Ltmp25, $2  }
0x16c: {  	_ =	sdelay $0x2  }
0x16d: {  	s1 =	simm.s32 $0x0;
	s18 =	simm.s32 $0x80000000  }
.LBB2_29:
.Ltmp26:
0x16e: {  	(pc) =	sbr.rel @!p6 .LBB2_30-.Ltmp26, $4  }
0x16f: {  	s21 =	sxor.u32 $0x80000000, s0  }
0x170: {  	s22 =	simm.s32 $0x0;
	s0 =	simm.s32 $0x8480;
	s25 =	simm.s32 $0x9480  }
0x171: {  	s24 =	simm.s32 $0xA480;
	p1 =	por $0x0, $0x0;
	p2 =	por $0x0, $0x0  }
0x172: {  	p3 =	por $0x0, $0x0;
	p4 =	por $0x0, $0x0;
	p5 =	por $0x0, $0x0;
	v4 =	vmov s21  }
0x173: {  	p6 =	sne.s32 s1, $0x1  }
.Ltmp27:
0x174: {  	_ = 	snop;
	(pc) =	sbr.rel @!p6 .LBB2_34-.Ltmp27, $2  }
0x175: {  	_ =	sdelay $0x2  }
0x176: {  	s1 =	sadd.s32 $0xFFFFFFFF, s1;
	p1 =	por $0x1, $0x1  }
0x177: {  	p6 =	sne.s32 s1, $0x1  }
.Ltmp28:
0x178: {  	_ = 	snop;
	(pc) =	sbr.rel @!p6 .LBB2_36-.Ltmp28, $2  }
0x179: {  	_ =	sdelay $0x2  }
0x17a: {  	s1 =	sadd.s32 $0xFFFFFFFF, s1;
	p2 =	por $0x1, $0x1  }
0x17b: {  	v5 =	vld [tilespmem:s0+$0x0];
	p6 =	sne.s32 s1, $0x1  }
.Ltmp29:
0x17c: {  	_ = 	snop;
	(pc) =	sbr.rel @!p6 .LBB2_38-.Ltmp29, $2  }
0x17d: {  	_ =	sdelay $0x2  }
0x17e: {  	v6 =	vld [tilespmem:s25+$0x0];
	s1 =	sadd.s32 $0xFFFFFFFF, s1;
	p3 =	por $0x1, $0x1;
	vm0 =	vgt.s32 v5, v4  }
0x17f: {  	v7 =	vsel vm0, $0x1, v1  }
0x180: {  	(xrf0) =	vadd.scan.msk.s32 $0xffff, v7;
	_ =	sdelay $0x5  }
0x181: {  	v9, _, _ =	vpop (xrf0)  }
0x182: {  	(v2sf) =	vpush v9, $0xF  }
0x183: {  	vm1 =	veq.s32 v5, v4;
	v8 =	vsub.s32 $0x7FFF, v6  }
0x184: {  	v8 =	vnsel vm1, $0x80000000, v8  }
0x185: {  	s18 =	simm.s32 $0x8490;
	[tilespmem:s24+$0x0] =	vst v8  }
0x186: {  	p6 =	sne.s32 s1, $0x1;
	v7 =	vld [tilespmem:s18+$0x0]  }
.Ltmp30:
0x187: {  	_ = 	snop;
	(pc) =	sbr.rel @!p6 .LBB2_40-.Ltmp30, $3  }
0x188: {  	_ =	sdelay $0x1  }
0x189: {  	s4 =	simm.s32 $0x9490  }
0x18a: {  	s1 =	sadd.s32 $0xFFFFFFFF, s1;
	p4 =	por $0x1, $0x1;
	v8 =	vld [tilespmem:s4+$0x0];
	vm1 =	vgt.s32 v7, v4  }
0x18b: {  	v9 =	vsel vm1, $0x1, v1  }
0x18c: {  	(xrf0) =	vadd.scan.msk.s32 $0xffff, v9;
	_ =	sdelay $0x4  }
0x18d: {  	vm2 =	veq.s32 v7, v4;
	v10 =	vsub.s32 $0x7FFF, v8  }
0x18e: {  	s19 =	simm.s32 $0xA490;
	v10 =	vnsel vm2, $0x80000000, v10;
	v11, _, _ =	vpop (xrf0)  }
0x18f: {  	s18 =	simm.s32 $0x84A0;
	[tilespmem:s19+$0x0] =	vst v10;
	(v2sf) =	vpush v11, $0xF  }
0x190: {  	p6 =	sne.s32 s1, $0x1;
	s4 =	simm.s32 $0x94A0;
	v9 =	vld [tilespmem:s18+$0x0]  }
.Ltmp31:
0x191: {  	v10 =	vld [tilespmem:s4+$0x0];
	(pc) =	sbr.rel @!p6 .LBB2_42-.Ltmp31, $2  }
0x192: {  	_ =	sdelay $0x2  }
0x193: {  	s5 =	sadd.s32 $0xFFFFFFFF, s1;
	p5 =	por $0x1, $0x1;
	s1 =	simm.s32 $0x0;
	vm2 =	vgt.s32 v9, v4  }
.LBB2_43:
0x194: {  	p6 =	sne.s32 s5, $0x1;
	v11 =	vsel vm2, $0x1, v1;
	vm2 =	veq.s32 v9, v4;
	v9 =	vsub.s32 $0x7FFF, v10  }
0x195: {  	s19 =	sadd.s32 $0x10, s19;
	v9 =	vnsel vm2, $0x80000000, v9;
	(xrf0) =	vadd.scan.msk.s32 $0xffff, v11  }
0x196: {  	s18 =	sadd.s32 $0x10, s18;
	[tilespmem:s19+$0x0] =	vst v9  }
0x197: {  	s4 =	sadd.s32 $0x10, s4;
	v9 =	vld [tilespmem:s18+$0x0]  }
.Ltmp32:
0x198: {  	v10 =	vld [tilespmem:s4+$0x0];
	(pc) =	sbr.rel @p6 .LBB2_43-.Ltmp32, $4  }
0x199: {  	s6 =	spop (v2sf)  }
0x19a: {  	s1 =	sadd.s32 s1, s6  }
0x19b: {  	v11, _, _ =	vpop (xrf0)  }
0x19c: {  	s5 =	sadd.s32 $0xFFFFFFFF, s5;
	vm2 =	vgt.s32 v9, v4;
	(v2sf) =	vpush v11, $0xF  }
.LBB2_44:
0x19d: {  	vm3 =	veq.s32 @p3 v9, v4;
	v9 =	vsub.s32 @p3 $0x7FFF, v10;
	s5 =	sadd.s32 @p4 $0x10, s19;
	s6 =	simm.s32 $0xA480  }
0x19e: {  	v9 =	vnsel @p3 vm3, $0x80000000, v9;
	s6 =	smov.u32 @p4 s5;
	s5 =	sadd.s32 @p3 $0x10, s18;
	s18 =	simm.s32 $0x8480  }
0x19f: {  	s4 =	sadd.s32 @p3 $0x10, s4;
	[tilespmem:s6+$0x0] =	vst @p3 v9;
	s18 =	smov.u32 @p3 s5;
	s5 =	simm.s32 $0x9480  }
0x1a0: {  	v9 =	vld @p2 [tilespmem:s18+$0x0];
	s5 =	smov.u32 @p3 s4  }
0x1a1: {  	v10 =	vld @p2 [tilespmem:s5+$0x0];
	_ =	sdelay $0x4  }
0x1a2: {  	v7 =	vpsel p2, v9, v7;
	v8 =	vpsel p2, v10, v8  }
0x1a3: {  	s4 =	sadd.s32 @p3 $0x10, s6;
	s6 =	simm.s32 $0xA480;
	vm3 =	veq.s32 @p2 v7, v4;
	v7 =	vsub.s32 @p2 $0x7FFF, v8  }
0x1a4: {  	s6 =	smov.u32 @p3 s4;
	s4 =	sadd.s32 @p2 $0x10, s18;
	s18 =	simm.s32 $0x8480;
	v7 =	vnsel @p2 vm3, $0x80000000, v7  }
0x1a5: {  	s18 =	smov.u32 @p2 s4;
	s4 =	sadd.s32 @p2 $0x10, s5;
	s5 =	simm.s32 $0x9480;
	[tilespmem:s6+$0x0] =	vst @p2 v7  }
0x1a6: {  	s5 =	smov.u32 @p2 s4;
	v7 =	vld @p1 [tilespmem:s18+$0x0]  }
0x1a7: {  	v8 =	vld @p1 [tilespmem:s5+$0x0];
	_ =	sdelay $0x4  }
0x1a8: {  	v5 =	vpsel p1, v7, v5;
	v6 =	vpsel p1, v8, v6  }
0x1a9: {  	s4 =	sadd.s32 @p2 $0x10, s6;
	s6 =	simm.s32 $0xA480;
	vm3 =	veq.s32 @p1 v5, v4;
	v5 =	vsub.s32 @p1 $0x7FFF, v6  }
0x1aa: {  	s6 =	smov.u32 @p2 s4;
	s4 =	sadd.s32 @p1 $0x10, s18;
	v6 =	vsel @p3 vm2, $0x1, v1;
	v5 =	vnsel @p1 vm3, $0x80000000, v5  }
0x1ab: {  	s0 =	smov.u32 @p1 s4;
	(xrf0) =	vadd.scan.msk.s32 @p3 $0xffff, v6;
	[tilespmem:s6+$0x0] =	vst @p1 v5  }
0x1ac: {  	vm2 =	vgt.s32 @p2 v9, v4;
	v5 =	vld [tilespmem:s0+$0x0]  }
0x1ad: {  	vm1 =	vmmov @p2 vm2  }
0x1ae: {  	v6 =	vsel @p2 vm1, $0x1, v1;
	vm1 =	vgt.s32 @p1 v7, v4  }
0x1af: {  	(xrf0) =	vadd.scan.msk.s32 @p2 $0xffff, v6;
	vm0 =	vmmov @p1 vm1  }
0x1b0: {  	v6 =	vsel @p1 vm0, $0x1, v1  }
0x1b1: {  	v7, _, _ =	vpop @p3 (xrf0);
	(xrf0) =	vadd.scan.msk.s32 @p1 $0xffff, v6;
	vm14 =	vgt.s32 v5, v4  }
0x1b2: {  	v61 =	vsel vm14, $0x1, v1  }
0x1b3: {  	(xrf0) =	vadd.scan.msk.s32 $0xffff, v61  }
0x1b4: {  	(v2sf) =	vpush @p3 v7, $0xF  }
0x1b5: {  	v6, _, _ =	vpop @p2 (xrf0)  }
0x1b6: {  	(v2sf) =	vpush @p2 v6, $0xF  }
0x1b7: {  	v6, _, _ =	vpop @p1 (xrf0)  }
0x1b8: {  	(v2sf) =	vpush @p1 v6, $0xF  }
0x1b9: {  	v62, _, _ =	vpop (xrf0)  }
0x1ba: {  	(v2sf) =	vpush v62, $0xF;
	_ =	sdelay $0x4  }
0x1bb: {  	s0 =	spop @p5 (v2sf)  }
0x1bc: {  	s0 =	sadd.s32 @p5 s1, s0;
	s1 =	simm.s32 $0x0  }
0x1bd: {  	s4 =	spop @p4 (v2sf);
	s1 =	smov.u32 @p5 s0  }
0x1be: {  	s0 =	sadd.s32 @p4 s1, s4;
	s1 =	simm.s32 $0x0;
	s4 =	sadd.s32 @p1 $0x10, s5  }
0x1bf: {  	s1 =	smov.u32 @p4 s0;
	s25 =	smov.u32 @p1 s4;
	s18 =	spop @p3 (v2sf)  }
0x1c0: {  	v63 =	vld [tilespmem:s25+$0x0];
	s0 =	sadd.s32 @p3 s1, s18;
	s1 =	simm.s32 $0x0  }
0x1c1: {  	s4 =	spop @p2 (v2sf);
	s1 =	smov.u32 @p3 s0  }
0x1c2: {  	s0 =	sadd.s32 @p2 s1, s4;
	s1 =	simm.s32 $0x0  }
.Ltmp33:
0x1c3: {  	s1 =	smov.u32 @p2 s0;
	s0 =	spop @p1 (v2sf);
	(pc) =	sbr.rel .LBB2_45-.Ltmp33, $4  }
0x1c4: {  	s0 =	sadd.s32 @p1 s1, s0  }
0x1c5: {  	vm15 =	veq.s32 v5, v4;
	v4 =	vsub.s32 $0x7FFF, v63;
	s1 =	sadd.s32 @p1 $0x10, s6;
	s22 =	smov.u32 @p1 s0;
	s31 =	spop (v2sf)  }
0x1c6: {  	v4 =	vnsel vm15, $0x80000000, v4;
	s24 =	smov.u32 @p1 s1;
	s0 =	sadd.s32 s22, s31  }
0x1c7: {  	[tilespmem:s24+$0x0] =	vst v4;
	s0 =	ssub.s32 $0x40, s0  }
.LBB2_48:
0x1c8: {  	s4 =	simm.s32 $0x0  }
.LBB2_59:
0x1c9: {  	v4 =	vsel vm0, $0x1, v1  }
0x1ca: {  	(xrf0) =	vadd.scan.msk.s32 $0xffff, v4;
	_ =	sdelay $0x2  }
0x1cb: {  	v4, _, _ =	vpop @p1 (xrf0)  }
0x1cc: {  	(v2sf) =	vpush @p1 v4, $0xF;
	_ =	sdelay $0x1  }
0x1cd: {  	v4, _, _ =	vpop (xrf0)  }
0x1ce: {  	(v2sf) =	vpush v4, $0xF;
	_ =	sdelay $0x7  }
0x1cf: {  	s6 =	spop @p3 (v2sf);
	s4 =	sadd.s32 @p4 s4, s5;
	s5 =	simm.s32 $0x0  }
0x1d0: {  	s6 =	smov.u32 @p3 s6;
	s5 =	smov.u32 @p4 s4  }
0x1d1: {  	s4 =	sadd.s32 @p3 s5, s6;
	s6 =	simm.s32 $0x0;
	s5 =	spop @p2 (v2sf)  }
0x1d2: {  	s6 =	smov.u32 @p3 s4;
	s5 =	smov.u32 @p2 s5  }
0x1d3: {  	s4 =	sadd.s32 @p2 s6, s5;
	s6 =	simm.s32 $0x0;
	s5 =	spop @p1 (v2sf)  }
0x1d4: {  	s6 =	smov.u32 @p2 s4;
	s5 =	smov.u32 @p1 s5  }
0x1d5: {  	s4 =	sadd.s32 @p1 s6, s5  }
0x1d6: {  	s24 =	smov.u32 @p1 s4;
	s31 =	spop (v2sf)  }
0x1d7: {  	s4 =	sadd.s32 s24, s31  }
.LBB2_60:
0x1d8: {  	p1 =	slt.s32 s4, s0;
	s1 =	sadd.s32 $0x1, s1  }
0x1d9: {  	s22 =	smov.u32 @p1 s18;
	p1 =	sne.s32 s1, $0xF  }
.Ltmp34:
0x1da: {  	_ = 	snop;
	(pc) =	sbr.rel @!p1 .LBB2_61-.Ltmp34, $2  }
0x1db: {  	_ =	sdelay $0x2  }
0x1dc: {  	s18 =	smov.u32 s22  }
.LBB2_46:
.Ltmp35:
0x1dd: {  	(pc) =	sbr.rel @p0 .LBB2_60-.Ltmp35, $3  }
0x1de: {  	_ =	sdelay $0x1  }
0x1df: {  	s4 =	sshrl.u32 s17, s1  }
0x1e0: {  	s22 =	sor.u32 s4, s18;
	s4 =	simm.s32 $0x0  }
0x1e1: {  	s4 =	simm.s32 $0xA480  }
0x1e2: {  	p5 =	sne.s32 s23, $0x1;
	v5 =	vld [tilespmem:s4+$0x0]  }
.Ltmp36:
0x1e3: {  	_ = 	snop;
	(pc) =	sbr.rel @!p5 .LBB2_48-.Ltmp36, $4  }
0x1e4: {  	_ = 	snop  }
0x1e5: {  	s31 =	sxor.u32 $0x80000000, s22;
	s24 =	simm.s32 $0x0  }
0x1e6: {  	s5 =	simm.s32 $0xA490;
	p1 =	por $0x0, $0x0;
	p2 =	por $0x0, $0x0;
	v4 =	vmov s31  }
0x1e7: {  	p3 =	por $0x0, $0x0;
	p4 =	por $0x0, $0x0;
	s4 =	sadd.s32 $0xFFFFFFFF, s23;
	vm0 =	vge.s32 v5, v4  }
0x1e8: {  	v5 =	vld [tilespmem:s5+$0x0];
	p5 =	sne.s32 s4, $0x1  }
.Ltmp37:
0x1e9: {  	_ = 	snop;
	(pc) =	sbr.rel @!p5 .LBB2_50-.Ltmp37, $4  }
0x1ea: {  	_ = 	snop  }
0x1eb: {  	v6 =	vsel vm0, $0x1, v1  }
0x1ec: {  	(xrf0) =	vadd.scan.msk.s32 $0xffff, v6  }
0x1ed: {  	s4 =	sadd.s32 $0xFFFFFFFF, s4;
	s5 =	simm.s32 $0xA4A0;
	p1 =	por $0x1, $0x1;
	vm0 =	vge.s32 v5, v4  }
0x1ee: {  	v5 =	vld [tilespmem:s5+$0x0];
	p5 =	sne.s32 s4, $0x1  }
.Ltmp38:
0x1ef: {  	_ = 	snop;
	(pc) =	sbr.rel @!p5 .LBB2_52-.Ltmp38, $4  }
0x1f0: {  	_ = 	snop  }
0x1f1: {  	v6 =	vsel vm0, $0x1, v1  }
0x1f2: {  	v7, _, _ =	vpop (xrf0);
	(xrf0) =	vadd.scan.msk.s32 $0xffff, v6  }
0x1f3: {  	s4 =	sadd.s32 $0xFFFFFFFF, s4;
	s5 =	simm.s32 $0xA4B0;
	p2 =	por $0x1, $0x1;
	(v2sf) =	vpush v7, $0xF;
	vm0 =	vge.s32 v5, v4  }
0x1f4: {  	_ =	sdelay $0x3  }
0x1f5: {  	v7, _, _ =	vpop (xrf0)  }
0x1f6: {  	(v2sf) =	vpush v7, $0xF;
	_ =	sdelay $0x3  }
0x1f7: {  	v5 =	vld [tilespmem:s5+$0x0];
	p5 =	sne.s32 s4, $0x1  }
.Ltmp39:
0x1f8: {  	_ = 	snop;
	(pc) =	sbr.rel @!p5 .LBB2_54-.Ltmp39, $4  }
0x1f9: {  	_ = 	snop  }
0x1fa: {  	v6 =	vsel vm0, $0x1, v1  }
0x1fb: {  	(xrf0) =	vadd.scan.msk.s32 $0xffff, v6  }
0x1fc: {  	s4 =	sadd.s32 $0xFFFFFFFF, s4;
	s5 =	simm.s32 $0xA4C0;
	p3 =	por $0x1, $0x1;
	vm0 =	vge.s32 v5, v4  }
0x1fd: {  	_ =	sdelay $0x3  }
0x1fe: {  	v7, _, _ =	vpop (xrf0)  }
0x1ff: {  	(v2sf) =	vpush v7, $0xF;
	_ =	sdelay $0x2  }
0x200: {  	v5 =	vld [tilespmem:s5+$0x0];
	p5 =	sne.s32 s4, $0x1;
	v6 =	vsel vm0, $0x1, v1  }
.Ltmp40:
0x201: {  	(xrf0) =	vadd.scan.msk.s32 $0xffff, v6;
	(pc) =	sbr.rel @!p5 .LBB2_56-.Ltmp40, $3  }
0x202: {  	_ =	sdelay $0x1  }
0x203: {  	s6 =	sadd.s32 $0xFFFFFFFF, s4;
	s19 =	simm.s32 $0xA4D0  }
0x204: {  	s5 =	spop (v2sf);
	p4 =	por $0x1, $0x1;
	s4 =	simm.s32 $0x0;
	vm0 =	vge.s32 v5, v4  }
.LBB2_57:
0x205: {  	v5 =	vld [tilespmem:s19+$0x0];
	p5 =	sne.s32 s6, $0x1;
	s6 =	sadd.s32 $0xFFFFFFFF, s6;
	v7 =	vsel vm0, $0x1, v1;
	s4 =	sadd.s32 s4, s5  }
.Ltmp41:
0x206: {  	(xrf0) =	vadd.scan.msk.s32 $0xffff, v7;
	v6, _, _ =	vpop (xrf0);
	(pc) =	sbr.rel @p5 .LBB2_57-.Ltmp41, $2  }
0x207: {  	(v2sf) =	vpush v6, $0xF;
	_ =	sdelay $0x3  }
0x208: {  	s19 =	sadd.s32 $0x10, s19;
	vm0 =	vge.s32 v5, v4;
	s5 =	spop (v2sf)  }
.Ltmp42:
0x209: {  	(pc) =	sbr.rel .LBB2_59-.Ltmp42, $1  }
0x20a: {  	_ =	sdelay $0x3  }
.LBB2_50:
.Ltmp43:
0x20b: {  	(pc) =	sbr.rel .LBB2_59-.Ltmp43, $2  }
0x20c: {  	_ =	sdelay $0x2  }
0x20d: {  	s4 =	simm.s32 $0x0  }
.LBB2_52:
.Ltmp44:
0x20e: {  	(pc) =	sbr.rel .LBB2_59-.Ltmp44, $2  }
0x20f: {  	_ =	sdelay $0x2  }
0x210: {  	s4 =	simm.s32 $0x0  }
.LBB2_54:
.Ltmp45:
0x211: {  	(pc) =	sbr.rel .LBB2_59-.Ltmp45, $2  }
0x212: {  	_ =	sdelay $0x2  }
0x213: {  	s4 =	simm.s32 $0x0  }
.LBB2_56:
.Ltmp46:
0x214: {  	(pc) =	sbr.rel .LBB2_59-.Ltmp46, $2  }
0x215: {  	_ =	sdelay $0x2  }
0x216: {  	s4 =	simm.s32 $0x0  }
.LBB2_61:
0x217: {  	s0 =	simm.s32 $0x0;
	s1 =	rddreg [dreg:$0x3]  }
0x218: {  	[tilespmem:s0], [sflag:$0x1] =	stream.strided.gather [hbm4b:s1+s10], $0x8000, s11, s10, $0x38;
	[tilespmem:$0xB500] =	vst v63  }
0x219: {  	_ =	swait.ge [sflag:s12], $0x8000  }
0x21a: {  	[sflag:s12] =	ssyncset.done $0x0  }
0x21b: {  	s1 =	simm.s32 $0x40;
	[sflag:s12] =	ssyncadd.s32 $0xFFFF8000  }
.LBB2_62:
0x21c: {  	v4 =	vmov s1;
	_ =	sdelay $0x3  }
0x21d: {  	s4 =	simm.s32 $0x0  }
0x21e: {  	v5 =	vld.idx.msk [tilespmem:v4+s4+$0xFFFFFFC0 ss:$0x1], $0xffff;
	_ =	sdelay $0x2  }
0x21f: {  	v7 =	vld.idx.msk [tilespmem:v4+s4+$0xFFFFFFD0 ss:$0x1], $0xffff  }
0x220: {  	v8 =	vld.idx.msk [tilespmem:v4+s4+$0xFFFFFFE0 ss:$0x1], $0xffff  }
0x221: {  	v6 =	vshra.s32 v5, $0x1F  }
0x222: {  	v6 =	vand.u32 $0x7FFFFFFF, v6  }
0x223: {  	v9 =	vimm.s32 $0x80000000;
	v10 =	vld.idx.msk [tilespmem:v4+s4+$0xFFFFFFF0 ss:$0x1], $0xffff;
	v5 =	vxor.u32 v5, v6  }
0x224: {  	v11 =	vshra.s32 v7, $0x1F;
	vm0 =	vgt.s32 v9, v5  }
0x225: {  	v11 =	vand.u32 $0x7FFFFFFF, v11;
	v6 =	vld.idx.msk [tilespmem:v4+s4+$0x0 ss:$0x1], $0xffff;
	v5 =	vsel vm0, v9, v5;
	v9 =	vshra.s32 v8, $0x1F  }
0x226: {  	v7 =	vxor.u32 v7, v11;
	v9 =	vand.u32 $0x7FFFFFFF, v9  }
0x227: {  	vm0 =	vgt.s32 v5, v7;
	v9 =	vxor.u32 v8, v9;
	v8 =	vld.idx.msk [tilespmem:v4+s4+$0x10 ss:$0x1], $0xffff  }
0x228: {  	v5 =	vsel vm0, v5, v7;
	v7 =	vshra.s32 v10, $0x1F  }
0x229: {  	vm0 =	vgt.s32 v5, v9;
	v11 =	vand.u32 $0x7FFFFFFF, v7;
	v7 =	vld.idx.msk [tilespmem:v4+s4+$0x20 ss:$0x1], $0xffff  }
0x22a: {  	v9 =	vsel vm0, v5, v9;
	v10 =	vxor.u32 v10, v11;
	v11 =	vshra.s32 v6, $0x1F  }
0x22b: {  	s18 =	simm.s32 $0x80;
	v5 =	vld.idx.msk [tilespmem:v4+s4+$0x30 ss:$0x1], $0xffff;
	s4 =	simm.s32 $0x400;
	vm0 =	vgt.s32 v9, v10;
	v11 =	vand.u32 $0x7FFFFFFF, v11  }
.LBB2_63:
0x22c: {  	p0 =	sne.s32 s4, $0xE00;
	v12 =	vld.idx.msk [tilespmem:v4+s18+$0xFFFFFFC0 ss:$0x1], $0xffff;
	v9 =	vsel vm0, v9, v10;
	v6 =	vxor.u32 v6, v11;
	v10 =	vshra.s32 v8, $0x1F  }
0x22d: {  	vm0 =	vgt.s32 v9, v6;
	v10 =	vand.u32 $0x7FFFFFFF, v10  }
0x22e: {  	v11 =	vld.idx.msk [tilespmem:v4+s18+$0xFFFFFFD0 ss:$0x1], $0xffff;
	v6 =	vsel vm0, v9, v6;
	v8 =	vxor.u32 v8, v10;
	v9 =	vshra.s32 v7, $0x1F  }
0x22f: {  	vm0 =	vgt.s32 v6, v8;
	v9 =	vand.u32 $0x7FFFFFFF, v9  }
0x230: {  	v10 =	vld.idx.msk [tilespmem:v4+s18+$0xFFFFFFE0 ss:$0x1], $0xffff;
	v6 =	vsel vm0, v6, v8;
	v7 =	vxor.u32 v7, v9;
	v8 =	vshra.s32 v5, $0x1F  }
0x231: {  	vm0 =	vgt.s32 v6, v7;
	v8 =	vand.u32 $0x7FFFFFFF, v8  }
0x232: {  	v9 =	vshra.s32 v12, $0x1F;
	v13 =	vld.idx.msk [tilespmem:v4+s18+$0xFFFFFFF0 ss:$0x1], $0xffff;
	v7 =	vsel vm0, v6, v7;
	v5 =	vxor.u32 v5, v8  }
0x233: {  	v6 =	vand.u32 $0x7FFFFFFF, v9;
	vm0 =	vgt.s32 v7, v5  }
0x234: {  	v8 =	vxor.u32 v12, v6;
	v9 =	vshra.s32 v11, $0x1F;
	v6 =	vld.idx.msk [tilespmem:v4+s18+$0x0 ss:$0x1], $0xffff;
	v5 =	vsel vm0, v7, v5  }
0x235: {  	v7 =	vand.u32 $0x7FFFFFFF, v9;
	vm0 =	vgt.s32 v5, v8  }
0x236: {  	v7 =	vxor.u32 v11, v7;
	v9 =	vshra.s32 v10, $0x1F;
	v5 =	vsel vm0, v5, v8;
	v8 =	vld.idx.msk [tilespmem:v4+s18+$0x10 ss:$0x1], $0xffff  }
.Ltmp47:
0x237: {  	v9 =	vand.u32 $0x7FFFFFFF, v9;
	vm0 =	vgt.s32 v5, v7;
	(pc) =	sbr.rel @p0 .LBB2_63-.Ltmp47, $4  }
0x238: {  	v9 =	vxor.u32 v10, v9;
	v10 =	vshra.s32 v13, $0x1F;
	v5 =	vsel vm0, v5, v7;
	v7 =	vld.idx.msk [tilespmem:v4+s18+$0x20 ss:$0x1], $0xffff  }
0x239: {  	v10 =	vand.u32 $0x7FFFFFFF, v10;
	vm0 =	vgt.s32 v5, v9  }
0x23a: {  	v10 =	vxor.u32 v13, v10;
	v11 =	vshra.s32 v6, $0x1F;
	v9 =	vsel vm0, v5, v9;
	v5 =	vld.idx.msk [tilespmem:v4+s18+$0x30 ss:$0x1], $0xffff  }
0x23b: {  	s18 =	sshra.s32 s4, $0x2;
	s4 =	sadd.s32 $0x200, s4;
	v11 =	vand.u32 $0x7FFFFFFF, v11;
	vm0 =	vgt.s32 v9, v10  }
0x23c: {  	_ =	sdelay $0x2  }
0x23d: {  	v9 =	vsel vm0, v9, v10;
	v6 =	vxor.u32 v6, v11;
	v40 =	vshra.s32 v8, $0x1F  }
0x23e: {  	v41 =	vld.idx.msk [tilespmem:v4+s18+$0xFFFFFFC0 ss:$0x1], $0xffff;
	vm0 =	vgt.s32 v9, v6;
	v10 =	vand.u32 $0x7FFFFFFF, v40  }
0x23f: {  	v43 =	vshra.s32 v7, $0x1F;
	v6 =	vsel vm0, v9, v6;
	v42 =	vxor.u32 v8, v10  }
0x240: {  	v44 =	vld.idx.msk [tilespmem:v4+s18+$0xFFFFFFD0 ss:$0x1], $0xffff;
	v9 =	vand.u32 $0x7FFFFFFF, v43;
	vm0 =	vgt.s32 v6, v42  }
0x241: {  	v45 =	vxor.u32 v7, v9;
	v46 =	vshra.s32 v5, $0x1F;
	v6 =	vsel vm0, v6, v42  }
0x242: {  	v47 =	vld.idx.msk [tilespmem:v4+s18+$0xFFFFFFE0 ss:$0x1], $0xffff;
	v8 =	vand.u32 $0x7FFFFFFF, v46;
	vm0 =	vgt.s32 v6, v45  }
0x243: {  	v12 =	vshra.s32 v41, $0x1F;
	v5 =	vxor.u32 v5, v8;
	v6 =	vsel vm0, v6, v45  }
0x244: {  	v48 =	vld.idx.msk [tilespmem:v4+s18+$0xFFFFFFF0 ss:$0x1], $0xffff;
	v49 =	vand.u32 $0x7FFFFFFF, v12;
	vm0 =	vgt.s32 v6, v5  }
0x245: {  	v50 =	vshra.s32 v44, $0x1F;
	v8 =	vxor.u32 v41, v49;
	v5 =	vsel vm0, v6, v5  }
0x246: {  	v51 =	vld.idx.msk [tilespmem:v4+s18+$0x0 ss:$0x1], $0xffff;
	v11 =	vand.u32 $0x7FFFFFFF, v50;
	vm0 =	vgt.s32 v5, v8  }
0x247: {  	v53 =	vshra.s32 v47, $0x1F;
	v52 =	vxor.u32 v44, v11;
	v5 =	vsel vm0, v5, v8  }
0x248: {  	v54 =	vld.idx.msk [tilespmem:v4+s18+$0x10 ss:$0x1], $0xffff;
	v10 =	vand.u32 $0x7FFFFFFF, v53;
	vm0 =	vgt.s32 v5, v52  }
0x249: {  	v56 =	vshra.s32 v48, $0x1F;
	v55 =	vxor.u32 v47, v10;
	v5 =	vsel vm0, v5, v52  }
0x24a: {  	v57 =	vld.idx.msk [tilespmem:v4+s18+$0x20 ss:$0x1], $0xffff;
	v9 =	vand.u32 $0x7FFFFFFF, v56;
	vm0 =	vgt.s32 v5, v55  }
0x24b: {  	v58 =	vshra.s32 v51, $0x1F;
	v7 =	vxor.u32 v48, v9;
	v5 =	vsel vm0, v5, v55  }
0x24c: {  	v4 =	vld.idx.msk [tilespmem:v4+s18+$0x30 ss:$0x1], $0xffff;
	v8 =	vand.u32 $0x7FFFFFFF, v58;
	vm0 =	vgt.s32 v5, v7  }
0x24d: {  	v59 =	vshra.s32 v54, $0x1F;
	v6 =	vxor.u32 v51, v8;
	v5 =	vsel vm0, v5, v7  }
0x24e: {  	v7 =	vand.u32 $0x7FFFFFFF, v59;
	vm0 =	vgt.s32 v5, v6  }
0x24f: {  	v61 =	vshra.s32 v57, $0x1F;
	v60 =	vxor.u32 v54, v7;
	v5 =	vsel vm0, v5, v6  }
0x250: {  	s4 =	sshll.u32 s0, $0x4;
	s0 =	sadd.s32 $0x1, s0;
	v7 =	vand.u32 $0x7FFFFFFF, v61;
	vm0 =	vgt.s32 v5, v60  }
0x251: {  	p0 =	sne.s32 s0, $0x20;
	v63 =	vshra.s32 v4, $0x1F;
	v62 =	vxor.u32 v57, v7;
	v5 =	vsel vm0, v5, v60  }
.Ltmp48:
0x252: {  	v7 =	vand.u32 $0x7FFFFFFF, v63;
	vm0 =	vgt.s32 v5, v62;
	(pc) =	sbr.rel @p0 .LBB2_62-.Ltmp48, $4  }
0x253: {  	v4 =	vxor.u32 v4, v7;
	v5 =	vsel vm0, v5, v62  }
0x254: {  	vm0 =	vgt.s32 v5, v4  }
0x255: {  	s4 =	sand.u32 $0x3FFFFFF0, s4;
	v4 =	vsel vm0, v5, v4  }
0x256: {  	s1 =	sadd.s32 $0x400, s1;
	[tilespmem:s4+$0x8000] =	vst v4;
	s4 =	simm.s32 $0x0  }
0x257: {  	s0 =	simm.s32 $0x0  }
.LBB2_66:
0x258: {  	s1 =	simm.s32 $0x0  }
0x259: {  	v5 =	vld [tilespmem:s1+$0x8000]  }
0x25a: {  	s29 =	simm.s32 $0x10;
	s5 =	sshrl.u32 s13, s0  }
0x25b: {  	s6 =	simm.s32 $0x20;
	v6 =	vld [tilespmem:s29+$0x8000];
	s1 =	sor.u32 s5, s4  }
0x25c: {  	v7 =	vld [tilespmem:s6+$0x8000];
	s5 =	sxor.u32 $0x80000000, s1  }
0x25d: {  	v4 =	vmov s5  }
0x25e: {  	vm0 =	vge.s32 v5, v4  }
0x25f: {  	v5 =	vsel vm0, $0x1, v1  }
0x260: {  	vm13 =	vge.s32 v6, v4;
	(xrf0) =	vadd.scan.msk.s32 $0xffff, v5  }
0x261: {  	vm14 =	vge.s32 v7, v4;
	v5 =	vsel vm13, $0x1, v1  }
0x262: {  	(xrf0) =	vadd.scan.msk.s32 $0xffff, v5;
	v5 =	vsel vm14, $0x1, v1  }
0x263: {  	s30 =	simm.s32 $0x30;
	(xrf0) =	vadd.scan.msk.s32 $0xffff, v5  }
0x264: {  	v6 =	vld [tilespmem:s30+$0x8000];
	_ =	sdelay $0x1  }
0x265: {  	v5, _, _ =	vpop (xrf0)  }
0x266: {  	(v2sf) =	vpush v5, $0xF  }
0x267: {  	v5, _, _ =	vpop (xrf0)  }
0x268: {  	vm15 =	vge.s32 v6, v4;
	(v2sf) =	vpush v5, $0xF;
	v6, _, _ =	vpop (xrf0)  }
0x269: {  	(v2sf) =	vpush v6, $0xF;
	_ =	sdelay $0x5  }
0x26a: {  	s31 =	simm.s32 $0x40;
	v5 =	vsel vm15, $0x1, v1  }
0x26b: {  	(xrf0) =	vadd.scan.msk.s32 $0xffff, v5;
	v5 =	vld [tilespmem:s31+$0x8000];
	_ =	sdelay $0x1  }
0x26c: {  	s6 =	simm.s32 $0x140;
	s5 =	simm.s32 $0x0  }
.LBB2_67:
0x26d: {  	p0 =	sne.s32 s6, $0x7C0  }
.Ltmp49:
0x26e: {  	s18 =	sshra.s32 s6, $0x2;
	(pc) =	sbr.rel @p0 .LBB2_67-.Ltmp49, $4  }
0x26f: {  	s6 =	sadd.s32 $0x40, s6;
	s19 =	spop (v2sf);
	vm0 =	vge.s32 v5, v4  }
0x270: {  	s5 =	sadd.s32 s5, s19;
	v5 =	vld [tilespmem:s18+$0x8000];
	v7 =	vsel vm0, $0x1, v1  }
0x271: {  	(xrf0) =	vadd.scan.msk.s32 $0xffff, v7;
	v6, _, _ =	vpop (xrf0)  }
0x272: {  	(v2sf) =	vpush v6, $0xF  }
0x273: {  	_ =	sdelay $0x1  }
0x274: {  	vm0 =	vge.s32 v5, v4  }
0x275: {  	v4 =	vsel vm0, $0x1, v1  }
0x276: {  	(xrf0) =	vadd.scan.msk.s32 $0xffff, v4;
	_ =	sdelay $0x4  }
0x277: {  	v4, _, _ =	vpop (xrf0)  }
0x278: {  	(v2sf) =	vpush v4, $0xF;
	v4, _, _ =	vpop (xrf0)  }
0x279: {  	(v2sf) =	vpush v4, $0xF;
	_ =	sdelay $0xa  }
0x27a: {  	s6 =	spop (v2sf)  }
0x27b: {  	s0 =	sadd.s32 $0x1, s0;
	s5 =	sadd.s32 s5, s6;
	s28 =	spop (v2sf)  }
0x27c: {  	p1 =	sne.s32 s0, $0x10;
	s5 =	sadd.s32 s5, s28;
	s29 =	spop (v2sf)  }
.Ltmp50:
0x27d: {  	s5 =	sadd.s32 s5, s29;
	s30 =	spop (v2sf);
	(pc) =	sbr.rel @p1 .LBB2_66-.Ltmp50, $4  }
0x27e: {  	s5 =	sadd.s32 s5, s30;
	s31 =	spop (v2sf)  }
0x27f: {  	s5 =	sadd.s32 s5, s31  }
0x280: {  	p0 =	sgt.s32 s5, $0x3F  }
0x281: {  	s4 =	smov.u32 @p0 s1  }
0x282: {  	s1 =	simm.s32 $0x8000  }
0x283: {  	v5 =	vld [tilespmem:s1+$0x0];
	_ =	sdelay $0x2  }
0x284: {  	s0 =	sxor.u32 $0x80000000, s4  }
0x285: {  	v4 =	vmov s0  }
0x286: {  	vm0 =	vge.s32 v5, v4  }
0x287: {  	v5 =	vsel vm0, $0x1, v1  }
0x288: {  	(xrf0) =	vadd.scan.msk.s32 $0xffff, v5;
	_ =	sdelay $0x2  }
0x289: {  	s0 =	simm.s32 $0x0  }
0x28a: {  	v5 =	vmov s0  }
0x28b: {  	v5 =	vadd.s32 $0xFFFFFFFF, v5  }
0x28c: {  	v5 =	vbroadcast v5, $0x0;
	v6, _, _ =	vpop (xrf0)  }
0x28d: {  	(v2sf) =	vpush v6, $0xF  }
0x28e: {  	v5 =	vadd.s32 v6, v5;
	_ =	sdelay $0x3  }
0x28f: {  	v7 =	vor.u32 s0, v0  }
0x290: {  	s4 =	simm.s32 $0x8010;
	[tilespmem:v5+s14+$0x0] =	vst.idx.msk vm0, v7  }
0x291: {  	s5 =	simm.s32 $0x20;
	s1 =	simm.s32 $0x10;
	v5 =	vld [tilespmem:s4+$0x0]  }
.LBB2_70:
0x292: {  	p0 =	seq.s32 s5, $0x1F0;
	_ =	sdelay $0x3  }
0x293: {  	vm0 =	vge.s32 v5, v4  }
0x294: {  	v5 =	vsel vm0, $0x1, v1  }
0x295: {  	(xrf0) =	vadd.scan.msk.s32 $0xffff, v5  }
0x296: {  	s6 =	spop (v2sf)  }
0x297: {  	s0 =	sadd.s32 s0, s6  }
0x298: {  	v5 =	vmov s0  }
0x299: {  	v5 =	vadd.s32 $0xFFFFFFFF, v5  }
0x29a: {  	v5 =	vbroadcast v5, $0x0  }
0x29b: {  	v6, _, _ =	vpop (xrf0)  }
0x29c: {  	v5 =	vadd.s32 v6, v5;
	(v2sf) =	vpush v6, $0xF;
	_ =	sdelay $0x2  }
.Ltmp51:
0x29d: {  	(pc) =	sbr.rel @!p0 .LBB2_70-.Ltmp51, $4  }
0x29e: {  	v6 =	vor.u32 s1, v0;
	s1 =	smov.u32 s5  }
0x29f: {  	[tilespmem:v5+s14+$0x0] =	vst.idx.msk vm0, v6  }
0x2a0: {  	s4 =	sadd.s32 $0x10, s4  }
0x2a1: {  	s5 =	sadd.s32 $0x10, s5;
	v5 =	vld [tilespmem:s4+$0x0]  }
0x2a2: {  	_ =	sdelay $0x3  }
0x2a3: {  	vm0 =	vge.s32 v5, v4  }
0x2a4: {  	v5 =	vsel vm0, $0x1, v1  }
0x2a5: {  	(xrf0) =	vadd.scan.msk.s32 $0xffff, v5;
	_ =	sdelay $0x5  }
0x2a6: {  	v5, _, _ =	vpop (xrf0)  }
0x2a7: {  	(v2sf) =	vpush v5, $0xF;
	_ =	sdelay $0x8  }
0x2a8: {  	s4 =	spop (v2sf)  }
0x2a9: {  	s0 =	sadd.s32 s0, s4  }
0x2aa: {  	v6 =	vmov s0  }
0x2ab: {  	v6 =	vadd.s32 $0xFFFFFFFF, v6  }
0x2ac: {  	v6 =	vbroadcast v6, $0x0;
	_ =	sdelay $0x1  }
0x2ad: {  	v5 =	vadd.s32 v5, v6;
	v6 =	vor.u32 s1, v0;
	s1 =	spop (v2sf)  }
0x2ae: {  	s4 =	sadd.s32 s0, s1  }
0x2af: {  	p0 =	slt.s32 s4, $0x1  }
.Ltmp52:
0x2b0: {  	_ = 	snop;
	(pc) =	sbr.rel @p0 .LBB2_74-.Ltmp52, $2  }
0x2b1: {  	_ =	sdelay $0x2  }
0x2b2: {  	s18 =	simm.s32 $0x0;
	[tilespmem:v5+s14+$0x0] =	vst.idx.msk vm0, v6;
	s4 =	simm.s32 $0x0  }
0x2b3: {  	s0 =	sadd.s32 s0, s1;
	s4 =	simm.s32 $0x0;
	s1 =	simm.s32 $0x8200  }
.LBB2_73:
0x2b4: {  	v5 =	vld [tilespmem:s1+$0x0];
	_ =	sdelay $0x4  }
0x2b5: {  	(v2sf) =	vpush v5, $0x0;
	_ =	sdelay $0xe  }
0x2b6: {  	s5 =	spop (v2sf)  }
0x2b7: {  	s6 =	sshll.u32 s5, $0x6  }
0x2b8: {  	s5 =	sand.u32 $0xF, s5;
	s6 =	sand.u32 $0xFFFFFC00, s6  }
0x2b9: {  	s5 =	sor.u32 s5, s6  }
0x2ba: {  	v5 =	vor.u32 s5, v2;
	_ =	sdelay $0x4  }
0x2bb: {  	v6 =	vld.idx.msk [tilespmem:v5+s2+$0x0], $0xffff;
	_ =	sdelay $0x4  }
0x2bc: {  	v7 =	vshra.s32 v6, $0x1F  }
0x2bd: {  	v7 =	vand.u32 $0x7FFFFFFF, v7  }
0x2be: {  	v6 =	vxor.u32 v6, v7  }
0x2bf: {  	vm0 =	vge.s32 v6, v4  }
0x2c0: {  	v7 =	vsel vm0, $0x1, v1  }
0x2c1: {  	(xrf0) =	vadd.scan.msk.s32 $0xffff, v7;
	_ =	sdelay $0x2  }
0x2c2: {  	v7 =	vmov s4  }
0x2c3: {  	v7 =	vadd.s32 $0xFFFFFFFF, v7  }
0x2c4: {  	v7 =	vbroadcast v7, $0x0  }
0x2c5: {  	v8, _, _ =	vpop (xrf0)  }
0x2c6: {  	v7 =	vadd.s32 v8, v7  }
0x2c7: {  	vm1 =	vlt.s32 v7, $0xFFF  }
0x2c8: {  	v7 =	vnsel vm1, $0xFFF, v7  }
0x2c9: {  	s6 =	sor.u32 $0x100, s5  }
0x2ca: {  	v9 =	vor.u32 s6, v2  }
0x2cb: {  	(v2sf) =	vpush v8, $0xF;
	_ =	sdelay $0x1  }
0x2cc: {  	[tilespmem:v7+s15+$0x0] =	vst.idx.msk vm0, v6  }
0x2cd: {  	[tilespmem:v7+s16+$0x0] =	vst.idx.msk vm0, v5  }
0x2ce: {  	v5 =	vld.idx.msk [tilespmem:v9+s2+$0x0], $0xffff;
	_ =	sdelay $0x4  }
0x2cf: {  	v6 =	vshra.s32 v5, $0x1F  }
0x2d0: {  	v6 =	vand.u32 $0x7FFFFFFF, v6  }
0x2d1: {  	v5 =	vxor.u32 v5, v6  }
0x2d2: {  	vm10 =	vge.s32 v5, v4  }
0x2d3: {  	v6 =	vsel vm10, $0x1, v1  }
0x2d4: {  	(xrf0) =	vadd.scan.msk.s32 $0xffff, v6  }
0x2d5: {  	s25 =	spop (v2sf)  }
0x2d6: {  	s26 =	sadd.s32 s4, s25  }
0x2d7: {  	v6 =	vmov s26  }
0x2d8: {  	v6 =	vadd.s32 $0xFFFFFFFF, v6  }
0x2d9: {  	v6 =	vbroadcast v6, $0x0  }
0x2da: {  	v7, _, _ =	vpop (xrf0)  }
0x2db: {  	v6 =	vadd.s32 v7, v6  }
0x2dc: {  	vm11 =	vlt.s32 v6, $0xFFF  }
0x2dd: {  	v6 =	vnsel vm11, $0xFFF, v6  }
0x2de: {  	s28 =	sor.u32 $0x200, s5  }
0x2df: {  	v62 =	vor.u32 s28, v2  }
0x2e0: {  	(v2sf) =	vpush v7, $0xF;
	_ =	sdelay $0x1  }
0x2e1: {  	[tilespmem:v6+s15+$0x0] =	vst.idx.msk vm10, v5  }
0x2e2: {  	[tilespmem:v6+s16+$0x0] =	vst.idx.msk vm10, v9  }
0x2e3: {  	v5 =	vld.idx.msk [tilespmem:v62+s2+$0x0], $0xffff;
	_ =	sdelay $0x4  }
0x2e4: {  	v6 =	vshra.s32 v5, $0x1F  }
0x2e5: {  	v6 =	vand.u32 $0x7FFFFFFF, v6  }
0x2e6: {  	v5 =	vxor.u32 v5, v6  }
0x2e7: {  	vm12 =	vge.s32 v5, v4  }
0x2e8: {  	v6 =	vsel vm12, $0x1, v1  }
0x2e9: {  	(xrf0) =	vadd.scan.msk.s32 $0xffff, v6  }
0x2ea: {  	s29 =	spop (v2sf)  }
0x2eb: {  	s4 =	sadd.s32 s29, s26  }
0x2ec: {  	v6 =	vmov s4  }
0x2ed: {  	v6 =	vadd.s32 $0xFFFFFFFF, v6  }
0x2ee: {  	v6 =	vbroadcast v6, $0x0  }
0x2ef: {  	v7, _, _ =	vpop (xrf0)  }
0x2f0: {  	v6 =	vadd.s32 v7, v6  }
0x2f1: {  	vm13 =	vlt.s32 v6, $0xFFF  }
0x2f2: {  	v6 =	vnsel vm13, $0xFFF, v6  }
0x2f3: {  	s5 =	sor.u32 $0x300, s5  }
0x2f4: {  	v63 =	vor.u32 s5, v2;
	_ =	sdelay $0x2  }
0x2f5: {  	[tilespmem:v6+s15+$0x0] =	vst.idx.msk vm12, v5  }
0x2f6: {  	[tilespmem:v6+s16+$0x0] =	vst.idx.msk vm12, v62  }
0x2f7: {  	v5 =	vld.idx.msk [tilespmem:v63+s2+$0x0], $0xffff;
	_ =	sdelay $0x4  }
0x2f8: {  	v6 =	vshra.s32 v5, $0x1F  }
0x2f9: {  	(v2sf) =	vpush v7, $0xF;
	v6 =	vand.u32 $0x7FFFFFFF, v6  }
0x2fa: {  	v5 =	vxor.u32 v5, v6  }
0x2fb: {  	vm14 =	vge.s32 v5, v4  }
0x2fc: {  	v6 =	vsel vm14, $0x1, v1  }
0x2fd: {  	(xrf0) =	vadd.scan.msk.s32 $0xffff, v6;
	_ =	sdelay $0x5  }
0x2fe: {  	v6, _, _ =	vpop (xrf0)  }
0x2ff: {  	(v2sf) =	vpush v6, $0xF;
	_ =	sdelay $0x3  }
0x300: {  	s30 =	spop (v2sf)  }
0x301: {  	s4 =	sadd.s32 s30, s4  }
0x302: {  	v7 =	vmov s4  }
0x303: {  	v7 =	vadd.s32 $0xFFFFFFFF, v7  }
0x304: {  	v7 =	vbroadcast v7, $0x0;
	_ =	sdelay $0x1  }
0x305: {  	v6 =	vadd.s32 v6, v7  }
0x306: {  	vm15 =	vlt.s32 v6, $0xFFF  }
0x307: {  	v6 =	vnsel vm15, $0xFFF, v6  }
0x308: {  	p1 =	sne.s32 s0, $0x1  }
.Ltmp53:
0x309: {  	_ = 	snop;
	(pc) =	sbr.rel @p1 .LBB2_73-.Ltmp53, $4  }
0x30a: {  	s31 =	spop (v2sf)  }
0x30b: {  	s4 =	sadd.s32 s31, s4  }
0x30c: {  	[tilespmem:v6+s15+$0x0] =	vst.idx.msk vm14, v5;
	p0 =	slt.s32 s4, $0xFF0  }
0x30d: {  	s1 =	sadd.s32 $0x1, s1;
	s0 =	sadd.s32 $0xFFFFFFFF, s0;
	[tilespmem:v6+s16+$0x0] =	vst.idx.msk vm14, v63;
	s4 =	simm.s32 @!p0 $0xFF0  }
.LBB2_74:
0x30e: {  	v4 =	vadd.s32 s4, v0;
	_ =	sdelay $0x2  }
0x30f: {  	s0 =	sadd.s32 $0xF, s4  }
0x310: {  	s25 =	sshra.s32 s0, $0x4  }
0x311: {  	s22 =	sxor.u32 $0x80007FFF, s22;
	s0 =	simm.s32 $0x0;
	p0 =	slt.s32 s25, $0x1;
	[tilespmem:v4+s15+$0x0] =	vst.idx.msk $0xffff, v3  }
.LBB2_75:
.Ltmp54:
0x312: {  	(pc) =	sbr.rel @!p0 .LBB2_76-.Ltmp54, $1  }
0x313: {  	_ =	sdelay $0x3  }
0x314: {  	s18 =	sadd.s32 $0x1, s18  }
0x315: {  	p1 =	sne.s32 s18, $0x20  }
.Ltmp55:
0x316: {  	_ = 	snop;
	(pc) =	sbr.rel @p1 .LBB2_75-.Ltmp55, $4  }
.Ltmp56:
0x317: {  	_ = 	snop;
	(pc) =	sbr.rel @!p1 .LBB2_92-.Ltmp56, $4  }
0x318: {  	_ = 	snop  }
0x319: {  	_ = 	snop  }
0x31a: {  	_ = 	snop  }
0x31b: {  	_ = 	snop  }
.LBB2_76:
0x31c: {  	s1 =	simm.s32 $0x8480  }
0x31d: {  	p6 =	sne.s32 s25, $0x1;
	v5 =	vld [tilespmem:s1+$0x0]  }
.Ltmp57:
0x31e: {  	s31 =	sshrl.u32 s13, s18;
	(pc) =	sbr.rel @!p6 .LBB2_77-.Ltmp57, $4  }
0x31f: {  	s23 =	sor.u32 s31, s0  }
0x320: {  	s24 =	simm.s32 $0x0;
	s1 =	sxor.u32 $0x80000000, s23  }
0x321: {  	s4 =	simm.s32 $0x8490;
	p1 =	por $0x0, $0x0;
	p2 =	por $0x0, $0x0;
	v4 =	vmov s1  }
0x322: {  	p3 =	por $0x0, $0x0;
	p4 =	por $0x0, $0x0;
	s1 =	sadd.s32 $0xFFFFFFFF, s25;
	vm0 =	vge.s32 v5, v4  }
0x323: {  	v5 =	vld [tilespmem:s4+$0x0];
	p5 =	sne.s32 s1, $0x1  }
.Ltmp58:
0x324: {  	_ = 	snop;
	(pc) =	sbr.rel @!p5 .LBB2_79-.Ltmp58, $3  }
0x325: {  	_ =	sdelay $0x1  }
0x326: {  	v6 =	vsel vm0, $0x1, v1  }
0x327: {  	s4 =	sadd.s32 $0xFFFFFFFF, s1;
	s5 =	simm.s32 $0x84A0;
	p1 =	por $0x1, $0x1;
	(xrf0) =	vadd.scan.msk.s32 $0xffff, v6;
	vm0 =	vge.s32 v5, v4  }
0x328: {  	_ = 	snop  }
0x329: {  	v5 =	vld [tilespmem:s5+$0x0];
	p5 =	sne.s32 s4, $0x1  }
.Ltmp59:
0x32a: {  	_ = 	snop;
	(pc) =	sbr.rel @!p5 .LBB2_81-.Ltmp59, $3  }
0x32b: {  	_ =	sdelay $0x1  }
0x32c: {  	v6 =	vsel vm0, $0x1, v1;
	v7, _, _ =	vpop (xrf0)  }
0x32d: {  	s4 =	sadd.s32 $0xFFFFFFFF, s4;
	s5 =	simm.s32 $0x84B0;
	p2 =	por $0x1, $0x1;
	(xrf0) =	vadd.scan.msk.s32 $0xffff, v6;
	vm0 =	vge.s32 v5, v4;
	(v2sf) =	vpush v7, $0xF  }
0x32e: {  	_ =	sdelay $0x4  }
0x32f: {  	v7, _, _ =	vpop (xrf0)  }
0x330: {  	(v2sf) =	vpush v7, $0xF;
	_ =	sdelay $0x3  }
0x331: {  	v5 =	vld [tilespmem:s5+$0x0];
	p5 =	sne.s32 s4, $0x1  }
.Ltmp60:
0x332: {  	_ = 	snop;
	(pc) =	sbr.rel @!p5 .LBB2_83-.Ltmp60, $3  }
0x333: {  	_ =	sdelay $0x1  }
0x334: {  	v6 =	vsel vm0, $0x1, v1  }
0x335: {  	s4 =	sadd.s32 $0xFFFFFFFF, s4;
	s5 =	simm.s32 $0x84C0;
	p3 =	por $0x1, $0x1;
	(xrf0) =	vadd.scan.msk.s32 $0xffff, v6;
	vm0 =	vge.s32 v5, v4  }
0x336: {  	_ =	sdelay $0x4  }
0x337: {  	v7, _, _ =	vpop (xrf0)  }
0x338: {  	(v2sf) =	vpush v7, $0xF;
	_ =	sdelay $0x2  }
0x339: {  	v5 =	vld [tilespmem:s5+$0x0];
	p5 =	sne.s32 s4, $0x1;
	v6 =	vsel vm0, $0x1, v1  }
.Ltmp61:
0x33a: {  	(xrf0) =	vadd.scan.msk.s32 $0xffff, v6;
	(pc) =	sbr.rel @!p5 .LBB2_85-.Ltmp61, $3  }
0x33b: {  	_ =	sdelay $0x1  }
0x33c: {  	s6 =	sadd.s32 $0xFFFFFFFF, s4;
	s19 =	simm.s32 $0x84D0  }
0x33d: {  	s5 =	spop (v2sf);
	p4 =	por $0x1, $0x1;
	s4 =	simm.s32 $0x0;
	vm0 =	vge.s32 v5, v4  }
.LBB2_86:
0x33e: {  	v5 =	vld [tilespmem:s19+$0x0];
	p5 =	sne.s32 s6, $0x1;
	s6 =	sadd.s32 $0xFFFFFFFF, s6;
	v7 =	vsel vm0, $0x1, v1;
	s4 =	sadd.s32 s4, s5  }
.Ltmp62:
0x33f: {  	(xrf0) =	vadd.scan.msk.s32 $0xffff, v7;
	v6, _, _ =	vpop (xrf0);
	(pc) =	sbr.rel @p5 .LBB2_86-.Ltmp62, $2  }
0x340: {  	(v2sf) =	vpush v6, $0xF;
	_ =	sdelay $0x3  }
0x341: {  	s19 =	sadd.s32 $0x10, s19;
	vm0 =	vge.s32 v5, v4;
	s5 =	spop (v2sf)  }
0x342: {  	_ = 	snop  }
.LBB2_88:
0x343: {  	v4 =	vsel vm0, $0x1, v1  }
0x344: {  	(xrf0) =	vadd.scan.msk.s32 $0xffff, v4;
	_ =	sdelay $0x2  }
0x345: {  	v4, _, _ =	vpop @p1 (xrf0)  }
0x346: {  	(v2sf) =	vpush @p1 v4, $0xF;
	_ =	sdelay $0x1  }
0x347: {  	v4, _, _ =	vpop (xrf0)  }
0x348: {  	(v2sf) =	vpush v4, $0xF;
	_ =	sdelay $0x7  }
0x349: {  	s6 =	spop @p3 (v2sf);
	s4 =	sadd.s32 @p4 s4, s5;
	s5 =	simm.s32 $0x0  }
0x34a: {  	s6 =	smov.u32 @p3 s6;
	s5 =	smov.u32 @p4 s4  }
0x34b: {  	s4 =	sadd.s32 @p3 s5, s6;
	s6 =	simm.s32 $0x0;
	s5 =	spop @p2 (v2sf)  }
0x34c: {  	s6 =	smov.u32 @p3 s4;
	s5 =	smov.u32 @p2 s5  }
0x34d: {  	s4 =	sadd.s32 @p2 s6, s5;
	s6 =	simm.s32 $0x0;
	s5 =	spop @p1 (v2sf)  }
0x34e: {  	s6 =	smov.u32 @p2 s4;
	p2 =	seq.s32 s18, $0x1F;
	s5 =	smov.u32 @p1 s5  }
.Ltmp63:
0x34f: {  	s4 =	sadd.s32 @p1 s6, s5;
	(pc) =	sbr.rel @!p2 .LBB2_75-.Ltmp63, $4  }
.Ltmp64:
0x350: {  	s24 =	smov.u32 @p1 s4;
	s31 =	spop (v2sf);
	(pc) =	sbr.rel @p2 .LBB2_89-.Ltmp64, $4  }
0x351: {  	s4 =	sadd.s32 s24, s31  }
0x352: {  	p1 =	sgt.s32 s4, $0x3F  }
0x353: {  	s18 =	sadd.s32 $0x1, s18;
	s0 =	smov.u32 @p1 s23  }
0x354: {  	_ = 	snop  }
.LBB2_77:
.Ltmp65:
0x355: {  	(pc) =	sbr.rel .LBB2_88-.Ltmp65, $2  }
0x356: {  	_ =	sdelay $0x2  }
0x357: {  	s4 =	simm.s32 $0x0  }
.LBB2_79:
.Ltmp66:
0x358: {  	(pc) =	sbr.rel .LBB2_88-.Ltmp66, $2  }
0x359: {  	_ =	sdelay $0x2  }
0x35a: {  	s4 =	simm.s32 $0x0  }
.LBB2_81:
.Ltmp67:
0x35b: {  	(pc) =	sbr.rel .LBB2_88-.Ltmp67, $2  }
0x35c: {  	_ =	sdelay $0x2  }
0x35d: {  	s4 =	simm.s32 $0x0  }
.LBB2_83:
.Ltmp68:
0x35e: {  	(pc) =	sbr.rel .LBB2_88-.Ltmp68, $2  }
0x35f: {  	_ =	sdelay $0x2  }
0x360: {  	s4 =	simm.s32 $0x0  }
.LBB2_85:
.Ltmp69:
0x361: {  	(pc) =	sbr.rel .LBB2_88-.Ltmp69, $2  }
0x362: {  	_ =	sdelay $0x2  }
0x363: {  	s4 =	simm.s32 $0x0  }
.LBB2_92:
0x364: {  	s23 =	sxor.u32 $0x80000000, s0;
	s0 =	simm.s32 $0x40  }
.LBB2_105:
.Ltmp70:
0x365: {  	(pc) =	sbr.rel .LBB2_106-.Ltmp70, $2  }
0x366: {  	_ =	sdelay $0x2  }
0x367: {  	s1 =	simm.s32 $0x0;
	s18 =	simm.s32 $0x80000000  }
.LBB2_89:
.Ltmp71:
0x368: {  	(pc) =	sbr.rel @!p6 .LBB2_90-.Ltmp71, $4  }
0x369: {  	s23 =	sxor.u32 $0x80000000, s0  }
0x36a: {  	s24 =	simm.s32 $0x0;
	s0 =	simm.s32 $0x8480;
	s28 =	simm.s32 $0x9480  }
0x36b: {  	s26 =	simm.s32 $0xA480;
	p1 =	por $0x0, $0x0;
	p2 =	por $0x0, $0x0  }
0x36c: {  	p3 =	por $0x0, $0x0;
	p4 =	por $0x0, $0x0;
	p5 =	por $0x0, $0x0;
	v4 =	vmov s23  }
0x36d: {  	p6 =	sne.s32 s1, $0x1  }
.Ltmp72:
0x36e: {  	_ = 	snop;
	(pc) =	sbr.rel @!p6 .LBB2_94-.Ltmp72, $2  }
0x36f: {  	_ =	sdelay $0x2  }
0x370: {  	s1 =	sadd.s32 $0xFFFFFFFF, s1;
	p1 =	por $0x1, $0x1  }
0x371: {  	p6 =	sne.s32 s1, $0x1  }
.Ltmp73:
0x372: {  	_ = 	snop;
	(pc) =	sbr.rel @!p6 .LBB2_96-.Ltmp73, $2  }
0x373: {  	_ =	sdelay $0x2  }
0x374: {  	s1 =	sadd.s32 $0xFFFFFFFF, s1;
	p2 =	por $0x1, $0x1  }
0x375: {  	v5 =	vld [tilespmem:s0+$0x0];
	p6 =	sne.s32 s1, $0x1  }
.Ltmp74:
0x376: {  	_ = 	snop;
	(pc) =	sbr.rel @!p6 .LBB2_98-.Ltmp74, $2  }
0x377: {  	_ =	sdelay $0x2  }
0x378: {  	v6 =	vld [tilespmem:s28+$0x0];
	s1 =	sadd.s32 $0xFFFFFFFF, s1;
	p3 =	por $0x1, $0x1;
	vm0 =	vgt.s32 v5, v4  }
0x379: {  	v7 =	vsel vm0, $0x1, v1  }
0x37a: {  	(xrf0) =	vadd.scan.msk.s32 $0xffff, v7;
	_ =	sdelay $0x5  }
0x37b: {  	v9, _, _ =	vpop (xrf0)  }
0x37c: {  	(v2sf) =	vpush v9, $0xF  }
0x37d: {  	vm1 =	veq.s32 v5, v4;
	v8 =	vsub.s32 $0x7FFF, v6  }
0x37e: {  	v8 =	vnsel vm1, $0x80000000, v8  }
0x37f: {  	s18 =	simm.s32 $0x8490;
	[tilespmem:s26+$0x0] =	vst v8  }
0x380: {  	p6 =	sne.s32 s1, $0x1;
	v7 =	vld [tilespmem:s18+$0x0]  }
.Ltmp75:
0x381: {  	_ = 	snop;
	(pc) =	sbr.rel @!p6 .LBB2_100-.Ltmp75, $3  }
0x382: {  	_ =	sdelay $0x1  }
0x383: {  	s4 =	simm.s32 $0x9490  }
0x384: {  	s1 =	sadd.s32 $0xFFFFFFFF, s1;
	p4 =	por $0x1, $0x1;
	v8 =	vld [tilespmem:s4+$0x0];
	vm1 =	vgt.s32 v7, v4  }
0x385: {  	v9 =	vsel vm1, $0x1, v1  }
0x386: {  	(xrf0) =	vadd.scan.msk.s32 $0xffff, v9;
	_ =	sdelay $0x4  }
0x387: {  	vm2 =	veq.s32 v7, v4;
	v10 =	vsub.s32 $0x7FFF, v8  }
0x388: {  	s19 =	simm.s32 $0xA490;
	v10 =	vnsel vm2, $0x80000000, v10;
	v11, _, _ =	vpop (xrf0)  }
0x389: {  	s18 =	simm.s32 $0x84A0;
	[tilespmem:s19+$0x0] =	vst v10;
	(v2sf) =	vpush v11, $0xF  }
0x38a: {  	p6 =	sne.s32 s1, $0x1;
	s4 =	simm.s32 $0x94A0;
	v9 =	vld [tilespmem:s18+$0x0]  }
.Ltmp76:
0x38b: {  	v10 =	vld [tilespmem:s4+$0x0];
	(pc) =	sbr.rel @!p6 .LBB2_102-.Ltmp76, $2  }
0x38c: {  	_ =	sdelay $0x2  }
0x38d: {  	s5 =	sadd.s32 $0xFFFFFFFF, s1;
	p5 =	por $0x1, $0x1;
	s1 =	simm.s32 $0x0;
	vm2 =	vgt.s32 v9, v4  }
.LBB2_103:
0x38e: {  	p6 =	sne.s32 s5, $0x1;
	v11 =	vsel vm2, $0x1, v1;
	vm2 =	veq.s32 v9, v4;
	v9 =	vsub.s32 $0x7FFF, v10  }
0x38f: {  	s19 =	sadd.s32 $0x10, s19;
	v9 =	vnsel vm2, $0x80000000, v9;
	(xrf0) =	vadd.scan.msk.s32 $0xffff, v11  }
0x390: {  	s18 =	sadd.s32 $0x10, s18;
	[tilespmem:s19+$0x0] =	vst v9  }
0x391: {  	s4 =	sadd.s32 $0x10, s4;
	v9 =	vld [tilespmem:s18+$0x0]  }
.Ltmp77:
0x392: {  	v10 =	vld [tilespmem:s4+$0x0];
	(pc) =	sbr.rel @p6 .LBB2_103-.Ltmp77, $4  }
0x393: {  	s6 =	spop (v2sf)  }
0x394: {  	s1 =	sadd.s32 s1, s6  }
0x395: {  	v11, _, _ =	vpop (xrf0)  }
0x396: {  	s5 =	sadd.s32 $0xFFFFFFFF, s5;
	vm2 =	vgt.s32 v9, v4;
	(v2sf) =	vpush v11, $0xF  }
.LBB2_104:
0x397: {  	vm3 =	veq.s32 @p3 v9, v4;
	v9 =	vsub.s32 @p3 $0x7FFF, v10;
	s5 =	sadd.s32 @p4 $0x10, s19;
	s6 =	simm.s32 $0xA480  }
0x398: {  	v9 =	vnsel @p3 vm3, $0x80000000, v9;
	s6 =	smov.u32 @p4 s5;
	s5 =	sadd.s32 @p3 $0x10, s18;
	s18 =	simm.s32 $0x8480  }
0x399: {  	s4 =	sadd.s32 @p3 $0x10, s4;
	[tilespmem:s6+$0x0] =	vst @p3 v9;
	s18 =	smov.u32 @p3 s5;
	s5 =	simm.s32 $0x9480  }
0x39a: {  	v9 =	vld @p2 [tilespmem:s18+$0x0];
	s5 =	smov.u32 @p3 s4  }
0x39b: {  	v10 =	vld @p2 [tilespmem:s5+$0x0];
	_ =	sdelay $0x4  }
0x39c: {  	v7 =	vpsel p2, v9, v7;
	v8 =	vpsel p2, v10, v8  }
0x39d: {  	s4 =	sadd.s32 @p3 $0x10, s6;
	s6 =	simm.s32 $0xA480;
	vm3 =	veq.s32 @p2 v7, v4;
	v7 =	vsub.s32 @p2 $0x7FFF, v8  }
0x39e: {  	s6 =	smov.u32 @p3 s4;
	s4 =	sadd.s32 @p2 $0x10, s18;
	s18 =	simm.s32 $0x8480;
	v7 =	vnsel @p2 vm3, $0x80000000, v7  }
0x39f: {  	s18 =	smov.u32 @p2 s4;
	s4 =	sadd.s32 @p2 $0x10, s5;
	s5 =	simm.s32 $0x9480;
	[tilespmem:s6+$0x0] =	vst @p2 v7  }
0x3a0: {  	s5 =	smov.u32 @p2 s4;
	v7 =	vld @p1 [tilespmem:s18+$0x0]  }
0x3a1: {  	v8 =	vld @p1 [tilespmem:s5+$0x0];
	_ =	sdelay $0x4  }
0x3a2: {  	v5 =	vpsel p1, v7, v5;
	v6 =	vpsel p1, v8, v6  }
0x3a3: {  	s4 =	sadd.s32 @p2 $0x10, s6;
	s6 =	simm.s32 $0xA480;
	vm3 =	veq.s32 @p1 v5, v4;
	v5 =	vsub.s32 @p1 $0x7FFF, v6  }
0x3a4: {  	s6 =	smov.u32 @p2 s4;
	s4 =	sadd.s32 @p1 $0x10, s18;
	v6 =	vsel @p3 vm2, $0x1, v1;
	v5 =	vnsel @p1 vm3, $0x80000000, v5  }
0x3a5: {  	s0 =	smov.u32 @p1 s4;
	(xrf0) =	vadd.scan.msk.s32 @p3 $0xffff, v6;
	[tilespmem:s6+$0x0] =	vst @p1 v5  }
0x3a6: {  	vm2 =	vgt.s32 @p2 v9, v4;
	v5 =	vld [tilespmem:s0+$0x0]  }
0x3a7: {  	vm1 =	vmmov @p2 vm2  }
0x3a8: {  	v6 =	vsel @p2 vm1, $0x1, v1;
	vm1 =	vgt.s32 @p1 v7, v4  }
0x3a9: {  	(xrf0) =	vadd.scan.msk.s32 @p2 $0xffff, v6;
	vm0 =	vmmov @p1 vm1  }
0x3aa: {  	v6 =	vsel @p1 vm0, $0x1, v1  }
0x3ab: {  	v7, _, _ =	vpop @p3 (xrf0);
	(xrf0) =	vadd.scan.msk.s32 @p1 $0xffff, v6;
	vm14 =	vgt.s32 v5, v4  }
0x3ac: {  	v61 =	vsel vm14, $0x1, v1  }
0x3ad: {  	(xrf0) =	vadd.scan.msk.s32 $0xffff, v61  }
0x3ae: {  	(v2sf) =	vpush @p3 v7, $0xF  }
0x3af: {  	v6, _, _ =	vpop @p2 (xrf0)  }
0x3b0: {  	(v2sf) =	vpush @p2 v6, $0xF  }
0x3b1: {  	v6, _, _ =	vpop @p1 (xrf0)  }
0x3b2: {  	(v2sf) =	vpush @p1 v6, $0xF  }
0x3b3: {  	v62, _, _ =	vpop (xrf0)  }
0x3b4: {  	(v2sf) =	vpush v62, $0xF;
	_ =	sdelay $0x4  }
0x3b5: {  	s0 =	spop @p5 (v2sf)  }
0x3b6: {  	s0 =	sadd.s32 @p5 s1, s0;
	s1 =	simm.s32 $0x0  }
0x3b7: {  	s4 =	spop @p4 (v2sf);
	s1 =	smov.u32 @p5 s0  }
0x3b8: {  	s0 =	sadd.s32 @p4 s1, s4;
	s1 =	simm.s32 $0x0;
	s4 =	sadd.s32 @p1 $0x10, s5  }
0x3b9: {  	s1 =	smov.u32 @p4 s0;
	s28 =	smov.u32 @p1 s4;
	s18 =	spop @p3 (v2sf)  }
0x3ba: {  	v63 =	vld [tilespmem:s28+$0x0];
	s0 =	sadd.s32 @p3 s1, s18;
	s1 =	simm.s32 $0x0  }
0x3bb: {  	s4 =	spop @p2 (v2sf);
	s1 =	smov.u32 @p3 s0  }
0x3bc: {  	s0 =	sadd.s32 @p2 s1, s4;
	s1 =	simm.s32 $0x0  }
.Ltmp78:
0x3bd: {  	s1 =	smov.u32 @p2 s0;
	s0 =	spop @p1 (v2sf);
	(pc) =	sbr.rel .LBB2_105-.Ltmp78, $4  }
0x3be: {  	s0 =	sadd.s32 @p1 s1, s0  }
0x3bf: {  	vm15 =	veq.s32 v5, v4;
	v4 =	vsub.s32 $0x7FFF, v63;
	s1 =	sadd.s32 @p1 $0x10, s6;
	s24 =	smov.u32 @p1 s0;
	s31 =	spop (v2sf)  }
0x3c0: {  	v4 =	vnsel vm15, $0x80000000, v4;
	s26 =	smov.u32 @p1 s1;
	s0 =	sadd.s32 s24, s31  }
0x3c1: {  	[tilespmem:s26+$0x0] =	vst v4;
	s0 =	ssub.s32 $0x40, s0  }
.LBB2_108:
0x3c2: {  	s4 =	simm.s32 $0x0  }
.LBB2_119:
0x3c3: {  	v4 =	vsel vm0, $0x1, v1  }
0x3c4: {  	(xrf0) =	vadd.scan.msk.s32 $0xffff, v4;
	_ =	sdelay $0x2  }
0x3c5: {  	v4, _, _ =	vpop @p1 (xrf0)  }
0x3c6: {  	(v2sf) =	vpush @p1 v4, $0xF;
	_ =	sdelay $0x1  }
0x3c7: {  	v4, _, _ =	vpop (xrf0)  }
0x3c8: {  	(v2sf) =	vpush v4, $0xF;
	_ =	sdelay $0x7  }
0x3c9: {  	s6 =	spop @p3 (v2sf);
	s4 =	sadd.s32 @p4 s4, s5;
	s5 =	simm.s32 $0x0  }
0x3ca: {  	s6 =	smov.u32 @p3 s6;
	s5 =	smov.u32 @p4 s4  }
0x3cb: {  	s4 =	sadd.s32 @p3 s5, s6;
	s6 =	simm.s32 $0x0;
	s5 =	spop @p2 (v2sf)  }
0x3cc: {  	s6 =	smov.u32 @p3 s4;
	s5 =	smov.u32 @p2 s5  }
0x3cd: {  	s4 =	sadd.s32 @p2 s6, s5;
	s6 =	simm.s32 $0x0;
	s5 =	spop @p1 (v2sf)  }
0x3ce: {  	s6 =	smov.u32 @p2 s4;
	s5 =	smov.u32 @p1 s5  }
0x3cf: {  	s4 =	sadd.s32 @p1 s6, s5  }
0x3d0: {  	s26 =	smov.u32 @p1 s4;
	s31 =	spop (v2sf)  }
0x3d1: {  	s4 =	sadd.s32 s26, s31  }
.LBB2_120:
0x3d2: {  	p1 =	slt.s32 s4, s0;
	s1 =	sadd.s32 $0x1, s1  }
0x3d3: {  	s24 =	smov.u32 @p1 s18;
	p1 =	sne.s32 s1, $0xF  }
.Ltmp79:
0x3d4: {  	_ = 	snop;
	(pc) =	sbr.rel @!p1 .LBB2_121-.Ltmp79, $2  }
0x3d5: {  	_ =	sdelay $0x2  }
0x3d6: {  	s18 =	smov.u32 s24  }
.LBB2_106:
.Ltmp80:
0x3d7: {  	(pc) =	sbr.rel @p0 .LBB2_120-.Ltmp80, $3  }
0x3d8: {  	_ =	sdelay $0x1  }
0x3d9: {  	s4 =	sshrl.u32 s17, s1  }
0x3da: {  	s24 =	sor.u32 s4, s18;
	s4 =	simm.s32 $0x0  }
0x3db: {  	s4 =	simm.s32 $0xA480  }
0x3dc: {  	p5 =	sne.s32 s25, $0x1;
	v5 =	vld [tilespmem:s4+$0x0]  }
.Ltmp81:
0x3dd: {  	_ = 	snop;
	(pc) =	sbr.rel @!p5 .LBB2_108-.Ltmp81, $4  }
0x3de: {  	_ = 	snop  }
0x3df: {  	s31 =	sxor.u32 $0x80000000, s24;
	s26 =	simm.s32 $0x0  }
0x3e0: {  	s5 =	simm.s32 $0xA490;
	p1 =	por $0x0, $0x0;
	p2 =	por $0x0, $0x0;
	v4 =	vmov s31  }
0x3e1: {  	p3 =	por $0x0, $0x0;
	p4 =	por $0x0, $0x0;
	s4 =	sadd.s32 $0xFFFFFFFF, s25;
	vm0 =	vge.s32 v5, v4  }
0x3e2: {  	v5 =	vld [tilespmem:s5+$0x0];
	p5 =	sne.s32 s4, $0x1  }
.Ltmp82:
0x3e3: {  	_ = 	snop;
	(pc) =	sbr.rel @!p5 .LBB2_110-.Ltmp82, $4  }
0x3e4: {  	_ = 	snop  }
0x3e5: {  	v6 =	vsel vm0, $0x1, v1  }
0x3e6: {  	(xrf0) =	vadd.scan.msk.s32 $0xffff, v6  }
0x3e7: {  	s4 =	sadd.s32 $0xFFFFFFFF, s4;
	s5 =	simm.s32 $0xA4A0;
	p1 =	por $0x1, $0x1;
	vm0 =	vge.s32 v5, v4  }
0x3e8: {  	v5 =	vld [tilespmem:s5+$0x0];
	p5 =	sne.s32 s4, $0x1  }
.Ltmp83:
0x3e9: {  	_ = 	snop;
	(pc) =	sbr.rel @!p5 .LBB2_112-.Ltmp83, $4  }
0x3ea: {  	_ = 	snop  }
0x3eb: {  	v6 =	vsel vm0, $0x1, v1  }
0x3ec: {  	v7, _, _ =	vpop (xrf0);
	(xrf0) =	vadd.scan.msk.s32 $0xffff, v6  }
0x3ed: {  	s4 =	sadd.s32 $0xFFFFFFFF, s4;
	s5 =	simm.s32 $0xA4B0;
	p2 =	por $0x1, $0x1;
	(v2sf) =	vpush v7, $0xF;
	vm0 =	vge.s32 v5, v4  }
0x3ee: {  	_ =	sdelay $0x3  }
0x3ef: {  	v7, _, _ =	vpop (xrf0)  }
0x3f0: {  	(v2sf) =	vpush v7, $0xF;
	_ =	sdelay $0x3  }
0x3f1: {  	v5 =	vld [tilespmem:s5+$0x0];
	p5 =	sne.s32 s4, $0x1  }
.Ltmp84:
0x3f2: {  	_ = 	snop;
	(pc) =	sbr.rel @!p5 .LBB2_114-.Ltmp84, $4  }
0x3f3: {  	_ = 	snop  }
0x3f4: {  	v6 =	vsel vm0, $0x1, v1  }
0x3f5: {  	(xrf0) =	vadd.scan.msk.s32 $0xffff, v6  }
0x3f6: {  	s4 =	sadd.s32 $0xFFFFFFFF, s4;
	s5 =	simm.s32 $0xA4C0;
	p3 =	por $0x1, $0x1;
	vm0 =	vge.s32 v5, v4  }
0x3f7: {  	_ =	sdelay $0x3  }
0x3f8: {  	v7, _, _ =	vpop (xrf0)  }
0x3f9: {  	(v2sf) =	vpush v7, $0xF;
	_ =	sdelay $0x2  }
0x3fa: {  	v5 =	vld [tilespmem:s5+$0x0];
	p5 =	sne.s32 s4, $0x1;
	v6 =	vsel vm0, $0x1, v1  }
.Ltmp85:
0x3fb: {  	(xrf0) =	vadd.scan.msk.s32 $0xffff, v6;
	(pc) =	sbr.rel @!p5 .LBB2_116-.Ltmp85, $3  }
0x3fc: {  	_ =	sdelay $0x1  }
0x3fd: {  	s6 =	sadd.s32 $0xFFFFFFFF, s4;
	s19 =	simm.s32 $0xA4D0  }
0x3fe: {  	s5 =	spop (v2sf);
	p4 =	por $0x1, $0x1;
	s4 =	simm.s32 $0x0;
	vm0 =	vge.s32 v5, v4  }
.LBB2_117:
0x3ff: {  	v5 =	vld [tilespmem:s19+$0x0];
	p5 =	sne.s32 s6, $0x1;
	s6 =	sadd.s32 $0xFFFFFFFF, s6;
	v7 =	vsel vm0, $0x1, v1;
	s4 =	sadd.s32 s4, s5  }
.Ltmp86:
0x400: {  	(xrf0) =	vadd.scan.msk.s32 $0xffff, v7;
	v6, _, _ =	vpop (xrf0);
	(pc) =	sbr.rel @p5 .LBB2_117-.Ltmp86, $2  }
0x401: {  	(v2sf) =	vpush v6, $0xF;
	_ =	sdelay $0x3  }
0x402: {  	s19 =	sadd.s32 $0x10, s19;
	vm0 =	vge.s32 v5, v4;
	s5 =	spop (v2sf)  }
.Ltmp87:
0x403: {  	(pc) =	sbr.rel .LBB2_119-.Ltmp87, $1  }
0x404: {  	_ =	sdelay $0x3  }
.LBB2_110:
.Ltmp88:
0x405: {  	(pc) =	sbr.rel .LBB2_119-.Ltmp88, $2  }
0x406: {  	_ =	sdelay $0x2  }
0x407: {  	s4 =	simm.s32 $0x0  }
.LBB2_112:
.Ltmp89:
0x408: {  	(pc) =	sbr.rel .LBB2_119-.Ltmp89, $2  }
0x409: {  	_ =	sdelay $0x2  }
0x40a: {  	s4 =	simm.s32 $0x0  }
.LBB2_114:
.Ltmp90:
0x40b: {  	(pc) =	sbr.rel .LBB2_119-.Ltmp90, $2  }
0x40c: {  	_ =	sdelay $0x2  }
0x40d: {  	s4 =	simm.s32 $0x0  }
.LBB2_116:
.Ltmp91:
0x40e: {  	(pc) =	sbr.rel .LBB2_119-.Ltmp91, $2  }
0x40f: {  	_ =	sdelay $0x2  }
0x410: {  	s4 =	simm.s32 $0x0  }
.LBB2_121:
0x411: {  	s0 =	simm.s32 $0x0;
	s1 =	rddreg [dreg:$0x4]  }
0x412: {  	[tilespmem:s0], [sflag:$0x1] =	stream.strided.gather [hbm4b:s1+s10], $0x8000, s11, s10, $0x38;
	[tilespmem:$0xB500] =	vst v63  }
0x413: {  	_ =	swait.ge [sflag:s12], $0x8000  }
0x414: {  	[sflag:s12] =	ssyncset.done $0x0  }
0x415: {  	s1 =	simm.s32 $0x40;
	[sflag:s12] =	ssyncadd.s32 $0xFFFF8000  }
.LBB2_122:
0x416: {  	v4 =	vmov s1;
	_ =	sdelay $0x3  }
0x417: {  	s4 =	simm.s32 $0x0  }
0x418: {  	v5 =	vld.idx.msk [tilespmem:v4+s4+$0xFFFFFFC0 ss:$0x1], $0xffff;
	_ =	sdelay $0x2  }
0x419: {  	v7 =	vld.idx.msk [tilespmem:v4+s4+$0xFFFFFFD0 ss:$0x1], $0xffff  }
0x41a: {  	v8 =	vld.idx.msk [tilespmem:v4+s4+$0xFFFFFFE0 ss:$0x1], $0xffff  }
0x41b: {  	v6 =	vshra.s32 v5, $0x1F  }
0x41c: {  	v6 =	vand.u32 $0x7FFFFFFF, v6  }
0x41d: {  	v9 =	vimm.s32 $0x80000000;
	v10 =	vld.idx.msk [tilespmem:v4+s4+$0xFFFFFFF0 ss:$0x1], $0xffff;
	v5 =	vxor.u32 v5, v6  }
0x41e: {  	v11 =	vshra.s32 v7, $0x1F;
	vm0 =	vgt.s32 v9, v5  }
0x41f: {  	v11 =	vand.u32 $0x7FFFFFFF, v11;
	v6 =	vld.idx.msk [tilespmem:v4+s4+$0x0 ss:$0x1], $0xffff;
	v5 =	vsel vm0, v9, v5;
	v9 =	vshra.s32 v8, $0x1F  }
0x420: {  	v7 =	vxor.u32 v7, v11;
	v9 =	vand.u32 $0x7FFFFFFF, v9  }
0x421: {  	vm0 =	vgt.s32 v5, v7;
	v9 =	vxor.u32 v8, v9;
	v8 =	vld.idx.msk [tilespmem:v4+s4+$0x10 ss:$0x1], $0xffff  }
0x422: {  	v5 =	vsel vm0, v5, v7;
	v7 =	vshra.s32 v10, $0x1F  }
0x423: {  	vm0 =	vgt.s32 v5, v9;
	v11 =	vand.u32 $0x7FFFFFFF, v7;
	v7 =	vld.idx.msk [tilespmem:v4+s4+$0x20 ss:$0x1], $0xffff  }
0x424: {  	v9 =	vsel vm0, v5, v9;
	v10 =	vxor.u32 v10, v11;
	v11 =	vshra.s32 v6, $0x1F  }
0x425: {  	s18 =	simm.s32 $0x80;
	v5 =	vld.idx.msk [tilespmem:v4+s4+$0x30 ss:$0x1], $0xffff;
	s4 =	simm.s32 $0x400;
	vm0 =	vgt.s32 v9, v10;
	v11 =	vand.u32 $0x7FFFFFFF, v11  }
.LBB2_123:
0x426: {  	p0 =	sne.s32 s4, $0xE00;
	v12 =	vld.idx.msk [tilespmem:v4+s18+$0xFFFFFFC0 ss:$0x1], $0xffff;
	v9 =	vsel vm0, v9, v10;
	v6 =	vxor.u32 v6, v11;
	v10 =	vshra.s32 v8, $0x1F  }
0x427: {  	vm0 =	vgt.s32 v9, v6;
	v10 =	vand.u32 $0x7FFFFFFF, v10  }
0x428: {  	v11 =	vld.idx.msk [tilespmem:v4+s18+$0xFFFFFFD0 ss:$0x1], $0xffff;
	v6 =	vsel vm0, v9, v6;
	v8 =	vxor.u32 v8, v10;
	v9 =	vshra.s32 v7, $0x1F  }
0x429: {  	vm0 =	vgt.s32 v6, v8;
	v9 =	vand.u32 $0x7FFFFFFF, v9  }
0x42a: {  	v10 =	vld.idx.msk [tilespmem:v4+s18+$0xFFFFFFE0 ss:$0x1], $0xffff;
	v6 =	vsel vm0, v6, v8;
	v7 =	vxor.u32 v7, v9;
	v8 =	vshra.s32 v5, $0x1F  }
0x42b: {  	vm0 =	vgt.s32 v6, v7;
	v8 =	vand.u32 $0x7FFFFFFF, v8  }
0x42c: {  	v9 =	vshra.s32 v12, $0x1F;
	v13 =	vld.idx.msk [tilespmem:v4+s18+$0xFFFFFFF0 ss:$0x1], $0xffff;
	v7 =	vsel vm0, v6, v7;
	v5 =	vxor.u32 v5, v8  }
0x42d: {  	v6 =	vand.u32 $0x7FFFFFFF, v9;
	vm0 =	vgt.s32 v7, v5  }
0x42e: {  	v8 =	vxor.u32 v12, v6;
	v9 =	vshra.s32 v11, $0x1F;
	v6 =	vld.idx.msk [tilespmem:v4+s18+$0x0 ss:$0x1], $0xffff;
	v5 =	vsel vm0, v7, v5  }
0x42f: {  	v7 =	vand.u32 $0x7FFFFFFF, v9;
	vm0 =	vgt.s32 v5, v8  }
0x430: {  	v7 =	vxor.u32 v11, v7;
	v9 =	vshra.s32 v10, $0x1F;
	v5 =	vsel vm0, v5, v8;
	v8 =	vld.idx.msk [tilespmem:v4+s18+$0x10 ss:$0x1], $0xffff  }
.Ltmp92:
0x431: {  	v9 =	vand.u32 $0x7FFFFFFF, v9;
	vm0 =	vgt.s32 v5, v7;
	(pc) =	sbr.rel @p0 .LBB2_123-.Ltmp92, $4  }
0x432: {  	v9 =	vxor.u32 v10, v9;
	v10 =	vshra.s32 v13, $0x1F;
	v5 =	vsel vm0, v5, v7;
	v7 =	vld.idx.msk [tilespmem:v4+s18+$0x20 ss:$0x1], $0xffff  }
0x433: {  	v10 =	vand.u32 $0x7FFFFFFF, v10;
	vm0 =	vgt.s32 v5, v9  }
0x434: {  	v10 =	vxor.u32 v13, v10;
	v11 =	vshra.s32 v6, $0x1F;
	v9 =	vsel vm0, v5, v9;
	v5 =	vld.idx.msk [tilespmem:v4+s18+$0x30 ss:$0x1], $0xffff  }
0x435: {  	s18 =	sshra.s32 s4, $0x2;
	s4 =	sadd.s32 $0x200, s4;
	v11 =	vand.u32 $0x7FFFFFFF, v11;
	vm0 =	vgt.s32 v9, v10  }
0x436: {  	_ =	sdelay $0x2  }
0x437: {  	v9 =	vsel vm0, v9, v10;
	v6 =	vxor.u32 v6, v11;
	v40 =	vshra.s32 v8, $0x1F  }
0x438: {  	v41 =	vld.idx.msk [tilespmem:v4+s18+$0xFFFFFFC0 ss:$0x1], $0xffff;
	vm0 =	vgt.s32 v9, v6;
	v10 =	vand.u32 $0x7FFFFFFF, v40  }
0x439: {  	v43 =	vshra.s32 v7, $0x1F;
	v6 =	vsel vm0, v9, v6;
	v42 =	vxor.u32 v8, v10  }
0x43a: {  	v44 =	vld.idx.msk [tilespmem:v4+s18+$0xFFFFFFD0 ss:$0x1], $0xffff;
	v9 =	vand.u32 $0x7FFFFFFF, v43;
	vm0 =	vgt.s32 v6, v42  }
0x43b: {  	v45 =	vxor.u32 v7, v9;
	v46 =	vshra.s32 v5, $0x1F;
	v6 =	vsel vm0, v6, v42  }
0x43c: {  	v47 =	vld.idx.msk [tilespmem:v4+s18+$0xFFFFFFE0 ss:$0x1], $0xffff;
	v8 =	vand.u32 $0x7FFFFFFF, v46;
	vm0 =	vgt.s32 v6, v45  }
0x43d: {  	v12 =	vshra.s32 v41, $0x1F;
	v5 =	vxor.u32 v5, v8;
	v6 =	vsel vm0, v6, v45  }
0x43e: {  	v48 =	vld.idx.msk [tilespmem:v4+s18+$0xFFFFFFF0 ss:$0x1], $0xffff;
	v49 =	vand.u32 $0x7FFFFFFF, v12;
	vm0 =	vgt.s32 v6, v5  }
0x43f: {  	v50 =	vshra.s32 v44, $0x1F;
	v8 =	vxor.u32 v41, v49;
	v5 =	vsel vm0, v6, v5  }
0x440: {  	v51 =	vld.idx.msk [tilespmem:v4+s18+$0x0 ss:$0x1], $0xffff;
	v11 =	vand.u32 $0x7FFFFFFF, v50;
	vm0 =	vgt.s32 v5, v8  }
0x441: {  	v53 =	vshra.s32 v47, $0x1F;
	v52 =	vxor.u32 v44, v11;
	v5 =	vsel vm0, v5, v8  }
0x442: {  	v54 =	vld.idx.msk [tilespmem:v4+s18+$0x10 ss:$0x1], $0xffff;
	v10 =	vand.u32 $0x7FFFFFFF, v53;
	vm0 =	vgt.s32 v5, v52  }
0x443: {  	v56 =	vshra.s32 v48, $0x1F;
	v55 =	vxor.u32 v47, v10;
	v5 =	vsel vm0, v5, v52  }
0x444: {  	v57 =	vld.idx.msk [tilespmem:v4+s18+$0x20 ss:$0x1], $0xffff;
	v9 =	vand.u32 $0x7FFFFFFF, v56;
	vm0 =	vgt.s32 v5, v55  }
0x445: {  	v58 =	vshra.s32 v51, $0x1F;
	v7 =	vxor.u32 v48, v9;
	v5 =	vsel vm0, v5, v55  }
0x446: {  	v4 =	vld.idx.msk [tilespmem:v4+s18+$0x30 ss:$0x1], $0xffff;
	v8 =	vand.u32 $0x7FFFFFFF, v58;
	vm0 =	vgt.s32 v5, v7  }
0x447: {  	v59 =	vshra.s32 v54, $0x1F;
	v6 =	vxor.u32 v51, v8;
	v5 =	vsel vm0, v5, v7  }
0x448: {  	v7 =	vand.u32 $0x7FFFFFFF, v59;
	vm0 =	vgt.s32 v5, v6  }
0x449: {  	v61 =	vshra.s32 v57, $0x1F;
	v60 =	vxor.u32 v54, v7;
	v5 =	vsel vm0, v5, v6  }
0x44a: {  	s4 =	sshll.u32 s0, $0x4;
	s0 =	sadd.s32 $0x1, s0;
	v7 =	vand.u32 $0x7FFFFFFF, v61;
	vm0 =	vgt.s32 v5, v60  }
0x44b: {  	p0 =	sne.s32 s0, $0x20;
	v63 =	vshra.s32 v4, $0x1F;
	v62 =	vxor.u32 v57, v7;
	v5 =	vsel vm0, v5, v60  }
.Ltmp93:
0x44c: {  	v7 =	vand.u32 $0x7FFFFFFF, v63;
	vm0 =	vgt.s32 v5, v62;
	(pc) =	sbr.rel @p0 .LBB2_122-.Ltmp93, $4  }
0x44d: {  	v4 =	vxor.u32 v4, v7;
	v5 =	vsel vm0, v5, v62  }
0x44e: {  	vm0 =	vgt.s32 v5, v4  }
0x44f: {  	s4 =	sand.u32 $0x3FFFFFF0, s4;
	v4 =	vsel vm0, v5, v4  }
0x450: {  	s1 =	sadd.s32 $0x400, s1;
	[tilespmem:s4+$0x8000] =	vst v4;
	s4 =	simm.s32 $0x0  }
0x451: {  	s0 =	simm.s32 $0x0  }
.LBB2_126:
0x452: {  	s1 =	simm.s32 $0x0  }
0x453: {  	v5 =	vld [tilespmem:s1+$0x8000]  }
0x454: {  	s29 =	simm.s32 $0x10;
	s5 =	sshrl.u32 s13, s0  }
0x455: {  	s6 =	simm.s32 $0x20;
	v6 =	vld [tilespmem:s29+$0x8000];
	s1 =	sor.u32 s5, s4  }
0x456: {  	v7 =	vld [tilespmem:s6+$0x8000];
	s5 =	sxor.u32 $0x80000000, s1  }
0x457: {  	v4 =	vmov s5  }
0x458: {  	vm0 =	vge.s32 v5, v4  }
0x459: {  	v5 =	vsel vm0, $0x1, v1  }
0x45a: {  	vm13 =	vge.s32 v6, v4;
	(xrf0) =	vadd.scan.msk.s32 $0xffff, v5  }
0x45b: {  	vm14 =	vge.s32 v7, v4;
	v5 =	vsel vm13, $0x1, v1  }
0x45c: {  	(xrf0) =	vadd.scan.msk.s32 $0xffff, v5;
	v5 =	vsel vm14, $0x1, v1  }
0x45d: {  	s30 =	simm.s32 $0x30;
	(xrf0) =	vadd.scan.msk.s32 $0xffff, v5  }
0x45e: {  	v6 =	vld [tilespmem:s30+$0x8000];
	_ =	sdelay $0x1  }
0x45f: {  	v5, _, _ =	vpop (xrf0)  }
0x460: {  	(v2sf) =	vpush v5, $0xF  }
0x461: {  	v5, _, _ =	vpop (xrf0)  }
0x462: {  	vm15 =	vge.s32 v6, v4;
	(v2sf) =	vpush v5, $0xF;
	v6, _, _ =	vpop (xrf0)  }
0x463: {  	(v2sf) =	vpush v6, $0xF;
	_ =	sdelay $0x5  }
0x464: {  	s31 =	simm.s32 $0x40;
	v5 =	vsel vm15, $0x1, v1  }
0x465: {  	(xrf0) =	vadd.scan.msk.s32 $0xffff, v5;
	v5 =	vld [tilespmem:s31+$0x8000];
	_ =	sdelay $0x1  }
0x466: {  	s6 =	simm.s32 $0x140;
	s5 =	simm.s32 $0x0  }
.LBB2_127:
0x467: {  	p0 =	sne.s32 s6, $0x7C0  }
.Ltmp94:
0x468: {  	s18 =	sshra.s32 s6, $0x2;
	(pc) =	sbr.rel @p0 .LBB2_127-.Ltmp94, $4  }
0x469: {  	s6 =	sadd.s32 $0x40, s6;
	s19 =	spop (v2sf);
	vm0 =	vge.s32 v5, v4  }
0x46a: {  	s5 =	sadd.s32 s5, s19;
	v5 =	vld [tilespmem:s18+$0x8000];
	v7 =	vsel vm0, $0x1, v1  }
0x46b: {  	(xrf0) =	vadd.scan.msk.s32 $0xffff, v7;
	v6, _, _ =	vpop (xrf0)  }
0x46c: {  	(v2sf) =	vpush v6, $0xF  }
0x46d: {  	_ =	sdelay $0x1  }
0x46e: {  	vm0 =	vge.s32 v5, v4  }
0x46f: {  	v4 =	vsel vm0, $0x1, v1  }
0x470: {  	(xrf0) =	vadd.scan.msk.s32 $0xffff, v4;
	_ =	sdelay $0x4  }
0x471: {  	v4, _, _ =	vpop (xrf0)  }
0x472: {  	(v2sf) =	vpush v4, $0xF;
	v4, _, _ =	vpop (xrf0)  }
0x473: {  	(v2sf) =	vpush v4, $0xF;
	_ =	sdelay $0xa  }
0x474: {  	s6 =	spop (v2sf)  }
0x475: {  	s0 =	sadd.s32 $0x1, s0;
	s5 =	sadd.s32 s5, s6;
	s28 =	spop (v2sf)  }
0x476: {  	p1 =	sne.s32 s0, $0x10;
	s5 =	sadd.s32 s5, s28;
	s29 =	spop (v2sf)  }
.Ltmp95:
0x477: {  	s5 =	sadd.s32 s5, s29;
	s30 =	spop (v2sf);
	(pc) =	sbr.rel @p1 .LBB2_126-.Ltmp95, $4  }
0x478: {  	s5 =	sadd.s32 s5, s30;
	s31 =	spop (v2sf)  }
0x479: {  	s5 =	sadd.s32 s5, s31  }
0x47a: {  	p0 =	sgt.s32 s5, $0x3F  }
0x47b: {  	s4 =	smov.u32 @p0 s1  }
0x47c: {  	s1 =	simm.s32 $0x8000  }
0x47d: {  	v5 =	vld [tilespmem:s1+$0x0];
	_ =	sdelay $0x2  }
0x47e: {  	s0 =	sxor.u32 $0x80000000, s4  }
0x47f: {  	v4 =	vmov s0  }
0x480: {  	vm0 =	vge.s32 v5, v4  }
0x481: {  	v5 =	vsel vm0, $0x1, v1  }
0x482: {  	(xrf0) =	vadd.scan.msk.s32 $0xffff, v5;
	_ =	sdelay $0x2  }
0x483: {  	s0 =	simm.s32 $0x0  }
0x484: {  	v5 =	vmov s0  }
0x485: {  	v5 =	vadd.s32 $0xFFFFFFFF, v5  }
0x486: {  	v5 =	vbroadcast v5, $0x0;
	v6, _, _ =	vpop (xrf0)  }
0x487: {  	(v2sf) =	vpush v6, $0xF  }
0x488: {  	v5 =	vadd.s32 v6, v5;
	_ =	sdelay $0x3  }
0x489: {  	v7 =	vor.u32 s0, v0  }
0x48a: {  	s4 =	simm.s32 $0x8010;
	[tilespmem:v5+s14+$0x0] =	vst.idx.msk vm0, v7  }
0x48b: {  	s5 =	simm.s32 $0x20;
	s1 =	simm.s32 $0x10;
	v5 =	vld [tilespmem:s4+$0x0]  }
.LBB2_130:
0x48c: {  	p0 =	seq.s32 s5, $0x1F0;
	_ =	sdelay $0x3  }
0x48d: {  	vm0 =	vge.s32 v5, v4  }
0x48e: {  	v5 =	vsel vm0, $0x1, v1  }
0x48f: {  	(xrf0) =	vadd.scan.msk.s32 $0xffff, v5  }
0x490: {  	s6 =	spop (v2sf)  }
0x491: {  	s0 =	sadd.s32 s0, s6  }
0x492: {  	v5 =	vmov s0  }
0x493: {  	v5 =	vadd.s32 $0xFFFFFFFF, v5  }
0x494: {  	v5 =	vbroadcast v5, $0x0  }
0x495: {  	v6, _, _ =	vpop (xrf0)  }
0x496: {  	v5 =	vadd.s32 v6, v5;
	(v2sf) =	vpush v6, $0xF;
	_ =	sdelay $0x2  }
.Ltmp96:
0x497: {  	(pc) =	sbr.rel @!p0 .LBB2_130-.Ltmp96, $4  }
0x498: {  	v6 =	vor.u32 s1, v0;
	s1 =	smov.u32 s5  }
0x499: {  	[tilespmem:v5+s14+$0x0] =	vst.idx.msk vm0, v6  }
0x49a: {  	s4 =	sadd.s32 $0x10, s4  }
0x49b: {  	s5 =	sadd.s32 $0x10, s5;
	v5 =	vld [tilespmem:s4+$0x0]  }
0x49c: {  	_ =	sdelay $0x3  }
0x49d: {  	vm0 =	vge.s32 v5, v4  }
0x49e: {  	v5 =	vsel vm0, $0x1, v1  }
0x49f: {  	(xrf0) =	vadd.scan.msk.s32 $0xffff, v5;
	_ =	sdelay $0x5  }
0x4a0: {  	v5, _, _ =	vpop (xrf0)  }
0x4a1: {  	(v2sf) =	vpush v5, $0xF;
	_ =	sdelay $0x8  }
0x4a2: {  	s4 =	spop (v2sf)  }
0x4a3: {  	s0 =	sadd.s32 s0, s4  }
0x4a4: {  	v6 =	vmov s0  }
0x4a5: {  	v6 =	vadd.s32 $0xFFFFFFFF, v6  }
0x4a6: {  	v6 =	vbroadcast v6, $0x0;
	_ =	sdelay $0x1  }
0x4a7: {  	v5 =	vadd.s32 v5, v6;
	v6 =	vor.u32 s1, v0;
	s1 =	spop (v2sf)  }
0x4a8: {  	s4 =	sadd.s32 s0, s1  }
0x4a9: {  	p0 =	slt.s32 s4, $0x1  }
.Ltmp97:
0x4aa: {  	_ = 	snop;
	(pc) =	sbr.rel @p0 .LBB2_134-.Ltmp97, $2  }
0x4ab: {  	_ =	sdelay $0x2  }
0x4ac: {  	s18 =	simm.s32 $0x0;
	[tilespmem:v5+s14+$0x0] =	vst.idx.msk vm0, v6;
	s4 =	simm.s32 $0x0  }
0x4ad: {  	s0 =	sadd.s32 s0, s1;
	s4 =	simm.s32 $0x0;
	s1 =	simm.s32 $0x8200  }
.LBB2_133:
0x4ae: {  	v5 =	vld [tilespmem:s1+$0x0];
	_ =	sdelay $0x4  }
0x4af: {  	(v2sf) =	vpush v5, $0x0;
	_ =	sdelay $0xe  }
0x4b0: {  	s5 =	spop (v2sf)  }
0x4b1: {  	s6 =	sshll.u32 s5, $0x6  }
0x4b2: {  	s5 =	sand.u32 $0xF, s5;
	s6 =	sand.u32 $0xFFFFFC00, s6  }
0x4b3: {  	s5 =	sor.u32 s5, s6  }
0x4b4: {  	v5 =	vor.u32 s5, v2;
	_ =	sdelay $0x4  }
0x4b5: {  	v6 =	vld.idx.msk [tilespmem:v5+s2+$0x0], $0xffff;
	_ =	sdelay $0x4  }
0x4b6: {  	v7 =	vshra.s32 v6, $0x1F  }
0x4b7: {  	v7 =	vand.u32 $0x7FFFFFFF, v7  }
0x4b8: {  	v6 =	vxor.u32 v6, v7  }
0x4b9: {  	vm0 =	vge.s32 v6, v4  }
0x4ba: {  	v7 =	vsel vm0, $0x1, v1  }
0x4bb: {  	(xrf0) =	vadd.scan.msk.s32 $0xffff, v7;
	_ =	sdelay $0x2  }
0x4bc: {  	v7 =	vmov s4  }
0x4bd: {  	v7 =	vadd.s32 $0xFFFFFFFF, v7  }
0x4be: {  	v7 =	vbroadcast v7, $0x0  }
0x4bf: {  	v8, _, _ =	vpop (xrf0)  }
0x4c0: {  	v7 =	vadd.s32 v8, v7  }
0x4c1: {  	vm1 =	vlt.s32 v7, $0xFFF  }
0x4c2: {  	v7 =	vnsel vm1, $0xFFF, v7  }
0x4c3: {  	s6 =	sor.u32 $0x100, s5  }
0x4c4: {  	v9 =	vor.u32 s6, v2  }
0x4c5: {  	(v2sf) =	vpush v8, $0xF;
	_ =	sdelay $0x1  }
0x4c6: {  	[tilespmem:v7+s15+$0x0] =	vst.idx.msk vm0, v6  }
0x4c7: {  	[tilespmem:v7+s16+$0x0] =	vst.idx.msk vm0, v5  }
0x4c8: {  	v5 =	vld.idx.msk [tilespmem:v9+s2+$0x0], $0xffff;
	_ =	sdelay $0x4  }
0x4c9: {  	v6 =	vshra.s32 v5, $0x1F  }
0x4ca: {  	v6 =	vand.u32 $0x7FFFFFFF, v6  }
0x4cb: {  	v5 =	vxor.u32 v5, v6  }
0x4cc: {  	vm10 =	vge.s32 v5, v4  }
0x4cd: {  	v6 =	vsel vm10, $0x1, v1  }
0x4ce: {  	(xrf0) =	vadd.scan.msk.s32 $0xffff, v6  }
0x4cf: {  	s25 =	spop (v2sf)  }
0x4d0: {  	s26 =	sadd.s32 s4, s25  }
0x4d1: {  	v6 =	vmov s26  }
0x4d2: {  	v6 =	vadd.s32 $0xFFFFFFFF, v6  }
0x4d3: {  	v6 =	vbroadcast v6, $0x0  }
0x4d4: {  	v7, _, _ =	vpop (xrf0)  }
0x4d5: {  	v6 =	vadd.s32 v7, v6  }
0x4d6: {  	vm11 =	vlt.s32 v6, $0xFFF  }
0x4d7: {  	v6 =	vnsel vm11, $0xFFF, v6  }
0x4d8: {  	s28 =	sor.u32 $0x200, s5  }
0x4d9: {  	v62 =	vor.u32 s28, v2  }
0x4da: {  	(v2sf) =	vpush v7, $0xF;
	_ =	sdelay $0x1  }
0x4db: {  	[tilespmem:v6+s15+$0x0] =	vst.idx.msk vm10, v5  }
0x4dc: {  	[tilespmem:v6+s16+$0x0] =	vst.idx.msk vm10, v9  }
0x4dd: {  	v5 =	vld.idx.msk [tilespmem:v62+s2+$0x0], $0xffff;
	_ =	sdelay $0x4  }
0x4de: {  	v6 =	vshra.s32 v5, $0x1F  }
0x4df: {  	v6 =	vand.u32 $0x7FFFFFFF, v6  }
0x4e0: {  	v5 =	vxor.u32 v5, v6  }
0x4e1: {  	vm12 =	vge.s32 v5, v4  }
0x4e2: {  	v6 =	vsel vm12, $0x1, v1  }
0x4e3: {  	(xrf0) =	vadd.scan.msk.s32 $0xffff, v6  }
0x4e4: {  	s29 =	spop (v2sf)  }
0x4e5: {  	s4 =	sadd.s32 s29, s26  }
0x4e6: {  	v6 =	vmov s4  }
0x4e7: {  	v6 =	vadd.s32 $0xFFFFFFFF, v6  }
0x4e8: {  	v6 =	vbroadcast v6, $0x0  }
0x4e9: {  	v7, _, _ =	vpop (xrf0)  }
0x4ea: {  	v6 =	vadd.s32 v7, v6  }
0x4eb: {  	vm13 =	vlt.s32 v6, $0xFFF  }
0x4ec: {  	v6 =	vnsel vm13, $0xFFF, v6  }
0x4ed: {  	s5 =	sor.u32 $0x300, s5  }
0x4ee: {  	v63 =	vor.u32 s5, v2;
	_ =	sdelay $0x2  }
0x4ef: {  	[tilespmem:v6+s15+$0x0] =	vst.idx.msk vm12, v5  }
0x4f0: {  	[tilespmem:v6+s16+$0x0] =	vst.idx.msk vm12, v62  }
0x4f1: {  	v5 =	vld.idx.msk [tilespmem:v63+s2+$0x0], $0xffff;
	_ =	sdelay $0x4  }
0x4f2: {  	v6 =	vshra.s32 v5, $0x1F  }
0x4f3: {  	(v2sf) =	vpush v7, $0xF;
	v6 =	vand.u32 $0x7FFFFFFF, v6  }
0x4f4: {  	v5 =	vxor.u32 v5, v6  }
0x4f5: {  	vm14 =	vge.s32 v5, v4  }
0x4f6: {  	v6 =	vsel vm14, $0x1, v1  }
0x4f7: {  	(xrf0) =	vadd.scan.msk.s32 $0xffff, v6;
	_ =	sdelay $0x5  }
0x4f8: {  	v6, _, _ =	vpop (xrf0)  }
0x4f9: {  	(v2sf) =	vpush v6, $0xF;
	_ =	sdelay $0x3  }
0x4fa: {  	s30 =	spop (v2sf)  }
0x4fb: {  	s4 =	sadd.s32 s30, s4  }
0x4fc: {  	v7 =	vmov s4  }
0x4fd: {  	v7 =	vadd.s32 $0xFFFFFFFF, v7  }
0x4fe: {  	v7 =	vbroadcast v7, $0x0;
	_ =	sdelay $0x1  }
0x4ff: {  	v6 =	vadd.s32 v6, v7  }
0x500: {  	vm15 =	vlt.s32 v6, $0xFFF  }
0x501: {  	v6 =	vnsel vm15, $0xFFF, v6  }
0x502: {  	p1 =	sne.s32 s0, $0x1  }
.Ltmp98:
0x503: {  	_ = 	snop;
	(pc) =	sbr.rel @p1 .LBB2_133-.Ltmp98, $4  }
0x504: {  	s31 =	spop (v2sf)  }
0x505: {  	s4 =	sadd.s32 s31, s4  }
0x506: {  	[tilespmem:v6+s15+$0x0] =	vst.idx.msk vm14, v5;
	p0 =	slt.s32 s4, $0xFF0  }
0x507: {  	s1 =	sadd.s32 $0x1, s1;
	s0 =	sadd.s32 $0xFFFFFFFF, s0;
	[tilespmem:v6+s16+$0x0] =	vst.idx.msk vm14, v63;
	s4 =	simm.s32 @!p0 $0xFF0  }
.LBB2_134:
0x508: {  	v4 =	vadd.s32 s4, v0;
	_ =	sdelay $0x2  }
0x509: {  	s0 =	sadd.s32 $0xF, s4  }
0x50a: {  	s28 =	sshra.s32 s0, $0x4  }
0x50b: {  	s24 =	sxor.u32 $0x80007FFF, s24;
	s0 =	simm.s32 $0x0;
	p0 =	slt.s32 s28, $0x1;
	[tilespmem:v4+s15+$0x0] =	vst.idx.msk $0xffff, v3  }
.LBB2_135:
.Ltmp99:
0x50c: {  	(pc) =	sbr.rel @!p0 .LBB2_136-.Ltmp99, $1  }
0x50d: {  	_ =	sdelay $0x3  }
0x50e: {  	s18 =	sadd.s32 $0x1, s18  }
0x50f: {  	p1 =	sne.s32 s18, $0x20  }
.Ltmp100:
0x510: {  	_ = 	snop;
	(pc) =	sbr.rel @p1 .LBB2_135-.Ltmp100, $4  }
.Ltmp101:
0x511: {  	_ = 	snop;
	(pc) =	sbr.rel @!p1 .LBB2_152-.Ltmp101, $4  }
0x512: {  	_ = 	snop  }
0x513: {  	_ = 	snop  }
0x514: {  	_ = 	snop  }
0x515: {  	_ = 	snop  }
.LBB2_136:
0x516: {  	s1 =	simm.s32 $0x8480  }
0x517: {  	p6 =	sne.s32 s28, $0x1;
	v5 =	vld [tilespmem:s1+$0x0]  }
.Ltmp102:
0x518: {  	s31 =	sshrl.u32 s13, s18;
	(pc) =	sbr.rel @!p6 .LBB2_137-.Ltmp102, $4  }
0x519: {  	s25 =	sor.u32 s31, s0  }
0x51a: {  	s26 =	simm.s32 $0x0;
	s1 =	sxor.u32 $0x80000000, s25  }
0x51b: {  	s4 =	simm.s32 $0x8490;
	p1 =	por $0x0, $0x0;
	p2 =	por $0x0, $0x0;
	v4 =	vmov s1  }
0x51c: {  	p3 =	por $0x0, $0x0;
	p4 =	por $0x0, $0x0;
	s1 =	sadd.s32 $0xFFFFFFFF, s28;
	vm0 =	vge.s32 v5, v4  }
0x51d: {  	v5 =	vld [tilespmem:s4+$0x0];
	p5 =	sne.s32 s1, $0x1  }
.Ltmp103:
0x51e: {  	_ = 	snop;
	(pc) =	sbr.rel @!p5 .LBB2_139-.Ltmp103, $3  }
0x51f: {  	_ =	sdelay $0x1  }
0x520: {  	v6 =	vsel vm0, $0x1, v1  }
0x521: {  	s4 =	sadd.s32 $0xFFFFFFFF, s1;
	s5 =	simm.s32 $0x84A0;
	p1 =	por $0x1, $0x1;
	(xrf0) =	vadd.scan.msk.s32 $0xffff, v6;
	vm0 =	vge.s32 v5, v4  }
0x522: {  	_ = 	snop  }
0x523: {  	v5 =	vld [tilespmem:s5+$0x0];
	p5 =	sne.s32 s4, $0x1  }
.Ltmp104:
0x524: {  	_ = 	snop;
	(pc) =	sbr.rel @!p5 .LBB2_141-.Ltmp104, $3  }
0x525: {  	_ =	sdelay $0x1  }
0x526: {  	v6 =	vsel vm0, $0x1, v1;
	v7, _, _ =	vpop (xrf0)  }
0x527: {  	s4 =	sadd.s32 $0xFFFFFFFF, s4;
	s5 =	simm.s32 $0x84B0;
	p2 =	por $0x1, $0x1;
	(xrf0) =	vadd.scan.msk.s32 $0xffff, v6;
	vm0 =	vge.s32 v5, v4;
	(v2sf) =	vpush v7, $0xF  }
0x528: {  	_ =	sdelay $0x4  }
0x529: {  	v7, _, _ =	vpop (xrf0)  }
0x52a: {  	(v2sf) =	vpush v7, $0xF;
	_ =	sdelay $0x3  }
0x52b: {  	v5 =	vld [tilespmem:s5+$0x0];
	p5 =	sne.s32 s4, $0x1  }
.Ltmp105:
0x52c: {  	_ = 	snop;
	(pc) =	sbr.rel @!p5 .LBB2_143-.Ltmp105, $3  }
0x52d: {  	_ =	sdelay $0x1  }
0x52e: {  	v6 =	vsel vm0, $0x1, v1  }
0x52f: {  	s4 =	sadd.s32 $0xFFFFFFFF, s4;
	s5 =	simm.s32 $0x84C0;
	p3 =	por $0x1, $0x1;
	(xrf0) =	vadd.scan.msk.s32 $0xffff, v6;
	vm0 =	vge.s32 v5, v4  }
0x530: {  	_ =	sdelay $0x4  }
0x531: {  	v7, _, _ =	vpop (xrf0)  }
0x532: {  	(v2sf) =	vpush v7, $0xF;
	_ =	sdelay $0x2  }
0x533: {  	v5 =	vld [tilespmem:s5+$0x0];
	p5 =	sne.s32 s4, $0x1;
	v6 =	vsel vm0, $0x1, v1  }
.Ltmp106:
0x534: {  	(xrf0) =	vadd.scan.msk.s32 $0xffff, v6;
	(pc) =	sbr.rel @!p5 .LBB2_145-.Ltmp106, $3  }
0x535: {  	_ =	sdelay $0x1  }
0x536: {  	s6 =	sadd.s32 $0xFFFFFFFF, s4;
	s19 =	simm.s32 $0x84D0  }
0x537: {  	s5 =	spop (v2sf);
	p4 =	por $0x1, $0x1;
	s4 =	simm.s32 $0x0;
	vm0 =	vge.s32 v5, v4  }
.LBB2_146:
0x538: {  	v5 =	vld [tilespmem:s19+$0x0];
	p5 =	sne.s32 s6, $0x1;
	s6 =	sadd.s32 $0xFFFFFFFF, s6;
	v7 =	vsel vm0, $0x1, v1;
	s4 =	sadd.s32 s4, s5  }
.Ltmp107:
0x539: {  	(xrf0) =	vadd.scan.msk.s32 $0xffff, v7;
	v6, _, _ =	vpop (xrf0);
	(pc) =	sbr.rel @p5 .LBB2_146-.Ltmp107, $2  }
0x53a: {  	(v2sf) =	vpush v6, $0xF;
	_ =	sdelay $0x3  }
0x53b: {  	s19 =	sadd.s32 $0x10, s19;
	vm0 =	vge.s32 v5, v4;
	s5 =	spop (v2sf)  }
0x53c: {  	_ = 	snop  }
.LBB2_148:
0x53d: {  	v4 =	vsel vm0, $0x1, v1  }
0x53e: {  	(xrf0) =	vadd.scan.msk.s32 $0xffff, v4;
	_ =	sdelay $0x2  }
0x53f: {  	v4, _, _ =	vpop @p1 (xrf0)  }
0x540: {  	(v2sf) =	vpush @p1 v4, $0xF;
	_ =	sdelay $0x1  }
0x541: {  	v4, _, _ =	vpop (xrf0)  }
0x542: {  	(v2sf) =	vpush v4, $0xF;
	_ =	sdelay $0x7  }
0x543: {  	s6 =	spop @p3 (v2sf);
	s4 =	sadd.s32 @p4 s4, s5;
	s5 =	simm.s32 $0x0  }
0x544: {  	s6 =	smov.u32 @p3 s6;
	s5 =	smov.u32 @p4 s4  }
0x545: {  	s4 =	sadd.s32 @p3 s5, s6;
	s6 =	simm.s32 $0x0;
	s5 =	spop @p2 (v2sf)  }
0x546: {  	s6 =	smov.u32 @p3 s4;
	s5 =	smov.u32 @p2 s5  }
0x547: {  	s4 =	sadd.s32 @p2 s6, s5;
	s6 =	simm.s32 $0x0;
	s5 =	spop @p1 (v2sf)  }
0x548: {  	s6 =	smov.u32 @p2 s4;
	p2 =	seq.s32 s18, $0x1F;
	s5 =	smov.u32 @p1 s5  }
.Ltmp108:
0x549: {  	s4 =	sadd.s32 @p1 s6, s5;
	(pc) =	sbr.rel @!p2 .LBB2_135-.Ltmp108, $4  }
.Ltmp109:
0x54a: {  	s26 =	smov.u32 @p1 s4;
	s31 =	spop (v2sf);
	(pc) =	sbr.rel @p2 .LBB2_149-.Ltmp109, $4  }
0x54b: {  	s4 =	sadd.s32 s26, s31  }
0x54c: {  	p1 =	sgt.s32 s4, $0x3F  }
0x54d: {  	s18 =	sadd.s32 $0x1, s18;
	s0 =	smov.u32 @p1 s25  }
0x54e: {  	_ = 	snop  }
.LBB2_137:
.Ltmp110:
0x54f: {  	(pc) =	sbr.rel .LBB2_148-.Ltmp110, $2  }
0x550: {  	_ =	sdelay $0x2  }
0x551: {  	s4 =	simm.s32 $0x0  }
.LBB2_139:
.Ltmp111:
0x552: {  	(pc) =	sbr.rel .LBB2_148-.Ltmp111, $2  }
0x553: {  	_ =	sdelay $0x2  }
0x554: {  	s4 =	simm.s32 $0x0  }
.LBB2_141:
.Ltmp112:
0x555: {  	(pc) =	sbr.rel .LBB2_148-.Ltmp112, $2  }
0x556: {  	_ =	sdelay $0x2  }
0x557: {  	s4 =	simm.s32 $0x0  }
.LBB2_143:
.Ltmp113:
0x558: {  	(pc) =	sbr.rel .LBB2_148-.Ltmp113, $2  }
0x559: {  	_ =	sdelay $0x2  }
0x55a: {  	s4 =	simm.s32 $0x0  }
.LBB2_145:
.Ltmp114:
0x55b: {  	(pc) =	sbr.rel .LBB2_148-.Ltmp114, $2  }
0x55c: {  	_ =	sdelay $0x2  }
0x55d: {  	s4 =	simm.s32 $0x0  }
.LBB2_152:
0x55e: {  	s25 =	sxor.u32 $0x80000000, s0;
	s0 =	simm.s32 $0x40  }
.LBB2_165:
.Ltmp115:
0x55f: {  	(pc) =	sbr.rel .LBB2_166-.Ltmp115, $2  }
0x560: {  	_ =	sdelay $0x2  }
0x561: {  	s1 =	simm.s32 $0x0;
	s18 =	simm.s32 $0x80000000  }
.LBB2_149:
.Ltmp116:
0x562: {  	(pc) =	sbr.rel @!p6 .LBB2_150-.Ltmp116, $4  }
0x563: {  	s25 =	sxor.u32 $0x80000000, s0  }
0x564: {  	s26 =	simm.s32 $0x0;
	s0 =	simm.s32 $0x8480;
	s30 =	simm.s32 $0x9480  }
0x565: {  	s29 =	simm.s32 $0xA480;
	p1 =	por $0x0, $0x0;
	p2 =	por $0x0, $0x0  }
0x566: {  	p3 =	por $0x0, $0x0;
	p4 =	por $0x0, $0x0;
	p5 =	por $0x0, $0x0;
	v4 =	vmov s25  }
0x567: {  	p6 =	sne.s32 s1, $0x1  }
.Ltmp117:
0x568: {  	_ = 	snop;
	(pc) =	sbr.rel @!p6 .LBB2_154-.Ltmp117, $2  }
0x569: {  	_ =	sdelay $0x2  }
0x56a: {  	s1 =	sadd.s32 $0xFFFFFFFF, s1;
	p1 =	por $0x1, $0x1  }
0x56b: {  	p6 =	sne.s32 s1, $0x1  }
.Ltmp118:
0x56c: {  	_ = 	snop;
	(pc) =	sbr.rel @!p6 .LBB2_156-.Ltmp118, $2  }
0x56d: {  	_ =	sdelay $0x2  }
0x56e: {  	s1 =	sadd.s32 $0xFFFFFFFF, s1;
	p2 =	por $0x1, $0x1  }
0x56f: {  	v5 =	vld [tilespmem:s0+$0x0];
	p6 =	sne.s32 s1, $0x1  }
.Ltmp119:
0x570: {  	_ = 	snop;
	(pc) =	sbr.rel @!p6 .LBB2_158-.Ltmp119, $2  }
0x571: {  	_ =	sdelay $0x2  }
0x572: {  	v6 =	vld [tilespmem:s30+$0x0];
	s1 =	sadd.s32 $0xFFFFFFFF, s1;
	p3 =	por $0x1, $0x1;
	vm0 =	vgt.s32 v5, v4  }
0x573: {  	v7 =	vsel vm0, $0x1, v1  }
0x574: {  	(xrf0) =	vadd.scan.msk.s32 $0xffff, v7;
	_ =	sdelay $0x5  }
0x575: {  	v9, _, _ =	vpop (xrf0)  }
0x576: {  	(v2sf) =	vpush v9, $0xF  }
0x577: {  	vm1 =	veq.s32 v5, v4;
	v8 =	vsub.s32 $0x7FFF, v6  }
0x578: {  	v8 =	vnsel vm1, $0x80000000, v8  }
0x579: {  	s18 =	simm.s32 $0x8490;
	[tilespmem:s29+$0x0] =	vst v8  }
0x57a: {  	p6 =	sne.s32 s1, $0x1;
	v7 =	vld [tilespmem:s18+$0x0]  }
.Ltmp120:
0x57b: {  	_ = 	snop;
	(pc) =	sbr.rel @!p6 .LBB2_160-.Ltmp120, $3  }
0x57c: {  	_ =	sdelay $0x1  }
0x57d: {  	s4 =	simm.s32 $0x9490  }
0x57e: {  	s1 =	sadd.s32 $0xFFFFFFFF, s1;
	p4 =	por $0x1, $0x1;
	v8 =	vld [tilespmem:s4+$0x0];
	vm1 =	vgt.s32 v7, v4  }
0x57f: {  	v9 =	vsel vm1, $0x1, v1  }
0x580: {  	(xrf0) =	vadd.scan.msk.s32 $0xffff, v9;
	_ =	sdelay $0x4  }
0x581: {  	vm2 =	veq.s32 v7, v4;
	v10 =	vsub.s32 $0x7FFF, v8  }
0x582: {  	s19 =	simm.s32 $0xA490;
	v10 =	vnsel vm2, $0x80000000, v10;
	v11, _, _ =	vpop (xrf0)  }
0x583: {  	s18 =	simm.s32 $0x84A0;
	[tilespmem:s19+$0x0] =	vst v10;
	(v2sf) =	vpush v11, $0xF  }
0x584: {  	p6 =	sne.s32 s1, $0x1;
	s4 =	simm.s32 $0x94A0;
	v9 =	vld [tilespmem:s18+$0x0]  }
.Ltmp121:
0x585: {  	v10 =	vld [tilespmem:s4+$0x0];
	(pc) =	sbr.rel @!p6 .LBB2_162-.Ltmp121, $2  }
0x586: {  	_ =	sdelay $0x2  }
0x587: {  	s5 =	sadd.s32 $0xFFFFFFFF, s1;
	p5 =	por $0x1, $0x1;
	s1 =	simm.s32 $0x0;
	vm2 =	vgt.s32 v9, v4  }
.LBB2_163:
0x588: {  	p6 =	sne.s32 s5, $0x1;
	v11 =	vsel vm2, $0x1, v1;
	vm2 =	veq.s32 v9, v4;
	v9 =	vsub.s32 $0x7FFF, v10  }
0x589: {  	s19 =	sadd.s32 $0x10, s19;
	v9 =	vnsel vm2, $0x80000000, v9;
	(xrf0) =	vadd.scan.msk.s32 $0xffff, v11  }
0x58a: {  	s18 =	sadd.s32 $0x10, s18;
	[tilespmem:s19+$0x0] =	vst v9  }
0x58b: {  	s4 =	sadd.s32 $0x10, s4;
	v9 =	vld [tilespmem:s18+$0x0]  }
.Ltmp122:
0x58c: {  	v10 =	vld [tilespmem:s4+$0x0];
	(pc) =	sbr.rel @p6 .LBB2_163-.Ltmp122, $4  }
0x58d: {  	s6 =	spop (v2sf)  }
0x58e: {  	s1 =	sadd.s32 s1, s6  }
0x58f: {  	v11, _, _ =	vpop (xrf0)  }
0x590: {  	s5 =	sadd.s32 $0xFFFFFFFF, s5;
	vm2 =	vgt.s32 v9, v4;
	(v2sf) =	vpush v11, $0xF  }
.LBB2_164:
0x591: {  	vm3 =	veq.s32 @p3 v9, v4;
	v9 =	vsub.s32 @p3 $0x7FFF, v10;
	s5 =	sadd.s32 @p4 $0x10, s19;
	s6 =	simm.s32 $0xA480  }
0x592: {  	v9 =	vnsel @p3 vm3, $0x80000000, v9;
	s6 =	smov.u32 @p4 s5;
	s5 =	sadd.s32 @p3 $0x10, s18;
	s18 =	simm.s32 $0x8480  }
0x593: {  	s4 =	sadd.s32 @p3 $0x10, s4;
	[tilespmem:s6+$0x0] =	vst @p3 v9;
	s18 =	smov.u32 @p3 s5;
	s5 =	simm.s32 $0x9480  }
0x594: {  	v9 =	vld @p2 [tilespmem:s18+$0x0];
	s5 =	smov.u32 @p3 s4  }
0x595: {  	v10 =	vld @p2 [tilespmem:s5+$0x0];
	_ =	sdelay $0x4  }
0x596: {  	v7 =	vpsel p2, v9, v7;
	v8 =	vpsel p2, v10, v8  }
0x597: {  	s4 =	sadd.s32 @p3 $0x10, s6;
	s6 =	simm.s32 $0xA480;
	vm3 =	veq.s32 @p2 v7, v4;
	v7 =	vsub.s32 @p2 $0x7FFF, v8  }
0x598: {  	s6 =	smov.u32 @p3 s4;
	s4 =	sadd.s32 @p2 $0x10, s18;
	s18 =	simm.s32 $0x8480;
	v7 =	vnsel @p2 vm3, $0x80000000, v7  }
0x599: {  	s18 =	smov.u32 @p2 s4;
	s4 =	sadd.s32 @p2 $0x10, s5;
	s5 =	simm.s32 $0x9480;
	[tilespmem:s6+$0x0] =	vst @p2 v7  }
0x59a: {  	s5 =	smov.u32 @p2 s4;
	v7 =	vld @p1 [tilespmem:s18+$0x0]  }
0x59b: {  	v8 =	vld @p1 [tilespmem:s5+$0x0];
	_ =	sdelay $0x4  }
0x59c: {  	v5 =	vpsel p1, v7, v5;
	v6 =	vpsel p1, v8, v6  }
0x59d: {  	s4 =	sadd.s32 @p2 $0x10, s6;
	s6 =	simm.s32 $0xA480;
	vm3 =	veq.s32 @p1 v5, v4;
	v5 =	vsub.s32 @p1 $0x7FFF, v6  }
0x59e: {  	s6 =	smov.u32 @p2 s4;
	s4 =	sadd.s32 @p1 $0x10, s18;
	v6 =	vsel @p3 vm2, $0x1, v1;
	v5 =	vnsel @p1 vm3, $0x80000000, v5  }
0x59f: {  	s0 =	smov.u32 @p1 s4;
	(xrf0) =	vadd.scan.msk.s32 @p3 $0xffff, v6;
	[tilespmem:s6+$0x0] =	vst @p1 v5  }
0x5a0: {  	vm2 =	vgt.s32 @p2 v9, v4;
	v5 =	vld [tilespmem:s0+$0x0]  }
0x5a1: {  	vm1 =	vmmov @p2 vm2  }
0x5a2: {  	v6 =	vsel @p2 vm1, $0x1, v1;
	vm1 =	vgt.s32 @p1 v7, v4  }
0x5a3: {  	(xrf0) =	vadd.scan.msk.s32 @p2 $0xffff, v6;
	vm0 =	vmmov @p1 vm1  }
0x5a4: {  	v6 =	vsel @p1 vm0, $0x1, v1  }
0x5a5: {  	v7, _, _ =	vpop @p3 (xrf0);
	(xrf0) =	vadd.scan.msk.s32 @p1 $0xffff, v6;
	vm14 =	vgt.s32 v5, v4  }
0x5a6: {  	v61 =	vsel vm14, $0x1, v1  }
0x5a7: {  	(xrf0) =	vadd.scan.msk.s32 $0xffff, v61  }
0x5a8: {  	(v2sf) =	vpush @p3 v7, $0xF  }
0x5a9: {  	v6, _, _ =	vpop @p2 (xrf0)  }
0x5aa: {  	(v2sf) =	vpush @p2 v6, $0xF  }
0x5ab: {  	v6, _, _ =	vpop @p1 (xrf0)  }
0x5ac: {  	(v2sf) =	vpush @p1 v6, $0xF  }
0x5ad: {  	v62, _, _ =	vpop (xrf0)  }
0x5ae: {  	(v2sf) =	vpush v62, $0xF;
	_ =	sdelay $0x4  }
0x5af: {  	s0 =	spop @p5 (v2sf)  }
0x5b0: {  	s0 =	sadd.s32 @p5 s1, s0;
	s1 =	simm.s32 $0x0  }
0x5b1: {  	s4 =	spop @p4 (v2sf);
	s1 =	smov.u32 @p5 s0  }
0x5b2: {  	s0 =	sadd.s32 @p4 s1, s4;
	s1 =	simm.s32 $0x0;
	s4 =	sadd.s32 @p1 $0x10, s5  }
0x5b3: {  	s1 =	smov.u32 @p4 s0;
	s30 =	smov.u32 @p1 s4;
	s18 =	spop @p3 (v2sf)  }
0x5b4: {  	v63 =	vld [tilespmem:s30+$0x0];
	s0 =	sadd.s32 @p3 s1, s18;
	s1 =	simm.s32 $0x0  }
0x5b5: {  	s4 =	spop @p2 (v2sf);
	s1 =	smov.u32 @p3 s0  }
0x5b6: {  	s0 =	sadd.s32 @p2 s1, s4;
	s1 =	simm.s32 $0x0  }
.Ltmp123:
0x5b7: {  	s1 =	smov.u32 @p2 s0;
	s0 =	spop @p1 (v2sf);
	(pc) =	sbr.rel .LBB2_165-.Ltmp123, $4  }
0x5b8: {  	s0 =	sadd.s32 @p1 s1, s0  }
0x5b9: {  	vm15 =	veq.s32 v5, v4;
	v4 =	vsub.s32 $0x7FFF, v63;
	s1 =	sadd.s32 @p1 $0x10, s6;
	s26 =	smov.u32 @p1 s0;
	s31 =	spop (v2sf)  }
0x5ba: {  	v4 =	vnsel vm15, $0x80000000, v4;
	s29 =	smov.u32 @p1 s1;
	s0 =	sadd.s32 s26, s31  }
0x5bb: {  	[tilespmem:s29+$0x0] =	vst v4;
	s0 =	ssub.s32 $0x40, s0  }
.LBB2_168:
0x5bc: {  	s4 =	simm.s32 $0x0  }
.LBB2_179:
0x5bd: {  	v4 =	vsel vm0, $0x1, v1  }
0x5be: {  	(xrf0) =	vadd.scan.msk.s32 $0xffff, v4;
	_ =	sdelay $0x2  }
0x5bf: {  	v4, _, _ =	vpop @p1 (xrf0)  }
0x5c0: {  	(v2sf) =	vpush @p1 v4, $0xF;
	_ =	sdelay $0x1  }
0x5c1: {  	v4, _, _ =	vpop (xrf0)  }
0x5c2: {  	(v2sf) =	vpush v4, $0xF;
	_ =	sdelay $0x7  }
0x5c3: {  	s6 =	spop @p3 (v2sf);
	s4 =	sadd.s32 @p4 s4, s5;
	s5 =	simm.s32 $0x0  }
0x5c4: {  	s6 =	smov.u32 @p3 s6;
	s5 =	smov.u32 @p4 s4  }
0x5c5: {  	s4 =	sadd.s32 @p3 s5, s6;
	s6 =	simm.s32 $0x0;
	s5 =	spop @p2 (v2sf)  }
0x5c6: {  	s6 =	smov.u32 @p3 s4;
	s5 =	smov.u32 @p2 s5  }
0x5c7: {  	s4 =	sadd.s32 @p2 s6, s5;
	s6 =	simm.s32 $0x0;
	s5 =	spop @p1 (v2sf)  }
0x5c8: {  	s6 =	smov.u32 @p2 s4;
	s5 =	smov.u32 @p1 s5  }
0x5c9: {  	s4 =	sadd.s32 @p1 s6, s5  }
0x5ca: {  	s29 =	smov.u32 @p1 s4;
	s31 =	spop (v2sf)  }
0x5cb: {  	s4 =	sadd.s32 s29, s31  }
.LBB2_180:
0x5cc: {  	p1 =	slt.s32 s4, s0;
	s1 =	sadd.s32 $0x1, s1  }
0x5cd: {  	s26 =	smov.u32 @p1 s18;
	p1 =	sne.s32 s1, $0xF  }
.Ltmp124:
0x5ce: {  	_ = 	snop;
	(pc) =	sbr.rel @!p1 .LBB2_181-.Ltmp124, $2  }
0x5cf: {  	_ =	sdelay $0x2  }
0x5d0: {  	s18 =	smov.u32 s26  }
.LBB2_166:
.Ltmp125:
0x5d1: {  	(pc) =	sbr.rel @p0 .LBB2_180-.Ltmp125, $3  }
0x5d2: {  	_ =	sdelay $0x1  }
0x5d3: {  	s4 =	sshrl.u32 s17, s1  }
0x5d4: {  	s26 =	sor.u32 s4, s18;
	s4 =	simm.s32 $0x0  }
0x5d5: {  	s4 =	simm.s32 $0xA480  }
0x5d6: {  	p5 =	sne.s32 s28, $0x1;
	v5 =	vld [tilespmem:s4+$0x0]  }
.Ltmp126:
0x5d7: {  	_ = 	snop;
	(pc) =	sbr.rel @!p5 .LBB2_168-.Ltmp126, $4  }
0x5d8: {  	_ = 	snop  }
0x5d9: {  	s31 =	sxor.u32 $0x80000000, s26;
	s29 =	simm.s32 $0x0  }
0x5da: {  	s5 =	simm.s32 $0xA490;
	p1 =	por $0x0, $0x0;
	p2 =	por $0x0, $0x0;
	v4 =	vmov s31  }
0x5db: {  	p3 =	por $0x0, $0x0;
	p4 =	por $0x0, $0x0;
	s4 =	sadd.s32 $0xFFFFFFFF, s28;
	vm0 =	vge.s32 v5, v4  }
0x5dc: {  	v5 =	vld [tilespmem:s5+$0x0];
	p5 =	sne.s32 s4, $0x1  }
.Ltmp127:
0x5dd: {  	_ = 	snop;
	(pc) =	sbr.rel @!p5 .LBB2_170-.Ltmp127, $4  }
0x5de: {  	_ = 	snop  }
0x5df: {  	v6 =	vsel vm0, $0x1, v1  }
0x5e0: {  	(xrf0) =	vadd.scan.msk.s32 $0xffff, v6  }
0x5e1: {  	s4 =	sadd.s32 $0xFFFFFFFF, s4;
	s5 =	simm.s32 $0xA4A0;
	p1 =	por $0x1, $0x1;
	vm0 =	vge.s32 v5, v4  }
0x5e2: {  	v5 =	vld [tilespmem:s5+$0x0];
	p5 =	sne.s32 s4, $0x1  }
.Ltmp128:
0x5e3: {  	_ = 	snop;
	(pc) =	sbr.rel @!p5 .LBB2_172-.Ltmp128, $4  }
0x5e4: {  	_ = 	snop  }
0x5e5: {  	v6 =	vsel vm0, $0x1, v1  }
0x5e6: {  	v7, _, _ =	vpop (xrf0);
	(xrf0) =	vadd.scan.msk.s32 $0xffff, v6  }
0x5e7: {  	s4 =	sadd.s32 $0xFFFFFFFF, s4;
	s5 =	simm.s32 $0xA4B0;
	p2 =	por $0x1, $0x1;
	(v2sf) =	vpush v7, $0xF;
	vm0 =	vge.s32 v5, v4  }
0x5e8: {  	_ =	sdelay $0x3  }
0x5e9: {  	v7, _, _ =	vpop (xrf0)  }
0x5ea: {  	(v2sf) =	vpush v7, $0xF;
	_ =	sdelay $0x3  }
0x5eb: {  	v5 =	vld [tilespmem:s5+$0x0];
	p5 =	sne.s32 s4, $0x1  }
.Ltmp129:
0x5ec: {  	_ = 	snop;
	(pc) =	sbr.rel @!p5 .LBB2_174-.Ltmp129, $4  }
0x5ed: {  	_ = 	snop  }
0x5ee: {  	v6 =	vsel vm0, $0x1, v1  }
0x5ef: {  	(xrf0) =	vadd.scan.msk.s32 $0xffff, v6  }
0x5f0: {  	s4 =	sadd.s32 $0xFFFFFFFF, s4;
	s5 =	simm.s32 $0xA4C0;
	p3 =	por $0x1, $0x1;
	vm0 =	vge.s32 v5, v4  }
0x5f1: {  	_ =	sdelay $0x3  }
0x5f2: {  	v7, _, _ =	vpop (xrf0)  }
0x5f3: {  	(v2sf) =	vpush v7, $0xF;
	_ =	sdelay $0x2  }
0x5f4: {  	v5 =	vld [tilespmem:s5+$0x0];
	p5 =	sne.s32 s4, $0x1;
	v6 =	vsel vm0, $0x1, v1  }
.Ltmp130:
0x5f5: {  	(xrf0) =	vadd.scan.msk.s32 $0xffff, v6;
	(pc) =	sbr.rel @!p5 .LBB2_176-.Ltmp130, $3  }
0x5f6: {  	_ =	sdelay $0x1  }
0x5f7: {  	s6 =	sadd.s32 $0xFFFFFFFF, s4;
	s19 =	simm.s32 $0xA4D0  }
0x5f8: {  	s5 =	spop (v2sf);
	p4 =	por $0x1, $0x1;
	s4 =	simm.s32 $0x0;
	vm0 =	vge.s32 v5, v4  }
.LBB2_177:
0x5f9: {  	v5 =	vld [tilespmem:s19+$0x0];
	p5 =	sne.s32 s6, $0x1;
	s6 =	sadd.s32 $0xFFFFFFFF, s6;
	v7 =	vsel vm0, $0x1, v1;
	s4 =	sadd.s32 s4, s5  }
.Ltmp131:
0x5fa: {  	(xrf0) =	vadd.scan.msk.s32 $0xffff, v7;
	v6, _, _ =	vpop (xrf0);
	(pc) =	sbr.rel @p5 .LBB2_177-.Ltmp131, $2  }
0x5fb: {  	(v2sf) =	vpush v6, $0xF;
	_ =	sdelay $0x3  }
0x5fc: {  	s19 =	sadd.s32 $0x10, s19;
	vm0 =	vge.s32 v5, v4;
	s5 =	spop (v2sf)  }
.Ltmp132:
0x5fd: {  	(pc) =	sbr.rel .LBB2_179-.Ltmp132, $1  }
0x5fe: {  	_ =	sdelay $0x3  }
.LBB2_170:
.Ltmp133:
0x5ff: {  	(pc) =	sbr.rel .LBB2_179-.Ltmp133, $2  }
0x600: {  	_ =	sdelay $0x2  }
0x601: {  	s4 =	simm.s32 $0x0  }
.LBB2_172:
.Ltmp134:
0x602: {  	(pc) =	sbr.rel .LBB2_179-.Ltmp134, $2  }
0x603: {  	_ =	sdelay $0x2  }
0x604: {  	s4 =	simm.s32 $0x0  }
.LBB2_174:
.Ltmp135:
0x605: {  	(pc) =	sbr.rel .LBB2_179-.Ltmp135, $2  }
0x606: {  	_ =	sdelay $0x2  }
0x607: {  	s4 =	simm.s32 $0x0  }
.LBB2_176:
.Ltmp136:
0x608: {  	(pc) =	sbr.rel .LBB2_179-.Ltmp136, $2  }
0x609: {  	_ =	sdelay $0x2  }
0x60a: {  	s4 =	simm.s32 $0x0  }
.LBB2_181:
0x60b: {  	s0 =	simm.s32 $0x0;
	s1 =	rddreg [dreg:$0x5]  }
0x60c: {  	[tilespmem:s0], [sflag:$0x1] =	stream.strided.gather [hbm4b:s1+s10], $0x8000, s11, s10, $0x38;
	[tilespmem:$0xB500] =	vst v63  }
0x60d: {  	_ =	swait.ge [sflag:s12], $0x8000  }
0x60e: {  	[sflag:s12] =	ssyncset.done $0x0  }
0x60f: {  	s1 =	simm.s32 $0x40;
	[sflag:s12] =	ssyncadd.s32 $0xFFFF8000  }
.LBB2_182:
0x610: {  	v4 =	vmov s1;
	_ =	sdelay $0x3  }
0x611: {  	s4 =	simm.s32 $0x0  }
0x612: {  	v5 =	vld.idx.msk [tilespmem:v4+s4+$0xFFFFFFC0 ss:$0x1], $0xffff;
	_ =	sdelay $0x2  }
0x613: {  	v7 =	vld.idx.msk [tilespmem:v4+s4+$0xFFFFFFD0 ss:$0x1], $0xffff  }
0x614: {  	v8 =	vld.idx.msk [tilespmem:v4+s4+$0xFFFFFFE0 ss:$0x1], $0xffff  }
0x615: {  	v6 =	vshra.s32 v5, $0x1F  }
0x616: {  	v6 =	vand.u32 $0x7FFFFFFF, v6  }
0x617: {  	v9 =	vimm.s32 $0x80000000;
	v10 =	vld.idx.msk [tilespmem:v4+s4+$0xFFFFFFF0 ss:$0x1], $0xffff;
	v5 =	vxor.u32 v5, v6  }
0x618: {  	v11 =	vshra.s32 v7, $0x1F;
	vm0 =	vgt.s32 v9, v5  }
0x619: {  	v11 =	vand.u32 $0x7FFFFFFF, v11;
	v6 =	vld.idx.msk [tilespmem:v4+s4+$0x0 ss:$0x1], $0xffff;
	v5 =	vsel vm0, v9, v5;
	v9 =	vshra.s32 v8, $0x1F  }
0x61a: {  	v7 =	vxor.u32 v7, v11;
	v9 =	vand.u32 $0x7FFFFFFF, v9  }
0x61b: {  	vm0 =	vgt.s32 v5, v7;
	v9 =	vxor.u32 v8, v9;
	v8 =	vld.idx.msk [tilespmem:v4+s4+$0x10 ss:$0x1], $0xffff  }
0x61c: {  	v5 =	vsel vm0, v5, v7;
	v7 =	vshra.s32 v10, $0x1F  }
0x61d: {  	vm0 =	vgt.s32 v5, v9;
	v11 =	vand.u32 $0x7FFFFFFF, v7;
	v7 =	vld.idx.msk [tilespmem:v4+s4+$0x20 ss:$0x1], $0xffff  }
0x61e: {  	v9 =	vsel vm0, v5, v9;
	v10 =	vxor.u32 v10, v11;
	v11 =	vshra.s32 v6, $0x1F  }
0x61f: {  	s18 =	simm.s32 $0x80;
	v5 =	vld.idx.msk [tilespmem:v4+s4+$0x30 ss:$0x1], $0xffff;
	s4 =	simm.s32 $0x400;
	vm0 =	vgt.s32 v9, v10;
	v11 =	vand.u32 $0x7FFFFFFF, v11  }
.LBB2_183:
0x620: {  	p0 =	sne.s32 s4, $0xE00;
	v12 =	vld.idx.msk [tilespmem:v4+s18+$0xFFFFFFC0 ss:$0x1], $0xffff;
	v9 =	vsel vm0, v9, v10;
	v6 =	vxor.u32 v6, v11;
	v10 =	vshra.s32 v8, $0x1F  }
0x621: {  	vm0 =	vgt.s32 v9, v6;
	v10 =	vand.u32 $0x7FFFFFFF, v10  }
0x622: {  	v11 =	vld.idx.msk [tilespmem:v4+s18+$0xFFFFFFD0 ss:$0x1], $0xffff;
	v6 =	vsel vm0, v9, v6;
	v8 =	vxor.u32 v8, v10;
	v9 =	vshra.s32 v7, $0x1F  }
0x623: {  	vm0 =	vgt.s32 v6, v8;
	v9 =	vand.u32 $0x7FFFFFFF, v9  }
0x624: {  	v10 =	vld.idx.msk [tilespmem:v4+s18+$0xFFFFFFE0 ss:$0x1], $0xffff;
	v6 =	vsel vm0, v6, v8;
	v7 =	vxor.u32 v7, v9;
	v8 =	vshra.s32 v5, $0x1F  }
0x625: {  	vm0 =	vgt.s32 v6, v7;
	v8 =	vand.u32 $0x7FFFFFFF, v8  }
0x626: {  	v9 =	vshra.s32 v12, $0x1F;
	v13 =	vld.idx.msk [tilespmem:v4+s18+$0xFFFFFFF0 ss:$0x1], $0xffff;
	v7 =	vsel vm0, v6, v7;
	v5 =	vxor.u32 v5, v8  }
0x627: {  	v6 =	vand.u32 $0x7FFFFFFF, v9;
	vm0 =	vgt.s32 v7, v5  }
0x628: {  	v8 =	vxor.u32 v12, v6;
	v9 =	vshra.s32 v11, $0x1F;
	v6 =	vld.idx.msk [tilespmem:v4+s18+$0x0 ss:$0x1], $0xffff;
	v5 =	vsel vm0, v7, v5  }
0x629: {  	v7 =	vand.u32 $0x7FFFFFFF, v9;
	vm0 =	vgt.s32 v5, v8  }
0x62a: {  	v7 =	vxor.u32 v11, v7;
	v9 =	vshra.s32 v10, $0x1F;
	v5 =	vsel vm0, v5, v8;
	v8 =	vld.idx.msk [tilespmem:v4+s18+$0x10 ss:$0x1], $0xffff  }
.Ltmp137:
0x62b: {  	v9 =	vand.u32 $0x7FFFFFFF, v9;
	vm0 =	vgt.s32 v5, v7;
	(pc) =	sbr.rel @p0 .LBB2_183-.Ltmp137, $4  }
0x62c: {  	v9 =	vxor.u32 v10, v9;
	v10 =	vshra.s32 v13, $0x1F;
	v5 =	vsel vm0, v5, v7;
	v7 =	vld.idx.msk [tilespmem:v4+s18+$0x20 ss:$0x1], $0xffff  }
0x62d: {  	v10 =	vand.u32 $0x7FFFFFFF, v10;
	vm0 =	vgt.s32 v5, v9  }
0x62e: {  	v10 =	vxor.u32 v13, v10;
	v11 =	vshra.s32 v6, $0x1F;
	v9 =	vsel vm0, v5, v9;
	v5 =	vld.idx.msk [tilespmem:v4+s18+$0x30 ss:$0x1], $0xffff  }
0x62f: {  	s18 =	sshra.s32 s4, $0x2;
	s4 =	sadd.s32 $0x200, s4;
	v11 =	vand.u32 $0x7FFFFFFF, v11;
	vm0 =	vgt.s32 v9, v10  }
0x630: {  	_ =	sdelay $0x2  }
0x631: {  	v9 =	vsel vm0, v9, v10;
	v6 =	vxor.u32 v6, v11;
	v40 =	vshra.s32 v8, $0x1F  }
0x632: {  	v41 =	vld.idx.msk [tilespmem:v4+s18+$0xFFFFFFC0 ss:$0x1], $0xffff;
	vm0 =	vgt.s32 v9, v6;
	v10 =	vand.u32 $0x7FFFFFFF, v40  }
0x633: {  	v43 =	vshra.s32 v7, $0x1F;
	v6 =	vsel vm0, v9, v6;
	v42 =	vxor.u32 v8, v10  }
0x634: {  	v44 =	vld.idx.msk [tilespmem:v4+s18+$0xFFFFFFD0 ss:$0x1], $0xffff;
	v9 =	vand.u32 $0x7FFFFFFF, v43;
	vm0 =	vgt.s32 v6, v42  }
0x635: {  	v45 =	vxor.u32 v7, v9;
	v46 =	vshra.s32 v5, $0x1F;
	v6 =	vsel vm0, v6, v42  }
0x636: {  	v47 =	vld.idx.msk [tilespmem:v4+s18+$0xFFFFFFE0 ss:$0x1], $0xffff;
	v8 =	vand.u32 $0x7FFFFFFF, v46;
	vm0 =	vgt.s32 v6, v45  }
0x637: {  	v12 =	vshra.s32 v41, $0x1F;
	v5 =	vxor.u32 v5, v8;
	v6 =	vsel vm0, v6, v45  }
0x638: {  	v48 =	vld.idx.msk [tilespmem:v4+s18+$0xFFFFFFF0 ss:$0x1], $0xffff;
	v49 =	vand.u32 $0x7FFFFFFF, v12;
	vm0 =	vgt.s32 v6, v5  }
0x639: {  	v50 =	vshra.s32 v44, $0x1F;
	v8 =	vxor.u32 v41, v49;
	v5 =	vsel vm0, v6, v5  }
0x63a: {  	v51 =	vld.idx.msk [tilespmem:v4+s18+$0x0 ss:$0x1], $0xffff;
	v11 =	vand.u32 $0x7FFFFFFF, v50;
	vm0 =	vgt.s32 v5, v8  }
0x63b: {  	v53 =	vshra.s32 v47, $0x1F;
	v52 =	vxor.u32 v44, v11;
	v5 =	vsel vm0, v5, v8  }
0x63c: {  	v54 =	vld.idx.msk [tilespmem:v4+s18+$0x10 ss:$0x1], $0xffff;
	v10 =	vand.u32 $0x7FFFFFFF, v53;
	vm0 =	vgt.s32 v5, v52  }
0x63d: {  	v56 =	vshra.s32 v48, $0x1F;
	v55 =	vxor.u32 v47, v10;
	v5 =	vsel vm0, v5, v52  }
0x63e: {  	v57 =	vld.idx.msk [tilespmem:v4+s18+$0x20 ss:$0x1], $0xffff;
	v9 =	vand.u32 $0x7FFFFFFF, v56;
	vm0 =	vgt.s32 v5, v55  }
0x63f: {  	v58 =	vshra.s32 v51, $0x1F;
	v7 =	vxor.u32 v48, v9;
	v5 =	vsel vm0, v5, v55  }
0x640: {  	v4 =	vld.idx.msk [tilespmem:v4+s18+$0x30 ss:$0x1], $0xffff;
	v8 =	vand.u32 $0x7FFFFFFF, v58;
	vm0 =	vgt.s32 v5, v7  }
0x641: {  	v59 =	vshra.s32 v54, $0x1F;
	v6 =	vxor.u32 v51, v8;
	v5 =	vsel vm0, v5, v7  }
0x642: {  	v7 =	vand.u32 $0x7FFFFFFF, v59;
	vm0 =	vgt.s32 v5, v6  }
0x643: {  	v61 =	vshra.s32 v57, $0x1F;
	v60 =	vxor.u32 v54, v7;
	v5 =	vsel vm0, v5, v6  }
0x644: {  	s4 =	sshll.u32 s0, $0x4;
	s0 =	sadd.s32 $0x1, s0;
	v7 =	vand.u32 $0x7FFFFFFF, v61;
	vm0 =	vgt.s32 v5, v60  }
0x645: {  	p0 =	sne.s32 s0, $0x20;
	v63 =	vshra.s32 v4, $0x1F;
	v62 =	vxor.u32 v57, v7;
	v5 =	vsel vm0, v5, v60  }
.Ltmp138:
0x646: {  	v7 =	vand.u32 $0x7FFFFFFF, v63;
	vm0 =	vgt.s32 v5, v62;
	(pc) =	sbr.rel @p0 .LBB2_182-.Ltmp138, $4  }
0x647: {  	v4 =	vxor.u32 v4, v7;
	v5 =	vsel vm0, v5, v62  }
0x648: {  	vm0 =	vgt.s32 v5, v4  }
0x649: {  	s4 =	sand.u32 $0x3FFFFFF0, s4;
	v4 =	vsel vm0, v5, v4  }
0x64a: {  	s1 =	sadd.s32 $0x400, s1;
	[tilespmem:s4+$0x8000] =	vst v4;
	s4 =	simm.s32 $0x0  }
0x64b: {  	s0 =	simm.s32 $0x0  }
.LBB2_186:
0x64c: {  	s1 =	simm.s32 $0x0  }
0x64d: {  	v5 =	vld [tilespmem:s1+$0x8000]  }
0x64e: {  	s29 =	simm.s32 $0x10;
	s5 =	sshrl.u32 s13, s0  }
0x64f: {  	s6 =	simm.s32 $0x20;
	v6 =	vld [tilespmem:s29+$0x8000];
	s1 =	sor.u32 s5, s4  }
0x650: {  	v7 =	vld [tilespmem:s6+$0x8000];
	s5 =	sxor.u32 $0x80000000, s1  }
0x651: {  	v4 =	vmov s5  }
0x652: {  	vm0 =	vge.s32 v5, v4  }
0x653: {  	v5 =	vsel vm0, $0x1, v1  }
0x654: {  	vm13 =	vge.s32 v6, v4;
	(xrf0) =	vadd.scan.msk.s32 $0xffff, v5  }
0x655: {  	vm14 =	vge.s32 v7, v4;
	v5 =	vsel vm13, $0x1, v1  }
0x656: {  	(xrf0) =	vadd.scan.msk.s32 $0xffff, v5;
	v5 =	vsel vm14, $0x1, v1  }
0x657: {  	s30 =	simm.s32 $0x30;
	(xrf0) =	vadd.scan.msk.s32 $0xffff, v5  }
0x658: {  	v6 =	vld [tilespmem:s30+$0x8000];
	_ =	sdelay $0x1  }
0x659: {  	v5, _, _ =	vpop (xrf0)  }
0x65a: {  	(v2sf) =	vpush v5, $0xF  }
0x65b: {  	v5, _, _ =	vpop (xrf0)  }
0x65c: {  	vm15 =	vge.s32 v6, v4;
	(v2sf) =	vpush v5, $0xF;
	v6, _, _ =	vpop (xrf0)  }
0x65d: {  	(v2sf) =	vpush v6, $0xF;
	_ =	sdelay $0x5  }
0x65e: {  	s31 =	simm.s32 $0x40;
	v5 =	vsel vm15, $0x1, v1  }
0x65f: {  	(xrf0) =	vadd.scan.msk.s32 $0xffff, v5;
	v5 =	vld [tilespmem:s31+$0x8000];
	_ =	sdelay $0x1  }
0x660: {  	s6 =	simm.s32 $0x140;
	s5 =	simm.s32 $0x0  }
.LBB2_187:
0x661: {  	p0 =	sne.s32 s6, $0x7C0  }
.Ltmp139:
0x662: {  	s18 =	sshra.s32 s6, $0x2;
	(pc) =	sbr.rel @p0 .LBB2_187-.Ltmp139, $4  }
0x663: {  	s6 =	sadd.s32 $0x40, s6;
	s19 =	spop (v2sf);
	vm0 =	vge.s32 v5, v4  }
0x664: {  	s5 =	sadd.s32 s5, s19;
	v5 =	vld [tilespmem:s18+$0x8000];
	v7 =	vsel vm0, $0x1, v1  }
0x665: {  	(xrf0) =	vadd.scan.msk.s32 $0xffff, v7;
	v6, _, _ =	vpop (xrf0)  }
0x666: {  	(v2sf) =	vpush v6, $0xF  }
0x667: {  	_ =	sdelay $0x1  }
0x668: {  	vm0 =	vge.s32 v5, v4  }
0x669: {  	v4 =	vsel vm0, $0x1, v1  }
0x66a: {  	(xrf0) =	vadd.scan.msk.s32 $0xffff, v4;
	_ =	sdelay $0x4  }
0x66b: {  	v4, _, _ =	vpop (xrf0)  }
0x66c: {  	(v2sf) =	vpush v4, $0xF;
	v4, _, _ =	vpop (xrf0)  }
0x66d: {  	(v2sf) =	vpush v4, $0xF;
	_ =	sdelay $0xa  }
0x66e: {  	s6 =	spop (v2sf)  }
0x66f: {  	s0 =	sadd.s32 $0x1, s0;
	s5 =	sadd.s32 s5, s6;
	s28 =	spop (v2sf)  }
0x670: {  	p1 =	sne.s32 s0, $0x10;
	s5 =	sadd.s32 s5, s28;
	s29 =	spop (v2sf)  }
.Ltmp140:
0x671: {  	s5 =	sadd.s32 s5, s29;
	s30 =	spop (v2sf);
	(pc) =	sbr.rel @p1 .LBB2_186-.Ltmp140, $4  }
0x672: {  	s5 =	sadd.s32 s5, s30;
	s31 =	spop (v2sf)  }
0x673: {  	s5 =	sadd.s32 s5, s31  }
0x674: {  	p0 =	sgt.s32 s5, $0x3F  }
0x675: {  	s4 =	smov.u32 @p0 s1  }
0x676: {  	s1 =	simm.s32 $0x8000  }
0x677: {  	v5 =	vld [tilespmem:s1+$0x0];
	_ =	sdelay $0x2  }
0x678: {  	s0 =	sxor.u32 $0x80000000, s4  }
0x679: {  	v4 =	vmov s0  }
0x67a: {  	vm0 =	vge.s32 v5, v4  }
0x67b: {  	v5 =	vsel vm0, $0x1, v1  }
0x67c: {  	(xrf0) =	vadd.scan.msk.s32 $0xffff, v5;
	_ =	sdelay $0x2  }
0x67d: {  	s0 =	simm.s32 $0x0  }
0x67e: {  	v5 =	vmov s0  }
0x67f: {  	v5 =	vadd.s32 $0xFFFFFFFF, v5  }
0x680: {  	v5 =	vbroadcast v5, $0x0;
	v6, _, _ =	vpop (xrf0)  }
0x681: {  	(v2sf) =	vpush v6, $0xF  }
0x682: {  	v5 =	vadd.s32 v6, v5;
	_ =	sdelay $0x3  }
0x683: {  	v7 =	vor.u32 s0, v0  }
0x684: {  	s4 =	simm.s32 $0x8010;
	[tilespmem:v5+s14+$0x0] =	vst.idx.msk vm0, v7  }
0x685: {  	s5 =	simm.s32 $0x20;
	s1 =	simm.s32 $0x10;
	v5 =	vld [tilespmem:s4+$0x0]  }
.LBB2_190:
0x686: {  	p0 =	seq.s32 s5, $0x1F0;
	_ =	sdelay $0x3  }
0x687: {  	vm0 =	vge.s32 v5, v4  }
0x688: {  	v5 =	vsel vm0, $0x1, v1  }
0x689: {  	(xrf0) =	vadd.scan.msk.s32 $0xffff, v5  }
0x68a: {  	s6 =	spop (v2sf)  }
0x68b: {  	s0 =	sadd.s32 s0, s6  }
0x68c: {  	v5 =	vmov s0  }
0x68d: {  	v5 =	vadd.s32 $0xFFFFFFFF, v5  }
0x68e: {  	v5 =	vbroadcast v5, $0x0  }
0x68f: {  	v6, _, _ =	vpop (xrf0)  }
0x690: {  	v5 =	vadd.s32 v6, v5;
	(v2sf) =	vpush v6, $0xF;
	_ =	sdelay $0x2  }
.Ltmp141:
0x691: {  	(pc) =	sbr.rel @!p0 .LBB2_190-.Ltmp141, $4  }
0x692: {  	v6 =	vor.u32 s1, v0;
	s1 =	smov.u32 s5  }
0x693: {  	[tilespmem:v5+s14+$0x0] =	vst.idx.msk vm0, v6  }
0x694: {  	s4 =	sadd.s32 $0x10, s4  }
0x695: {  	s5 =	sadd.s32 $0x10, s5;
	v5 =	vld [tilespmem:s4+$0x0]  }
0x696: {  	_ =	sdelay $0x3  }
0x697: {  	vm0 =	vge.s32 v5, v4  }
0x698: {  	v5 =	vsel vm0, $0x1, v1  }
0x699: {  	(xrf0) =	vadd.scan.msk.s32 $0xffff, v5;
	_ =	sdelay $0x5  }
0x69a: {  	v5, _, _ =	vpop (xrf0)  }
0x69b: {  	(v2sf) =	vpush v5, $0xF;
	_ =	sdelay $0xa  }
0x69c: {  	s4 =	spop (v2sf)  }
0x69d: {  	s0 =	sadd.s32 s0, s4  }
0x69e: {  	v6 =	vmov s0  }
0x69f: {  	v6 =	vadd.s32 $0xFFFFFFFF, v6  }
0x6a0: {  	v6 =	vbroadcast v6, $0x0;
	s4 =	spop (v2sf)  }
0x6a1: {  	s31 =	sadd.s32 s0, s4  }
0x6a2: {  	v5 =	vadd.s32 v5, v6;
	p0 =	slt.s32 s31, $0x1  }
.Ltmp142:
0x6a3: {  	_ = 	snop;
	(pc) =	sbr.rel @p0 .LBB2_194-.Ltmp142, $3  }
0x6a4: {  	_ =	sdelay $0x1  }
0x6a5: {  	v6 =	vor.u32 s1, v0  }
0x6a6: {  	s5 =	simm.s32 $0x0;
	s1 =	simm.s32 $0x0;
	[tilespmem:v5+s14+$0x0] =	vst.idx.msk vm0, v6  }
0x6a7: {  	s0 =	sadd.s32 s0, s4;
	s5 =	simm.s32 $0x0;
	s4 =	simm.s32 $0x8200  }
.LBB2_193:
0x6a8: {  	v5 =	vld [tilespmem:s4+$0x0];
	_ =	sdelay $0x4  }
0x6a9: {  	(v2sf) =	vpush v5, $0x0;
	_ =	sdelay $0xe  }
0x6aa: {  	s6 =	spop (v2sf)  }
0x6ab: {  	s18 =	sshll.u32 s6, $0x6  }
0x6ac: {  	s6 =	sand.u32 $0xF, s6;
	s18 =	sand.u32 $0xFFFFFC00, s18  }
0x6ad: {  	s6 =	sor.u32 s6, s18  }
0x6ae: {  	v5 =	vor.u32 s6, v2;
	_ =	sdelay $0x4  }
0x6af: {  	v6 =	vld.idx.msk [tilespmem:v5+s2+$0x0], $0xffff;
	_ =	sdelay $0x4  }
0x6b0: {  	v7 =	vshra.s32 v6, $0x1F  }
0x6b1: {  	v7 =	vand.u32 $0x7FFFFFFF, v7  }
0x6b2: {  	v6 =	vxor.u32 v6, v7  }
0x6b3: {  	vm0 =	vge.s32 v6, v4  }
0x6b4: {  	v7 =	vsel vm0, $0x1, v1  }
0x6b5: {  	(xrf0) =	vadd.scan.msk.s32 $0xffff, v7;
	_ =	sdelay $0x2  }
0x6b6: {  	v7 =	vmov s5  }
0x6b7: {  	v7 =	vadd.s32 $0xFFFFFFFF, v7  }
0x6b8: {  	v7 =	vbroadcast v7, $0x0  }
0x6b9: {  	v8, _, _ =	vpop (xrf0)  }
0x6ba: {  	v7 =	vadd.s32 v8, v7  }
0x6bb: {  	vm1 =	vlt.s32 v7, $0xFFF  }
0x6bc: {  	v7 =	vnsel vm1, $0xFFF, v7  }
0x6bd: {  	s18 =	sor.u32 $0x100, s6  }
0x6be: {  	v9 =	vor.u32 s18, v2  }
0x6bf: {  	(v2sf) =	vpush v8, $0xF;
	_ =	sdelay $0x1  }
0x6c0: {  	[tilespmem:v7+s15+$0x0] =	vst.idx.msk vm0, v6  }
0x6c1: {  	[tilespmem:v7+s16+$0x0] =	vst.idx.msk vm0, v5  }
0x6c2: {  	v5 =	vld.idx.msk [tilespmem:v9+s2+$0x0], $0xffff;
	_ =	sdelay $0x4  }
0x6c3: {  	v6 =	vshra.s32 v5, $0x1F  }
0x6c4: {  	v6 =	vand.u32 $0x7FFFFFFF, v6  }
0x6c5: {  	v5 =	vxor.u32 v5, v6  }
0x6c6: {  	vm10 =	vge.s32 v5, v4  }
0x6c7: {  	v6 =	vsel vm10, $0x1, v1  }
0x6c8: {  	(xrf0) =	vadd.scan.msk.s32 $0xffff, v6  }
0x6c9: {  	s31 =	spop (v2sf)  }
0x6ca: {  	s19 =	sadd.s32 s5, s31  }
0x6cb: {  	v6 =	vmov s19  }
0x6cc: {  	v6 =	vadd.s32 $0xFFFFFFFF, v6  }
0x6cd: {  	v6 =	vbroadcast v6, $0x0  }
0x6ce: {  	v7, _, _ =	vpop (xrf0)  }
0x6cf: {  	v6 =	vadd.s32 v7, v6  }
0x6d0: {  	vm11 =	vlt.s32 v6, $0xFFF  }
0x6d1: {  	v6 =	vnsel vm11, $0xFFF, v6  }
0x6d2: {  	s28 =	sor.u32 $0x200, s6  }
0x6d3: {  	v62 =	vor.u32 s28, v2  }
0x6d4: {  	(v2sf) =	vpush v7, $0xF;
	_ =	sdelay $0x1  }
0x6d5: {  	[tilespmem:v6+s15+$0x0] =	vst.idx.msk vm10, v5  }
0x6d6: {  	[tilespmem:v6+s16+$0x0] =	vst.idx.msk vm10, v9  }
0x6d7: {  	v5 =	vld.idx.msk [tilespmem:v62+s2+$0x0], $0xffff;
	_ =	sdelay $0x4  }
0x6d8: {  	v6 =	vshra.s32 v5, $0x1F  }
0x6d9: {  	v6 =	vand.u32 $0x7FFFFFFF, v6  }
0x6da: {  	v5 =	vxor.u32 v5, v6  }
0x6db: {  	vm12 =	vge.s32 v5, v4  }
0x6dc: {  	v6 =	vsel vm12, $0x1, v1  }
0x6dd: {  	(xrf0) =	vadd.scan.msk.s32 $0xffff, v6  }
0x6de: {  	s29 =	spop (v2sf)  }
0x6df: {  	s5 =	sadd.s32 s29, s19  }
0x6e0: {  	v6 =	vmov s5  }
0x6e1: {  	v6 =	vadd.s32 $0xFFFFFFFF, v6  }
0x6e2: {  	v6 =	vbroadcast v6, $0x0  }
0x6e3: {  	v7, _, _ =	vpop (xrf0)  }
0x6e4: {  	v6 =	vadd.s32 v7, v6  }
0x6e5: {  	vm13 =	vlt.s32 v6, $0xFFF  }
0x6e6: {  	v6 =	vnsel vm13, $0xFFF, v6  }
0x6e7: {  	s6 =	sor.u32 $0x300, s6  }
0x6e8: {  	v63 =	vor.u32 s6, v2;
	_ =	sdelay $0x2  }
0x6e9: {  	[tilespmem:v6+s15+$0x0] =	vst.idx.msk vm12, v5  }
0x6ea: {  	[tilespmem:v6+s16+$0x0] =	vst.idx.msk vm12, v62  }
0x6eb: {  	v5 =	vld.idx.msk [tilespmem:v63+s2+$0x0], $0xffff;
	_ =	sdelay $0x4  }
0x6ec: {  	v6 =	vshra.s32 v5, $0x1F  }
0x6ed: {  	(v2sf) =	vpush v7, $0xF;
	v6 =	vand.u32 $0x7FFFFFFF, v6  }
0x6ee: {  	v5 =	vxor.u32 v5, v6  }
0x6ef: {  	vm14 =	vge.s32 v5, v4  }
0x6f0: {  	v6 =	vsel vm14, $0x1, v1  }
0x6f1: {  	(xrf0) =	vadd.scan.msk.s32 $0xffff, v6;
	_ =	sdelay $0x5  }
0x6f2: {  	v6, _, _ =	vpop (xrf0)  }
0x6f3: {  	(v2sf) =	vpush v6, $0xF;
	_ =	sdelay $0x3  }
0x6f4: {  	s30 =	spop (v2sf)  }
0x6f5: {  	s5 =	sadd.s32 s30, s5  }
0x6f6: {  	v7 =	vmov s5  }
0x6f7: {  	v7 =	vadd.s32 $0xFFFFFFFF, v7  }
0x6f8: {  	v7 =	vbroadcast v7, $0x0;
	_ =	sdelay $0x1  }
0x6f9: {  	v6 =	vadd.s32 v6, v7  }
0x6fa: {  	vm15 =	vlt.s32 v6, $0xFFF  }
0x6fb: {  	v6 =	vnsel vm15, $0xFFF, v6  }
0x6fc: {  	p1 =	sne.s32 s0, $0x1  }
.Ltmp143:
0x6fd: {  	_ = 	snop;
	(pc) =	sbr.rel @p1 .LBB2_193-.Ltmp143, $4  }
0x6fe: {  	s31 =	spop (v2sf)  }
0x6ff: {  	s5 =	sadd.s32 s31, s5  }
0x700: {  	[tilespmem:v6+s15+$0x0] =	vst.idx.msk vm14, v5;
	p0 =	slt.s32 s5, $0xFF0  }
0x701: {  	s4 =	sadd.s32 $0x1, s4;
	s0 =	sadd.s32 $0xFFFFFFFF, s0;
	[tilespmem:v6+s16+$0x0] =	vst.idx.msk vm14, v63;
	s5 =	simm.s32 @!p0 $0xFF0  }
.LBB2_194:
0x702: {  	v4 =	vadd.s32 s5, v0;
	_ =	sdelay $0x2  }
0x703: {  	s0 =	sadd.s32 $0xF, s5  }
0x704: {  	s28 =	sshra.s32 s0, $0x4  }
0x705: {  	s26 =	sxor.u32 $0x80007FFF, s26;
	s0 =	simm.s32 $0x0;
	p0 =	slt.s32 s28, $0x1;
	[tilespmem:v4+s15+$0x0] =	vst.idx.msk $0xffff, v3  }
.LBB2_195:
.Ltmp144:
0x706: {  	(pc) =	sbr.rel @!p0 .LBB2_196-.Ltmp144, $1  }
0x707: {  	_ =	sdelay $0x3  }
0x708: {  	s1 =	sadd.s32 $0x1, s1  }
0x709: {  	p1 =	sne.s32 s1, $0x20  }
.Ltmp145:
0x70a: {  	_ = 	snop;
	(pc) =	sbr.rel @p1 .LBB2_195-.Ltmp145, $4  }
.Ltmp146:
0x70b: {  	_ = 	snop;
	(pc) =	sbr.rel @!p1 .LBB2_212-.Ltmp146, $4  }
0x70c: {  	_ = 	snop  }
0x70d: {  	_ = 	snop  }
0x70e: {  	_ = 	snop  }
0x70f: {  	_ = 	snop  }
.LBB2_196:
0x710: {  	s4 =	simm.s32 $0x8480  }
0x711: {  	p6 =	sne.s32 s28, $0x1;
	v5 =	vld [tilespmem:s4+$0x0]  }
.Ltmp147:
0x712: {  	s31 =	sshrl.u32 s13, s1;
	(pc) =	sbr.rel @!p6 .LBB2_197-.Ltmp147, $4  }
0x713: {  	s29 =	sor.u32 s31, s0  }
0x714: {  	s30 =	simm.s32 $0x0;
	s4 =	sxor.u32 $0x80000000, s29  }
0x715: {  	s18 =	sadd.s32 $0xFFFFFFFF, s28;
	p1 =	por $0x0, $0x0;
	p2 =	por $0x0, $0x0;
	v4 =	vmov s4  }
0x716: {  	p3 =	por $0x0, $0x0;
	p4 =	por $0x0, $0x0;
	s4 =	simm.s32 $0x8490;
	vm0 =	vge.s32 v5, v4  }
0x717: {  	v5 =	vld [tilespmem:s4+$0x0];
	p5 =	sne.s32 s18, $0x1  }
.Ltmp148:
0x718: {  	_ = 	snop;
	(pc) =	sbr.rel @!p5 .LBB2_199-.Ltmp148, $3  }
0x719: {  	_ =	sdelay $0x1  }
0x71a: {  	v6 =	vsel vm0, $0x1, v1  }
0x71b: {  	s4 =	sadd.s32 $0xFFFFFFFF, s18;
	s5 =	simm.s32 $0x84A0;
	p1 =	por $0x1, $0x1;
	(xrf0) =	vadd.scan.msk.s32 $0xffff, v6;
	vm0 =	vge.s32 v5, v4  }
0x71c: {  	_ = 	snop  }
0x71d: {  	v5 =	vld [tilespmem:s5+$0x0];
	p5 =	sne.s32 s4, $0x1  }
.Ltmp149:
0x71e: {  	_ = 	snop;
	(pc) =	sbr.rel @!p5 .LBB2_201-.Ltmp149, $3  }
0x71f: {  	_ =	sdelay $0x1  }
0x720: {  	v6 =	vsel vm0, $0x1, v1;
	v7, _, _ =	vpop (xrf0)  }
0x721: {  	s4 =	sadd.s32 $0xFFFFFFFF, s4;
	s5 =	simm.s32 $0x84B0;
	p2 =	por $0x1, $0x1;
	(xrf0) =	vadd.scan.msk.s32 $0xffff, v6;
	vm0 =	vge.s32 v5, v4;
	(v2sf) =	vpush v7, $0xF  }
0x722: {  	_ =	sdelay $0x4  }
0x723: {  	v7, _, _ =	vpop (xrf0)  }
0x724: {  	(v2sf) =	vpush v7, $0xF;
	_ =	sdelay $0x3  }
0x725: {  	v5 =	vld [tilespmem:s5+$0x0];
	p5 =	sne.s32 s4, $0x1  }
.Ltmp150:
0x726: {  	_ = 	snop;
	(pc) =	sbr.rel @!p5 .LBB2_203-.Ltmp150, $3  }
0x727: {  	_ =	sdelay $0x1  }
0x728: {  	v6 =	vsel vm0, $0x1, v1  }
0x729: {  	s4 =	sadd.s32 $0xFFFFFFFF, s4;
	s5 =	simm.s32 $0x84C0;
	p3 =	por $0x1, $0x1;
	(xrf0) =	vadd.scan.msk.s32 $0xffff, v6;
	vm0 =	vge.s32 v5, v4  }
0x72a: {  	_ =	sdelay $0x4  }
0x72b: {  	v7, _, _ =	vpop (xrf0)  }
0x72c: {  	(v2sf) =	vpush v7, $0xF;
	_ =	sdelay $0x2  }
0x72d: {  	v5 =	vld [tilespmem:s5+$0x0];
	p5 =	sne.s32 s4, $0x1;
	v6 =	vsel vm0, $0x1, v1  }
.Ltmp151:
0x72e: {  	(xrf0) =	vadd.scan.msk.s32 $0xffff, v6;
	(pc) =	sbr.rel @!p5 .LBB2_205-.Ltmp151, $3  }
0x72f: {  	_ =	sdelay $0x1  }
0x730: {  	s6 =	sadd.s32 $0xFFFFFFFF, s4;
	s19 =	simm.s32 $0x84D0  }
0x731: {  	s5 =	spop (v2sf);
	p4 =	por $0x1, $0x1;
	s4 =	simm.s32 $0x0;
	vm0 =	vge.s32 v5, v4  }
.LBB2_206:
0x732: {  	v5 =	vld [tilespmem:s19+$0x0];
	p5 =	sne.s32 s6, $0x1;
	s6 =	sadd.s32 $0xFFFFFFFF, s6;
	v7 =	vsel vm0, $0x1, v1;
	s4 =	sadd.s32 s4, s5  }
.Ltmp152:
0x733: {  	(xrf0) =	vadd.scan.msk.s32 $0xffff, v7;
	v6, _, _ =	vpop (xrf0);
	(pc) =	sbr.rel @p5 .LBB2_206-.Ltmp152, $2  }
0x734: {  	(v2sf) =	vpush v6, $0xF;
	_ =	sdelay $0x3  }
0x735: {  	s19 =	sadd.s32 $0x10, s19;
	vm0 =	vge.s32 v5, v4;
	s5 =	spop (v2sf)  }
0x736: {  	_ = 	snop  }
.LBB2_208:
0x737: {  	v4 =	vsel vm0, $0x1, v1  }
0x738: {  	(xrf0) =	vadd.scan.msk.s32 $0xffff, v4;
	_ =	sdelay $0x2  }
0x739: {  	v4, _, _ =	vpop @p1 (xrf0)  }
0x73a: {  	(v2sf) =	vpush @p1 v4, $0xF;
	_ =	sdelay $0x1  }
0x73b: {  	v4, _, _ =	vpop (xrf0)  }
0x73c: {  	(v2sf) =	vpush v4, $0xF;
	_ =	sdelay $0x7  }
0x73d: {  	s6 =	spop @p3 (v2sf);
	s4 =	sadd.s32 @p4 s4, s5;
	s5 =	simm.s32 $0x0  }
0x73e: {  	s6 =	smov.u32 @p3 s6;
	s5 =	smov.u32 @p4 s4  }
0x73f: {  	s4 =	sadd.s32 @p3 s5, s6;
	s6 =	simm.s32 $0x0;
	s5 =	spop @p2 (v2sf)  }
0x740: {  	s6 =	smov.u32 @p3 s4;
	s5 =	smov.u32 @p2 s5  }
0x741: {  	s4 =	sadd.s32 @p2 s6, s5;
	s6 =	simm.s32 $0x0;
	s5 =	spop @p1 (v2sf)  }
0x742: {  	s6 =	smov.u32 @p2 s4;
	p2 =	seq.s32 s1, $0x1F;
	s5 =	smov.u32 @p1 s5  }
.Ltmp153:
0x743: {  	s4 =	sadd.s32 @p1 s6, s5;
	(pc) =	sbr.rel @!p2 .LBB2_195-.Ltmp153, $4  }
.Ltmp154:
0x744: {  	s30 =	smov.u32 @p1 s4;
	s31 =	spop (v2sf);
	(pc) =	sbr.rel @p2 .LBB2_209-.Ltmp154, $4  }
0x745: {  	s4 =	sadd.s32 s30, s31  }
0x746: {  	p1 =	sgt.s32 s4, $0x3F  }
0x747: {  	s1 =	sadd.s32 $0x1, s1;
	s0 =	smov.u32 @p1 s29  }
0x748: {  	_ = 	snop  }
.LBB2_197:
.Ltmp155:
0x749: {  	(pc) =	sbr.rel .LBB2_208-.Ltmp155, $2  }
0x74a: {  	_ =	sdelay $0x2  }
0x74b: {  	s4 =	simm.s32 $0x0  }
.LBB2_199:
.Ltmp156:
0x74c: {  	(pc) =	sbr.rel .LBB2_208-.Ltmp156, $2  }
0x74d: {  	_ =	sdelay $0x2  }
0x74e: {  	s4 =	simm.s32 $0x0  }
.LBB2_201:
.Ltmp157:
0x74f: {  	(pc) =	sbr.rel .LBB2_208-.Ltmp157, $2  }
0x750: {  	_ =	sdelay $0x2  }
0x751: {  	s4 =	simm.s32 $0x0  }
.LBB2_203:
.Ltmp158:
0x752: {  	(pc) =	sbr.rel .LBB2_208-.Ltmp158, $2  }
0x753: {  	_ =	sdelay $0x2  }
0x754: {  	s4 =	simm.s32 $0x0  }
.LBB2_205:
.Ltmp159:
0x755: {  	(pc) =	sbr.rel .LBB2_208-.Ltmp159, $2  }
0x756: {  	_ =	sdelay $0x2  }
0x757: {  	s4 =	simm.s32 $0x0  }
.LBB2_212:
0x758: {  	s29 =	sxor.u32 $0x80000000, s0;
	s0 =	simm.s32 $0x40  }
.LBB2_225:
.Ltmp160:
0x759: {  	(pc) =	sbr.rel .LBB2_226-.Ltmp160, $2  }
0x75a: {  	_ =	sdelay $0x2  }
0x75b: {  	s30 =	simm.s32 $0x0;
	s18 =	simm.s32 $0x80000000  }
.LBB2_209:
.Ltmp161:
0x75c: {  	(pc) =	sbr.rel @!p6 .LBB2_210-.Ltmp161, $4  }
0x75d: {  	s29 =	sxor.u32 $0x80000000, s0  }
0x75e: {  	s30 =	simm.s32 $0x0;
	s1 =	simm.s32 $0x8480;
	s0 =	simm.s32 $0x9480  }
0x75f: {  	s31 =	simm.s32 $0xA480;
	p1 =	por $0x0, $0x0;
	p2 =	por $0x0, $0x0  }
0x760: {  	p3 =	por $0x0, $0x0;
	p4 =	por $0x0, $0x0;
	p5 =	por $0x0, $0x0;
	v4 =	vmov s29  }
0x761: {  	p6 =	sne.s32 s18, $0x1  }
.Ltmp162:
0x762: {  	_ = 	snop;
	(pc) =	sbr.rel @!p6 .LBB2_214-.Ltmp162, $2  }
0x763: {  	_ =	sdelay $0x2  }
0x764: {  	s4 =	sadd.s32 $0xFFFFFFFF, s18;
	p1 =	por $0x1, $0x1  }
0x765: {  	p6 =	sne.s32 s4, $0x1  }
.Ltmp163:
0x766: {  	_ = 	snop;
	(pc) =	sbr.rel @!p6 .LBB2_216-.Ltmp163, $2  }
0x767: {  	_ =	sdelay $0x2  }
0x768: {  	s4 =	sadd.s32 $0xFFFFFFFF, s4;
	p2 =	por $0x1, $0x1  }
0x769: {  	v5 =	vld [tilespmem:s1+$0x0];
	p6 =	sne.s32 s4, $0x1  }
.Ltmp164:
0x76a: {  	_ = 	snop;
	(pc) =	sbr.rel @!p6 .LBB2_218-.Ltmp164, $2  }
0x76b: {  	_ =	sdelay $0x2  }
0x76c: {  	v6 =	vld [tilespmem:s0+$0x0];
	s4 =	sadd.s32 $0xFFFFFFFF, s4;
	p3 =	por $0x1, $0x1;
	s8 =	smov.u32 s7;
	vm0 =	vgt.s32 v5, v4  }
0x76d: {  	v7 =	vsel vm0, $0x1, v1  }
0x76e: {  	(xrf0) =	vadd.scan.msk.s32 $0xffff, v7;
	_ =	sdelay $0x5  }
0x76f: {  	v9, _, _ =	vpop (xrf0)  }
0x770: {  	(v2sf) =	vpush v9, $0xF  }
0x771: {  	vm1 =	veq.s32 v5, v4;
	v8 =	vsub.s32 $0x7FFF, v6  }
0x772: {  	v8 =	vnsel vm1, $0x80000000, v8  }
0x773: {  	s19 =	simm.s32 $0x8490;
	[tilespmem:s31+$0x0] =	vst v8  }
0x774: {  	p6 =	sne.s32 s4, $0x1;
	v7 =	vld [tilespmem:s19+$0x0]  }
.Ltmp165:
0x775: {  	_ = 	snop;
	(pc) =	sbr.rel @!p6 .LBB2_220-.Ltmp165, $3  }
0x776: {  	_ =	sdelay $0x1  }
0x777: {  	s5 =	simm.s32 $0x9490  }
0x778: {  	s6 =	sadd.s32 $0xFFFFFFFF, s4;
	p4 =	por $0x1, $0x1;
	v8 =	vld [tilespmem:s5+$0x0];
	vm1 =	vgt.s32 v7, v4  }
0x779: {  	v9 =	vsel vm1, $0x1, v1  }
0x77a: {  	(xrf0) =	vadd.scan.msk.s32 $0xffff, v9;
	_ =	sdelay $0x4  }
0x77b: {  	vm2 =	veq.s32 v7, v4;
	v10 =	vsub.s32 $0x7FFF, v8  }
0x77c: {  	s4 =	simm.s32 $0xA490;
	v10 =	vnsel vm2, $0x80000000, v10;
	v11, _, _ =	vpop (xrf0)  }
0x77d: {  	s19 =	simm.s32 $0x84A0;
	[tilespmem:s4+$0x0] =	vst v10;
	(v2sf) =	vpush v11, $0xF  }
0x77e: {  	p6 =	sne.s32 s6, $0x1;
	s5 =	simm.s32 $0x94A0;
	v9 =	vld [tilespmem:s19+$0x0]  }
.Ltmp166:
0x77f: {  	v10 =	vld [tilespmem:s5+$0x0];
	(pc) =	sbr.rel @!p6 .LBB2_222-.Ltmp166, $2  }
0x780: {  	_ =	sdelay $0x2  }
0x781: {  	s6 =	sadd.s32 $0xFFFFFFFF, s6;
	p5 =	por $0x1, $0x1;
	s18 =	simm.s32 $0x0;
	vm2 =	vgt.s32 v9, v4  }
.LBB2_223:
0x782: {  	p6 =	sne.s32 s6, $0x1;
	v11 =	vsel vm2, $0x1, v1;
	vm2 =	veq.s32 v9, v4;
	v9 =	vsub.s32 $0x7FFF, v10  }
0x783: {  	s4 =	sadd.s32 $0x10, s4;
	v9 =	vnsel vm2, $0x80000000, v9;
	(xrf0) =	vadd.scan.msk.s32 $0xffff, v11  }
0x784: {  	s19 =	sadd.s32 $0x10, s19;
	[tilespmem:s4+$0x0] =	vst v9  }
0x785: {  	s5 =	sadd.s32 $0x10, s5;
	v9 =	vld [tilespmem:s19+$0x0]  }
.Ltmp167:
0x786: {  	v10 =	vld [tilespmem:s5+$0x0];
	(pc) =	sbr.rel @p6 .LBB2_223-.Ltmp167, $4  }
0x787: {  	s7 =	spop (v2sf)  }
0x788: {  	s18 =	sadd.s32 s18, s7  }
0x789: {  	v11, _, _ =	vpop (xrf0)  }
0x78a: {  	s6 =	sadd.s32 $0xFFFFFFFF, s6;
	vm2 =	vgt.s32 v9, v4;
	(v2sf) =	vpush v11, $0xF  }
.LBB2_224:
0x78b: {  	vm3 =	veq.s32 @p3 v9, v4;
	v9 =	vsub.s32 @p3 $0x7FFF, v10;
	s4 =	sadd.s32 @p4 $0x10, s4;
	s6 =	simm.s32 $0xA480  }
0x78c: {  	s7 =	simm.s32 $0x8480;
	v9 =	vnsel @p3 vm3, $0x80000000, v9;
	s6 =	smov.u32 @p4 s4;
	s4 =	sadd.s32 @p3 $0x10, s19  }
0x78d: {  	[tilespmem:s6+$0x0] =	vst @p3 v9;
	s7 =	smov.u32 @p3 s4;
	s4 =	sadd.s32 @p3 $0x10, s5;
	s5 =	simm.s32 $0x9480  }
0x78e: {  	v9 =	vld @p2 [tilespmem:s7+$0x0];
	s5 =	smov.u32 @p3 s4  }
0x78f: {  	v10 =	vld @p2 [tilespmem:s5+$0x0];
	_ =	sdelay $0x4  }
0x790: {  	v7 =	vpsel p2, v9, v7;
	v8 =	vpsel p2, v10, v8  }
0x791: {  	s4 =	sadd.s32 @p3 $0x10, s6;
	s6 =	simm.s32 $0xA480;
	vm3 =	veq.s32 @p2 v7, v4;
	v7 =	vsub.s32 @p2 $0x7FFF, v8  }
0x792: {  	s6 =	smov.u32 @p3 s4;
	s4 =	sadd.s32 @p2 $0x10, s7;
	s7 =	simm.s32 $0x8480;
	v7 =	vnsel @p2 vm3, $0x80000000, v7  }
0x793: {  	s7 =	smov.u32 @p2 s4;
	s4 =	sadd.s32 @p2 $0x10, s5;
	s5 =	simm.s32 $0x9480;
	[tilespmem:s6+$0x0] =	vst @p2 v7  }
0x794: {  	s5 =	smov.u32 @p2 s4;
	v7 =	vld @p1 [tilespmem:s7+$0x0]  }
0x795: {  	v8 =	vld @p1 [tilespmem:s5+$0x0];
	_ =	sdelay $0x4  }
0x796: {  	v5 =	vpsel p1, v7, v5;
	v6 =	vpsel p1, v8, v6  }
0x797: {  	s4 =	sadd.s32 @p2 $0x10, s6;
	s6 =	simm.s32 $0xA480;
	vm3 =	veq.s32 @p1 v5, v4;
	v5 =	vsub.s32 @p1 $0x7FFF, v6  }
0x798: {  	s6 =	smov.u32 @p2 s4;
	s4 =	sadd.s32 @p1 $0x10, s7;
	v6 =	vsel @p3 vm2, $0x1, v1;
	v5 =	vnsel @p1 vm3, $0x80000000, v5  }
0x799: {  	s1 =	smov.u32 @p1 s4;
	(xrf0) =	vadd.scan.msk.s32 @p3 $0xffff, v6;
	[tilespmem:s6+$0x0] =	vst @p1 v5  }
0x79a: {  	vm2 =	vgt.s32 @p2 v9, v4;
	v5 =	vld [tilespmem:s1+$0x0]  }
0x79b: {  	vm1 =	vmmov @p2 vm2  }
0x79c: {  	v6 =	vsel @p2 vm1, $0x1, v1;
	vm1 =	vgt.s32 @p1 v7, v4  }
0x79d: {  	(xrf0) =	vadd.scan.msk.s32 @p2 $0xffff, v6;
	vm0 =	vmmov @p1 vm1  }
0x79e: {  	v6 =	vsel @p1 vm0, $0x1, v1  }
0x79f: {  	v7, _, _ =	vpop @p3 (xrf0);
	(xrf0) =	vadd.scan.msk.s32 @p1 $0xffff, v6;
	vm14 =	vgt.s32 v5, v4  }
0x7a0: {  	v61 =	vsel vm14, $0x1, v1  }
0x7a1: {  	(xrf0) =	vadd.scan.msk.s32 $0xffff, v61  }
0x7a2: {  	(v2sf) =	vpush @p3 v7, $0xF  }
0x7a3: {  	v6, _, _ =	vpop @p2 (xrf0)  }
0x7a4: {  	(v2sf) =	vpush @p2 v6, $0xF  }
0x7a5: {  	v6, _, _ =	vpop @p1 (xrf0)  }
0x7a6: {  	(v2sf) =	vpush @p1 v6, $0xF  }
0x7a7: {  	v62, _, _ =	vpop (xrf0)  }
0x7a8: {  	(v2sf) =	vpush v62, $0xF;
	_ =	sdelay $0x4  }
0x7a9: {  	s1 =	spop @p5 (v2sf)  }
0x7aa: {  	s7 =	simm.s32 $0x0;
	s1 =	sadd.s32 @p5 s18, s1  }
0x7ab: {  	s4 =	spop @p4 (v2sf);
	s7 =	smov.u32 @p5 s1  }
0x7ac: {  	s5 =	sadd.s32 @p1 $0x10, s5;
	s1 =	sadd.s32 @p4 s7, s4;
	s4 =	simm.s32 $0x0  }
0x7ad: {  	s0 =	smov.u32 @p1 s5;
	s4 =	smov.u32 @p4 s1;
	s18 =	spop @p3 (v2sf)  }
0x7ae: {  	v63 =	vld [tilespmem:s0+$0x0];
	s1 =	simm.s32 $0x0;
	s0 =	sadd.s32 @p3 s4, s18  }
0x7af: {  	s4 =	spop @p2 (v2sf);
	s1 =	smov.u32 @p3 s0  }
0x7b0: {  	s0 =	sadd.s32 @p2 s1, s4;
	s1 =	simm.s32 $0x0  }
.Ltmp168:
0x7b1: {  	s1 =	smov.u32 @p2 s0;
	s0 =	spop @p1 (v2sf);
	(pc) =	sbr.rel .LBB2_225-.Ltmp168, $4  }
0x7b2: {  	s0 =	sadd.s32 @p1 s1, s0  }
0x7b3: {  	vm15 =	veq.s32 v5, v4;
	v4 =	vsub.s32 $0x7FFF, v63;
	s1 =	sadd.s32 @p1 $0x10, s6;
	s30 =	smov.u32 @p1 s0;
	s19 =	spop (v2sf)  }
0x7b4: {  	v4 =	vnsel vm15, $0x80000000, v4;
	s31 =	smov.u32 @p1 s1;
	s0 =	sadd.s32 s30, s19  }
0x7b5: {  	s7 =	smov.u32 s8;
	s8 =	stileid.u32;
	[tilespmem:s31+$0x0] =	vst v4;
	s0 =	ssub.s32 $0x40, s0  }
.LBB2_228:
0x7b6: {  	s4 =	simm.s32 $0x0  }
.LBB2_239:
0x7b7: {  	v4 =	vsel vm0, $0x1, v1  }
0x7b8: {  	(xrf0) =	vadd.scan.msk.s32 $0xffff, v4;
	_ =	sdelay $0x2  }
0x7b9: {  	v4, _, _ =	vpop @p1 (xrf0)  }
0x7ba: {  	(v2sf) =	vpush @p1 v4, $0xF;
	_ =	sdelay $0x1  }
0x7bb: {  	v4, _, _ =	vpop (xrf0)  }
0x7bc: {  	(v2sf) =	vpush v4, $0xF;
	_ =	sdelay $0x7  }
0x7bd: {  	s6 =	spop @p3 (v2sf);
	s4 =	sadd.s32 @p4 s4, s5;
	s5 =	simm.s32 $0x0  }
0x7be: {  	s6 =	smov.u32 @p3 s6;
	s5 =	smov.u32 @p4 s4  }
0x7bf: {  	s4 =	sadd.s32 @p3 s5, s6;
	s6 =	simm.s32 $0x0;
	s5 =	spop @p2 (v2sf)  }
0x7c0: {  	s6 =	smov.u32 @p3 s4;
	s5 =	smov.u32 @p2 s5  }
0x7c1: {  	s4 =	sadd.s32 @p2 s6, s5;
	s6 =	simm.s32 $0x0;
	s5 =	spop @p1 (v2sf)  }
0x7c2: {  	s6 =	smov.u32 @p2 s4;
	s5 =	smov.u32 @p1 s5  }
0x7c3: {  	s4 =	sadd.s32 @p1 s6, s5  }
0x7c4: {  	s31 =	smov.u32 @p1 s4;
	s19 =	spop (v2sf)  }
0x7c5: {  	s4 =	sadd.s32 s31, s19  }
.LBB2_240:
0x7c6: {  	p1 =	slt.s32 s4, s0;
	s30 =	sadd.s32 $0x1, s30  }
0x7c7: {  	s1 =	smov.u32 @p1 s18;
	p1 =	sne.s32 s30, $0xF  }
.Ltmp169:
0x7c8: {  	_ = 	snop;
	(pc) =	sbr.rel @!p1 .LBB2_241-.Ltmp169, $2  }
0x7c9: {  	_ =	sdelay $0x2  }
0x7ca: {  	s18 =	smov.u32 s1  }
.LBB2_226:
.Ltmp170:
0x7cb: {  	(pc) =	sbr.rel @p0 .LBB2_240-.Ltmp170, $3  }
0x7cc: {  	_ =	sdelay $0x1  }
0x7cd: {  	s1 =	sshrl.u32 s17, s30  }
0x7ce: {  	s4 =	simm.s32 $0x0;
	s1 =	sor.u32 s1, s18  }
0x7cf: {  	s4 =	simm.s32 $0xA480  }
0x7d0: {  	p5 =	sne.s32 s28, $0x1;
	v5 =	vld [tilespmem:s4+$0x0]  }
.Ltmp171:
0x7d1: {  	_ = 	snop;
	(pc) =	sbr.rel @!p5 .LBB2_228-.Ltmp171, $4  }
0x7d2: {  	_ = 	snop  }
0x7d3: {  	s19 =	sxor.u32 $0x80000000, s1;
	s31 =	simm.s32 $0x0  }
0x7d4: {  	s5 =	simm.s32 $0xA490;
	p1 =	por $0x0, $0x0;
	p2 =	por $0x0, $0x0;
	v4 =	vmov s19  }
0x7d5: {  	p3 =	por $0x0, $0x0;
	p4 =	por $0x0, $0x0;
	s4 =	sadd.s32 $0xFFFFFFFF, s28;
	vm0 =	vge.s32 v5, v4  }
0x7d6: {  	v5 =	vld [tilespmem:s5+$0x0];
	p5 =	sne.s32 s4, $0x1  }
.Ltmp172:
0x7d7: {  	_ = 	snop;
	(pc) =	sbr.rel @!p5 .LBB2_230-.Ltmp172, $4  }
0x7d8: {  	_ = 	snop  }
0x7d9: {  	v6 =	vsel vm0, $0x1, v1  }
0x7da: {  	(xrf0) =	vadd.scan.msk.s32 $0xffff, v6  }
0x7db: {  	s4 =	sadd.s32 $0xFFFFFFFF, s4;
	s5 =	simm.s32 $0xA4A0;
	p1 =	por $0x1, $0x1;
	vm0 =	vge.s32 v5, v4  }
0x7dc: {  	v5 =	vld [tilespmem:s5+$0x0];
	p5 =	sne.s32 s4, $0x1  }
.Ltmp173:
0x7dd: {  	_ = 	snop;
	(pc) =	sbr.rel @!p5 .LBB2_232-.Ltmp173, $4  }
0x7de: {  	_ = 	snop  }
0x7df: {  	v6 =	vsel vm0, $0x1, v1  }
0x7e0: {  	v7, _, _ =	vpop (xrf0);
	(xrf0) =	vadd.scan.msk.s32 $0xffff, v6  }
0x7e1: {  	s4 =	sadd.s32 $0xFFFFFFFF, s4;
	s5 =	simm.s32 $0xA4B0;
	p2 =	por $0x1, $0x1;
	(v2sf) =	vpush v7, $0xF;
	vm0 =	vge.s32 v5, v4  }
0x7e2: {  	_ =	sdelay $0x3  }
0x7e3: {  	v7, _, _ =	vpop (xrf0)  }
0x7e4: {  	(v2sf) =	vpush v7, $0xF;
	_ =	sdelay $0x3  }
0x7e5: {  	v5 =	vld [tilespmem:s5+$0x0];
	p5 =	sne.s32 s4, $0x1  }
.Ltmp174:
0x7e6: {  	_ = 	snop;
	(pc) =	sbr.rel @!p5 .LBB2_234-.Ltmp174, $4  }
0x7e7: {  	_ = 	snop  }
0x7e8: {  	v6 =	vsel vm0, $0x1, v1  }
0x7e9: {  	(xrf0) =	vadd.scan.msk.s32 $0xffff, v6  }
0x7ea: {  	s4 =	sadd.s32 $0xFFFFFFFF, s4;
	s5 =	simm.s32 $0xA4C0;
	p3 =	por $0x1, $0x1;
	vm0 =	vge.s32 v5, v4  }
0x7eb: {  	_ =	sdelay $0x3  }
0x7ec: {  	v7, _, _ =	vpop (xrf0)  }
0x7ed: {  	(v2sf) =	vpush v7, $0xF;
	_ =	sdelay $0x2  }
0x7ee: {  	v5 =	vld [tilespmem:s5+$0x0];
	p5 =	sne.s32 s4, $0x1;
	v6 =	vsel vm0, $0x1, v1  }
.Ltmp175:
0x7ef: {  	(xrf0) =	vadd.scan.msk.s32 $0xffff, v6;
	(pc) =	sbr.rel @!p5 .LBB2_236-.Ltmp175, $3  }
0x7f0: {  	_ =	sdelay $0x1  }
0x7f1: {  	s6 =	sadd.s32 $0xFFFFFFFF, s4;
	s19 =	simm.s32 $0xA4D0  }
0x7f2: {  	s5 =	spop (v2sf);
	p4 =	por $0x1, $0x1;
	s4 =	simm.s32 $0x0;
	vm0 =	vge.s32 v5, v4  }
.LBB2_237:
0x7f3: {  	v5 =	vld [tilespmem:s19+$0x0];
	p5 =	sne.s32 s6, $0x1;
	s6 =	sadd.s32 $0xFFFFFFFF, s6;
	v7 =	vsel vm0, $0x1, v1;
	s4 =	sadd.s32 s4, s5  }
.Ltmp176:
0x7f4: {  	(xrf0) =	vadd.scan.msk.s32 $0xffff, v7;
	v6, _, _ =	vpop (xrf0);
	(pc) =	sbr.rel @p5 .LBB2_237-.Ltmp176, $2  }
0x7f5: {  	(v2sf) =	vpush v6, $0xF;
	_ =	sdelay $0x3  }
0x7f6: {  	s19 =	sadd.s32 $0x10, s19;
	vm0 =	vge.s32 v5, v4;
	s5 =	spop (v2sf)  }
.Ltmp177:
0x7f7: {  	(pc) =	sbr.rel .LBB2_239-.Ltmp177, $1  }
0x7f8: {  	_ =	sdelay $0x3  }
.LBB2_230:
.Ltmp178:
0x7f9: {  	(pc) =	sbr.rel .LBB2_239-.Ltmp178, $2  }
0x7fa: {  	_ =	sdelay $0x2  }
0x7fb: {  	s4 =	simm.s32 $0x0  }
.LBB2_232:
.Ltmp179:
0x7fc: {  	(pc) =	sbr.rel .LBB2_239-.Ltmp179, $2  }
0x7fd: {  	_ =	sdelay $0x2  }
0x7fe: {  	s4 =	simm.s32 $0x0  }
.LBB2_234:
.Ltmp180:
0x7ff: {  	(pc) =	sbr.rel .LBB2_239-.Ltmp180, $2  }
0x800: {  	_ =	sdelay $0x2  }
0x801: {  	s4 =	simm.s32 $0x0  }
.LBB2_236:
.Ltmp181:
0x802: {  	(pc) =	sbr.rel .LBB2_239-.Ltmp181, $2  }
0x803: {  	_ =	sdelay $0x2  }
0x804: {  	s4 =	simm.s32 $0x0  }
.LBB2_30:
.Ltmp182:
0x805: {  	(pc) =	sbr.rel .LBB2_44-.Ltmp182, $3  }
0x806: {  	_ =	sdelay $0x1  }
0x807: {  	s19 =	simm.s32 $0xA480  }
0x808: {  	s18 =	simm.s32 $0x8480;
	s4 =	simm.s32 $0x9480;
	s1 =	simm.s32 $0x0  }
.LBB2_90:
.Ltmp183:
0x809: {  	(pc) =	sbr.rel .LBB2_104-.Ltmp183, $3  }
0x80a: {  	_ =	sdelay $0x1  }
0x80b: {  	s19 =	simm.s32 $0xA480  }
0x80c: {  	s18 =	simm.s32 $0x8480;
	s4 =	simm.s32 $0x9480;
	s1 =	simm.s32 $0x0  }
.LBB2_150:
.Ltmp184:
0x80d: {  	(pc) =	sbr.rel .LBB2_164-.Ltmp184, $3  }
0x80e: {  	_ =	sdelay $0x1  }
0x80f: {  	s19 =	simm.s32 $0xA480  }
0x810: {  	s18 =	simm.s32 $0x8480;
	s4 =	simm.s32 $0x9480;
	s1 =	simm.s32 $0x0  }
.LBB2_210:
.Ltmp185:
0x811: {  	(pc) =	sbr.rel .LBB2_224-.Ltmp185, $3  }
0x812: {  	_ =	sdelay $0x1  }
0x813: {  	s8 =	smov.u32 s7;
	s4 =	simm.s32 $0xA480  }
0x814: {  	s19 =	simm.s32 $0x8480;
	s5 =	simm.s32 $0x9480;
	s18 =	simm.s32 $0x0  }
.LBB2_34:
.Ltmp186:
0x815: {  	(pc) =	sbr.rel .LBB2_44-.Ltmp186, $3  }
0x816: {  	_ =	sdelay $0x1  }
0x817: {  	s19 =	simm.s32 $0xA480  }
0x818: {  	s18 =	simm.s32 $0x8480;
	s4 =	simm.s32 $0x9480;
	s1 =	simm.s32 $0x0  }
.LBB2_94:
.Ltmp187:
0x819: {  	(pc) =	sbr.rel .LBB2_104-.Ltmp187, $3  }
0x81a: {  	_ =	sdelay $0x1  }
0x81b: {  	s19 =	simm.s32 $0xA480  }
0x81c: {  	s18 =	simm.s32 $0x8480;
	s4 =	simm.s32 $0x9480;
	s1 =	simm.s32 $0x0  }
.LBB2_154:
.Ltmp188:
0x81d: {  	(pc) =	sbr.rel .LBB2_164-.Ltmp188, $3  }
0x81e: {  	_ =	sdelay $0x1  }
0x81f: {  	s19 =	simm.s32 $0xA480  }
0x820: {  	s18 =	simm.s32 $0x8480;
	s4 =	simm.s32 $0x9480;
	s1 =	simm.s32 $0x0  }
.LBB2_214:
.Ltmp189:
0x821: {  	(pc) =	sbr.rel .LBB2_224-.Ltmp189, $3  }
0x822: {  	_ =	sdelay $0x1  }
0x823: {  	s8 =	smov.u32 s7;
	s4 =	simm.s32 $0xA480  }
0x824: {  	s19 =	simm.s32 $0x8480;
	s5 =	simm.s32 $0x9480;
	s18 =	simm.s32 $0x0  }
.LBB2_36:
.Ltmp190:
0x825: {  	(pc) =	sbr.rel .LBB2_44-.Ltmp190, $3  }
0x826: {  	_ =	sdelay $0x1  }
0x827: {  	s19 =	simm.s32 $0xA480  }
0x828: {  	s18 =	simm.s32 $0x8480;
	s4 =	simm.s32 $0x9480;
	s1 =	simm.s32 $0x0  }
.LBB2_96:
.Ltmp191:
0x829: {  	(pc) =	sbr.rel .LBB2_104-.Ltmp191, $3  }
0x82a: {  	_ =	sdelay $0x1  }
0x82b: {  	s19 =	simm.s32 $0xA480  }
0x82c: {  	s18 =	simm.s32 $0x8480;
	s4 =	simm.s32 $0x9480;
	s1 =	simm.s32 $0x0  }
.LBB2_156:
.Ltmp192:
0x82d: {  	(pc) =	sbr.rel .LBB2_164-.Ltmp192, $3  }
0x82e: {  	_ =	sdelay $0x1  }
0x82f: {  	s19 =	simm.s32 $0xA480  }
0x830: {  	s18 =	simm.s32 $0x8480;
	s4 =	simm.s32 $0x9480;
	s1 =	simm.s32 $0x0  }
.LBB2_216:
.Ltmp193:
0x831: {  	(pc) =	sbr.rel .LBB2_224-.Ltmp193, $3  }
0x832: {  	_ =	sdelay $0x1  }
0x833: {  	s8 =	smov.u32 s7;
	s4 =	simm.s32 $0xA480  }
0x834: {  	s19 =	simm.s32 $0x8480;
	s5 =	simm.s32 $0x9480;
	s18 =	simm.s32 $0x0  }
.LBB2_38:
.Ltmp194:
0x835: {  	_ = 	snop;
	(pc) =	sbr.rel .LBB2_44-.Ltmp194, $3  }
0x836: {  	_ =	sdelay $0x1  }
0x837: {  	s19 =	simm.s32 $0xA480  }
0x838: {  	vm2 =	vmmov vm0;
	v9 =	vmov v5;
	s18 =	simm.s32 $0x8480;
	s4 =	simm.s32 $0x9480;
	s1 =	simm.s32 $0x0;
	v10 =	vmov v6  }
.LBB2_98:
.Ltmp195:
0x839: {  	_ = 	snop;
	(pc) =	sbr.rel .LBB2_104-.Ltmp195, $3  }
0x83a: {  	_ =	sdelay $0x1  }
0x83b: {  	s19 =	simm.s32 $0xA480  }
0x83c: {  	vm2 =	vmmov vm0;
	v9 =	vmov v5;
	s18 =	simm.s32 $0x8480;
	s4 =	simm.s32 $0x9480;
	s1 =	simm.s32 $0x0;
	v10 =	vmov v6  }
.LBB2_158:
.Ltmp196:
0x83d: {  	_ = 	snop;
	(pc) =	sbr.rel .LBB2_164-.Ltmp196, $3  }
0x83e: {  	_ =	sdelay $0x1  }
0x83f: {  	s19 =	simm.s32 $0xA480  }
0x840: {  	vm2 =	vmmov vm0;
	v9 =	vmov v5;
	s18 =	simm.s32 $0x8480;
	s4 =	simm.s32 $0x9480;
	s1 =	simm.s32 $0x0;
	v10 =	vmov v6  }
.LBB2_218:
.Ltmp197:
0x841: {  	_ = 	snop;
	(pc) =	sbr.rel .LBB2_224-.Ltmp197, $3  }
0x842: {  	_ =	sdelay $0x1  }
0x843: {  	s4 =	simm.s32 $0xA480  }
0x844: {  	vm2 =	vmmov vm0;
	v9 =	vmov v5;
	s19 =	simm.s32 $0x8480;
	s5 =	simm.s32 $0x9480;
	s18 =	simm.s32 $0x0;
	v10 =	vmov v6  }
.LBB2_40:
.Ltmp198:
0x845: {  	_ = 	snop;
	(pc) =	sbr.rel .LBB2_44-.Ltmp198, $2  }
0x846: {  	_ =	sdelay $0x2  }
0x847: {  	vm2 =	vmmov vm1;
	v9 =	vmov v7;
	s19 =	simm.s32 $0xA480;
	s1 =	simm.s32 $0x0;
	v10 =	vmov v8  }
.LBB2_100:
.Ltmp199:
0x848: {  	_ = 	snop;
	(pc) =	sbr.rel .LBB2_104-.Ltmp199, $2  }
0x849: {  	_ =	sdelay $0x2  }
0x84a: {  	vm2 =	vmmov vm1;
	v9 =	vmov v7;
	s19 =	simm.s32 $0xA480;
	s1 =	simm.s32 $0x0;
	v10 =	vmov v8  }
.LBB2_160:
.Ltmp200:
0x84b: {  	_ = 	snop;
	(pc) =	sbr.rel .LBB2_164-.Ltmp200, $2  }
0x84c: {  	_ =	sdelay $0x2  }
0x84d: {  	vm2 =	vmmov vm1;
	v9 =	vmov v7;
	s19 =	simm.s32 $0xA480;
	s1 =	simm.s32 $0x0;
	v10 =	vmov v8  }
.LBB2_220:
.Ltmp201:
0x84e: {  	_ = 	snop;
	(pc) =	sbr.rel .LBB2_224-.Ltmp201, $2  }
0x84f: {  	_ =	sdelay $0x2  }
0x850: {  	vm2 =	vmmov vm1;
	v9 =	vmov v7;
	s4 =	simm.s32 $0xA480;
	s18 =	simm.s32 $0x0;
	v10 =	vmov v8  }
.LBB2_42:
.Ltmp202:
0x851: {  	(pc) =	sbr.rel .LBB2_44-.Ltmp202, $2  }
0x852: {  	_ =	sdelay $0x2  }
0x853: {  	s1 =	simm.s32 $0x0  }
.LBB2_102:
.Ltmp203:
0x854: {  	(pc) =	sbr.rel .LBB2_104-.Ltmp203, $2  }
0x855: {  	_ =	sdelay $0x2  }
0x856: {  	s1 =	simm.s32 $0x0  }
.LBB2_162:
.Ltmp204:
0x857: {  	(pc) =	sbr.rel .LBB2_164-.Ltmp204, $2  }
0x858: {  	_ =	sdelay $0x2  }
0x859: {  	s1 =	simm.s32 $0x0  }
.LBB2_222:
.Ltmp205:
0x85a: {  	(pc) =	sbr.rel .LBB2_224-.Ltmp205, $2  }
0x85b: {  	_ =	sdelay $0x2  }
0x85c: {  	s18 =	simm.s32 $0x0  }
.LBB2_242:
0x85d: {  	_ =	sfence.sel $0x180000  }
0x85e: {  	[bflag:$0x0] =	sbarrier.arrive $0xFFFF  }
0x85f: {  	p0 =	sne.s32 s8, $0x0;
	_ =	strace $0x90000047  }
0x860: {  	s0 =	sadd.s32 @!p0 $0x100000, s7;
	[bflag:$0x2] =	sbarrier.arrive $0xFFFF  }
0x861: {  	[sflag:s0] =	ssyncadd.tile.s32 @!p0 $0x1;
	_ =	shalt  }
.Lfunc_end2:
_tile_overlayer_lowered:
.L_overlay_start_2:
0x862: {  	(tag) =	ssettag $0x2  }
0x863: {  	s0 =	rddreg [dreg:$0x0];
	s2 =	stileid.u32  }
0x864: {  	s1 =	rddreg [dreg:$0x1];
	p0 =	sne.s32 s2, $0x0  }
0x865: {  	s3 =	rddreg [dreg:$0x2];
	[bflag:$0x3] =	sbarrier.arrive $0xFFFF;
	s2 =	simm.s32 @!p0 $0x1C01  }
0x866: {  	[timem:s3], [sflag:s2] =	dma.local @!p0 [hbm:s0], s1  }
0x867: {  	s0 =	simm.s32 @!p0 $0x1  }
0x868: {  	_ =	swait.ge @!p0 [sflag:s0], s1  }
0x869: {  	s1 =	ssub.s32 @!p0 $0x0, s1;
	[sflag:s0] =	ssyncset.done @!p0 $0x0  }
0x86a: {  	[sflag:s0] =	ssyncadd.s32 @!p0 s1  }
0x86b: {  	[bflag:$0x3] =	sbarrier.arrive $0xFFFF  }
0x86c: {  	_ =	shalt  }

// kernel: sparse-core-data-format-call.cloned.1.call-start
scs
called_computation_lowered:
.L_overlay_start_0:
0x0: {  	s2 =	sld [smem:$0x3FD9]  }
0x1: {  	s3 =	sld [smem:$0x3FFE];
	_ =	sdelay $0x1  }
0x2: {  	s1 =	srdreg.scid  }
0x3: {  	s0 =	sand.u32 $0x1, s1  }
0x4: {  	s18 =	sshll.u32 s0, $0xA;
	s2 =	sadd.s32 s3, s2  }
0x5: {  	s2 =	sadd.s32 s2, s18  }
0x6: {  	[smem:$0x3FC7] =	sst s2  }
0x7: {  	_ = 	snop  }
0x8: {  	s2 =	sld [smem:$0x3FD0];
	(tm) =	ssettm $0x1  }
0x9: {  	s19 =	sld [smem:$0x3FFB];
	_ =	sdelay $0x3  }
0xa: {  	_ =	strace s19  }
0xb: {  	s3 =	sld [smem:$0x3FFC];
	_ =	sdelay $0x3  }
0xc: {  	_ =	strace s3  }
0xd: {  	s3 =	sld [smem:$0x3FFD];
	_ =	sdelay $0x3  }
0xe: {  	_ =	strace s3  }
0xf: {  	_ =	strace $0x8FFFFFFF  }
0x10: {  	s20 =	sld [smem:$0x3FDB];
	_ =	sdelay $0x1  }
0x11: {  	s4 =	simm.s32 $_scs_section_size  }
0x12: {  	s5 =	simm.s32 $_size__tile_overlayer_lowered;
	s6 =	simm.s32 $_tile_overlayer_lowered  }
0x13: {  	s23 =	simm.s32 $0x1BFF;
	s22 =	sshll.u32 s6, $0x1;
	s3 =	sadd.s32 s4, s20  }
0x14: {  	s7 =	simm.s32 $0x0;
	s21 =	sshll.u32 s5, $0x1;
	s5 =	sadd.s32 s22, s3  }
0x15: {  	[timem:s7], [sflag:s23] =	dma.local [hbm:s5], s21  }
0x16: {  	_ =	swait.ge [sflag:s23], s21  }
0x17: {  	s4 =	ssub.s32 $0x0, s21;
	[sflag:s23] =	ssyncset.done $0x0  }
0x18: {  	[sflag:s23] =	ssyncadd.s32 s4;
	_ =	sdelay $0x1  }
0x19: {  	s24 =	simm.s32 $0x1B8B  }
0x1a: {  	_ =	swait.ge [sflag:s24], $0x1  }
0x1b: {  	[sflag:s24] =	ssyncset.done $0x0  }
0x1c: {  	s26 =	simm.s32 $0x1B8E;
	s25 =	sld [smem:$0x3FFE];
	[sflag:s24] =	ssyncadd.s32 $0xFFFFFFFF  }
0x1d: {  	s27 =	simm.s32 $execute0_lowered;
	[smem:$0x3FD2] =	sst s26  }
0x1e: {  	s5 =	sshll.u32 s27, $0x1;
	_ =	strace $0x80000049;
	[dreg:$0x1] =	wrdreg $0xFFFFFFFF  }
0x1f: {  	s28 =	simm.s32 $_size_execute0_lowered;
	s3 =	sadd.s32 s3, s5;
	[dreg:$0x0] =	wrdreg $0x0  }
0x20: {  	s5 =	sshll.u32 s28, $0x1;
	[dreg:$0x2] =	wrdreg s3  }
0x21: {  	[dreg:$0x3] =	wrdreg s5  }
0x22: {  	[dreg:$0x4] =	wrdreg $0xC0  }
0x23: {  	_ =	task [dreg:s7], $0x5FFFF  }
0x24: {  	[dreg:$0x1] =	wrdreg $0xFFFFFFFF  }
0x25: {  	[dreg:$0x0] =	wrdreg $0x60  }
0x26: {  	[dreg:$0x2] =	wrdreg s25  }
0x27: {  	[dreg:$0x3] =	wrdreg s2  }
0x28: {  	[dreg:$0x4] =	wrdreg $0x9  }
0x29: {  	_ =	task.clear_ibuf [dreg:s7], $0x5FFFF;
	_ =	strace $0x90000049  }
0x2a: {  	s29 =	simm.s32 $0x9;
	_ =	strace $0x8000004B  }
0x2b: {  	_ =	swait.ge [sflag:s29], $0x1  }
0x2c: {  	[sflag:s29] =	ssyncadd.s32 $0xFFFFFFFF  }
0x2d: {  	_ =	strace $0x9000004B  }
0x2e: {  	_ =	sfence  }
0x2f: {  	s30 =	sld [smem:$0x0];
	_ =	sdelay $0x2  }
0x30: {  	s31 =	sshll.u32 s1, $0xD;
	s1 =	sshrl.u32 s1, $0x2  }
0x31: {  	s3 =	sand.u32 $0x4000, s31;
	s1 =	sadd.s32 s1, s30  }
0x32: {  	s0 =	sor.u32 s3, s0;
	s1 =	sshll.u32 s1, $0x11  }
0x33: {  	s0 =	sor.u32 s1, s0  }
0x34: {  	s0 =	sadd.s32 $0x8F2B, s0  }
0x35: {  	[sflag:s0] =	ssyncadd.remote.s32 $0x1  }
0x36: {  	_ =	sfence.sel $0xFFFF  }
0x37: {  	[dreg:$0x0] =	wrdreg $0xFFFFFFFF;
	(pc) =	sbr.abs _section_cstart, $3  }
0x38: {  	[dreg:$0x1] =	wrdreg $0xFFFFFFFF  }
0x39: {  	_ =	task.clear_ibuf [dreg:s7], $0x2FFFF;
	_ =	strace $0x9FFFFFFF  }
0x3a: {  	(tm) =	ssettm $0x7FFFFFFF  }
0x3b: {  	_ =	shalt  }
tec
execute0_lowered:
.L_overlay_start_1:
0x0: {  	(tag) =	ssettag $0x1  }
0x1: {  	s0 =	stileid.u32;
	s4 =	rddreg [dreg:$0x0]  }
0x2: {  	s1 =	srdreg.scid;
	s3 =	rddreg [dreg:$0x1];
	s7 =	simm.s32 $0x1  }
0x3: {  	s31 =	simm.s32 $0x2;
	s2 =	sshll.u32 s0, $0x1;
	s1 =	sshll.u32 s1, $0x5  }
0x4: {  	s15 =	simm.s32 $0x0;
	s9 =	simm.s32 $0x8000;
	s1 =	sor.u32 s2, s1  }
0x5: {  	s10 =	simm.s32 $0x0;
	s16 =	simm.s32 $0x0;
	s2 =	sand.u32 $0x38, s1  }
0x6: {  	s17 =	simm.s32 $0x0;
	s11 =	simm.s32 $0x0;
	s5 =	ssub.s32 $0x80, s2  }
0x7: {  	s14 =	simm.s32 $0x0;
	s4 =	sadd.s32 $0xE00, s4;
	s6 =	sand.u32 $0x38, s5  }
.Ltmp0:
0x8: {  	s1 =	rddreg [dreg:$0x2];
	p0 =	sne.s32 s6, $0x0;
	(pc) =	sbr.rel .LBB1_1-.Ltmp0, $4  }
0x9: {  	_ =	strace $0x8000004A;
	s8 =	sshrl.u32 s5, $0x6;
	s7 =	simm.s32 @!p0 $0x0  }
0xa: {  	s12 =	smov.u32 s2;
	s6 =	simm.s32 $0x1;
	s7 =	sadd.s32 s7, s8  }
0xb: {  	s5 =	sand.u32 $0x3, s0;
	[sflag:s6] =	ssyncpa.u1 $0x0;
	s7 =	sshll.u32 s7, $0x4  }
0xc: {  	s13 =	smov.u32 s5;
	[sflag:s31] =	ssyncpa.u1 $0x0;
	s8 =	sor.u32 $0x1, s7  }
.LBB1_7:
0xd: {  	s18 =	sadd.s32 $0x800, s11  }
0xe: {  	s15 =	sadd.s32 $0x40, s12;
	s19 =	smov.u32 s12;
	p1 =	sgt.s32 s18, $0x7FFF  }
0xf: {  	s19 =	smov.u32 @p1 s15  }
0x10: {  	s21 =	smov.u32 s13;
	s15 =	sadd.s32 $0x4, s13;
	p2 =	sgt.s32 s19, $0x7F  }
0x11: {  	s21 =	smov.u32 @p2 s15  }
0x12: {  	s18 =	simm.s32 @p1 $0x0;
	p1 =	sgt.s32 s21, $0x3  }
0x13: {  	p0 =	slt.u32 s14, $0x2;
	s21 =	smov.u32 @p1 s5;
	p1 =	sne.s32 s14, s8  }
.Ltmp1:
0x14: {  	s20 =	simm.s32 @!p0 $0x2;
	(pc) =	sbr.rel @!p1 .LBB1_8-.Ltmp1, $4  }
0x15: {  	s16 =	smov.u32 s12;
	s17 =	smov.u32 s13;
	_ =	swait.ge @!p0 [sflag:s20], $0x4000  }
0x16: {  	s10 =	sadd.s32 $0x4000, s10;
	[sflag:s20] =	ssyncset.done @!p0 $0x0;
	s19 =	smov.u32 @p2 s2  }
0x17: {  	s15 =	smov.u32 s11;
	[sflag:s20] =	ssyncadd.s32 @!p0 $0xFFFFC000;
	s11 =	smov.u32 s18  }
0x18: {  	s12 =	smov.u32 s19;
	s14 =	sadd.s32 $0x1, s14;
	s13 =	smov.u32 s21  }
.LBB1_1:
0x19: {  	p0 =	sge.u32 s14, s7;
	s31 =	sadd.s32 $0xFFFFFFFF, s14  }
0x1a: {  	s18 =	sxor.u32 @!p0 $0xFFFFFFFF, s14;
	s19 =	sand.u32 @!p0 $0x78, s11;
	s20 =	sshll.u32 @!p0 s12, $0xF  }
0x1b: {  	s21 =	sshll.u32 @!p0 s11, $0x3;
	s22 =	sshll.u32 @!p0 s12, $0x7;
	s20 =	sand.u32 @!p0 $0x3C0000, s20  }
0x1c: {  	s22 =	sand.u32 @!p0 $0x380, s22;
	s20 =	sadd.s32 @!p0 s20, s21;
	s21 =	sand.u32 @!p0 $0x7C00, s21  }
0x1d: {  	s19 =	sor.u32 @!p0 s22, s19;
	s22 =	sshll.u32 @!p0 s13, $0x13;
	s20 =	sshrl.u32 @!p0 s20, $0x3  }
0x1e: {  	s19 =	sor.u32 @!p0 s21, s19;
	s21 =	sadd.s32 @!p0 s4, s22;
	s20 =	sand.u32 @!p0 $0x7F000, s20  }
0x1f: {  	s18 =	sshll.u32 @!p0 s18, $0xE;
	s19 =	sshrl.u32 @!p0 s19, $0x3;
	s20 =	sadd.s32 @!p0 s20, s21  }
0x20: {  	s18 =	sand.u32 @!p0 $0x4000, s18;
	s19 =	sadd.s32 @!p0 s19, s20;
	s20 =	sand.u32 @!p0 $0x7, s11  }
0x21: {  	[tilespmem:s18], [sflag:$0x1] =	stream.linear.gather @!p0 [hbm4b:s19+s20], $0x4000, $0x38;
	[tilespmem:$0x10000] =	vst v63  }
0x22: {  	p0 =	sge.u32 s31, s7  }
.Ltmp2:
0x23: {  	_ = 	snop;
	(pc) =	sbr.rel @p0 .LBB1_7-.Ltmp2, $1  }
0x24: {  	_ =	sdelay $0x3  }
0x25: {  	s18 =	sand.u32 $0x4000, s10  }
0x26: {  	_ =	swait.ge [sflag:s6], $0x4000;
	s21 =	sshll.u32 s14, $0xE;
	s19 =	sor.u32 $0x8100, s18  }
0x27: {  	s20 =	sor.u32 $0x800, s18;
	[sflag:s6] =	ssyncset.done $0x0;
	s31 =	sand.u32 $0x4000, s21  }
0x28: {  	s21 =	simm.s32 $0x0;
	[sflag:s6] =	ssyncadd.s32 $0xFFFFC000;
	s18 =	sor.u32 $0x8000, s31  }
.LBB1_3:
0x29: {  	v0 =	vld [tilespmem:s20+$0x470]  }
0x2a: {  	v1 =	vld [tilespmem:s20+$0xFFFFF810]  }
0x2b: {  	v2 =	vld [tilespmem:s20+$0xFFFFF820]  }
0x2c: {  	v3 =	vld [tilespmem:s20+$0xFFFFF830]  }
0x2d: {  	v4 =	vld [tilespmem:s20+$0xFFFFF840]  }
0x2e: {  	v5 =	vld [tilespmem:s20+$0xFFFFF850];
	[tilespmem:s19+$0xF0] =	vst v0  }
0x2f: {  	[tilespmem:s19+$0xFFFFFF10] =	vst v1;
	v0 =	vld [tilespmem:s20+$0xFFFFF860]  }
0x30: {  	[tilespmem:s19+$0xFFFFFF20] =	vst v2;
	v1 =	vld [tilespmem:s20+$0xFFFFF870]  }
0x31: {  	[tilespmem:s19+$0xFFFFFF30] =	vst v3;
	v2 =	vld [tilespmem:s20+$0xFFFFFC00]  }
0x32: {  	[tilespmem:s19+$0xFFFFFF40] =	vst v4;
	v3 =	vld [tilespmem:s20+$0xFFFFFC10]  }
0x33: {  	[tilespmem:s19+$0xFFFFFF50] =	vst v5;
	v4 =	vld [tilespmem:s20+$0xFFFFFC20]  }
0x34: {  	v5 =	vld [tilespmem:s20+$0x420];
	[tilespmem:s19+$0xFFFFFF60] =	vst v0  }
0x35: {  	v0 =	vld [tilespmem:s20+$0xFFFFFC30];
	[tilespmem:s19+$0xFFFFFF70] =	vst v1  }
0x36: {  	v1 =	vld [tilespmem:s20+$0xFFFFFC40];
	[tilespmem:s19+$0xFFFFFF80] =	vst v2  }
0x37: {  	[tilespmem:s19+$0xFFFFFF90] =	vst v3;
	v3 =	vld [tilespmem:s20+$0xFFFFFC60]  }
0x38: {  	[tilespmem:s19+$0xFFFFFFA0] =	vst v4;
	v4 =	vld [tilespmem:s20+$0xFFFFFC70]  }
0x39: {  	v2 =	vld [tilespmem:s20+$0xFFFFFC50];
	[tilespmem:s19+$0xA0] =	vst v5  }
0x3a: {  	[tilespmem:s19+$0xFFFFFFB0] =	vst v0;
	v0 =	vld [tilespmem:s20+$0x0]  }
0x3b: {  	[tilespmem:s19+$0xFFFFFFC0] =	vst v1;
	v1 =	vld [tilespmem:s20+$0x10]  }
0x3c: {  	[tilespmem:s19+$0xFFFFFFE0] =	vst v3;
	v3 =	vld [tilespmem:s20+$0x30]  }
0x3d: {  	[tilespmem:s19+$0xFFFFFFF0] =	vst v4;
	v4 =	vld [tilespmem:s20+$0x40]  }
0x3e: {  	[tilespmem:s19+$0xFFFFFFD0] =	vst v2;
	v2 =	vld [tilespmem:s20+$0x20]  }
0x3f: {  	[tilespmem:s19+$0x0] =	vst v0;
	v0 =	vld [tilespmem:s20+$0x50]  }
0x40: {  	[tilespmem:s19+$0x10] =	vst v1;
	v1 =	vld [tilespmem:s20+$0x60]  }
0x41: {  	[tilespmem:s19+$0x30] =	vst v3;
	v3 =	vld [tilespmem:s20+$0x400]  }
0x42: {  	[tilespmem:s19+$0x40] =	vst v4;
	v4 =	vld [tilespmem:s20+$0x410]  }
0x43: {  	[tilespmem:s19+$0x20] =	vst v2;
	v2 =	vld [tilespmem:s20+$0x70]  }
0x44: {  	[tilespmem:s19+$0x50] =	vst v0;
	v0 =	vld [tilespmem:s20+$0x430]  }
0x45: {  	[tilespmem:s19+$0x60] =	vst v1;
	v1 =	vld [tilespmem:s20+$0x440]  }
0x46: {  	[tilespmem:s19+$0x80] =	vst v3;
	v3 =	vld [tilespmem:s20+$0x450]  }
0x47: {  	[tilespmem:s19+$0x90] =	vst v4;
	v4 =	vld [tilespmem:s20+$0x460]  }
0x48: {  	s23 =	simm.s32 $0x0;
	s24 =	sadd.s32 $0x1000, s20;
	s22 =	smov.u32 s19;
	[tilespmem:s19+$0x70] =	vst v2;
	v2 =	vld [tilespmem:s20+$0xFFFFF800]  }
.LBB1_4:
0x49: {  	v5 =	vld [tilespmem:s24+$0x470];
	s23 =	sadd.s32 $0x200, s23;
	[tilespmem:s22+$0xB0] =	vst v0  }
0x4a: {  	v0 =	vld [tilespmem:s24+$0xFFFFF810];
	p0 =	slt.u32 s23, $0x600;
	[tilespmem:s22+$0xC0] =	vst v1  }
0x4b: {  	v1 =	vld [tilespmem:s24+$0xFFFFF820];
	[tilespmem:s22+$0xD0] =	vst v3  }
0x4c: {  	v3 =	vld [tilespmem:s24+$0xFFFFF830];
	[tilespmem:s22+$0xE0] =	vst v4  }
0x4d: {  	v4 =	vld [tilespmem:s24+$0xFFFFF840];
	[tilespmem:s22+$0xFFFFFF00] =	vst v2;
	s22 =	sadd.s32 $0x200, s22  }
0x4e: {  	v2 =	vld [tilespmem:s24+$0xFFFFF850];
	[tilespmem:s22+$0xF0] =	vst v5  }
0x4f: {  	[tilespmem:s22+$0xFFFFFF10] =	vst v0;
	v0 =	vld [tilespmem:s24+$0xFFFFF860]  }
0x50: {  	[tilespmem:s22+$0xFFFFFF20] =	vst v1;
	v1 =	vld [tilespmem:s24+$0xFFFFF870]  }
0x51: {  	[tilespmem:s22+$0xFFFFFF30] =	vst v3;
	v3 =	vld [tilespmem:s24+$0xFFFFFC00]  }
0x52: {  	[tilespmem:s22+$0xFFFFFF40] =	vst v4;
	v4 =	vld [tilespmem:s24+$0xFFFFFC10]  }
0x53: {  	[tilespmem:s22+$0xFFFFFF50] =	vst v2;
	v2 =	vld [tilespmem:s24+$0xFFFFFC20]  }
0x54: {  	[tilespmem:s22+$0xFFFFFF60] =	vst v0;
	v0 =	vld [tilespmem:s24+$0xFFFFFC30]  }
0x55: {  	[tilespmem:s22+$0xFFFFFF70] =	vst v1;
	v1 =	vld [tilespmem:s24+$0xFFFFFC40]  }
0x56: {  	[tilespmem:s22+$0xFFFFFF80] =	vst v3;
	v3 =	vld [tilespmem:s24+$0xFFFFFC50]  }
0x57: {  	[tilespmem:s22+$0xFFFFFF90] =	vst v4;
	v4 =	vld [tilespmem:s24+$0xFFFFFC60]  }
0x58: {  	[tilespmem:s22+$0xFFFFFFA0] =	vst v2;
	v2 =	vld [tilespmem:s24+$0xFFFFFC70]  }
0x59: {  	[tilespmem:s22+$0xFFFFFFB0] =	vst v0;
	v0 =	vld [tilespmem:s24+$0x0]  }
0x5a: {  	[tilespmem:s22+$0xFFFFFFC0] =	vst v1;
	v1 =	vld [tilespmem:s24+$0x10]  }
0x5b: {  	[tilespmem:s22+$0xFFFFFFD0] =	vst v3;
	v3 =	vld [tilespmem:s24+$0x20]  }
0x5c: {  	[tilespmem:s22+$0xFFFFFFE0] =	vst v4;
	v4 =	vld [tilespmem:s24+$0x30]  }
0x5d: {  	[tilespmem:s22+$0xFFFFFFF0] =	vst v2;
	v2 =	vld [tilespmem:s24+$0x40]  }
0x5e: {  	[tilespmem:s22+$0x0] =	vst v0;
	v0 =	vld [tilespmem:s24+$0x50]  }
0x5f: {  	[tilespmem:s22+$0x10] =	vst v1;
	v1 =	vld [tilespmem:s24+$0x60]  }
0x60: {  	[tilespmem:s22+$0x20] =	vst v3;
	v3 =	vld [tilespmem:s24+$0x70]  }
0x61: {  	[tilespmem:s22+$0x30] =	vst v4;
	v4 =	vld [tilespmem:s24+$0x400]  }
0x62: {  	[tilespmem:s22+$0x40] =	vst v2;
	v2 =	vld [tilespmem:s24+$0x410]  }
0x63: {  	[tilespmem:s22+$0x50] =	vst v0;
	v5 =	vld [tilespmem:s24+$0x420]  }
.Ltmp3:
0x64: {  	[tilespmem:s22+$0x60] =	vst v1;
	v0 =	vld [tilespmem:s24+$0x430];
	(pc) =	sbr.rel @p0 .LBB1_4-.Ltmp3, $4  }
0x65: {  	[tilespmem:s22+$0x70] =	vst v3;
	v1 =	vld [tilespmem:s24+$0x440]  }
0x66: {  	[tilespmem:s22+$0x80] =	vst v4;
	v3 =	vld [tilespmem:s24+$0x450]  }
0x67: {  	[tilespmem:s22+$0x90] =	vst v2;
	v4 =	vld [tilespmem:s24+$0x460]  }
0x68: {  	v2 =	vld [tilespmem:s24+$0xFFFFF800];
	[tilespmem:s22+$0xA0] =	vst v5;
	s24 =	sadd.s32 $0x1000, s24  }
0x69: {  	s21 =	sadd.s32 $0x1, s21  }
0x6a: {  	p0 =	sne.s32 s21, $0x8  }
.Ltmp4:
0x6b: {  	[tilespmem:s22+$0xB0] =	vst v0;
	(pc) =	sbr.rel @p0 .LBB1_3-.Ltmp4, $4  }
0x6c: {  	[tilespmem:s22+$0xC0] =	vst v1  }
0x6d: {  	[tilespmem:s22+$0xD0] =	vst v3  }
0x6e: {  	[tilespmem:s22+$0xE0] =	vst v4  }
0x6f: {  	s19 =	sadd.s32 $0x800, s19;
	s20 =	sadd.s32 $0x80, s20;
	[tilespmem:s22+$0xFFFFFF00] =	vst v2  }
.Ltmp5:
0x70: {  	s17 =	sshll.u32 s17, $0x13;
	s16 =	sshll.u32 s16, $0xC;
	(pc) =	sbr.rel .LBB1_7-.Ltmp5, $4  }
0x71: {  	s19 =	sshrl.u32 s15, $0x3;
	s31 =	sand.u32 $0x7, s15;
	s17 =	sadd.s32 s3, s17  }
0x72: {  	s19 =	sand.u32 $0xFFF, s19;
	s15 =	sshll.u32 s31, $0x12;
	s16 =	sadd.s32 s16, s17  }
0x73: {  	s15 =	sor.u32 $0x800, s15;
	s16 =	sadd.s32 s19, s16  }
0x74: {  	[hbm4b:s16+s15] =	stream.strided.scatter [tilespmem:s18], [sflag:$0x2], $0x4000, s9, s15, $0x38;
	[tilespmem:$0x10000] =	vst v63  }
.LBB1_8:
0x75: {  	_ =	sfence.sel $0x180000  }
0x76: {  	s2 =	simm.s32 $0x1;
	[bflag:$0x0] =	sbarrier.arrive $0xFFFF  }
0x77: {  	s31 =	simm.s32 $0x2;
	[sflag:s2] =	ssyncpa.u1 $0x1  }
0x78: {  	[sflag:s31] =	ssyncpa.u1 $0x1  }
0x79: {  	p0 =	sne.s32 s0, $0x0;
	_ =	strace $0x9000004A  }
0x7a: {  	s0 =	sadd.s32 @!p0 $0x100000, s1;
	[bflag:$0x2] =	sbarrier.arrive $0xFFFF  }
0x7b: {  	[sflag:s0] =	ssyncadd.tile.s32 @!p0 $0x1;
	_ =	shalt  }
.Lfunc_end1:
_tile_overlayer_lowered:
.L_overlay_start_2:
0x7c: {  	(tag) =	ssettag $0x2  }
0x7d: {  	s0 =	rddreg [dreg:$0x0];
	s2 =	stileid.u32  }
0x7e: {  	s1 =	rddreg [dreg:$0x1];
	p0 =	sne.s32 s2, $0x0  }
0x7f: {  	s3 =	rddreg [dreg:$0x2];
	[bflag:$0x3] =	sbarrier.arrive $0xFFFF;
	s2 =	simm.s32 @!p0 $0x1C01  }
0x80: {  	[timem:s3], [sflag:s2] =	dma.local @!p0 [hbm:s0], s1  }
0x81: {  	s0 =	simm.s32 @!p0 $0x1  }
0x82: {  	_ =	swait.ge @!p0 [sflag:s0], s1  }
0x83: {  	s1 =	ssub.s32 @!p0 $0x0, s1;
	[sflag:s0] =	ssyncset.done @!p0 $0x0  }
0x84: {  	[sflag:s0] =	ssyncadd.s32 @!p0 s1  }
0x85: {  	[bflag:$0x3] =	sbarrier.arrive $0xFFFF  }
0x86: {  	_ =	shalt  }

</sc_bundles>
